<compile_context>
chip_gen: v7x
topology: tpu7x:2x2x1
jax: 0.10.2.dev20260603
libtpu: 0.0.44.dev20260713+nightly
codegen_flags: <defaults>
</compile_context>

<pallas_src>
import functools
import jax
import jax.numpy as jnp
from jax import lax
from jax.experimental import pallas as pl
from jax.experimental.pallas import tpu as pltpu
from jax.experimental.pallas import tpu_sc as plsc

N = 10000
E = 320000
D_IN = 128
D_EDGE = 16
H = 128
L = 3
G = 64
NT = 12
TE = 32
BN_EPS = 1e-5

_NB = 5
_BLK = N // _NB

_NW = 32
_EPW = E // _NW
_EC = 80
_NCH = _EPW // _EC
_RPT = 624
_ZR = 16



def _h0_body(x_ref, Wp_ref, bp_ref, out_ref):
    out_ref[...] = jnp.dot(x_ref[...], Wp_ref[...],
                           preferred_element_type=jnp.float32) + bp_ref[...]


def _h0(x, Wp, bp):
    return pl.pallas_call(
        _h0_body,
        grid=(_NB,),
        in_specs=[
            pl.BlockSpec((_BLK, D_IN), lambda i: (i, 0)),
            pl.BlockSpec((D_IN, H), lambda i: (0, 0)),
            pl.BlockSpec((1, H), lambda i: (0, 0)),
        ],
        out_specs=pl.BlockSpec((_BLK, H), lambda i: (i, 0)),
        out_shape=jax.ShapeDtypeStruct((N, H), jnp.float32),
    )(x, Wp, bp.reshape(1, H))



_BE = 8000


def _ea_body(eattr_ref, We_ref, be_ref, out_ref):
    out_ref[...] = jnp.dot(eattr_ref[...], We_ref[0],
                           preferred_element_type=jnp.float32) + be_ref[0, 0]


def _ea_layer(edge_attr, We, be, l):
    return pl.pallas_call(
        _ea_body,
        grid=(E // _BE,),
        in_specs=[
            pl.BlockSpec((_BE, D_EDGE), lambda e: (e, 0)),
            pl.BlockSpec((1, D_EDGE, H), lambda e: (l, 0, 0)),
            pl.BlockSpec((1, 1, H), lambda e: (l, 0, 0)),
        ],
        out_specs=pl.BlockSpec((_BE, H), lambda e: (e, 0)),
        out_shape=jax.ShapeDtypeStruct((E, H), jnp.float32),
    )(edge_attr, We, be.reshape(L, 1, H))



def _edge_layer(h, ea_l, src, dst):
    mesh = plsc.VectorSubcoreMesh(core_axis_name="c", subcore_axis_name="s")

    @functools.partial(
        pl.kernel,
        mesh=mesh,
        out_type=jax.ShapeDtypeStruct((2, N, H), jnp.float32),
        scratch_types=[
            pltpu.VMEM((_EC,), jnp.int32),
            pltpu.VMEM((_EC,), jnp.int32),
            pltpu.VMEM((_EC,), jnp.int32),
            pltpu.VMEM((_EC,), jnp.int32),
            pltpu.VMEM((_EC, H), jnp.float32),
            pltpu.VMEM((_EC, H), jnp.float32),
            pltpu.VMEM((_EC, H), jnp.float32),
            pltpu.VMEM((_EC, H), jnp.float32),
            pltpu.VMEM((_EC,), jnp.int32),
            pltpu.VMEM((_EC,), jnp.int32),
            pltpu.VMEM((_ZR, H), jnp.float32),
            pltpu.VMEM_SHARED((N, H), jnp.float32),
            pltpu.SemaphoreType.DMA,
            pltpu.SemaphoreType.DMA,
            pltpu.SemaphoreType.DMA,
            pltpu.SemaphoreType.DMA,
            pltpu.SemaphoreType.DMA,
            pltpu.SemaphoreType.DMA,
            pltpu.SemaphoreType.DMA,
            pltpu.SemaphoreType.DMA,
        ],
    )
    def body(h_hbm, ea_hbm, src_hbm, dst_hbm, out_hbm,
             srcv0, srcv1, dstv0, dstv1, mv0, mv1, eav0, eav1,
             dsts0, dsts1, zv, aggr,
             isem0, isem1, esem0, esem1, gsem0, gsem1, ssem0, ssem1):
        c = lax.axis_index("c")
        s = lax.axis_index("s")
        wid = s * 2 + c
        srcv = (srcv0, srcv1)
        dstv = (dstv0, dstv1)
        dsts = (dsts0, dsts1)
        mv = (mv0, mv1)
        eav = (eav0, eav1)
        isem = (isem0, isem1)
        esem = (esem0, esem1)
        gsem = (gsem0, gsem1)
        ssem = (ssem0, ssem1)

        def start_loads(ci, b):
            base = wid * _EPW + ci * _EC
            pltpu.async_copy(src_hbm.at[pl.ds(base, _EC)], srcv[b], isem[b])
            pltpu.async_copy(dst_hbm.at[pl.ds(base, _EC)], dstv[b], isem[b])
            pltpu.async_copy(ea_hbm.at[pl.ds(base, _EC)], eav[b], esem[b])

        def wait_idx(b):
            pltpu.make_async_copy(src_hbm.at[pl.ds(0, _EC)], srcv[b],
                                  isem[b]).wait()
            pltpu.make_async_copy(dst_hbm.at[pl.ds(0, _EC)], dstv[b],
                                  isem[b]).wait()

        def start_gather(b):
            pltpu.async_copy(h_hbm.at[srcv[b]], mv[b], gsem[b])

        def wait_gather_ea(b):
            pltpu.make_async_copy(h_hbm.at[srcv[b]], mv[b], gsem[b]).wait()
            pltpu.make_async_copy(ea_hbm.at[pl.ds(0, _EC)], eav[b],
                                  esem[b]).wait()

        def start_scatter(b):
            for k in range(_EC // 16):
                sl = pl.ds(k * 16, 16)
                dsts[b][sl] = dstv[b][sl]
            pltpu.async_copy(mv[b], aggr.at[dsts[b]], ssem[b], add=True)

        def wait_scatter(b):
            pltpu.make_async_copy(mv[b], aggr.at[dsts[b]], ssem[b]).wait()

        def compute(b):
            def mrow(e, _):
                for j in range(H // 16):
                    sl = pl.ds(j * 16, 16)
                    mv[b][e, sl] = jnp.maximum(mv[b][e, sl] + eav[b][e, sl],
                                               0.0)
                return 0

            lax.fori_loop(0, _EC, mrow, 0)

        start_loads(0, 0)
        start_loads(1, 1)
        zero16 = jnp.zeros((16,), jnp.float32)

        def zrow(r, _):
            for j in range(H // 16):
                zv[r, pl.ds(j * 16, 16)] = zero16
            return 0

        lax.fori_loop(0, _ZR, zrow, 0)

        def zcopy(k, _):
            pltpu.sync_copy(zv, aggr.at[pl.ds(s * _RPT + k * _ZR, _ZR)])
            return 0

        lax.fori_loop(0, _RPT // _ZR, zcopy, 0)

        @pl.when(s == 15)
        def _ztail():
            pltpu.sync_copy(zv, aggr.at[pl.ds(16 * _RPT, 16)])

        plsc.subcore_barrier()
        wait_idx(0)
        start_gather(0)

        def step(jj, _):
            for b in range(2):
                ci = 2 * jj + b
                wait_gather_ea(b)
                compute(b)
                start_scatter(b)

                @pl.when(ci + 2 < _NCH)
                def _ld():
                    start_loads(ci + 2, b)

                @pl.when(ci >= 1)
                def _ws():
                    wait_scatter(1 - b)

                @pl.when(ci + 1 < _NCH)
                def _g():
                    wait_idx(1 - b)
                    start_gather(1 - b)
            return 0

        lax.fori_loop(0, (_NCH - 1) // 2, step, 0)

        wait_gather_ea(0)
        compute(0)
        start_scatter(0)
        wait_scatter(1)
        wait_scatter(0)
        plsc.subcore_barrier()
        pltpu.sync_copy(aggr.at[pl.ds(s * _RPT, _RPT)],
                        out_hbm.at[c, pl.ds(s * _RPT, _RPT)])

        @pl.when(s == 15)
        def _wtail():
            pltpu.sync_copy(aggr.at[pl.ds(16 * _RPT, 16)],
                            out_hbm.at[c, pl.ds(16 * _RPT, 16)])

    return body(h, ea_l, src, dst)



def _node_body(eps_ref, h_ref, a_ref, W1_ref, b1_ref, W2_ref, b2_ref,
               gam_ref, bet_ref, out_ref):
    z = (1.0 + eps_ref[0, 0]) * h_ref[...] + a_ref[0] + a_ref[1]
    t = jnp.maximum(
        jnp.dot(z, W1_ref[0], preferred_element_type=jnp.float32)
        + b1_ref[0, 0], 0.0)
    z2 = (jnp.dot(t, W2_ref[0], preferred_element_type=jnp.float32)
          + b2_ref[0, 0])
    out_ref[...] = jnp.maximum(z2 * gam_ref[0, 0] + bet_ref[0, 0], 0.0)


def _node(l, eps1, h, aggr, W1, b1, W2, b2, gam_s, beta):
    return pl.pallas_call(
        functools.partial(_node_body),
        grid=(_NB,),
        in_specs=[
            pl.BlockSpec((1, 1), lambda i: (0, 0)),
            pl.BlockSpec((_BLK, H), lambda i: (i, 0)),
            pl.BlockSpec((2, _BLK, H), lambda i: (0, i, 0)),
            pl.BlockSpec((1, H, H), lambda i: (l, 0, 0)),
            pl.BlockSpec((1, 1, H), lambda i: (l, 0, 0)),
            pl.BlockSpec((1, H, H), lambda i: (l, 0, 0)),
            pl.BlockSpec((1, 1, H), lambda i: (l, 0, 0)),
            pl.BlockSpec((1, 1, H), lambda i: (l, 0, 0)),
            pl.BlockSpec((1, 1, H), lambda i: (l, 0, 0)),
        ],
        out_specs=pl.BlockSpec((_BLK, H), lambda i: (i, 0)),
        out_shape=jax.ShapeDtypeStruct((N, H), jnp.float32),
    )(eps1, h, aggr, W1, b1.reshape(L, 1, H), W2, b2.reshape(L, 1, H),
      gam_s.reshape(L, 1, H), beta.reshape(L, 1, H))



def _pool_body(batch_ref, h_ref, out_ref):
    b = batch_ref[0, 0]
    h = h_ref[...]
    gids = lax.broadcasted_iota(jnp.int32, (G, _BLK), 0)
    onehot = (gids == b[None, :]).astype(jnp.float32)
    out_ref[0] = jnp.dot(onehot, h, preferred_element_type=jnp.float32,
                         precision=lax.Precision.HIGHEST)


def _headmlp_body(pools_ref, tidx_ref, Temb_ref, Wh1_ref, bh1_ref,
                  Wh2_ref, bh2_ref, Wh3_ref, bh3_ref, out_ref):
    g = pools_ref[0]
    for i in range(1, _NB):
        g = g + pools_ref[i]
    t = tidx_ref[0]
    te_oh = (lax.broadcasted_iota(jnp.int32, (G, NT), 1)
             == t[:, None]).astype(jnp.float32)
    temb = jnp.dot(te_oh, Temb_ref[...],
                   preferred_element_type=jnp.float32,
                   precision=lax.Precision.HIGHEST)
    r1 = (jnp.dot(g, Wh1_ref[:H, :], preferred_element_type=jnp.float32)
          + jnp.dot(temb, Wh1_ref[H:, :], preferred_element_type=jnp.float32)
          + bh1_ref[...])
    r1 = jnp.maximum(r1, 0.0)
    r2 = jnp.dot(r1, Wh2_ref[...], preferred_element_type=jnp.float32)
    r2 = jnp.maximum(r2 + bh2_ref[...], 0.0)
    r3 = jnp.dot(r2, Wh3_ref[...], preferred_element_type=jnp.float32)
    out_ref[...] = (r3 + bh3_ref[...]).reshape(1, G)


def _head(h, batch, target_idx, Temb, Wh1, bh1, Wh2, bh2, Wh3, bh3):
    batch3 = batch.reshape(_NB, 1, _BLK)
    tidx2 = target_idx.reshape(1, G)
    pools = pl.pallas_call(
        _pool_body,
        grid=(_NB,),
        in_specs=[
            pl.BlockSpec((1, 1, _BLK), lambda i: (i, 0, 0)),
            pl.BlockSpec((_BLK, H), lambda i: (i, 0)),
        ],
        out_specs=pl.BlockSpec((1, G, H), lambda i: (i, 0, 0)),
        out_shape=jax.ShapeDtypeStruct((_NB, G, H), jnp.float32),
    )(batch3, h)
    out = pl.pallas_call(
        _headmlp_body,
        in_specs=[
            pl.BlockSpec((_NB, G, H), lambda: (0, 0, 0)),
            pl.BlockSpec((1, G), lambda: (0, 0)),
            pl.BlockSpec((NT, TE), lambda: (0, 0)),
            pl.BlockSpec((H + TE, H), lambda: (0, 0)),
            pl.BlockSpec((1, H), lambda: (0, 0)),
            pl.BlockSpec((H, H // 2), lambda: (0, 0)),
            pl.BlockSpec((1, H // 2), lambda: (0, 0)),
            pl.BlockSpec((H // 2, 1), lambda: (0, 0)),
            pl.BlockSpec((1, 1), lambda: (0, 0)),
        ],
        out_specs=pl.BlockSpec((1, G), lambda: (0, 0)),
        out_shape=jax.ShapeDtypeStruct((1, G), jnp.float32),
    )(pools, tidx2, Temb, Wh1, bh1.reshape(1, H), Wh2,
      bh2.reshape(1, H // 2), Wh3, bh3.reshape(1, 1))
    return out.reshape(G)



def kernel(x, edge_index, edge_attr, batch, target_idx, Wp, bp, eps, We, be,
           W1, b1, W2, b2, gamma, beta, Temb, Wh1, bh1, Wh2, bh2, Wh3, bh3):
    src = edge_index[0]
    dst = edge_index[1]
    h = _h0(x, Wp, bp)
    gam_s = gamma / jnp.sqrt(1.0 + BN_EPS)
    for l in range(L):
        ea_l = _ea_layer(edge_attr, We, be, l)
        aggr = _edge_layer(h, ea_l, src, dst)
        eps1 = eps[l].reshape(1, 1)
        h = _node(l, eps1, h, aggr, W1, b1, W2, b2, gam_s, beta)
    return _head(h, batch, target_idx, Temb, Wh1, bh1, Wh2, bh2, Wh3, bh3)

# --- scband reference (transcript-rebuilt; emitter-appended) ---
"""Pipeline reference for scband-conditional-gnn-91001767068103 (READ-ONLY COPY).

The authoritative reference and input builder live on the scoring server;
editing this copy changes nothing except your own understanding.
"""

import jax, jax.numpy as jnp
import numpy as np

N = 10000
E = 320000
D_IN = 128
D_EDGE = 16
H = 128
L = 3
G = 64
NT = 12
TE = 32
BN_EPS = 1e-5


def setup_inputs(seed: int = 0) -> dict:
    key = jax.random.key(seed)
    ks = jax.random.split(key, 32)
    s = 0.05
    inp = {}
    inp['x'] = jax.random.normal(ks[0], (N, D_IN), dtype=jnp.float32)
    inp['edge_index'] = jax.random.randint(ks[1], (2, E), 0, N, dtype=jnp.int32)
    inp['edge_attr'] = jax.random.normal(ks[2], (E, D_EDGE), dtype=jnp.float32)
    inp['batch'] = jnp.sort(jax.random.randint(ks[3], (N,), 0, G, dtype=jnp.int32))
    inp['target_idx'] = jax.random.randint(ks[4], (G,), 0, NT, dtype=jnp.int32)
    # node projection
    inp['Wp'] = jax.random.normal(ks[5], (D_IN, H), dtype=jnp.float32) * s
    inp['bp'] = jnp.zeros((H,), dtype=jnp.float32)
    # GINEConv layers (stacked over L)
    inp['eps'] = jnp.zeros((L,), dtype=jnp.float32)
    inp['We'] = jax.random.normal(ks[6], (L, D_EDGE, H), dtype=jnp.float32) * s
    inp['be'] = jnp.zeros((L, H), dtype=jnp.float32)
    inp['W1'] = jax.random.normal(ks[7], (L, H, H), dtype=jnp.float32) * s
    inp['b1'] = jnp.zeros((L, H), dtype=jnp.float32)
    inp['W2'] = jax.random.normal(ks[8], (L, H, H), dtype=jnp.float32) * s
    inp['b2'] = jnp.zeros((L, H), dtype=jnp.float32)
    # BatchNorm affine params (eval mode: running_mean=0, running_var=1)
    inp['gamma'] = jnp.ones((L, H), dtype=jnp.float32)
    inp['beta'] = jnp.zeros((L, H), dtype=jnp.float32)
    # target embedding table
    inp['Temb'] = jax.random.normal(ks[9], (NT, TE), dtype=jnp.float32) * s
    # head MLP
    inp['Wh1'] = jax.random.normal(ks[10], (H + TE, H), dtype=jnp.float32) * s
    inp['bh1'] = jnp.zeros((H,), dtype=jnp.float32)
    inp['Wh2'] = jax.random.normal(ks[11], (H, H // 2), dtype=jnp.float32) * s
    inp['bh2'] = jnp.zeros((H // 2,), dtype=jnp.float32)
    inp['Wh3'] = jax.random.normal(ks[12], (H // 2, 1), dtype=jnp.float32) * s
    inp['bh3'] = jnp.zeros((1,), dtype=jnp.float32)
    return inp


def reference(x, edge_index, edge_attr, batch, target_idx, Wp, bp, eps, We, be, W1, b1, W2, b2, gamma, beta, Temb, Wh1, bh1, Wh2, bh2, Wh3, bh3):
    src = edge_index[0]
    dst = edge_index[1]
    h = x @ Wp + bp
    for l in range(L):
        # GINEConv: message = relu(x_j + lin(edge_attr)); aggr = scatter-add to dst
        ea = edge_attr @ We[l] + be[l]
        m = jax.nn.relu(h[src] + ea)
        aggr = jax.ops.segment_sum(m, dst, num_segments=N)
        z = (1.0 + eps[l]) * h + aggr
        z = jax.nn.relu(z @ W1[l] + b1[l]) @ W2[l] + b2[l]
        # BatchNorm1d in eval mode (running_mean=0, running_var=1)
        z = z / jnp.sqrt(1.0 + BN_EPS) * gamma[l] + beta[l]
        h = jax.nn.relu(z)
        # dropout is identity in eval mode
    g = jax.ops.segment_sum(h, batch, num_segments=G)
    g = jnp.concatenate([g, Temb[target_idx]], axis=1)
    g = jax.nn.relu(g @ Wh1 + bh1)
    g = jax.nn.relu(g @ Wh2 + bh2)
    out = (g @ Wh3 + bh3).squeeze(-1)
    return out

if __name__ == "__main__":
    import jax
    _d = setup_inputs()
    print(jax.jit(kernel)(*tuple(_d.values())))

</pallas_src>

<mosaic_0001>
#map = affine_map<(d0, d1) -> (0, 0)>
#map1 = affine_map<(d0, d1) -> (0)>
#map2 = affine_map<(d0, d1) -> (0, 0, 0)>
module attributes {stable_mosaic.version = 14 : i64} {
  func.func @body(%arg0: i32, %arg1: i32, %arg2: memref<10000x128xf32, #tpu.memory_space<hbm>>, %arg3: memref<320000x128xf32, #tpu.memory_space<hbm>>, %arg4: memref<320000xi32, #tpu.memory_space<hbm>>, %arg5: memref<320000xi32, #tpu.memory_space<hbm>>, %arg6: memref<2x10000x128xf32, #tpu.memory_space<hbm>>, %arg7: memref<80xi32, #tpu.memory_space<vmem>>, %arg8: memref<80xi32, #tpu.memory_space<vmem>>, %arg9: memref<80xi32, #tpu.memory_space<vmem>>, %arg10: memref<80xi32, #tpu.memory_space<vmem>>, %arg11: memref<80x128xf32, #tpu.memory_space<vmem>>, %arg12: memref<80x128xf32, #tpu.memory_space<vmem>>, %arg13: memref<80x128xf32, #tpu.memory_space<vmem>>, %arg14: memref<80x128xf32, #tpu.memory_space<vmem>>, %arg15: memref<80xi32, #tpu.memory_space<vmem>>, %arg16: memref<80xi32, #tpu.memory_space<vmem>>, %arg17: memref<16x128xf32, #tpu.memory_space<vmem>>, %arg18: memref<10000x128xf32, #tpu.memory_space<vmem_shared>>, %arg19: memref<!tpu.dma_semaphore, #tpu.memory_space<semaphore_mem>>, %arg20: memref<!tpu.dma_semaphore, #tpu.memory_space<semaphore_mem>>, %arg21: memref<!tpu.dma_semaphore, #tpu.memory_space<semaphore_mem>>, %arg22: memref<!tpu.dma_semaphore, #tpu.memory_space<semaphore_mem>>, %arg23: memref<!tpu.dma_semaphore, #tpu.memory_space<semaphore_mem>>, %arg24: memref<!tpu.dma_semaphore, #tpu.memory_space<semaphore_mem>>, %arg25: memref<!tpu.dma_semaphore, #tpu.memory_space<semaphore_mem>>, %arg26: memref<!tpu.dma_semaphore, #tpu.memory_space<semaphore_mem>>) attributes {dimension_semantics = [#tpu.dimension_semantics<core_parallel>, #tpu.dimension_semantics<subcore_parallel>], iteration_bounds = array<i64: 2, 16>, scalar_prefetch = 0 : i64, scratch_operands = 20 : i64, tpu.core_type = #tpu.core_type<sc_vector_subcore>, window_params = [{transform_indices = #map}, {transform_indices = #map}, {transform_indices = #map1}, {transform_indices = #map1}, {transform_indices = #map2}]} {
    %mul3A = arith.constant 2 : i32
    %mul3A_0 = arith.muli %arg1, %mul3A : i32
    %add3A = arith.addi %mul3A_0, %arg0 : i32
    %mul3A_1 = arith.constant 10000 : i32
    %mul3A_2 = arith.muli %add3A, %mul3A_1 : i32
    %add3A_3 = arith.constant 0 : i32
    %add3A_4 = arith.addi %mul3A_2, %add3A_3 : i32
    %dma_start3A = tpu.memref_slice %arg4[%add3A_4] : memref<320000xi32, #tpu.memory_space<hbm>> -> memref<80xi32, #tpu.memory_space<hbm>>
    %dma_start3A_5 = tpu.memref_slice %arg4[%add3A_4] : memref<320000xi32, #tpu.memory_space<hbm>> -> memref<80xi32, #tpu.memory_space<hbm>>
    tpu.enqueue_dma source(%dma_start3A_5 : memref<80xi32, #tpu.memory_space<hbm>>) target(%arg7 : memref<80xi32, #tpu.memory_space<vmem>>) target_semaphore(%arg19 : memref<!tpu.dma_semaphore, #tpu.memory_space<semaphore_mem>>)
    %dma_start3A_6 = tpu.memref_slice %arg5[%add3A_4] : memref<320000xi32, #tpu.memory_space<hbm>> -> memref<80xi32, #tpu.memory_space<hbm>>
    %dma_start3A_7 = tpu.memref_slice %arg5[%add3A_4] : memref<320000xi32, #tpu.memory_space<hbm>> -> memref<80xi32, #tpu.memory_space<hbm>>
    tpu.enqueue_dma source(%dma_start3A_7 : memref<80xi32, #tpu.memory_space<hbm>>) target(%arg9 : memref<80xi32, #tpu.memory_space<vmem>>) target_semaphore(%arg19 : memref<!tpu.dma_semaphore, #tpu.memory_space<semaphore_mem>>)
    %dma_start3A_8 = arith.constant 0 : i32
    %dma_start3A_9 = tpu.memref_slice %arg3[%add3A_4, %dma_start3A_8] : memref<320000x128xf32, #tpu.memory_space<hbm>> -> memref<80x128xf32, #tpu.memory_space<hbm>>
    %dma_start3A_10 = arith.constant 0 : i32
    %dma_start3A_11 = tpu.memref_slice %arg3[%add3A_4, %dma_start3A_10] : memref<320000x128xf32, #tpu.memory_space<hbm>> -> memref<80x128xf32, #tpu.memory_space<hbm>>
    tpu.enqueue_dma source(%dma_start3A_11 : memref<80x128xf32, #tpu.memory_space<hbm>>) target(%arg13 : memref<80x128xf32, #tpu.memory_space<vmem>>) target_semaphore(%arg21 : memref<!tpu.dma_semaphore, #tpu.memory_space<semaphore_mem>>)
    %mul3A_12 = arith.constant 10000 : i32
    %mul3A_13 = arith.muli %add3A, %mul3A_12 : i32
    %add3A_14 = arith.constant 80 : i32
    %add3A_15 = arith.addi %mul3A_13, %add3A_14 : i32
    %dma_start3A_16 = tpu.memref_slice %arg4[%add3A_15] : memref<320000xi32, #tpu.memory_space<hbm>> -> memref<80xi32, #tpu.memory_space<hbm>>
    %dma_start3A_17 = tpu.memref_slice %arg4[%add3A_15] : memref<320000xi32, #tpu.memory_space<hbm>> -> memref<80xi32, #tpu.memory_space<hbm>>
    tpu.enqueue_dma source(%dma_start3A_17 : memref<80xi32, #tpu.memory_space<hbm>>) target(%arg8 : memref<80xi32, #tpu.memory_space<vmem>>) target_semaphore(%arg20 : memref<!tpu.dma_semaphore, #tpu.memory_space<semaphore_mem>>)
    %dma_start3A_18 = tpu.memref_slice %arg5[%add3A_15] : memref<320000xi32, #tpu.memory_space<hbm>> -> memref<80xi32, #tpu.memory_space<hbm>>
    %dma_start3A_19 = tpu.memref_slice %arg5[%add3A_15] : memref<320000xi32, #tpu.memory_space<hbm>> -> memref<80xi32, #tpu.memory_space<hbm>>
    tpu.enqueue_dma source(%dma_start3A_19 : memref<80xi32, #tpu.memory_space<hbm>>) target(%arg10 : memref<80xi32, #tpu.memory_space<vmem>>) target_semaphore(%arg20 : memref<!tpu.dma_semaphore, #tpu.memory_space<semaphore_mem>>)
    %dma_start3A_20 = arith.constant 0 : i32
    %dma_start3A_21 = tpu.memref_slice %arg3[%add3A_15, %dma_start3A_20] : memref<320000x128xf32, #tpu.memory_space<hbm>> -> memref<80x128xf32, #tpu.memory_space<hbm>>
    %dma_start3A_22 = arith.constant 0 : i32
    %dma_start3A_23 = tpu.memref_slice %arg3[%add3A_15, %dma_start3A_22] : memref<320000x128xf32, #tpu.memory_space<hbm>> -> memref<80x128xf32, #tpu.memory_space<hbm>>
    tpu.enqueue_dma source(%dma_start3A_23 : memref<80x128xf32, #tpu.memory_space<hbm>>) target(%arg14 : memref<80x128xf32, #tpu.memory_space<vmem>>) target_semaphore(%arg22 : memref<!tpu.dma_semaphore, #tpu.memory_space<semaphore_mem>>)
    %broadcast_in_dim3A = arith.constant 0.000000e+00 : f32
    %broadcast_in_dim3A_24 = vector.broadcast %broadcast_in_dim3A : f32 to vector<16xf32>
    %scan3A = arith.constant 0 : i32
    %scan3A_25 = arith.constant 0 : i32
    %scan3A_26 = arith.constant 16 : i32
    %scan3A_27 = arith.addi %scan3A_25, %scan3A_26 : i32
    %scan3A_28 = arith.constant 1 : i32
    %scan3A_29 = scf.for %scan3A_125 = %scan3A_25 to %scan3A_27 step %scan3A_28 iter_args(%scan3A_126 = %scan3A) -> (i32)  : i32 {
      %swap3A_127 = arith.index_cast %scan3A_125 : i32 to index
      %swap3A_128 = arith.constant 0 : index
      %swap3A_129 = tpu.vector_load %arg17[%swap3A_127, %swap3A_128] {strides = array<i32>} : memref<16x128xf32, #tpu.memory_space<vmem>>, vector<1x16xf32>,
      %swap3A_130 = vector.shape_cast %swap3A_129 : vector<1x16xf32> to vector<16xf32>
      %swap3A_131 = vector.shape_cast %broadcast_in_dim3A_24 : vector<16xf32> to vector<1x16xf32>
      tpu.vector_store %arg17[%swap3A_127, %swap3A_128], %swap3A_131 {strides = array<i32>} : memref<16x128xf32, #tpu.memory_space<vmem>>, vector<1x16xf32>,
      %swap3A_132 = arith.index_cast %scan3A_125 : i32 to index
      %swap3A_133 = arith.constant 16 : index
      %swap3A_134 = tpu.vector_load %arg17[%swap3A_132, %swap3A_133] {strides = array<i32>} : memref<16x128xf32, #tpu.memory_space<vmem>>, vector<1x16xf32>,
      %swap3A_135 = vector.shape_cast %swap3A_134 : vector<1x16xf32> to vector<16xf32>
      %swap3A_136 = vector.shape_cast %broadcast_in_dim3A_24 : vector<16xf32> to vector<1x16xf32>
      tpu.vector_store %arg17[%swap3A_132, %swap3A_133], %swap3A_136 {strides = array<i32>} : memref<16x128xf32, #tpu.memory_space<vmem>>, vector<1x16xf32>,
      %swap3A_137 = arith.index_cast %scan3A_125 : i32 to index
      %swap3A_138 = arith.constant 32 : index
      %swap3A_139 = tpu.vector_load %arg17[%swap3A_137, %swap3A_138] {strides = array<i32>} : memref<16x128xf32, #tpu.memory_space<vmem>>, vector<1x16xf32>,
      %swap3A_140 = vector.shape_cast %swap3A_139 : vector<1x16xf32> to vector<16xf32>
      %swap3A_141 = vector.shape_cast %broadcast_in_dim3A_24 : vector<16xf32> to vector<1x16xf32>
      tpu.vector_store %arg17[%swap3A_137, %swap3A_138], %swap3A_141 {strides = array<i32>} : memref<16x128xf32, #tpu.memory_space<vmem>>, vector<1x16xf32>,
      %swap3A_142 = arith.index_cast %scan3A_125 : i32 to index
      %swap3A_143 = arith.constant 48 : index
      %swap3A_144 = tpu.vector_load %arg17[%swap3A_142, %swap3A_143] {strides = array<i32>} : memref<16x128xf32, #tpu.memory_space<vmem>>, vector<1x16xf32>,
      %swap3A_145 = vector.shape_cast %swap3A_144 : vector<1x16xf32> to vector<16xf32>
      %swap3A_146 = vector.shape_cast %broadcast_in_dim3A_24 : vector<16xf32> to vector<1x16xf32>
      tpu.vector_store %arg17[%swap3A_142, %swap3A_143], %swap3A_146 {strides = array<i32>} : memref<16x128xf32, #tpu.memory_space<vmem>>, vector<1x16xf32>,
      %swap3A_147 = arith.index_cast %scan3A_125 : i32 to index
      %swap3A_148 = arith.constant 64 : index
      %swap3A_149 = tpu.vector_load %arg17[%swap3A_147, %swap3A_148] {strides = array<i32>} : memref<16x128xf32, #tpu.memory_space<vmem>>, vector<1x16xf32>,
      %swap3A_150 = vector.shape_cast %swap3A_149 : vector<1x16xf32> to vector<16xf32>
      %swap3A_151 = vector.shape_cast %broadcast_in_dim3A_24 : vector<16xf32> to vector<1x16xf32>
      tpu.vector_store %arg17[%swap3A_147, %swap3A_148], %swap3A_151 {strides = array<i32>} : memref<16x128xf32, #tpu.memory_space<vmem>>, vector<1x16xf32>,
      %swap3A_152 = arith.index_cast %scan3A_125 : i32 to index
      %swap3A_153 = arith.constant 80 : index
      %swap3A_154 = tpu.vector_load %arg17[%swap3A_152, %swap3A_153] {strides = array<i32>} : memref<16x128xf32, #tpu.memory_space<vmem>>, vector<1x16xf32>,
      %swap3A_155 = vector.shape_cast %swap3A_154 : vector<1x16xf32> to vector<16xf32>
      %swap3A_156 = vector.shape_cast %broadcast_in_dim3A_24 : vector<16xf32> to vector<1x16xf32>
      tpu.vector_store %arg17[%swap3A_152, %swap3A_153], %swap3A_156 {strides = array<i32>} : memref<16x128xf32, #tpu.memory_space<vmem>>, vector<1x16xf32>,
      %swap3A_157 = arith.index_cast %scan3A_125 : i32 to index
      %swap3A_158 = arith.constant 96 : index
      %swap3A_159 = tpu.vector_load %arg17[%swap3A_157, %swap3A_158] {strides = array<i32>} : memref<16x128xf32, #tpu.memory_space<vmem>>, vector<1x16xf32>,
      %swap3A_160 = vector.shape_cast %swap3A_159 : vector<1x16xf32> to vector<16xf32>
      %swap3A_161 = vector.shape_cast %broadcast_in_dim3A_24 : vector<16xf32> to vector<1x16xf32>
      tpu.vector_store %arg17[%swap3A_157, %swap3A_158], %swap3A_161 {strides = array<i32>} : memref<16x128xf32, #tpu.memory_space<vmem>>, vector<1x16xf32>,
      %swap3A_162 = arith.index_cast %scan3A_125 : i32 to index
      %swap3A_163 = arith.constant 112 : index
      %swap3A_164 = tpu.vector_load %arg17[%swap3A_162, %swap3A_163] {strides = array<i32>} : memref<16x128xf32, #tpu.memory_space<vmem>>, vector<1x16xf32>,
      %swap3A_165 = vector.shape_cast %swap3A_164 : vector<1x16xf32> to vector<16xf32>
      %swap3A_166 = vector.shape_cast %broadcast_in_dim3A_24 : vector<16xf32> to vector<1x16xf32>
      tpu.vector_store %arg17[%swap3A_162, %swap3A_163], %swap3A_166 {strides = array<i32>} : memref<16x128xf32, #tpu.memory_space<vmem>>, vector<1x16xf32>,
      %scan3A_167 = arith.constant 0 : i32
      scf.yield %scan3A_167 : i32
    }
    %scan3A_30 = arith.constant 16 : i32
    %scan3A_31 = arith.constant 0 : i32
    %scan3A_32 = arith.constant 0 : i32
    %scan3A_33 = arith.constant 39 : i32
    %scan3A_34 = arith.addi %scan3A_32, %scan3A_33 : i32
    %scan3A_35 = arith.constant 1 : i32
    %scan3A_36 = scf.for %scan3A_125 = %scan3A_32 to %scan3A_34 step %scan3A_35 iter_args(%scan3A_126 = %scan3A_31) -> (i32)  : i32 {
      %mul3A_127 = arith.constant 624 : i32
      %mul3A_128 = arith.muli %arg1, %mul3A_127 : i32
      %mul3A_129 = arith.constant 16 : i32
      %mul3A_130 = arith.muli %scan3A_125, %mul3A_129 : i32
      %add3A_131 = arith.addi %mul3A_128, %mul3A_130 : i32
      "tpu.region"() ({
        %run_scoped3A = tpu.sem_alloc : memref<!tpu.dma_semaphore, #tpu.memory_space<semaphore_mem>>
        %dma_start3A_133 = arith.constant 0 : i32
        %dma_start3A_134 = tpu.memref_slice %arg18[%add3A_131, %dma_start3A_133] : memref<10000x128xf32, #tpu.memory_space<vmem_shared>> -> memref<16x128xf32, #tpu.memory_space<vmem_shared>>
        %dma_start3A_135 = arith.constant 0 : i32
        %dma_start3A_136 = tpu.memref_slice %arg18[%add3A_131, %dma_start3A_135] : memref<10000x128xf32, #tpu.memory_space<vmem_shared>> -> memref<16x128xf32, #tpu.memory_space<vmem_shared>>
        tpu.enqueue_dma source(%arg17 : memref<16x128xf32, #tpu.memory_space<vmem>>) target(%dma_start3A_136 : memref<16x128xf32, #tpu.memory_space<vmem_shared>>) target_semaphore(%run_scoped3A : memref<!tpu.dma_semaphore, #tpu.memory_space<semaphore_mem>>)
        %dma_wait3A_137 = arith.constant 0 : i32
        %dma_wait3A_138 = tpu.memref_slice %arg18[%add3A_131, %dma_wait3A_137] : memref<10000x128xf32, #tpu.memory_space<vmem_shared>> -> memref<16x128xf32, #tpu.memory_space<vmem_shared>>
        %dma_wait3A_139 = arith.constant 0 : i32
        %dma_wait3A_140 = tpu.memref_slice %arg18[%add3A_131, %dma_wait3A_139] : memref<10000x128xf32, #tpu.memory_space<vmem_shared>> -> memref<16x128xf32, #tpu.memory_space<vmem_shared>>
        tpu.wait_dma2 semaphore(%run_scoped3A : memref<!tpu.dma_semaphore, #tpu.memory_space<semaphore_mem>>) src(%arg17 : memref<16x128xf32, #tpu.memory_space<vmem>>) dst(%dma_wait3A_140 : memref<16x128xf32, #tpu.memory_space<vmem_shared>>)
        tpu.yield
      }) : () -> ()
      %scan3A_132 = arith.constant 0 : i32
      scf.yield %scan3A_132 : i32
    }
    %scan3A_37 = arith.constant 39 : i32
    %eq3A = arith.constant 15 : i32
    %eq3A_38 = arith.cmpi eq, %arg1, %eq3A : i32
    %convert_element_type3A = arith.extui %eq3A_38 : i1 to i32
    %cond3A = arith.constant 0 : i32
    %cond3A_39 = arith.cmpi ne, %convert_element_type3A, %cond3A : i32
    scf.if %cond3A_39 {
      "tpu.region"() ({
        %run_scoped3A = tpu.sem_alloc : memref<!tpu.dma_semaphore, #tpu.memory_space<semaphore_mem>>
        %dma_start3A_125 = arith.constant 9984 : i32
        %dma_start3A_126 = arith.constant 0 : i32
        %dma_start3A_127 = tpu.memref_slice %arg18[%dma_start3A_125, %dma_start3A_126] : memref<10000x128xf32, #tpu.memory_space<vmem_shared>> -> memref<16x128xf32, #tpu.memory_space<vmem_shared>>
        %dma_start3A_128 = arith.constant 9984 : i32
        %dma_start3A_129 = arith.constant 0 : i32
        %dma_start3A_130 = tpu.memref_slice %arg18[%dma_start3A_128, %dma_start3A_129] : memref<10000x128xf32, #tpu.memory_space<vmem_shared>> -> memref<16x128xf32, #tpu.memory_space<vmem_shared>>
        tpu.enqueue_dma source(%arg17 : memref<16x128xf32, #tpu.memory_space<vmem>>) target(%dma_start3A_130 : memref<16x128xf32, #tpu.memory_space<vmem_shared>>) target_semaphore(%run_scoped3A : memref<!tpu.dma_semaphore, #tpu.memory_space<semaphore_mem>>)
        %dma_wait3A_131 = arith.constant 9984 : i32
        %dma_wait3A_132 = arith.constant 0 : i32
        %dma_wait3A_133 = tpu.memref_slice %arg18[%dma_wait3A_131, %dma_wait3A_132] : memref<10000x128xf32, #tpu.memory_space<vmem_shared>> -> memref<16x128xf32, #tpu.memory_space<vmem_shared>>
        %dma_wait3A_134 = arith.constant 9984 : i32
        %dma_wait3A_135 = arith.constant 0 : i32
        %dma_wait3A_136 = tpu.memref_slice %arg18[%dma_wait3A_134, %dma_wait3A_135] : memref<10000x128xf32, #tpu.memory_space<vmem_shared>> -> memref<16x128xf32, #tpu.memory_space<vmem_shared>>
        tpu.wait_dma2 semaphore(%run_scoped3A : memref<!tpu.dma_semaphore, #tpu.memory_space<semaphore_mem>>) src(%arg17 : memref<16x128xf32, #tpu.memory_space<vmem>>) dst(%dma_wait3A_136 : memref<16x128xf32, #tpu.memory_space<vmem_shared>>)
        tpu.yield
      }) : () -> ()
    } else {
    }
    %barrier3A = arith.constant 0 : index
    tpu.barrier barrier_id(%barrier3A)
    %dma_wait3A = arith.constant 0 : i32
    %dma_wait3A_40 = tpu.memref_slice %arg4[%dma_wait3A] : memref<320000xi32, #tpu.memory_space<hbm>> -> memref<80xi32, #tpu.memory_space<hbm>>
    %dma_wait3A_41 = arith.constant 0 : i32
    %dma_wait3A_42 = tpu.memref_slice %arg4[%dma_wait3A_41] : memref<320000xi32, #tpu.memory_space<hbm>> -> memref<80xi32, #tpu.memory_space<hbm>>
    tpu.wait_dma2 semaphore(%arg19 : memref<!tpu.dma_semaphore, #tpu.memory_space<semaphore_mem>>) src(%dma_wait3A_42 : memref<80xi32, #tpu.memory_space<hbm>>) dst(%arg7 : memref<80xi32, #tpu.memory_space<vmem>>)
    %dma_wait3A_43 = arith.constant 0 : i32
    %dma_wait3A_44 = tpu.memref_slice %arg5[%dma_wait3A_43] : memref<320000xi32, #tpu.memory_space<hbm>> -> memref<80xi32, #tpu.memory_space<hbm>>
    %dma_wait3A_45 = arith.constant 0 : i32
    %dma_wait3A_46 = tpu.memref_slice %arg5[%dma_wait3A_45] : memref<320000xi32, #tpu.memory_space<hbm>> -> memref<80xi32, #tpu.memory_space<hbm>>
    tpu.wait_dma2 semaphore(%arg19 : memref<!tpu.dma_semaphore, #tpu.memory_space<semaphore_mem>>) src(%dma_wait3A_46 : memref<80xi32, #tpu.memory_space<hbm>>) dst(%arg9 : memref<80xi32, #tpu.memory_space<vmem>>)
    %dma_start3A_47 = arith.constant 0 : i32
    %dma_start3A_48 = arith.constant 0 : i32
    %dma_start3A_49 = tpu.memref_slice %arg2[%dma_start3A_47, %dma_start3A_48] : memref<10000x128xf32, #tpu.memory_space<hbm>> -> memref<10000x128xf32, #tpu.memory_space<hbm>>
    tpu.enqueue_indirect_dma source(%dma_start3A_49 : memref<10000x128xf32, #tpu.memory_space<hbm>>) target(%arg11 : memref<80x128xf32, #tpu.memory_space<vmem>>) offsets(%arg7 : memref<80xi32, #tpu.memory_space<vmem>>) semaphore(%arg23 : memref<!tpu.dma_semaphore, #tpu.memory_space<semaphore_mem>>)
    %scan3A_50 = arith.constant 0 : i32
    %scan3A_51 = arith.constant 0 : i32
    %scan3A_52 = arith.constant 62 : i32
    %scan3A_53 = arith.addi %scan3A_51, %scan3A_52 : i32
    %scan3A_54 = arith.constant 1 : i32
    %scan3A_55 = scf.for %scan3A_125 = %scan3A_51 to %scan3A_53 step %scan3A_54 iter_args(%scan3A_126 = %scan3A_50) -> (i32)  : i32 {
      %mul3A_127 = arith.constant 2 : i32
      %mul3A_128 = arith.muli %mul3A_127, %scan3A_125 : i32
      %add3A_129 = arith.constant 0 : i32
      %add3A_130 = arith.addi %mul3A_128, %add3A_129 : i32
      %dma_wait3A_131 = arith.constant 0 : i32
      %dma_wait3A_132 = arith.constant 0 : i32
      %dma_wait3A_133 = tpu.memref_slice %arg2[%dma_wait3A_131, %dma_wait3A_132] : memref<10000x128xf32, #tpu.memory_space<hbm>> -> memref<10000x128xf32, #tpu.memory_space<hbm>>
      tpu.wait_indirect_dma semaphore(%arg23 : memref<!tpu.dma_semaphore, #tpu.memory_space<semaphore_mem>>) src(%dma_wait3A_133 : memref<10000x128xf32, #tpu.memory_space<hbm>>) dst(%arg11 : memref<80x128xf32, #tpu.memory_space<vmem>>)
      %dma_wait3A_134 = arith.constant 0 : i32
      %dma_wait3A_135 = arith.constant 0 : i32
      %dma_wait3A_136 = tpu.memref_slice %arg3[%dma_wait3A_134, %dma_wait3A_135] : memref<320000x128xf32, #tpu.memory_space<hbm>> -> memref<80x128xf32, #tpu.memory_space<hbm>>
      %dma_wait3A_137 = arith.constant 0 : i32
      %dma_wait3A_138 = arith.constant 0 : i32
      %dma_wait3A_139 = tpu.memref_slice %arg3[%dma_wait3A_137, %dma_wait3A_138] : memref<320000x128xf32, #tpu.memory_space<hbm>> -> memref<80x128xf32, #tpu.memory_space<hbm>>
      tpu.wait_dma2 semaphore(%arg21 : memref<!tpu.dma_semaphore, #tpu.memory_space<semaphore_mem>>) src(%dma_wait3A_139 : memref<80x128xf32, #tpu.memory_space<hbm>>) dst(%arg13 : memref<80x128xf32, #tpu.memory_space<vmem>>)
      %scan3A_140 = arith.constant 0 : i32
      %scan3A_141 = arith.constant 0 : i32
      %scan3A_142 = arith.constant 80 : i32
      %scan3A_143 = arith.addi %scan3A_141, %scan3A_142 : i32
      %scan3A_144 = arith.constant 1 : i32
      %scan3A_145 = scf.for %scan3A_280 = %scan3A_141 to %scan3A_143 step %scan3A_144 iter_args(%scan3A_281 = %scan3A_140) -> (i32)  : i32 {
        %get3A_282 = arith.index_cast %scan3A_280 : i32 to index
        %get3A_283 = arith.constant 0 : index
        %get3A_284 = tpu.vector_load %arg11[%get3A_282, %get3A_283] {strides = array<i32>} : memref<80x128xf32, #tpu.memory_space<vmem>>, vector<1x16xf32>,
        %get3A_285 = vector.shape_cast %get3A_284 : vector<1x16xf32> to vector<16xf32>
        %get3A_286 = arith.index_cast %scan3A_280 : i32 to index
        %get3A_287 = arith.constant 0 : index
        %get3A_288 = tpu.vector_load %arg13[%get3A_286, %get3A_287] {strides = array<i32>} : memref<80x128xf32, #tpu.memory_space<vmem>>, vector<1x16xf32>,
        %get3A_289 = vector.shape_cast %get3A_288 : vector<1x16xf32> to vector<16xf32>
        %add3A_290 = arith.addf %get3A_285, %get3A_289 : vector<16xf32>
        %max3A = arith.constant 0.000000e+00 : f32
        %max3A_291 = vector.broadcast %max3A : f32 to vector<16xf32>
        %max3A_292 = arith.maximumf %add3A_290, %max3A_291 : vector<16xf32>
        %swap3A_293 = arith.index_cast %scan3A_280 : i32 to index
        %swap3A_294 = arith.constant 0 : index
        %swap3A_295 = tpu.vector_load %arg11[%swap3A_293, %swap3A_294] {strides = array<i32>} : memref<80x128xf32, #tpu.memory_space<vmem>>, vector<1x16xf32>,
        %swap3A_296 = vector.shape_cast %swap3A_295 : vector<1x16xf32> to vector<16xf32>
        %swap3A_297 = vector.shape_cast %max3A_292 : vector<16xf32> to vector<1x16xf32>
        tpu.vector_store %arg11[%swap3A_293, %swap3A_294], %swap3A_297 {strides = array<i32>} : memref<80x128xf32, #tpu.memory_space<vmem>>, vector<1x16xf32>,
        %get3A_298 = arith.index_cast %scan3A_280 : i32 to index
        %get3A_299 = arith.constant 16 : index
        %get3A_300 = tpu.vector_load %arg11[%get3A_298, %get3A_299] {strides = array<i32>} : memref<80x128xf32, #tpu.memory_space<vmem>>, vector<1x16xf32>,
        %get3A_301 = vector.shape_cast %get3A_300 : vector<1x16xf32> to vector<16xf32>
        %get3A_302 = arith.index_cast %scan3A_280 : i32 to index
        %get3A_303 = arith.constant 16 : index
        %get3A_304 = tpu.vector_load %arg13[%get3A_302, %get3A_303] {strides = array<i32>} : memref<80x128xf32, #tpu.memory_space<vmem>>, vector<1x16xf32>,
        %get3A_305 = vector.shape_cast %get3A_304 : vector<1x16xf32> to vector<16xf32>
        %add3A_306 = arith.addf %get3A_301, %get3A_305 : vector<16xf32>
        %max3A_307 = arith.constant 0.000000e+00 : f32
        %max3A_308 = vector.broadcast %max3A_307 : f32 to vector<16xf32>
        %max3A_309 = arith.maximumf %add3A_306, %max3A_308 : vector<16xf32>
        %swap3A_310 = arith.index_cast %scan3A_280 : i32 to index
        %swap3A_311 = arith.constant 16 : index
        %swap3A_312 = tpu.vector_load %arg11[%swap3A_310, %swap3A_311] {strides = array<i32>} : memref<80x128xf32, #tpu.memory_space<vmem>>, vector<1x16xf32>,
        %swap3A_313 = vector.shape_cast %swap3A_312 : vector<1x16xf32> to vector<16xf32>
        %swap3A_314 = vector.shape_cast %max3A_309 : vector<16xf32> to vector<1x16xf32>
        tpu.vector_store %arg11[%swap3A_310, %swap3A_311], %swap3A_314 {strides = array<i32>} : memref<80x128xf32, #tpu.memory_space<vmem>>, vector<1x16xf32>,
        %get3A_315 = arith.index_cast %scan3A_280 : i32 to index
        %get3A_316 = arith.constant 32 : index
        %get3A_317 = tpu.vector_load %arg11[%get3A_315, %get3A_316] {strides = array<i32>} : memref<80x128xf32, #tpu.memory_space<vmem>>, vector<1x16xf32>,
        %get3A_318 = vector.shape_cast %get3A_317 : vector<1x16xf32> to vector<16xf32>
        %get3A_319 = arith.index_cast %scan3A_280 : i32 to index
        %get3A_320 = arith.constant 32 : index
        %get3A_321 = tpu.vector_load %arg13[%get3A_319, %get3A_320] {strides = array<i32>} : memref<80x128xf32, #tpu.memory_space<vmem>>, vector<1x16xf32>,
        %get3A_322 = vector.shape_cast %get3A_321 : vector<1x16xf32> to vector<16xf32>
        %add3A_323 = arith.addf %get3A_318, %get3A_322 : vector<16xf32>
        %max3A_324 = arith.constant 0.000000e+00 : f32
        %max3A_325 = vector.broadcast %max3A_324 : f32 to vector<16xf32>
        %max3A_326 = arith.maximumf %add3A_323, %max3A_325 : vector<16xf32>
        %swap3A_327 = arith.index_cast %scan3A_280 : i32 to index
        %swap3A_328 = arith.constant 32 : index
        %swap3A_329 = tpu.vector_load %arg11[%swap3A_327, %swap3A_328] {strides = array<i32>} : memref<80x128xf32, #tpu.memory_space<vmem>>, vector<1x16xf32>,
        %swap3A_330 = vector.shape_cast %swap3A_329 : vector<1x16xf32> to vector<16xf32>
        %swap3A_331 = vector.shape_cast %max3A_326 : vector<16xf32> to vector<1x16xf32>
        tpu.vector_store %arg11[%swap3A_327, %swap3A_328], %swap3A_331 {strides = array<i32>} : memref<80x128xf32, #tpu.memory_space<vmem>>, vector<1x16xf32>,
        %get3A_332 = arith.index_cast %scan3A_280 : i32 to index
        %get3A_333 = arith.constant 48 : index
        %get3A_334 = tpu.vector_load %arg11[%get3A_332, %get3A_333] {strides = array<i32>} : memref<80x128xf32, #tpu.memory_space<vmem>>, vector<1x16xf32>,
        %get3A_335 = vector.shape_cast %get3A_334 : vector<1x16xf32> to vector<16xf32>
        %get3A_336 = arith.index_cast %scan3A_280 : i32 to index
        %get3A_337 = arith.constant 48 : index
        %get3A_338 = tpu.vector_load %arg13[%get3A_336, %get3A_337] {strides = array<i32>} : memref<80x128xf32, #tpu.memory_space<vmem>>, vector<1x16xf32>,
        %get3A_339 = vector.shape_cast %get3A_338 : vector<1x16xf32> to vector<16xf32>
        %add3A_340 = arith.addf %get3A_335, %get3A_339 : vector<16xf32>
        %max3A_341 = arith.constant 0.000000e+00 : f32
        %max3A_342 = vector.broadcast %max3A_341 : f32 to vector<16xf32>
        %max3A_343 = arith.maximumf %add3A_340, %max3A_342 : vector<16xf32>
        %swap3A_344 = arith.index_cast %scan3A_280 : i32 to index
        %swap3A_345 = arith.constant 48 : index
        %swap3A_346 = tpu.vector_load %arg11[%swap3A_344, %swap3A_345] {strides = array<i32>} : memref<80x128xf32, #tpu.memory_space<vmem>>, vector<1x16xf32>,
        %swap3A_347 = vector.shape_cast %swap3A_346 : vector<1x16xf32> to vector<16xf32>
        %swap3A_348 = vector.shape_cast %max3A_343 : vector<16xf32> to vector<1x16xf32>
        tpu.vector_store %arg11[%swap3A_344, %swap3A_345], %swap3A_348 {strides = array<i32>} : memref<80x128xf32, #tpu.memory_space<vmem>>, vector<1x16xf32>,
        %get3A_349 = arith.index_cast %scan3A_280 : i32 to index
        %get3A_350 = arith.constant 64 : index
        %get3A_351 = tpu.vector_load %arg11[%get3A_349, %get3A_350] {strides = array<i32>} : memref<80x128xf32, #tpu.memory_space<vmem>>, vector<1x16xf32>,
        %get3A_352 = vector.shape_cast %get3A_351 : vector<1x16xf32> to vector<16xf32>
        %get3A_353 = arith.index_cast %scan3A_280 : i32 to index
        %get3A_354 = arith.constant 64 : index
        %get3A_355 = tpu.vector_load %arg13[%get3A_353, %get3A_354] {strides = array<i32>} : memref<80x128xf32, #tpu.memory_space<vmem>>, vector<1x16xf32>,
        %get3A_356 = vector.shape_cast %get3A_355 : vector<1x16xf32> to vector<16xf32>
        %add3A_357 = arith.addf %get3A_352, %get3A_356 : vector<16xf32>
        %max3A_358 = arith.constant 0.000000e+00 : f32
        %max3A_359 = vector.broadcast %max3A_358 : f32 to vector<16xf32>
        %max3A_360 = arith.maximumf %add3A_357, %max3A_359 : vector<16xf32>
        %swap3A_361 = arith.index_cast %scan3A_280 : i32 to index
        %swap3A_362 = arith.constant 64 : index
        %swap3A_363 = tpu.vector_load %arg11[%swap3A_361, %swap3A_362] {strides = array<i32>} : memref<80x128xf32, #tpu.memory_space<vmem>>, vector<1x16xf32>,
        %swap3A_364 = vector.shape_cast %swap3A_363 : vector<1x16xf32> to vector<16xf32>
        %swap3A_365 = vector.shape_cast %max3A_360 : vector<16xf32> to vector<1x16xf32>
        tpu.vector_store %arg11[%swap3A_361, %swap3A_362], %swap3A_365 {strides = array<i32>} : memref<80x128xf32, #tpu.memory_space<vmem>>, vector<1x16xf32>,
        %get3A_366 = arith.index_cast %scan3A_280 : i32 to index
        %get3A_367 = arith.constant 80 : index
        %get3A_368 = tpu.vector_load %arg11[%get3A_366, %get3A_367] {strides = array<i32>} : memref<80x128xf32, #tpu.memory_space<vmem>>, vector<1x16xf32>,
        %get3A_369 = vector.shape_cast %get3A_368 : vector<1x16xf32> to vector<16xf32>
        %get3A_370 = arith.index_cast %scan3A_280 : i32 to index
        %get3A_371 = arith.constant 80 : index
        %get3A_372 = tpu.vector_load %arg13[%get3A_370, %get3A_371] {strides = array<i32>} : memref<80x128xf32, #tpu.memory_space<vmem>>, vector<1x16xf32>,
        %get3A_373 = vector.shape_cast %get3A_372 : vector<1x16xf32> to vector<16xf32>
        %add3A_374 = arith.addf %get3A_369, %get3A_373 : vector<16xf32>
        %max3A_375 = arith.constant 0.000000e+00 : f32
        %max3A_376 = vector.broadcast %max3A_375 : f32 to vector<16xf32>
        %max3A_377 = arith.maximumf %add3A_374, %max3A_376 : vector<16xf32>
        %swap3A_378 = arith.index_cast %scan3A_280 : i32 to index
        %swap3A_379 = arith.constant 80 : index
        %swap3A_380 = tpu.vector_load %arg11[%swap3A_378, %swap3A_379] {strides = array<i32>} : memref<80x128xf32, #tpu.memory_space<vmem>>, vector<1x16xf32>,
        %swap3A_381 = vector.shape_cast %swap3A_380 : vector<1x16xf32> to vector<16xf32>
        %swap3A_382 = vector.shape_cast %max3A_377 : vector<16xf32> to vector<1x16xf32>
        tpu.vector_store %arg11[%swap3A_378, %swap3A_379], %swap3A_382 {strides = array<i32>} : memref<80x128xf32, #tpu.memory_space<vmem>>, vector<1x16xf32>,
        %get3A_383 = arith.index_cast %scan3A_280 : i32 to index
        %get3A_384 = arith.constant 96 : index
        %get3A_385 = tpu.vector_load %arg11[%get3A_383, %get3A_384] {strides = array<i32>} : memref<80x128xf32, #tpu.memory_space<vmem>>, vector<1x16xf32>,
        %get3A_386 = vector.shape_cast %get3A_385 : vector<1x16xf32> to vector<16xf32>
        %get3A_387 = arith.index_cast %scan3A_280 : i32 to index
        %get3A_388 = arith.constant 96 : index
        %get3A_389 = tpu.vector_load %arg13[%get3A_387, %get3A_388] {strides = array<i32>} : memref<80x128xf32, #tpu.memory_space<vmem>>, vector<1x16xf32>,
        %get3A_390 = vector.shape_cast %get3A_389 : vector<1x16xf32> to vector<16xf32>
        %add3A_391 = arith.addf %get3A_386, %get3A_390 : vector<16xf32>
        %max3A_392 = arith.constant 0.000000e+00 : f32
        %max3A_393 = vector.broadcast %max3A_392 : f32 to vector<16xf32>
        %max3A_394 = arith.maximumf %add3A_391, %max3A_393 : vector<16xf32>
        %swap3A_395 = arith.index_cast %scan3A_280 : i32 to index
        %swap3A_396 = arith.constant 96 : index
        %swap3A_397 = tpu.vector_load %arg11[%swap3A_395, %swap3A_396] {strides = array<i32>} : memref<80x128xf32, #tpu.memory_space<vmem>>, vector<1x16xf32>,
        %swap3A_398 = vector.shape_cast %swap3A_397 : vector<1x16xf32> to vector<16xf32>
        %swap3A_399 = vector.shape_cast %max3A_394 : vector<16xf32> to vector<1x16xf32>
        tpu.vector_store %arg11[%swap3A_395, %swap3A_396], %swap3A_399 {strides = array<i32>} : memref<80x128xf32, #tpu.memory_space<vmem>>, vector<1x16xf32>,
        %get3A_400 = arith.index_cast %scan3A_280 : i32 to index
        %get3A_401 = arith.constant 112 : index
        %get3A_402 = tpu.vector_load %arg11[%get3A_400, %get3A_401] {strides = array<i32>} : memref<80x128xf32, #tpu.memory_space<vmem>>, vector<1x16xf32>,
        %get3A_403 = vector.shape_cast %get3A_402 : vector<1x16xf32> to vector<16xf32>
        %get3A_404 = arith.index_cast %scan3A_280 : i32 to index
        %get3A_405 = arith.constant 112 : index
        %get3A_406 = tpu.vector_load %arg13[%get3A_404, %get3A_405] {strides = array<i32>} : memref<80x128xf32, #tpu.memory_space<vmem>>, vector<1x16xf32>,
        %get3A_407 = vector.shape_cast %get3A_406 : vector<1x16xf32> to vector<16xf32>
        %add3A_408 = arith.addf %get3A_403, %get3A_407 : vector<16xf32>
        %max3A_409 = arith.constant 0.000000e+00 : f32
        %max3A_410 = vector.broadcast %max3A_409 : f32 to vector<16xf32>
        %max3A_411 = arith.maximumf %add3A_408, %max3A_410 : vector<16xf32>
        %swap3A_412 = arith.index_cast %scan3A_280 : i32 to index
        %swap3A_413 = arith.constant 112 : index
        %swap3A_414 = tpu.vector_load %arg11[%swap3A_412, %swap3A_413] {strides = array<i32>} : memref<80x128xf32, #tpu.memory_space<vmem>>, vector<1x16xf32>,
        %swap3A_415 = vector.shape_cast %swap3A_414 : vector<1x16xf32> to vector<16xf32>
        %swap3A_416 = vector.shape_cast %max3A_411 : vector<16xf32> to vector<1x16xf32>
        tpu.vector_store %arg11[%swap3A_412, %swap3A_413], %swap3A_416 {strides = array<i32>} : memref<80x128xf32, #tpu.memory_space<vmem>>, vector<1x16xf32>,
        %scan3A_417 = arith.constant 0 : i32
        scf.yield %scan3A_417 : i32
      }
      %scan3A_146 = arith.constant 80 : i32
      %get3A_147 = arith.constant 0 : index
      %get3A_148 = tpu.vector_load %arg9[%get3A_147] {strides = array<i32>} : memref<80xi32, #tpu.memory_space<vmem>>, vector<16xi32>,
      %get3A_149 = vector.shape_cast %get3A_148 : vector<16xi32> to vector<16xi32>
      %swap3A_150 = arith.constant 0 : index
      %swap3A_151 = tpu.vector_load %arg15[%swap3A_150] {strides = array<i32>} : memref<80xi32, #tpu.memory_space<vmem>>, vector<16xi32>,
      %swap3A_152 = vector.shape_cast %swap3A_151 : vector<16xi32> to vector<16xi32>
      %swap3A_153 = vector.shape_cast %get3A_149 : vector<16xi32> to vector<16xi32>
      tpu.vector_store %arg15[%swap3A_150], %swap3A_153 {strides = array<i32>} : memref<80xi32, #tpu.memory_space<vmem>>, vector<16xi32>,
      %get3A_154 = arith.constant 16 : index
      %get3A_155 = tpu.vector_load %arg9[%get3A_154] {strides = array<i32>} : memref<80xi32, #tpu.memory_space<vmem>>, vector<16xi32>,
      %get3A_156 = vector.shape_cast %get3A_155 : vector<16xi32> to vector<16xi32>
      %swap3A_157 = arith.constant 16 : index
      %swap3A_158 = tpu.vector_load %arg15[%swap3A_157] {strides = array<i32>} : memref<80xi32, #tpu.memory_space<vmem>>, vector<16xi32>,
      %swap3A_159 = vector.shape_cast %swap3A_158 : vector<16xi32> to vector<16xi32>
      %swap3A_160 = vector.shape_cast %get3A_156 : vector<16xi32> to vector<16xi32>
      tpu.vector_store %arg15[%swap3A_157], %swap3A_160 {strides = array<i32>} : memref<80xi32, #tpu.memory_space<vmem>>, vector<16xi32>,
      %get3A_161 = arith.constant 32 : index
      %get3A_162 = tpu.vector_load %arg9[%get3A_161] {strides = array<i32>} : memref<80xi32, #tpu.memory_space<vmem>>, vector<16xi32>,
      %get3A_163 = vector.shape_cast %get3A_162 : vector<16xi32> to vector<16xi32>
      %swap3A_164 = arith.constant 32 : index
      %swap3A_165 = tpu.vector_load %arg15[%swap3A_164] {strides = array<i32>} : memref<80xi32, #tpu.memory_space<vmem>>, vector<16xi32>,
      %swap3A_166 = vector.shape_cast %swap3A_165 : vector<16xi32> to vector<16xi32>
      %swap3A_167 = vector.shape_cast %get3A_163 : vector<16xi32> to vector<16xi32>
      tpu.vector_store %arg15[%swap3A_164], %swap3A_167 {strides = array<i32>} : memref<80xi32, #tpu.memory_space<vmem>>, vector<16xi32>,
      %get3A_168 = arith.constant 48 : index
      %get3A_169 = tpu.vector_load %arg9[%get3A_168] {strides = array<i32>} : memref<80xi32, #tpu.memory_space<vmem>>, vector<16xi32>,
      %get3A_170 = vector.shape_cast %get3A_169 : vector<16xi32> to vector<16xi32>
      %swap3A_171 = arith.constant 48 : index
      %swap3A_172 = tpu.vector_load %arg15[%swap3A_171] {strides = array<i32>} : memref<80xi32, #tpu.memory_space<vmem>>, vector<16xi32>,
      %swap3A_173 = vector.shape_cast %swap3A_172 : vector<16xi32> to vector<16xi32>
      %swap3A_174 = vector.shape_cast %get3A_170 : vector<16xi32> to vector<16xi32>
      tpu.vector_store %arg15[%swap3A_171], %swap3A_174 {strides = array<i32>} : memref<80xi32, #tpu.memory_space<vmem>>, vector<16xi32>,
      %get3A_175 = arith.constant 64 : index
      %get3A_176 = tpu.vector_load %arg9[%get3A_175] {strides = array<i32>} : memref<80xi32, #tpu.memory_space<vmem>>, vector<16xi32>,
      %get3A_177 = vector.shape_cast %get3A_176 : vector<16xi32> to vector<16xi32>
      %swap3A_178 = arith.constant 64 : index
      %swap3A_179 = tpu.vector_load %arg15[%swap3A_178] {strides = array<i32>} : memref<80xi32, #tpu.memory_space<vmem>>, vector<16xi32>,
      %swap3A_180 = vector.shape_cast %swap3A_179 : vector<16xi32> to vector<16xi32>
      %swap3A_181 = vector.shape_cast %get3A_177 : vector<16xi32> to vector<16xi32>
      tpu.vector_store %arg15[%swap3A_178], %swap3A_181 {strides = array<i32>} : memref<80xi32, #tpu.memory_space<vmem>>, vector<16xi32>,
      %dma_start3A_182 = arith.constant 0 : i32
      %dma_start3A_183 = arith.constant 0 : i32
      %dma_start3A_184 = tpu.memref_slice %arg18[%dma_start3A_182, %dma_start3A_183] : memref<10000x128xf32, #tpu.memory_space<vmem_shared>> -> memref<10000x128xf32, #tpu.memory_space<vmem_shared>>
      tpu.enqueue_indirect_dma source(%arg11 : memref<80x128xf32, #tpu.memory_space<vmem>>) target(%dma_start3A_184 : memref<10000x128xf32, #tpu.memory_space<vmem_shared>>) offsets(%arg15 : memref<80xi32, #tpu.memory_space<vmem>>) semaphore(%arg25 : memref<!tpu.dma_semaphore, #tpu.memory_space<semaphore_mem>>) {add = true}
      %add3A_185 = arith.constant 2 : i32
      %add3A_186 = arith.addi %add3A_130, %add3A_185 : i32
      %lt3A = arith.constant 125 : i32
      %lt3A_187 = arith.cmpi slt, %add3A_186, %lt3A : i32
      %convert_element_type3A_188 = arith.extui %lt3A_187 : i1 to i32
      %cond3A_189 = arith.constant 0 : i32
      %cond3A_190 = arith.cmpi ne, %convert_element_type3A_188, %cond3A_189 : i32
      scf.if %cond3A_190 {
        %add3A_280 = arith.constant 2 : i32
        %add3A_281 = arith.addi %add3A_130, %add3A_280 : i32
        %mul3A_282 = arith.constant 10000 : i32
        %mul3A_283 = arith.muli %add3A, %mul3A_282 : i32
        %mul3A_284 = arith.constant 80 : i32
        %mul3A_285 = arith.muli %add3A_281, %mul3A_284 : i32
        %add3A_286 = arith.addi %mul3A_283, %mul3A_285 : i32
        %dma_start3A_287 = tpu.memref_slice %arg4[%add3A_286] : memref<320000xi32, #tpu.memory_space<hbm>> -> memref<80xi32, #tpu.memory_space<hbm>>
        %dma_start3A_288 = tpu.memref_slice %arg4[%add3A_286] : memref<320000xi32, #tpu.memory_space<hbm>> -> memref<80xi32, #tpu.memory_space<hbm>>
        tpu.enqueue_dma source(%dma_start3A_288 : memref<80xi32, #tpu.memory_space<hbm>>) target(%arg7 : memref<80xi32, #tpu.memory_space<vmem>>) target_semaphore(%arg19 : memref<!tpu.dma_semaphore, #tpu.memory_space<semaphore_mem>>)
        %dma_start3A_289 = tpu.memref_slice %arg5[%add3A_286] : memref<320000xi32, #tpu.memory_space<hbm>> -> memref<80xi32, #tpu.memory_space<hbm>>
        %dma_start3A_290 = tpu.memref_slice %arg5[%add3A_286] : memref<320000xi32, #tpu.memory_space<hbm>> -> memref<80xi32, #tpu.memory_space<hbm>>
        tpu.enqueue_dma source(%dma_start3A_290 : memref<80xi32, #tpu.memory_space<hbm>>) target(%arg9 : memref<80xi32, #tpu.memory_space<vmem>>) target_semaphore(%arg19 : memref<!tpu.dma_semaphore, #tpu.memory_space<semaphore_mem>>)
        %dma_start3A_291 = arith.constant 0 : i32
        %dma_start3A_292 = tpu.memref_slice %arg3[%add3A_286, %dma_start3A_291] : memref<320000x128xf32, #tpu.memory_space<hbm>> -> memref<80x128xf32, #tpu.memory_space<hbm>>
        %dma_start3A_293 = arith.constant 0 : i32
        %dma_start3A_294 = tpu.memref_slice %arg3[%add3A_286, %dma_start3A_293] : memref<320000x128xf32, #tpu.memory_space<hbm>> -> memref<80x128xf32, #tpu.memory_space<hbm>>
        tpu.enqueue_dma source(%dma_start3A_294 : memref<80x128xf32, #tpu.memory_space<hbm>>) target(%arg13 : memref<80x128xf32, #tpu.memory_space<vmem>>) target_semaphore(%arg21 : memref<!tpu.dma_semaphore, #tpu.memory_space<semaphore_mem>>)
      } else {
      }
      %ge3A = arith.constant 1 : i32
      %ge3A_191 = arith.cmpi sge, %add3A_130, %ge3A : i32
      %convert_element_type3A_192 = arith.extui %ge3A_191 : i1 to i32
      %cond3A_193 = arith.constant 0 : i32
      %cond3A_194 = arith.cmpi ne, %convert_element_type3A_192, %cond3A_193 : i32
      scf.if %cond3A_194 {
        %dma_wait3A_280 = arith.constant 0 : i32
        %dma_wait3A_281 = arith.constant 0 : i32
        %dma_wait3A_282 = tpu.memref_slice %arg18[%dma_wait3A_280, %dma_wait3A_281] : memref<10000x128xf32, #tpu.memory_space<vmem_shared>> -> memref<10000x128xf32, #tpu.memory_space<vmem_shared>>
        tpu.wait_indirect_dma semaphore(%arg26 : memref<!tpu.dma_semaphore, #tpu.memory_space<semaphore_mem>>) src(%arg12 : memref<80x128xf32, #tpu.memory_space<vmem>>) dst(%dma_wait3A_282 : memref<10000x128xf32, #tpu.memory_space<vmem_shared>>)
      } else {
      }
      %add3A_195 = arith.constant 1 : i32
      %add3A_196 = arith.addi %add3A_130, %add3A_195 : i32
      %lt3A_197 = arith.constant 125 : i32
      %lt3A_198 = arith.cmpi slt, %add3A_196, %lt3A_197 : i32
      %convert_element_type3A_199 = arith.extui %lt3A_198 : i1 to i32
      %cond3A_200 = arith.constant 0 : i32
      %cond3A_201 = arith.cmpi ne, %convert_element_type3A_199, %cond3A_200 : i32
      scf.if %cond3A_201 {
        %dma_wait3A_280 = arith.constant 0 : i32
        %dma_wait3A_281 = tpu.memref_slice %arg4[%dma_wait3A_280] : memref<320000xi32, #tpu.memory_space<hbm>> -> memref<80xi32, #tpu.memory_space<hbm>>
        %dma_wait3A_282 = arith.constant 0 : i32
        %dma_wait3A_283 = tpu.memref_slice %arg4[%dma_wait3A_282] : memref<320000xi32, #tpu.memory_space<hbm>> -> memref<80xi32, #tpu.memory_space<hbm>>
        tpu.wait_dma2 semaphore(%arg20 : memref<!tpu.dma_semaphore, #tpu.memory_space<semaphore_mem>>) src(%dma_wait3A_283 : memref<80xi32, #tpu.memory_space<hbm>>) dst(%arg8 : memref<80xi32, #tpu.memory_space<vmem>>)
        %dma_wait3A_284 = arith.constant 0 : i32
        %dma_wait3A_285 = tpu.memref_slice %arg5[%dma_wait3A_284] : memref<320000xi32, #tpu.memory_space<hbm>> -> memref<80xi32, #tpu.memory_space<hbm>>
        %dma_wait3A_286 = arith.constant 0 : i32
        %dma_wait3A_287 = tpu.memref_slice %arg5[%dma_wait3A_286] : memref<320000xi32, #tpu.memory_space<hbm>> -> memref<80xi32, #tpu.memory_space<hbm>>
        tpu.wait_dma2 semaphore(%arg20 : memref<!tpu.dma_semaphore, #tpu.memory_space<semaphore_mem>>) src(%dma_wait3A_287 : memref<80xi32, #tpu.memory_space<hbm>>) dst(%arg10 : memref<80xi32, #tpu.memory_space<vmem>>)
        %dma_start3A_288 = arith.constant 0 : i32
        %dma_start3A_289 = arith.constant 0 : i32
        %dma_start3A_290 = tpu.memref_slice %arg2[%dma_start3A_288, %dma_start3A_289] : memref<10000x128xf32, #tpu.memory_space<hbm>> -> memref<10000x128xf32, #tpu.memory_space<hbm>>
        tpu.enqueue_indirect_dma source(%dma_start3A_290 : memref<10000x128xf32, #tpu.memory_space<hbm>>) target(%arg12 : memref<80x128xf32, #tpu.memory_space<vmem>>) offsets(%arg8 : memref<80xi32, #tpu.memory_space<vmem>>) semaphore(%arg24 : memref<!tpu.dma_semaphore, #tpu.memory_space<semaphore_mem>>)
      } else {
      }
      %mul3A_202 = arith.constant 2 : i32
      %mul3A_203 = arith.muli %mul3A_202, %scan3A_125 : i32
      %add3A_204 = arith.constant 1 : i32
      %add3A_205 = arith.addi %mul3A_203, %add3A_204 : i32
      %dma_wait3A_206 = arith.constant 0 : i32
      %dma_wait3A_207 = arith.constant 0 : i32
      %dma_wait3A_208 = tpu.memref_slice %arg2[%dma_wait3A_206, %dma_wait3A_207] : memref<10000x128xf32, #tpu.memory_space<hbm>> -> memref<10000x128xf32, #tpu.memory_space<hbm>>
      tpu.wait_indirect_dma semaphore(%arg24 : memref<!tpu.dma_semaphore, #tpu.memory_space<semaphore_mem>>) src(%dma_wait3A_208 : memref<10000x128xf32, #tpu.memory_space<hbm>>) dst(%arg12 : memref<80x128xf32, #tpu.memory_space<vmem>>)
      %dma_wait3A_209 = arith.constant 0 : i32
      %dma_wait3A_210 = arith.constant 0 : i32
      %dma_wait3A_211 = tpu.memref_slice %arg3[%dma_wait3A_209, %dma_wait3A_210] : memref<320000x128xf32, #tpu.memory_space<hbm>> -> memref<80x128xf32, #tpu.memory_space<hbm>>
      %dma_wait3A_212 = arith.constant 0 : i32
      %dma_wait3A_213 = arith.constant 0 : i32
      %dma_wait3A_214 = tpu.memref_slice %arg3[%dma_wait3A_212, %dma_wait3A_213] : memref<320000x128xf32, #tpu.memory_space<hbm>> -> memref<80x128xf32, #tpu.memory_space<hbm>>
      tpu.wait_dma2 semaphore(%arg22 : memref<!tpu.dma_semaphore, #tpu.memory_space<semaphore_mem>>) src(%dma_wait3A_214 : memref<80x128xf32, #tpu.memory_space<hbm>>) dst(%arg14 : memref<80x128xf32, #tpu.memory_space<vmem>>)
      %scan3A_215 = arith.constant 0 : i32
      %scan3A_216 = arith.constant 0 : i32
      %scan3A_217 = arith.constant 80 : i32
      %scan3A_218 = arith.addi %scan3A_216, %scan3A_217 : i32
      %scan3A_219 = arith.constant 1 : i32
      %scan3A_220 = scf.for %scan3A_280 = %scan3A_216 to %scan3A_218 step %scan3A_219 iter_args(%scan3A_281 = %scan3A_215) -> (i32)  : i32 {
        %get3A_282 = arith.index_cast %scan3A_280 : i32 to index
        %get3A_283 = arith.constant 0 : index
        %get3A_284 = tpu.vector_load %arg12[%get3A_282, %get3A_283] {strides = array<i32>} : memref<80x128xf32, #tpu.memory_space<vmem>>, vector<1x16xf32>,
        %get3A_285 = vector.shape_cast %get3A_284 : vector<1x16xf32> to vector<16xf32>
        %get3A_286 = arith.index_cast %scan3A_280 : i32 to index
        %get3A_287 = arith.constant 0 : index
        %get3A_288 = tpu.vector_load %arg14[%get3A_286, %get3A_287] {strides = array<i32>} : memref<80x128xf32, #tpu.memory_space<vmem>>, vector<1x16xf32>,
        %get3A_289 = vector.shape_cast %get3A_288 : vector<1x16xf32> to vector<16xf32>
        %add3A_290 = arith.addf %get3A_285, %get3A_289 : vector<16xf32>
        %max3A = arith.constant 0.000000e+00 : f32
        %max3A_291 = vector.broadcast %max3A : f32 to vector<16xf32>
        %max3A_292 = arith.maximumf %add3A_290, %max3A_291 : vector<16xf32>
        %swap3A_293 = arith.index_cast %scan3A_280 : i32 to index
        %swap3A_294 = arith.constant 0 : index
        %swap3A_295 = tpu.vector_load %arg12[%swap3A_293, %swap3A_294] {strides = array<i32>} : memref<80x128xf32, #tpu.memory_space<vmem>>, vector<1x16xf32>,
        %swap3A_296 = vector.shape_cast %swap3A_295 : vector<1x16xf32> to vector<16xf32>
        %swap3A_297 = vector.shape_cast %max3A_292 : vector<16xf32> to vector<1x16xf32>
        tpu.vector_store %arg12[%swap3A_293, %swap3A_294], %swap3A_297 {strides = array<i32>} : memref<80x128xf32, #tpu.memory_space<vmem>>, vector<1x16xf32>,
        %get3A_298 = arith.index_cast %scan3A_280 : i32 to index
        %get3A_299 = arith.constant 16 : index
        %get3A_300 = tpu.vector_load %arg12[%get3A_298, %get3A_299] {strides = array<i32>} : memref<80x128xf32, #tpu.memory_space<vmem>>, vector<1x16xf32>,
        %get3A_301 = vector.shape_cast %get3A_300 : vector<1x16xf32> to vector<16xf32>
        %get3A_302 = arith.index_cast %scan3A_280 : i32 to index
        %get3A_303 = arith.constant 16 : index
        %get3A_304 = tpu.vector_load %arg14[%get3A_302, %get3A_303] {strides = array<i32>} : memref<80x128xf32, #tpu.memory_space<vmem>>, vector<1x16xf32>,
        %get3A_305 = vector.shape_cast %get3A_304 : vector<1x16xf32> to vector<16xf32>
        %add3A_306 = arith.addf %get3A_301, %get3A_305 : vector<16xf32>
        %max3A_307 = arith.constant 0.000000e+00 : f32
        %max3A_308 = vector.broadcast %max3A_307 : f32 to vector<16xf32>
        %max3A_309 = arith.maximumf %add3A_306, %max3A_308 : vector<16xf32>
        %swap3A_310 = arith.index_cast %scan3A_280 : i32 to index
        %swap3A_311 = arith.constant 16 : index
        %swap3A_312 = tpu.vector_load %arg12[%swap3A_310, %swap3A_311] {strides = array<i32>} : memref<80x128xf32, #tpu.memory_space<vmem>>, vector<1x16xf32>,
        %swap3A_313 = vector.shape_cast %swap3A_312 : vector<1x16xf32> to vector<16xf32>
        %swap3A_314 = vector.shape_cast %max3A_309 : vector<16xf32> to vector<1x16xf32>
        tpu.vector_store %arg12[%swap3A_310, %swap3A_311], %swap3A_314 {strides = array<i32>} : memref<80x128xf32, #tpu.memory_space<vmem>>, vector<1x16xf32>,
        %get3A_315 = arith.index_cast %scan3A_280 : i32 to index
        %get3A_316 = arith.constant 32 : index
        %get3A_317 = tpu.vector_load %arg12[%get3A_315, %get3A_316] {strides = array<i32>} : memref<80x128xf32, #tpu.memory_space<vmem>>, vector<1x16xf32>,
        %get3A_318 = vector.shape_cast %get3A_317 : vector<1x16xf32> to vector<16xf32>
        %get3A_319 = arith.index_cast %scan3A_280 : i32 to index
        %get3A_320 = arith.constant 32 : index
        %get3A_321 = tpu.vector_load %arg14[%get3A_319, %get3A_320] {strides = array<i32>} : memref<80x128xf32, #tpu.memory_space<vmem>>, vector<1x16xf32>,
        %get3A_322 = vector.shape_cast %get3A_321 : vector<1x16xf32> to vector<16xf32>
        %add3A_323 = arith.addf %get3A_318, %get3A_322 : vector<16xf32>
        %max3A_324 = arith.constant 0.000000e+00 : f32
        %max3A_325 = vector.broadcast %max3A_324 : f32 to vector<16xf32>
        %max3A_326 = arith.maximumf %add3A_323, %max3A_325 : vector<16xf32>
        %swap3A_327 = arith.index_cast %scan3A_280 : i32 to index
        %swap3A_328 = arith.constant 32 : index
        %swap3A_329 = tpu.vector_load %arg12[%swap3A_327, %swap3A_328] {strides = array<i32>} : memref<80x128xf32, #tpu.memory_space<vmem>>, vector<1x16xf32>,
        %swap3A_330 = vector.shape_cast %swap3A_329 : vector<1x16xf32> to vector<16xf32>
        %swap3A_331 = vector.shape_cast %max3A_326 : vector<16xf32> to vector<1x16xf32>
        tpu.vector_store %arg12[%swap3A_327, %swap3A_328], %swap3A_331 {strides = array<i32>} : memref<80x128xf32, #tpu.memory_space<vmem>>, vector<1x16xf32>,
        %get3A_332 = arith.index_cast %scan3A_280 : i32 to index
        %get3A_333 = arith.constant 48 : index
        %get3A_334 = tpu.vector_load %arg12[%get3A_332, %get3A_333] {strides = array<i32>} : memref<80x128xf32, #tpu.memory_space<vmem>>, vector<1x16xf32>,
        %get3A_335 = vector.shape_cast %get3A_334 : vector<1x16xf32> to vector<16xf32>
        %get3A_336 = arith.index_cast %scan3A_280 : i32 to index
        %get3A_337 = arith.constant 48 : index
        %get3A_338 = tpu.vector_load %arg14[%get3A_336, %get3A_337] {strides = array<i32>} : memref<80x128xf32, #tpu.memory_space<vmem>>, vector<1x16xf32>,
        %get3A_339 = vector.shape_cast %get3A_338 : vector<1x16xf32> to vector<16xf32>
        %add3A_340 = arith.addf %get3A_335, %get3A_339 : vector<16xf32>
        %max3A_341 = arith.constant 0.000000e+00 : f32
        %max3A_342 = vector.broadcast %max3A_341 : f32 to vector<16xf32>
        %max3A_343 = arith.maximumf %add3A_340, %max3A_342 : vector<16xf32>
        %swap3A_344 = arith.index_cast %scan3A_280 : i32 to index
        %swap3A_345 = arith.constant 48 : index
        %swap3A_346 = tpu.vector_load %arg12[%swap3A_344, %swap3A_345] {strides = array<i32>} : memref<80x128xf32, #tpu.memory_space<vmem>>, vector<1x16xf32>,
        %swap3A_347 = vector.shape_cast %swap3A_346 : vector<1x16xf32> to vector<16xf32>
        %swap3A_348 = vector.shape_cast %max3A_343 : vector<16xf32> to vector<1x16xf32>
        tpu.vector_store %arg12[%swap3A_344, %swap3A_345], %swap3A_348 {strides = array<i32>} : memref<80x128xf32, #tpu.memory_space<vmem>>, vector<1x16xf32>,
        %get3A_349 = arith.index_cast %scan3A_280 : i32 to index
        %get3A_350 = arith.constant 64 : index
        %get3A_351 = tpu.vector_load %arg12[%get3A_349, %get3A_350] {strides = array<i32>} : memref<80x128xf32, #tpu.memory_space<vmem>>, vector<1x16xf32>,
        %get3A_352 = vector.shape_cast %get3A_351 : vector<1x16xf32> to vector<16xf32>
        %get3A_353 = arith.index_cast %scan3A_280 : i32 to index
        %get3A_354 = arith.constant 64 : index
        %get3A_355 = tpu.vector_load %arg14[%get3A_353, %get3A_354] {strides = array<i32>} : memref<80x128xf32, #tpu.memory_space<vmem>>, vector<1x16xf32>,
        %get3A_356 = vector.shape_cast %get3A_355 : vector<1x16xf32> to vector<16xf32>
        %add3A_357 = arith.addf %get3A_352, %get3A_356 : vector<16xf32>
        %max3A_358 = arith.constant 0.000000e+00 : f32
        %max3A_359 = vector.broadcast %max3A_358 : f32 to vector<16xf32>
        %max3A_360 = arith.maximumf %add3A_357, %max3A_359 : vector<16xf32>
        %swap3A_361 = arith.index_cast %scan3A_280 : i32 to index
        %swap3A_362 = arith.constant 64 : index
        %swap3A_363 = tpu.vector_load %arg12[%swap3A_361, %swap3A_362] {strides = array<i32>} : memref<80x128xf32, #tpu.memory_space<vmem>>, vector<1x16xf32>,
        %swap3A_364 = vector.shape_cast %swap3A_363 : vector<1x16xf32> to vector<16xf32>
        %swap3A_365 = vector.shape_cast %max3A_360 : vector<16xf32> to vector<1x16xf32>
        tpu.vector_store %arg12[%swap3A_361, %swap3A_362], %swap3A_365 {strides = array<i32>} : memref<80x128xf32, #tpu.memory_space<vmem>>, vector<1x16xf32>,
        %get3A_366 = arith.index_cast %scan3A_280 : i32 to index
        %get3A_367 = arith.constant 80 : index
        %get3A_368 = tpu.vector_load %arg12[%get3A_366, %get3A_367] {strides = array<i32>} : memref<80x128xf32, #tpu.memory_space<vmem>>, vector<1x16xf32>,
        %get3A_369 = vector.shape_cast %get3A_368 : vector<1x16xf32> to vector<16xf32>
        %get3A_370 = arith.index_cast %scan3A_280 : i32 to index
        %get3A_371 = arith.constant 80 : index
        %get3A_372 = tpu.vector_load %arg14[%get3A_370, %get3A_371] {strides = array<i32>} : memref<80x128xf32, #tpu.memory_space<vmem>>, vector<1x16xf32>,
        %get3A_373 = vector.shape_cast %get3A_372 : vector<1x16xf32> to vector<16xf32>
        %add3A_374 = arith.addf %get3A_369, %get3A_373 : vector<16xf32>
        %max3A_375 = arith.constant 0.000000e+00 : f32
        %max3A_376 = vector.broadcast %max3A_375 : f32 to vector<16xf32>
        %max3A_377 = arith.maximumf %add3A_374, %max3A_376 : vector<16xf32>
        %swap3A_378 = arith.index_cast %scan3A_280 : i32 to index
        %swap3A_379 = arith.constant 80 : index
        %swap3A_380 = tpu.vector_load %arg12[%swap3A_378, %swap3A_379] {strides = array<i32>} : memref<80x128xf32, #tpu.memory_space<vmem>>, vector<1x16xf32>,
        %swap3A_381 = vector.shape_cast %swap3A_380 : vector<1x16xf32> to vector<16xf32>
        %swap3A_382 = vector.shape_cast %max3A_377 : vector<16xf32> to vector<1x16xf32>
        tpu.vector_store %arg12[%swap3A_378, %swap3A_379], %swap3A_382 {strides = array<i32>} : memref<80x128xf32, #tpu.memory_space<vmem>>, vector<1x16xf32>,
        %get3A_383 = arith.index_cast %scan3A_280 : i32 to index
        %get3A_384 = arith.constant 96 : index
        %get3A_385 = tpu.vector_load %arg12[%get3A_383, %get3A_384] {strides = array<i32>} : memref<80x128xf32, #tpu.memory_space<vmem>>, vector<1x16xf32>,
        %get3A_386 = vector.shape_cast %get3A_385 : vector<1x16xf32> to vector<16xf32>
        %get3A_387 = arith.index_cast %scan3A_280 : i32 to index
        %get3A_388 = arith.constant 96 : index
        %get3A_389 = tpu.vector_load %arg14[%get3A_387, %get3A_388] {strides = array<i32>} : memref<80x128xf32, #tpu.memory_space<vmem>>, vector<1x16xf32>,
        %get3A_390 = vector.shape_cast %get3A_389 : vector<1x16xf32> to vector<16xf32>
        %add3A_391 = arith.addf %get3A_386, %get3A_390 : vector<16xf32>
        %max3A_392 = arith.constant 0.000000e+00 : f32
        %max3A_393 = vector.broadcast %max3A_392 : f32 to vector<16xf32>
        %max3A_394 = arith.maximumf %add3A_391, %max3A_393 : vector<16xf32>
        %swap3A_395 = arith.index_cast %scan3A_280 : i32 to index
        %swap3A_396 = arith.constant 96 : index
        %swap3A_397 = tpu.vector_load %arg12[%swap3A_395, %swap3A_396] {strides = array<i32>} : memref<80x128xf32, #tpu.memory_space<vmem>>, vector<1x16xf32>,
        %swap3A_398 = vector.shape_cast %swap3A_397 : vector<1x16xf32> to vector<16xf32>
        %swap3A_399 = vector.shape_cast %max3A_394 : vector<16xf32> to vector<1x16xf32>
        tpu.vector_store %arg12[%swap3A_395, %swap3A_396], %swap3A_399 {strides = array<i32>} : memref<80x128xf32, #tpu.memory_space<vmem>>, vector<1x16xf32>,
        %get3A_400 = arith.index_cast %scan3A_280 : i32 to index
        %get3A_401 = arith.constant 112 : index
        %get3A_402 = tpu.vector_load %arg12[%get3A_400, %get3A_401] {strides = array<i32>} : memref<80x128xf32, #tpu.memory_space<vmem>>, vector<1x16xf32>,
        %get3A_403 = vector.shape_cast %get3A_402 : vector<1x16xf32> to vector<16xf32>
        %get3A_404 = arith.index_cast %scan3A_280 : i32 to index
        %get3A_405 = arith.constant 112 : index
        %get3A_406 = tpu.vector_load %arg14[%get3A_404, %get3A_405] {strides = array<i32>} : memref<80x128xf32, #tpu.memory_space<vmem>>, vector<1x16xf32>,
        %get3A_407 = vector.shape_cast %get3A_406 : vector<1x16xf32> to vector<16xf32>
        %add3A_408 = arith.addf %get3A_403, %get3A_407 : vector<16xf32>
        %max3A_409 = arith.constant 0.000000e+00 : f32
        %max3A_410 = vector.broadcast %max3A_409 : f32 to vector<16xf32>
        %max3A_411 = arith.maximumf %add3A_408, %max3A_410 : vector<16xf32>
        %swap3A_412 = arith.index_cast %scan3A_280 : i32 to index
        %swap3A_413 = arith.constant 112 : index
        %swap3A_414 = tpu.vector_load %arg12[%swap3A_412, %swap3A_413] {strides = array<i32>} : memref<80x128xf32, #tpu.memory_space<vmem>>, vector<1x16xf32>,
        %swap3A_415 = vector.shape_cast %swap3A_414 : vector<1x16xf32> to vector<16xf32>
        %swap3A_416 = vector.shape_cast %max3A_411 : vector<16xf32> to vector<1x16xf32>
        tpu.vector_store %arg12[%swap3A_412, %swap3A_413], %swap3A_416 {strides = array<i32>} : memref<80x128xf32, #tpu.memory_space<vmem>>, vector<1x16xf32>,
        %scan3A_417 = arith.constant 0 : i32
        scf.yield %scan3A_417 : i32
      }
      %scan3A_221 = arith.constant 80 : i32
      %get3A_222 = arith.constant 0 : index
      %get3A_223 = tpu.vector_load %arg10[%get3A_222] {strides = array<i32>} : memref<80xi32, #tpu.memory_space<vmem>>, vector<16xi32>,
      %get3A_224 = vector.shape_cast %get3A_223 : vector<16xi32> to vector<16xi32>
      %swap3A_225 = arith.constant 0 : index
      %swap3A_226 = tpu.vector_load %arg16[%swap3A_225] {strides = array<i32>} : memref<80xi32, #tpu.memory_space<vmem>>, vector<16xi32>,
      %swap3A_227 = vector.shape_cast %swap3A_226 : vector<16xi32> to vector<16xi32>
      %swap3A_228 = vector.shape_cast %get3A_224 : vector<16xi32> to vector<16xi32>
      tpu.vector_store %arg16[%swap3A_225], %swap3A_228 {strides = array<i32>} : memref<80xi32, #tpu.memory_space<vmem>>, vector<16xi32>,
      %get3A_229 = arith.constant 16 : index
      %get3A_230 = tpu.vector_load %arg10[%get3A_229] {strides = array<i32>} : memref<80xi32, #tpu.memory_space<vmem>>, vector<16xi32>,
      %get3A_231 = vector.shape_cast %get3A_230 : vector<16xi32> to vector<16xi32>
      %swap3A_232 = arith.constant 16 : index
      %swap3A_233 = tpu.vector_load %arg16[%swap3A_232] {strides = array<i32>} : memref<80xi32, #tpu.memory_space<vmem>>, vector<16xi32>,
      %swap3A_234 = vector.shape_cast %swap3A_233 : vector<16xi32> to vector<16xi32>
      %swap3A_235 = vector.shape_cast %get3A_231 : vector<16xi32> to vector<16xi32>
      tpu.vector_store %arg16[%swap3A_232], %swap3A_235 {strides = array<i32>} : memref<80xi32, #tpu.memory_space<vmem>>, vector<16xi32>,
      %get3A_236 = arith.constant 32 : index
      %get3A_237 = tpu.vector_load %arg10[%get3A_236] {strides = array<i32>} : memref<80xi32, #tpu.memory_space<vmem>>, vector<16xi32>,
      %get3A_238 = vector.shape_cast %get3A_237 : vector<16xi32> to vector<16xi32>
      %swap3A_239 = arith.constant 32 : index
      %swap3A_240 = tpu.vector_load %arg16[%swap3A_239] {strides = array<i32>} : memref<80xi32, #tpu.memory_space<vmem>>, vector<16xi32>,
      %swap3A_241 = vector.shape_cast %swap3A_240 : vector<16xi32> to vector<16xi32>
      %swap3A_242 = vector.shape_cast %get3A_238 : vector<16xi32> to vector<16xi32>
      tpu.vector_store %arg16[%swap3A_239], %swap3A_242 {strides = array<i32>} : memref<80xi32, #tpu.memory_space<vmem>>, vector<16xi32>,
      %get3A_243 = arith.constant 48 : index
      %get3A_244 = tpu.vector_load %arg10[%get3A_243] {strides = array<i32>} : memref<80xi32, #tpu.memory_space<vmem>>, vector<16xi32>,
      %get3A_245 = vector.shape_cast %get3A_244 : vector<16xi32> to vector<16xi32>
      %swap3A_246 = arith.constant 48 : index
      %swap3A_247 = tpu.vector_load %arg16[%swap3A_246] {strides = array<i32>} : memref<80xi32, #tpu.memory_space<vmem>>, vector<16xi32>,
      %swap3A_248 = vector.shape_cast %swap3A_247 : vector<16xi32> to vector<16xi32>
      %swap3A_249 = vector.shape_cast %get3A_245 : vector<16xi32> to vector<16xi32>
      tpu.vector_store %arg16[%swap3A_246], %swap3A_249 {strides = array<i32>} : memref<80xi32, #tpu.memory_space<vmem>>, vector<16xi32>,
      %get3A_250 = arith.constant 64 : index
      %get3A_251 = tpu.vector_load %arg10[%get3A_250] {strides = array<i32>} : memref<80xi32, #tpu.memory_space<vmem>>, vector<16xi32>,
      %get3A_252 = vector.shape_cast %get3A_251 : vector<16xi32> to vector<16xi32>
      %swap3A_253 = arith.constant 64 : index
      %swap3A_254 = tpu.vector_load %arg16[%swap3A_253] {strides = array<i32>} : memref<80xi32, #tpu.memory_space<vmem>>, vector<16xi32>,
      %swap3A_255 = vector.shape_cast %swap3A_254 : vector<16xi32> to vector<16xi32>
      %swap3A_256 = vector.shape_cast %get3A_252 : vector<16xi32> to vector<16xi32>
      tpu.vector_store %arg16[%swap3A_253], %swap3A_256 {strides = array<i32>} : memref<80xi32, #tpu.memory_space<vmem>>, vector<16xi32>,
      %dma_start3A_257 = arith.constant 0 : i32
      %dma_start3A_258 = arith.constant 0 : i32
      %dma_start3A_259 = tpu.memref_slice %arg18[%dma_start3A_257, %dma_start3A_258] : memref<10000x128xf32, #tpu.memory_space<vmem_shared>> -> memref<10000x128xf32, #tpu.memory_space<vmem_shared>>
      tpu.enqueue_indirect_dma source(%arg12 : memref<80x128xf32, #tpu.memory_space<vmem>>) target(%dma_start3A_259 : memref<10000x128xf32, #tpu.memory_space<vmem_shared>>) offsets(%arg16 : memref<80xi32, #tpu.memory_space<vmem>>) semaphore(%arg26 : memref<!tpu.dma_semaphore, #tpu.memory_space<semaphore_mem>>) {add = true}
      %add3A_260 = arith.constant 2 : i32
      %add3A_261 = arith.addi %add3A_205, %add3A_260 : i32
      %lt3A_262 = arith.constant 125 : i32
      %lt3A_263 = arith.cmpi slt, %add3A_261, %lt3A_262 : i32
      %convert_element_type3A_264 = arith.extui %lt3A_263 : i1 to i32
      %cond3A_265 = arith.constant 0 : i32
      %cond3A_266 = arith.cmpi ne, %convert_element_type3A_264, %cond3A_265 : i32
      scf.if %cond3A_266 {
        %add3A_280 = arith.constant 2 : i32
        %add3A_281 = arith.addi %add3A_205, %add3A_280 : i32
        %mul3A_282 = arith.constant 10000 : i32
        %mul3A_283 = arith.muli %add3A, %mul3A_282 : i32
        %mul3A_284 = arith.constant 80 : i32
        %mul3A_285 = arith.muli %add3A_281, %mul3A_284 : i32
        %add3A_286 = arith.addi %mul3A_283, %mul3A_285 : i32
        %dma_start3A_287 = tpu.memref_slice %arg4[%add3A_286] : memref<320000xi32, #tpu.memory_space<hbm>> -> memref<80xi32, #tpu.memory_space<hbm>>
        %dma_start3A_288 = tpu.memref_slice %arg4[%add3A_286] : memref<320000xi32, #tpu.memory_space<hbm>> -> memref<80xi32, #tpu.memory_space<hbm>>
        tpu.enqueue_dma source(%dma_start3A_288 : memref<80xi32, #tpu.memory_space<hbm>>) target(%arg8 : memref<80xi32, #tpu.memory_space<vmem>>) target_semaphore(%arg20 : memref<!tpu.dma_semaphore, #tpu.memory_space<semaphore_mem>>)
        %dma_start3A_289 = tpu.memref_slice %arg5[%add3A_286] : memref<320000xi32, #tpu.memory_space<hbm>> -> memref<80xi32, #tpu.memory_space<hbm>>
        %dma_start3A_290 = tpu.memref_slice %arg5[%add3A_286] : memref<320000xi32, #tpu.memory_space<hbm>> -> memref<80xi32, #tpu.memory_space<hbm>>
        tpu.enqueue_dma source(%dma_start3A_290 : memref<80xi32, #tpu.memory_space<hbm>>) target(%arg10 : memref<80xi32, #tpu.memory_space<vmem>>) target_semaphore(%arg20 : memref<!tpu.dma_semaphore, #tpu.memory_space<semaphore_mem>>)
        %dma_start3A_291 = arith.constant 0 : i32
        %dma_start3A_292 = tpu.memref_slice %arg3[%add3A_286, %dma_start3A_291] : memref<320000x128xf32, #tpu.memory_space<hbm>> -> memref<80x128xf32, #tpu.memory_space<hbm>>
        %dma_start3A_293 = arith.constant 0 : i32
        %dma_start3A_294 = tpu.memref_slice %arg3[%add3A_286, %dma_start3A_293] : memref<320000x128xf32, #tpu.memory_space<hbm>> -> memref<80x128xf32, #tpu.memory_space<hbm>>
        tpu.enqueue_dma source(%dma_start3A_294 : memref<80x128xf32, #tpu.memory_space<hbm>>) target(%arg14 : memref<80x128xf32, #tpu.memory_space<vmem>>) target_semaphore(%arg22 : memref<!tpu.dma_semaphore, #tpu.memory_space<semaphore_mem>>)
      } else {
      }
      %ge3A_267 = arith.constant 1 : i32
      %ge3A_268 = arith.cmpi sge, %add3A_205, %ge3A_267 : i32
      %convert_element_type3A_269 = arith.extui %ge3A_268 : i1 to i32
      %cond3A_270 = arith.constant 0 : i32
      %cond3A_271 = arith.cmpi ne, %convert_element_type3A_269, %cond3A_270 : i32
      scf.if %cond3A_271 {
        %dma_wait3A_280 = arith.constant 0 : i32
        %dma_wait3A_281 = arith.constant 0 : i32
        %dma_wait3A_282 = tpu.memref_slice %arg18[%dma_wait3A_280, %dma_wait3A_281] : memref<10000x128xf32, #tpu.memory_space<vmem_shared>> -> memref<10000x128xf32, #tpu.memory_space<vmem_shared>>
        tpu.wait_indirect_dma semaphore(%arg25 : memref<!tpu.dma_semaphore, #tpu.memory_space<semaphore_mem>>) src(%arg11 : memref<80x128xf32, #tpu.memory_space<vmem>>) dst(%dma_wait3A_282 : memref<10000x128xf32, #tpu.memory_space<vmem_shared>>)
      } else {
      }
      %add3A_272 = arith.constant 1 : i32
      %add3A_273 = arith.addi %add3A_205, %add3A_272 : i32
      %lt3A_274 = arith.constant 125 : i32
      %lt3A_275 = arith.cmpi slt, %add3A_273, %lt3A_274 : i32
      %convert_element_type3A_276 = arith.extui %lt3A_275 : i1 to i32
      %cond3A_277 = arith.constant 0 : i32
      %cond3A_278 = arith.cmpi ne, %convert_element_type3A_276, %cond3A_277 : i32
      scf.if %cond3A_278 {
        %dma_wait3A_280 = arith.constant 0 : i32
        %dma_wait3A_281 = tpu.memref_slice %arg4[%dma_wait3A_280] : memref<320000xi32, #tpu.memory_space<hbm>> -> memref<80xi32, #tpu.memory_space<hbm>>
        %dma_wait3A_282 = arith.constant 0 : i32
        %dma_wait3A_283 = tpu.memref_slice %arg4[%dma_wait3A_282] : memref<320000xi32, #tpu.memory_space<hbm>> -> memref<80xi32, #tpu.memory_space<hbm>>
        tpu.wait_dma2 semaphore(%arg19 : memref<!tpu.dma_semaphore, #tpu.memory_space<semaphore_mem>>) src(%dma_wait3A_283 : memref<80xi32, #tpu.memory_space<hbm>>) dst(%arg7 : memref<80xi32, #tpu.memory_space<vmem>>)
        %dma_wait3A_284 = arith.constant 0 : i32
        %dma_wait3A_285 = tpu.memref_slice %arg5[%dma_wait3A_284] : memref<320000xi32, #tpu.memory_space<hbm>> -> memref<80xi32, #tpu.memory_space<hbm>>
        %dma_wait3A_286 = arith.constant 0 : i32
        %dma_wait3A_287 = tpu.memref_slice %arg5[%dma_wait3A_286] : memref<320000xi32, #tpu.memory_space<hbm>> -> memref<80xi32, #tpu.memory_space<hbm>>
        tpu.wait_dma2 semaphore(%arg19 : memref<!tpu.dma_semaphore, #tpu.memory_space<semaphore_mem>>) src(%dma_wait3A_287 : memref<80xi32, #tpu.memory_space<hbm>>) dst(%arg9 : memref<80xi32, #tpu.memory_space<vmem>>)
        %dma_start3A_288 = arith.constant 0 : i32
        %dma_start3A_289 = arith.constant 0 : i32
        %dma_start3A_290 = tpu.memref_slice %arg2[%dma_start3A_288, %dma_start3A_289] : memref<10000x128xf32, #tpu.memory_space<hbm>> -> memref<10000x128xf32, #tpu.memory_space<hbm>>
        tpu.enqueue_indirect_dma source(%dma_start3A_290 : memref<10000x128xf32, #tpu.memory_space<hbm>>) target(%arg11 : memref<80x128xf32, #tpu.memory_space<vmem>>) offsets(%arg7 : memref<80xi32, #tpu.memory_space<vmem>>) semaphore(%arg23 : memref<!tpu.dma_semaphore, #tpu.memory_space<semaphore_mem>>)
      } else {
      }
      %scan3A_279 = arith.constant 0 : i32
      scf.yield %scan3A_279 : i32
    }
    %scan3A_56 = arith.constant 62 : i32
    %dma_wait3A_57 = arith.constant 0 : i32
    %dma_wait3A_58 = arith.constant 0 : i32
    %dma_wait3A_59 = tpu.memref_slice %arg2[%dma_wait3A_57, %dma_wait3A_58] : memref<10000x128xf32, #tpu.memory_space<hbm>> -> memref<10000x128xf32, #tpu.memory_space<hbm>>
    tpu.wait_indirect_dma semaphore(%arg23 : memref<!tpu.dma_semaphore, #tpu.memory_space<semaphore_mem>>) src(%dma_wait3A_59 : memref<10000x128xf32, #tpu.memory_space<hbm>>) dst(%arg11 : memref<80x128xf32, #tpu.memory_space<vmem>>)
    %dma_wait3A_60 = arith.constant 0 : i32
    %dma_wait3A_61 = arith.constant 0 : i32
    %dma_wait3A_62 = tpu.memref_slice %arg3[%dma_wait3A_60, %dma_wait3A_61] : memref<320000x128xf32, #tpu.memory_space<hbm>> -> memref<80x128xf32, #tpu.memory_space<hbm>>
    %dma_wait3A_63 = arith.constant 0 : i32
    %dma_wait3A_64 = arith.constant 0 : i32
    %dma_wait3A_65 = tpu.memref_slice %arg3[%dma_wait3A_63, %dma_wait3A_64] : memref<320000x128xf32, #tpu.memory_space<hbm>> -> memref<80x128xf32, #tpu.memory_space<hbm>>
    tpu.wait_dma2 semaphore(%arg21 : memref<!tpu.dma_semaphore, #tpu.memory_space<semaphore_mem>>) src(%dma_wait3A_65 : memref<80x128xf32, #tpu.memory_space<hbm>>) dst(%arg13 : memref<80x128xf32, #tpu.memory_space<vmem>>)
    %scan3A_66 = arith.constant 0 : i32
    %scan3A_67 = arith.constant 0 : i32
    %scan3A_68 = arith.constant 80 : i32
    %scan3A_69 = arith.addi %scan3A_67, %scan3A_68 : i32
    %scan3A_70 = arith.constant 1 : i32
    %scan3A_71 = scf.for %scan3A_125 = %scan3A_67 to %scan3A_69 step %scan3A_70 iter_args(%scan3A_126 = %scan3A_66) -> (i32)  : i32 {
      %get3A_127 = arith.index_cast %scan3A_125 : i32 to index
      %get3A_128 = arith.constant 0 : index
      %get3A_129 = tpu.vector_load %arg11[%get3A_127, %get3A_128] {strides = array<i32>} : memref<80x128xf32, #tpu.memory_space<vmem>>, vector<1x16xf32>,
      %get3A_130 = vector.shape_cast %get3A_129 : vector<1x16xf32> to vector<16xf32>
      %get3A_131 = arith.index_cast %scan3A_125 : i32 to index
      %get3A_132 = arith.constant 0 : index
      %get3A_133 = tpu.vector_load %arg13[%get3A_131, %get3A_132] {strides = array<i32>} : memref<80x128xf32, #tpu.memory_space<vmem>>, vector<1x16xf32>,
      %get3A_134 = vector.shape_cast %get3A_133 : vector<1x16xf32> to vector<16xf32>
      %add3A_135 = arith.addf %get3A_130, %get3A_134 : vector<16xf32>
      %max3A = arith.constant 0.000000e+00 : f32
      %max3A_136 = vector.broadcast %max3A : f32 to vector<16xf32>
      %max3A_137 = arith.maximumf %add3A_135, %max3A_136 : vector<16xf32>
      %swap3A_138 = arith.index_cast %scan3A_125 : i32 to index
      %swap3A_139 = arith.constant 0 : index
      %swap3A_140 = tpu.vector_load %arg11[%swap3A_138, %swap3A_139] {strides = array<i32>} : memref<80x128xf32, #tpu.memory_space<vmem>>, vector<1x16xf32>,
      %swap3A_141 = vector.shape_cast %swap3A_140 : vector<1x16xf32> to vector<16xf32>
      %swap3A_142 = vector.shape_cast %max3A_137 : vector<16xf32> to vector<1x16xf32>
      tpu.vector_store %arg11[%swap3A_138, %swap3A_139], %swap3A_142 {strides = array<i32>} : memref<80x128xf32, #tpu.memory_space<vmem>>, vector<1x16xf32>,
      %get3A_143 = arith.index_cast %scan3A_125 : i32 to index
      %get3A_144 = arith.constant 16 : index
      %get3A_145 = tpu.vector_load %arg11[%get3A_143, %get3A_144] {strides = array<i32>} : memref<80x128xf32, #tpu.memory_space<vmem>>, vector<1x16xf32>,
      %get3A_146 = vector.shape_cast %get3A_145 : vector<1x16xf32> to vector<16xf32>
      %get3A_147 = arith.index_cast %scan3A_125 : i32 to index
      %get3A_148 = arith.constant 16 : index
      %get3A_149 = tpu.vector_load %arg13[%get3A_147, %get3A_148] {strides = array<i32>} : memref<80x128xf32, #tpu.memory_space<vmem>>, vector<1x16xf32>,
      %get3A_150 = vector.shape_cast %get3A_149 : vector<1x16xf32> to vector<16xf32>
      %add3A_151 = arith.addf %get3A_146, %get3A_150 : vector<16xf32>
      %max3A_152 = arith.constant 0.000000e+00 : f32
      %max3A_153 = vector.broadcast %max3A_152 : f32 to vector<16xf32>
      %max3A_154 = arith.maximumf %add3A_151, %max3A_153 : vector<16xf32>
      %swap3A_155 = arith.index_cast %scan3A_125 : i32 to index
      %swap3A_156 = arith.constant 16 : index
      %swap3A_157 = tpu.vector_load %arg11[%swap3A_155, %swap3A_156] {strides = array<i32>} : memref<80x128xf32, #tpu.memory_space<vmem>>, vector<1x16xf32>,
      %swap3A_158 = vector.shape_cast %swap3A_157 : vector<1x16xf32> to vector<16xf32>
      %swap3A_159 = vector.shape_cast %max3A_154 : vector<16xf32> to vector<1x16xf32>
      tpu.vector_store %arg11[%swap3A_155, %swap3A_156], %swap3A_159 {strides = array<i32>} : memref<80x128xf32, #tpu.memory_space<vmem>>, vector<1x16xf32>,
      %get3A_160 = arith.index_cast %scan3A_125 : i32 to index
      %get3A_161 = arith.constant 32 : index
      %get3A_162 = tpu.vector_load %arg11[%get3A_160, %get3A_161] {strides = array<i32>} : memref<80x128xf32, #tpu.memory_space<vmem>>, vector<1x16xf32>,
      %get3A_163 = vector.shape_cast %get3A_162 : vector<1x16xf32> to vector<16xf32>
      %get3A_164 = arith.index_cast %scan3A_125 : i32 to index
      %get3A_165 = arith.constant 32 : index
      %get3A_166 = tpu.vector_load %arg13[%get3A_164, %get3A_165] {strides = array<i32>} : memref<80x128xf32, #tpu.memory_space<vmem>>, vector<1x16xf32>,
      %get3A_167 = vector.shape_cast %get3A_166 : vector<1x16xf32> to vector<16xf32>
      %add3A_168 = arith.addf %get3A_163, %get3A_167 : vector<16xf32>
      %max3A_169 = arith.constant 0.000000e+00 : f32
      %max3A_170 = vector.broadcast %max3A_169 : f32 to vector<16xf32>
      %max3A_171 = arith.maximumf %add3A_168, %max3A_170 : vector<16xf32>
      %swap3A_172 = arith.index_cast %scan3A_125 : i32 to index
      %swap3A_173 = arith.constant 32 : index
      %swap3A_174 = tpu.vector_load %arg11[%swap3A_172, %swap3A_173] {strides = array<i32>} : memref<80x128xf32, #tpu.memory_space<vmem>>, vector<1x16xf32>,
      %swap3A_175 = vector.shape_cast %swap3A_174 : vector<1x16xf32> to vector<16xf32>
      %swap3A_176 = vector.shape_cast %max3A_171 : vector<16xf32> to vector<1x16xf32>
      tpu.vector_store %arg11[%swap3A_172, %swap3A_173], %swap3A_176 {strides = array<i32>} : memref<80x128xf32, #tpu.memory_space<vmem>>, vector<1x16xf32>,
      %get3A_177 = arith.index_cast %scan3A_125 : i32 to index
      %get3A_178 = arith.constant 48 : index
      %get3A_179 = tpu.vector_load %arg11[%get3A_177, %get3A_178] {strides = array<i32>} : memref<80x128xf32, #tpu.memory_space<vmem>>, vector<1x16xf32>,
      %get3A_180 = vector.shape_cast %get3A_179 : vector<1x16xf32> to vector<16xf32>
      %get3A_181 = arith.index_cast %scan3A_125 : i32 to index
      %get3A_182 = arith.constant 48 : index
      %get3A_183 = tpu.vector_load %arg13[%get3A_181, %get3A_182] {strides = array<i32>} : memref<80x128xf32, #tpu.memory_space<vmem>>, vector<1x16xf32>,
      %get3A_184 = vector.shape_cast %get3A_183 : vector<1x16xf32> to vector<16xf32>
      %add3A_185 = arith.addf %get3A_180, %get3A_184 : vector<16xf32>
      %max3A_186 = arith.constant 0.000000e+00 : f32
      %max3A_187 = vector.broadcast %max3A_186 : f32 to vector<16xf32>
      %max3A_188 = arith.maximumf %add3A_185, %max3A_187 : vector<16xf32>
      %swap3A_189 = arith.index_cast %scan3A_125 : i32 to index
      %swap3A_190 = arith.constant 48 : index
      %swap3A_191 = tpu.vector_load %arg11[%swap3A_189, %swap3A_190] {strides = array<i32>} : memref<80x128xf32, #tpu.memory_space<vmem>>, vector<1x16xf32>,
      %swap3A_192 = vector.shape_cast %swap3A_191 : vector<1x16xf32> to vector<16xf32>
      %swap3A_193 = vector.shape_cast %max3A_188 : vector<16xf32> to vector<1x16xf32>
      tpu.vector_store %arg11[%swap3A_189, %swap3A_190], %swap3A_193 {strides = array<i32>} : memref<80x128xf32, #tpu.memory_space<vmem>>, vector<1x16xf32>,
      %get3A_194 = arith.index_cast %scan3A_125 : i32 to index
      %get3A_195 = arith.constant 64 : index
      %get3A_196 = tpu.vector_load %arg11[%get3A_194, %get3A_195] {strides = array<i32>} : memref<80x128xf32, #tpu.memory_space<vmem>>, vector<1x16xf32>,
      %get3A_197 = vector.shape_cast %get3A_196 : vector<1x16xf32> to vector<16xf32>
      %get3A_198 = arith.index_cast %scan3A_125 : i32 to index
      %get3A_199 = arith.constant 64 : index
      %get3A_200 = tpu.vector_load %arg13[%get3A_198, %get3A_199] {strides = array<i32>} : memref<80x128xf32, #tpu.memory_space<vmem>>, vector<1x16xf32>,
      %get3A_201 = vector.shape_cast %get3A_200 : vector<1x16xf32> to vector<16xf32>
      %add3A_202 = arith.addf %get3A_197, %get3A_201 : vector<16xf32>
      %max3A_203 = arith.constant 0.000000e+00 : f32
      %max3A_204 = vector.broadcast %max3A_203 : f32 to vector<16xf32>
      %max3A_205 = arith.maximumf %add3A_202, %max3A_204 : vector<16xf32>
      %swap3A_206 = arith.index_cast %scan3A_125 : i32 to index
      %swap3A_207 = arith.constant 64 : index
      %swap3A_208 = tpu.vector_load %arg11[%swap3A_206, %swap3A_207] {strides = array<i32>} : memref<80x128xf32, #tpu.memory_space<vmem>>, vector<1x16xf32>,
      %swap3A_209 = vector.shape_cast %swap3A_208 : vector<1x16xf32> to vector<16xf32>
      %swap3A_210 = vector.shape_cast %max3A_205 : vector<16xf32> to vector<1x16xf32>
      tpu.vector_store %arg11[%swap3A_206, %swap3A_207], %swap3A_210 {strides = array<i32>} : memref<80x128xf32, #tpu.memory_space<vmem>>, vector<1x16xf32>,
      %get3A_211 = arith.index_cast %scan3A_125 : i32 to index
      %get3A_212 = arith.constant 80 : index
      %get3A_213 = tpu.vector_load %arg11[%get3A_211, %get3A_212] {strides = array<i32>} : memref<80x128xf32, #tpu.memory_space<vmem>>, vector<1x16xf32>,
      %get3A_214 = vector.shape_cast %get3A_213 : vector<1x16xf32> to vector<16xf32>
      %get3A_215 = arith.index_cast %scan3A_125 : i32 to index
      %get3A_216 = arith.constant 80 : index
      %get3A_217 = tpu.vector_load %arg13[%get3A_215, %get3A_216] {strides = array<i32>} : memref<80x128xf32, #tpu.memory_space<vmem>>, vector<1x16xf32>,
      %get3A_218 = vector.shape_cast %get3A_217 : vector<1x16xf32> to vector<16xf32>
      %add3A_219 = arith.addf %get3A_214, %get3A_218 : vector<16xf32>
      %max3A_220 = arith.constant 0.000000e+00 : f32
      %max3A_221 = vector.broadcast %max3A_220 : f32 to vector<16xf32>
      %max3A_222 = arith.maximumf %add3A_219, %max3A_221 : vector<16xf32>
      %swap3A_223 = arith.index_cast %scan3A_125 : i32 to index
      %swap3A_224 = arith.constant 80 : index
      %swap3A_225 = tpu.vector_load %arg11[%swap3A_223, %swap3A_224] {strides = array<i32>} : memref<80x128xf32, #tpu.memory_space<vmem>>, vector<1x16xf32>,
      %swap3A_226 = vector.shape_cast %swap3A_225 : vector<1x16xf32> to vector<16xf32>
      %swap3A_227 = vector.shape_cast %max3A_222 : vector<16xf32> to vector<1x16xf32>
      tpu.vector_store %arg11[%swap3A_223, %swap3A_224], %swap3A_227 {strides = array<i32>} : memref<80x128xf32, #tpu.memory_space<vmem>>, vector<1x16xf32>,
      %get3A_228 = arith.index_cast %scan3A_125 : i32 to index
      %get3A_229 = arith.constant 96 : index
      %get3A_230 = tpu.vector_load %arg11[%get3A_228, %get3A_229] {strides = array<i32>} : memref<80x128xf32, #tpu.memory_space<vmem>>, vector<1x16xf32>,
      %get3A_231 = vector.shape_cast %get3A_230 : vector<1x16xf32> to vector<16xf32>
      %get3A_232 = arith.index_cast %scan3A_125 : i32 to index
      %get3A_233 = arith.constant 96 : index
      %get3A_234 = tpu.vector_load %arg13[%get3A_232, %get3A_233] {strides = array<i32>} : memref<80x128xf32, #tpu.memory_space<vmem>>, vector<1x16xf32>,
      %get3A_235 = vector.shape_cast %get3A_234 : vector<1x16xf32> to vector<16xf32>
      %add3A_236 = arith.addf %get3A_231, %get3A_235 : vector<16xf32>
      %max3A_237 = arith.constant 0.000000e+00 : f32
      %max3A_238 = vector.broadcast %max3A_237 : f32 to vector<16xf32>
      %max3A_239 = arith.maximumf %add3A_236, %max3A_238 : vector<16xf32>
      %swap3A_240 = arith.index_cast %scan3A_125 : i32 to index
      %swap3A_241 = arith.constant 96 : index
      %swap3A_242 = tpu.vector_load %arg11[%swap3A_240, %swap3A_241] {strides = array<i32>} : memref<80x128xf32, #tpu.memory_space<vmem>>, vector<1x16xf32>,
      %swap3A_243 = vector.shape_cast %swap3A_242 : vector<1x16xf32> to vector<16xf32>
      %swap3A_244 = vector.shape_cast %max3A_239 : vector<16xf32> to vector<1x16xf32>
      tpu.vector_store %arg11[%swap3A_240, %swap3A_241], %swap3A_244 {strides = array<i32>} : memref<80x128xf32, #tpu.memory_space<vmem>>, vector<1x16xf32>,
      %get3A_245 = arith.index_cast %scan3A_125 : i32 to index
      %get3A_246 = arith.constant 112 : index
      %get3A_247 = tpu.vector_load %arg11[%get3A_245, %get3A_246] {strides = array<i32>} : memref<80x128xf32, #tpu.memory_space<vmem>>, vector<1x16xf32>,
      %get3A_248 = vector.shape_cast %get3A_247 : vector<1x16xf32> to vector<16xf32>
      %get3A_249 = arith.index_cast %scan3A_125 : i32 to index
      %get3A_250 = arith.constant 112 : index
      %get3A_251 = tpu.vector_load %arg13[%get3A_249, %get3A_250] {strides = array<i32>} : memref<80x128xf32, #tpu.memory_space<vmem>>, vector<1x16xf32>,
      %get3A_252 = vector.shape_cast %get3A_251 : vector<1x16xf32> to vector<16xf32>
      %add3A_253 = arith.addf %get3A_248, %get3A_252 : vector<16xf32>
      %max3A_254 = arith.constant 0.000000e+00 : f32
      %max3A_255 = vector.broadcast %max3A_254 : f32 to vector<16xf32>
      %max3A_256 = arith.maximumf %add3A_253, %max3A_255 : vector<16xf32>
      %swap3A_257 = arith.index_cast %scan3A_125 : i32 to index
      %swap3A_258 = arith.constant 112 : index
      %swap3A_259 = tpu.vector_load %arg11[%swap3A_257, %swap3A_258] {strides = array<i32>} : memref<80x128xf32, #tpu.memory_space<vmem>>, vector<1x16xf32>,
      %swap3A_260 = vector.shape_cast %swap3A_259 : vector<1x16xf32> to vector<16xf32>
      %swap3A_261 = vector.shape_cast %max3A_256 : vector<16xf32> to vector<1x16xf32>
      tpu.vector_store %arg11[%swap3A_257, %swap3A_258], %swap3A_261 {strides = array<i32>} : memref<80x128xf32, #tpu.memory_space<vmem>>, vector<1x16xf32>,
      %scan3A_262 = arith.constant 0 : i32
      scf.yield %scan3A_262 : i32
    }
    %scan3A_72 = arith.constant 80 : i32
    %get3A = arith.constant 0 : index
    %get3A_73 = tpu.vector_load %arg9[%get3A] {strides = array<i32>} : memref<80xi32, #tpu.memory_space<vmem>>, vector<16xi32>,
    %get3A_74 = vector.shape_cast %get3A_73 : vector<16xi32> to vector<16xi32>
    %swap3A = arith.constant 0 : index
    %swap3A_75 = tpu.vector_load %arg15[%swap3A] {strides = array<i32>} : memref<80xi32, #tpu.memory_space<vmem>>, vector<16xi32>,
    %swap3A_76 = vector.shape_cast %swap3A_75 : vector<16xi32> to vector<16xi32>
    %swap3A_77 = vector.shape_cast %get3A_74 : vector<16xi32> to vector<16xi32>
    tpu.vector_store %arg15[%swap3A], %swap3A_77 {strides = array<i32>} : memref<80xi32, #tpu.memory_space<vmem>>, vector<16xi32>,
    %get3A_78 = arith.constant 16 : index
    %get3A_79 = tpu.vector_load %arg9[%get3A_78] {strides = array<i32>} : memref<80xi32, #tpu.memory_space<vmem>>, vector<16xi32>,
    %get3A_80 = vector.shape_cast %get3A_79 : vector<16xi32> to vector<16xi32>
    %swap3A_81 = arith.constant 16 : index
    %swap3A_82 = tpu.vector_load %arg15[%swap3A_81] {strides = array<i32>} : memref<80xi32, #tpu.memory_space<vmem>>, vector<16xi32>,
    %swap3A_83 = vector.shape_cast %swap3A_82 : vector<16xi32> to vector<16xi32>
    %swap3A_84 = vector.shape_cast %get3A_80 : vector<16xi32> to vector<16xi32>
    tpu.vector_store %arg15[%swap3A_81], %swap3A_84 {strides = array<i32>} : memref<80xi32, #tpu.memory_space<vmem>>, vector<16xi32>,
    %get3A_85 = arith.constant 32 : index
    %get3A_86 = tpu.vector_load %arg9[%get3A_85] {strides = array<i32>} : memref<80xi32, #tpu.memory_space<vmem>>, vector<16xi32>,
    %get3A_87 = vector.shape_cast %get3A_86 : vector<16xi32> to vector<16xi32>
    %swap3A_88 = arith.constant 32 : index
    %swap3A_89 = tpu.vector_load %arg15[%swap3A_88] {strides = array<i32>} : memref<80xi32, #tpu.memory_space<vmem>>, vector<16xi32>,
    %swap3A_90 = vector.shape_cast %swap3A_89 : vector<16xi32> to vector<16xi32>
    %swap3A_91 = vector.shape_cast %get3A_87 : vector<16xi32> to vector<16xi32>
    tpu.vector_store %arg15[%swap3A_88], %swap3A_91 {strides = array<i32>} : memref<80xi32, #tpu.memory_space<vmem>>, vector<16xi32>,
    %get3A_92 = arith.constant 48 : index
    %get3A_93 = tpu.vector_load %arg9[%get3A_92] {strides = array<i32>} : memref<80xi32, #tpu.memory_space<vmem>>, vector<16xi32>,
    %get3A_94 = vector.shape_cast %get3A_93 : vector<16xi32> to vector<16xi32>
    %swap3A_95 = arith.constant 48 : index
    %swap3A_96 = tpu.vector_load %arg15[%swap3A_95] {strides = array<i32>} : memref<80xi32, #tpu.memory_space<vmem>>, vector<16xi32>,
    %swap3A_97 = vector.shape_cast %swap3A_96 : vector<16xi32> to vector<16xi32>
    %swap3A_98 = vector.shape_cast %get3A_94 : vector<16xi32> to vector<16xi32>
    tpu.vector_store %arg15[%swap3A_95], %swap3A_98 {strides = array<i32>} : memref<80xi32, #tpu.memory_space<vmem>>, vector<16xi32>,
    %get3A_99 = arith.constant 64 : index
    %get3A_100 = tpu.vector_load %arg9[%get3A_99] {strides = array<i32>} : memref<80xi32, #tpu.memory_space<vmem>>, vector<16xi32>,
    %get3A_101 = vector.shape_cast %get3A_100 : vector<16xi32> to vector<16xi32>
    %swap3A_102 = arith.constant 64 : index
    %swap3A_103 = tpu.vector_load %arg15[%swap3A_102] {strides = array<i32>} : memref<80xi32, #tpu.memory_space<vmem>>, vector<16xi32>,
    %swap3A_104 = vector.shape_cast %swap3A_103 : vector<16xi32> to vector<16xi32>
    %swap3A_105 = vector.shape_cast %get3A_101 : vector<16xi32> to vector<16xi32>
    tpu.vector_store %arg15[%swap3A_102], %swap3A_105 {strides = array<i32>} : memref<80xi32, #tpu.memory_space<vmem>>, vector<16xi32>,
    %dma_start3A_106 = arith.constant 0 : i32
    %dma_start3A_107 = arith.constant 0 : i32
    %dma_start3A_108 = tpu.memref_slice %arg18[%dma_start3A_106, %dma_start3A_107] : memref<10000x128xf32, #tpu.memory_space<vmem_shared>> -> memref<10000x128xf32, #tpu.memory_space<vmem_shared>>
    tpu.enqueue_indirect_dma source(%arg11 : memref<80x128xf32, #tpu.memory_space<vmem>>) target(%dma_start3A_108 : memref<10000x128xf32, #tpu.memory_space<vmem_shared>>) offsets(%arg15 : memref<80xi32, #tpu.memory_space<vmem>>) semaphore(%arg25 : memref<!tpu.dma_semaphore, #tpu.memory_space<semaphore_mem>>) {add = true}
    %dma_wait3A_109 = arith.constant 0 : i32
    %dma_wait3A_110 = arith.constant 0 : i32
    %dma_wait3A_111 = tpu.memref_slice %arg18[%dma_wait3A_109, %dma_wait3A_110] : memref<10000x128xf32, #tpu.memory_space<vmem_shared>> -> memref<10000x128xf32, #tpu.memory_space<vmem_shared>>
    tpu.wait_indirect_dma semaphore(%arg26 : memref<!tpu.dma_semaphore, #tpu.memory_space<semaphore_mem>>) src(%arg12 : memref<80x128xf32, #tpu.memory_space<vmem>>) dst(%dma_wait3A_111 : memref<10000x128xf32, #tpu.memory_space<vmem_shared>>)
    %dma_wait3A_112 = arith.constant 0 : i32
    %dma_wait3A_113 = arith.constant 0 : i32
    %dma_wait3A_114 = tpu.memref_slice %arg18[%dma_wait3A_112, %dma_wait3A_113] : memref<10000x128xf32, #tpu.memory_space<vmem_shared>> -> memref<10000x128xf32, #tpu.memory_space<vmem_shared>>
    tpu.wait_indirect_dma semaphore(%arg25 : memref<!tpu.dma_semaphore, #tpu.memory_space<semaphore_mem>>) src(%arg11 : memref<80x128xf32, #tpu.memory_space<vmem>>) dst(%dma_wait3A_114 : memref<10000x128xf32, #tpu.memory_space<vmem_shared>>)
    %barrier3A_115 = arith.constant 0 : index
    tpu.barrier barrier_id(%barrier3A_115)
    %mul3A_116 = arith.constant 624 : i32
    %mul3A_117 = arith.muli %arg1, %mul3A_116 : i32
    %mul3A_118 = arith.constant 624 : i32
    %mul3A_119 = arith.muli %arg1, %mul3A_118 : i32
    "tpu.region"() ({
      %run_scoped3A = tpu.sem_alloc : memref<!tpu.dma_semaphore, #tpu.memory_space<semaphore_mem>>
      %dma_start3A_125 = arith.constant 0 : i32
      %dma_start3A_126 = tpu.memref_slice %arg6[%arg0, %mul3A_119, %dma_start3A_125] : memref<2x10000x128xf32, #tpu.memory_space<hbm>> -> memref<1x624x128xf32, #tpu.memory_space<hbm>>
      %dma_start3A_127 = tpu.memref_squeeze %dma_start3A_126 : memref<1x624x128xf32, #tpu.memory_space<hbm>> -> memref<624x128xf32, #tpu.memory_space<hbm>>
      %dma_start3A_128 = arith.constant 0 : i32
      %dma_start3A_129 = tpu.memref_slice %arg18[%mul3A_117, %dma_start3A_128] : memref<10000x128xf32, #tpu.memory_space<vmem_shared>> -> memref<624x128xf32, #tpu.memory_space<vmem_shared>>
      tpu.enqueue_dma source(%dma_start3A_129 : memref<624x128xf32, #tpu.memory_space<vmem_shared>>) target(%dma_start3A_127 : memref<624x128xf32, #tpu.memory_space<hbm>>) target_semaphore(%run_scoped3A : memref<!tpu.dma_semaphore, #tpu.memory_space<semaphore_mem>>)
      %dma_wait3A_130 = arith.constant 0 : i32
      %dma_wait3A_131 = tpu.memref_slice %arg6[%arg0, %mul3A_119, %dma_wait3A_130] : memref<2x10000x128xf32, #tpu.memory_space<hbm>> -> memref<1x624x128xf32, #tpu.memory_space<hbm>>
      %dma_wait3A_132 = tpu.memref_squeeze %dma_wait3A_131 : memref<1x624x128xf32, #tpu.memory_space<hbm>> -> memref<624x128xf32, #tpu.memory_space<hbm>>
      %dma_wait3A_133 = arith.constant 0 : i32
      %dma_wait3A_134 = tpu.memref_slice %arg18[%mul3A_117, %dma_wait3A_133] : memref<10000x128xf32, #tpu.memory_space<vmem_shared>> -> memref<624x128xf32, #tpu.memory_space<vmem_shared>>
      tpu.wait_dma2 semaphore(%run_scoped3A : memref<!tpu.dma_semaphore, #tpu.memory_space<semaphore_mem>>) src(%dma_wait3A_134 : memref<624x128xf32, #tpu.memory_space<vmem_shared>>) dst(%dma_wait3A_132 : memref<624x128xf32, #tpu.memory_space<hbm>>)
      tpu.yield
    }) : () -> ()
    %eq3A_120 = arith.constant 15 : i32
    %eq3A_121 = arith.cmpi eq, %arg1, %eq3A_120 : i32
    %convert_element_type3A_122 = arith.extui %eq3A_121 : i1 to i32
    %cond3A_123 = arith.constant 0 : i32
    %cond3A_124 = arith.cmpi ne, %convert_element_type3A_122, %cond3A_123 : i32
    scf.if %cond3A_124 {
      "tpu.region"() ({
        %run_scoped3A = tpu.sem_alloc : memref<!tpu.dma_semaphore, #tpu.memory_space<semaphore_mem>>
        %dma_start3A_125 = arith.constant 9984 : i32
        %dma_start3A_126 = arith.constant 0 : i32
        %dma_start3A_127 = tpu.memref_slice %arg6[%arg0, %dma_start3A_125, %dma_start3A_126] : memref<2x10000x128xf32, #tpu.memory_space<hbm>> -> memref<1x16x128xf32, #tpu.memory_space<hbm>>
        %dma_start3A_128 = tpu.memref_squeeze %dma_start3A_127 : memref<1x16x128xf32, #tpu.memory_space<hbm>> -> memref<16x128xf32, #tpu.memory_space<hbm>>
        %dma_start3A_129 = arith.constant 9984 : i32
        %dma_start3A_130 = arith.constant 0 : i32
        %dma_start3A_131 = tpu.memref_slice %arg18[%dma_start3A_129, %dma_start3A_130] : memref<10000x128xf32, #tpu.memory_space<vmem_shared>> -> memref<16x128xf32, #tpu.memory_space<vmem_shared>>
        tpu.enqueue_dma source(%dma_start3A_131 : memref<16x128xf32, #tpu.memory_space<vmem_shared>>) target(%dma_start3A_128 : memref<16x128xf32, #tpu.memory_space<hbm>>) target_semaphore(%run_scoped3A : memref<!tpu.dma_semaphore, #tpu.memory_space<semaphore_mem>>)
        %dma_wait3A_132 = arith.constant 9984 : i32
        %dma_wait3A_133 = arith.constant 0 : i32
        %dma_wait3A_134 = tpu.memref_slice %arg6[%arg0, %dma_wait3A_132, %dma_wait3A_133] : memref<2x10000x128xf32, #tpu.memory_space<hbm>> -> memref<1x16x128xf32, #tpu.memory_space<hbm>>
        %dma_wait3A_135 = tpu.memref_squeeze %dma_wait3A_134 : memref<1x16x128xf32, #tpu.memory_space<hbm>> -> memref<16x128xf32, #tpu.memory_space<hbm>>
        %dma_wait3A_136 = arith.constant 9984 : i32
        %dma_wait3A_137 = arith.constant 0 : i32
        %dma_wait3A_138 = tpu.memref_slice %arg18[%dma_wait3A_136, %dma_wait3A_137] : memref<10000x128xf32, #tpu.memory_space<vmem_shared>> -> memref<16x128xf32, #tpu.memory_space<vmem_shared>>
        tpu.wait_dma2 semaphore(%run_scoped3A : memref<!tpu.dma_semaphore, #tpu.memory_space<semaphore_mem>>) src(%dma_wait3A_138 : memref<16x128xf32, #tpu.memory_space<vmem_shared>>) dst(%dma_wait3A_135 : memref<16x128xf32, #tpu.memory_space<hbm>>)
        tpu.yield
      }) : () -> ()
    } else {
    }
    return
  }
}

#map = affine_map<(d0, d1) -> (0, 0)>
#map1 = affine_map<(d0, d1) -> (0)>
#map2 = affine_map<(d0, d1) -> (0, 0, 0)>
module attributes {stable_mosaic.version = 14 : i64} {
  func.func @body(%arg0: i32, %arg1: i32, %arg2: memref<10000x128xf32, #tpu.memory_space<hbm>>, %arg3: memref<320000x128xf32, #tpu.memory_space<hbm>>, %arg4: memref<320000xi32, #tpu.memory_space<hbm>>, %arg5: memref<320000xi32, #tpu.memory_space<hbm>>, %arg6: memref<2x10000x128xf32, #tpu.memory_space<hbm>>, %arg7: memref<80xi32, #tpu.memory_space<vmem>>, %arg8: memref<80xi32, #tpu.memory_space<vmem>>, %arg9: memref<80xi32, #tpu.memory_space<vmem>>, %arg10: memref<80xi32, #tpu.memory_space<vmem>>, %arg11: memref<80x128xf32, #tpu.memory_space<vmem>>, %arg12: memref<80x128xf32, #tpu.memory_space<vmem>>, %arg13: memref<80x128xf32, #tpu.memory_space<vmem>>, %arg14: memref<80x128xf32, #tpu.memory_space<vmem>>, %arg15: memref<80xi32, #tpu.memory_space<vmem>>, %arg16: memref<80xi32, #tpu.memory_space<vmem>>, %arg17: memref<16x128xf32, #tpu.memory_space<vmem>>, %arg18: memref<10000x128xf32, #tpu.memory_space<vmem_shared>>, %arg19: memref<!tpu.dma_semaphore, #tpu.memory_space<semaphore_mem>>, %arg20: memref<!tpu.dma_semaphore, #tpu.memory_space<semaphore_mem>>, %arg21: memref<!tpu.dma_semaphore, #tpu.memory_space<semaphore_mem>>, %arg22: memref<!tpu.dma_semaphore, #tpu.memory_space<semaphore_mem>>, %arg23: memref<!tpu.dma_semaphore, #tpu.memory_space<semaphore_mem>>, %arg24: memref<!tpu.dma_semaphore, #tpu.memory_space<semaphore_mem>>, %arg25: memref<!tpu.dma_semaphore, #tpu.memory_space<semaphore_mem>>, %arg26: memref<!tpu.dma_semaphore, #tpu.memory_space<semaphore_mem>>) attributes {dimension_semantics = [#tpu.dimension_semantics<core_parallel>, #tpu.dimension_semantics<subcore_parallel>], iteration_bounds = array<i64: 2, 16>, scalar_prefetch = 0 : i64, scratch_operands = 20 : i64, tpu.core_type = #tpu.core_type<sc_vector_subcore>, window_params = [{transform_indices = #map}, {transform_indices = #map}, {transform_indices = #map1}, {transform_indices = #map1}, {transform_indices = #map2}]} {
    %mul3A = arith.constant 2 : i32
    %mul3A_0 = arith.muli %arg1, %mul3A : i32
    %add3A = arith.addi %mul3A_0, %arg0 : i32
    %mul3A_1 = arith.constant 10000 : i32
    %mul3A_2 = arith.muli %add3A, %mul3A_1 : i32
    %add3A_3 = arith.constant 0 : i32
    %add3A_4 = arith.addi %mul3A_2, %add3A_3 : i32
    %dma_start3A = tpu.memref_slice %arg4[%add3A_4] : memref<320000xi32, #tpu.memory_space<hbm>> -> memref<80xi32, #tpu.memory_space<hbm>>
    %dma_start3A_5 = tpu.memref_slice %arg4[%add3A_4] : memref<320000xi32, #tpu.memory_space<hbm>> -> memref<80xi32, #tpu.memory_space<hbm>>
    tpu.enqueue_dma source(%dma_start3A_5 : memref<80xi32, #tpu.memory_space<hbm>>) target(%arg7 : memref<80xi32, #tpu.memory_space<vmem>>) target_semaphore(%arg19 : memref<!tpu.dma_semaphore, #tpu.memory_space<semaphore_mem>>)
    %dma_start3A_6 = tpu.memref_slice %arg5[%add3A_4] : memref<320000xi32, #tpu.memory_space<hbm>> -> memref<80xi32, #tpu.memory_space<hbm>>
    %dma_start3A_7 = tpu.memref_slice %arg5[%add3A_4] : memref<320000xi32, #tpu.memory_space<hbm>> -> memref<80xi32, #tpu.memory_space<hbm>>
    tpu.enqueue_dma source(%dma_start3A_7 : memref<80xi32, #tpu.memory_space<hbm>>) target(%arg9 : memref<80xi32, #tpu.memory_space<vmem>>) target_semaphore(%arg19 : memref<!tpu.dma_semaphore, #tpu.memory_space<semaphore_mem>>)
    %dma_start3A_8 = arith.constant 0 : i32
    %dma_start3A_9 = tpu.memref_slice %arg3[%add3A_4, %dma_start3A_8] : memref<320000x128xf32, #tpu.memory_space<hbm>> -> memref<80x128xf32, #tpu.memory_space<hbm>>
    %dma_start3A_10 = arith.constant 0 : i32
    %dma_start3A_11 = tpu.memref_slice %arg3[%add3A_4, %dma_start3A_10] : memref<320000x128xf32, #tpu.memory_space<hbm>> -> memref<80x128xf32, #tpu.memory_space<hbm>>
    tpu.enqueue_dma source(%dma_start3A_11 : memref<80x128xf32, #tpu.memory_space<hbm>>) target(%arg13 : memref<80x128xf32, #tpu.memory_space<vmem>>) target_semaphore(%arg21 : memref<!tpu.dma_semaphore, #tpu.memory_space<semaphore_mem>>)
    %mul3A_12 = arith.constant 10000 : i32
    %mul3A_13 = arith.muli %add3A, %mul3A_12 : i32
    %add3A_14 = arith.constant 80 : i32
    %add3A_15 = arith.addi %mul3A_13, %add3A_14 : i32
    %dma_start3A_16 = tpu.memref_slice %arg4[%add3A_15] : memref<320000xi32, #tpu.memory_space<hbm>> -> memref<80xi32, #tpu.memory_space<hbm>>
    %dma_start3A_17 = tpu.memref_slice %arg4[%add3A_15] : memref<320000xi32, #tpu.memory_space<hbm>> -> memref<80xi32, #tpu.memory_space<hbm>>
    tpu.enqueue_dma source(%dma_start3A_17 : memref<80xi32, #tpu.memory_space<hbm>>) target(%arg8 : memref<80xi32, #tpu.memory_space<vmem>>) target_semaphore(%arg20 : memref<!tpu.dma_semaphore, #tpu.memory_space<semaphore_mem>>)
    %dma_start3A_18 = tpu.memref_slice %arg5[%add3A_15] : memref<320000xi32, #tpu.memory_space<hbm>> -> memref<80xi32, #tpu.memory_space<hbm>>
    %dma_start3A_19 = tpu.memref_slice %arg5[%add3A_15] : memref<320000xi32, #tpu.memory_space<hbm>> -> memref<80xi32, #tpu.memory_space<hbm>>
    tpu.enqueue_dma source(%dma_start3A_19 : memref<80xi32, #tpu.memory_space<hbm>>) target(%arg10 : memref<80xi32, #tpu.memory_space<vmem>>) target_semaphore(%arg20 : memref<!tpu.dma_semaphore, #tpu.memory_space<semaphore_mem>>)
    %dma_start3A_20 = arith.constant 0 : i32
    %dma_start3A_21 = tpu.memref_slice %arg3[%add3A_15, %dma_start3A_20] : memref<320000x128xf32, #tpu.memory_space<hbm>> -> memref<80x128xf32, #tpu.memory_space<hbm>>
    %dma_start3A_22 = arith.constant 0 : i32
    %dma_start3A_23 = tpu.memref_slice %arg3[%add3A_15, %dma_start3A_22] : memref<320000x128xf32, #tpu.memory_space<hbm>> -> memref<80x128xf32, #tpu.memory_space<hbm>>
    tpu.enqueue_dma source(%dma_start3A_23 : memref<80x128xf32, #tpu.memory_space<hbm>>) target(%arg14 : memref<80x128xf32, #tpu.memory_space<vmem>>) target_semaphore(%arg22 : memref<!tpu.dma_semaphore, #tpu.memory_space<semaphore_mem>>)
    %broadcast_in_dim3A = arith.constant 0.000000e+00 : f32
    %broadcast_in_dim3A_24 = vector.broadcast %broadcast_in_dim3A : f32 to vector<16xf32>
    %scan3A = arith.constant 0 : i32
    %scan3A_25 = arith.constant 0 : i32
    %scan3A_26 = arith.constant 16 : i32
    %scan3A_27 = arith.addi %scan3A_25, %scan3A_26 : i32
    %scan3A_28 = arith.constant 1 : i32
    %scan3A_29 = scf.for %scan3A_125 = %scan3A_25 to %scan3A_27 step %scan3A_28 iter_args(%scan3A_126 = %scan3A) -> (i32)  : i32 {
      %swap3A_127 = arith.index_cast %scan3A_125 : i32 to index
      %swap3A_128 = arith.constant 0 : index
      %swap3A_129 = tpu.vector_load %arg17[%swap3A_127, %swap3A_128] {strides = array<i32>} : memref<16x128xf32, #tpu.memory_space<vmem>>, vector<1x16xf32>,
      %swap3A_130 = vector.shape_cast %swap3A_129 : vector<1x16xf32> to vector<16xf32>
      %swap3A_131 = vector.shape_cast %broadcast_in_dim3A_24 : vector<16xf32> to vector<1x16xf32>
      tpu.vector_store %arg17[%swap3A_127, %swap3A_128], %swap3A_131 {strides = array<i32>} : memref<16x128xf32, #tpu.memory_space<vmem>>, vector<1x16xf32>,
      %swap3A_132 = arith.index_cast %scan3A_125 : i32 to index
      %swap3A_133 = arith.constant 16 : index
      %swap3A_134 = tpu.vector_load %arg17[%swap3A_132, %swap3A_133] {strides = array<i32>} : memref<16x128xf32, #tpu.memory_space<vmem>>, vector<1x16xf32>,
      %swap3A_135 = vector.shape_cast %swap3A_134 : vector<1x16xf32> to vector<16xf32>
      %swap3A_136 = vector.shape_cast %broadcast_in_dim3A_24 : vector<16xf32> to vector<1x16xf32>
      tpu.vector_store %arg17[%swap3A_132, %swap3A_133], %swap3A_136 {strides = array<i32>} : memref<16x128xf32, #tpu.memory_space<vmem>>, vector<1x16xf32>,
      %swap3A_137 = arith.index_cast %scan3A_125 : i32 to index
      %swap3A_138 = arith.constant 32 : index
      %swap3A_139 = tpu.vector_load %arg17[%swap3A_137, %swap3A_138] {strides = array<i32>} : memref<16x128xf32, #tpu.memory_space<vmem>>, vector<1x16xf32>,
      %swap3A_140 = vector.shape_cast %swap3A_139 : vector<1x16xf32> to vector<16xf32>
      %swap3A_141 = vector.shape_cast %broadcast_in_dim3A_24 : vector<16xf32> to vector<1x16xf32>
      tpu.vector_store %arg17[%swap3A_137, %swap3A_138], %swap3A_141 {strides = array<i32>} : memref<16x128xf32, #tpu.memory_space<vmem>>, vector<1x16xf32>,
      %swap3A_142 = arith.index_cast %scan3A_125 : i32 to index
      %swap3A_143 = arith.constant 48 : index
      %swap3A_144 = tpu.vector_load %arg17[%swap3A_142, %swap3A_143] {strides = array<i32>} : memref<16x128xf32, #tpu.memory_space<vmem>>, vector<1x16xf32>,
      %swap3A_145 = vector.shape_cast %swap3A_144 : vector<1x16xf32> to vector<16xf32>
      %swap3A_146 = vector.shape_cast %broadcast_in_dim3A_24 : vector<16xf32> to vector<1x16xf32>
      tpu.vector_store %arg17[%swap3A_142, %swap3A_143], %swap3A_146 {strides = array<i32>} : memref<16x128xf32, #tpu.memory_space<vmem>>, vector<1x16xf32>,
      %swap3A_147 = arith.index_cast %scan3A_125 : i32 to index
      %swap3A_148 = arith.constant 64 : index
      %swap3A_149 = tpu.vector_load %arg17[%swap3A_147, %swap3A_148] {strides = array<i32>} : memref<16x128xf32, #tpu.memory_space<vmem>>, vector<1x16xf32>,
      %swap3A_150 = vector.shape_cast %swap3A_149 : vector<1x16xf32> to vector<16xf32>
      %swap3A_151 = vector.shape_cast %broadcast_in_dim3A_24 : vector<16xf32> to vector<1x16xf32>
      tpu.vector_store %arg17[%swap3A_147, %swap3A_148], %swap3A_151 {strides = array<i32>} : memref<16x128xf32, #tpu.memory_space<vmem>>, vector<1x16xf32>,
      %swap3A_152 = arith.index_cast %scan3A_125 : i32 to index
      %swap3A_153 = arith.constant 80 : index
      %swap3A_154 = tpu.vector_load %arg17[%swap3A_152, %swap3A_153] {strides = array<i32>} : memref<16x128xf32, #tpu.memory_space<vmem>>, vector<1x16xf32>,
      %swap3A_155 = vector.shape_cast %swap3A_154 : vector<1x16xf32> to vector<16xf32>
      %swap3A_156 = vector.shape_cast %broadcast_in_dim3A_24 : vector<16xf32> to vector<1x16xf32>
      tpu.vector_store %arg17[%swap3A_152, %swap3A_153], %swap3A_156 {strides = array<i32>} : memref<16x128xf32, #tpu.memory_space<vmem>>, vector<1x16xf32>,
      %swap3A_157 = arith.index_cast %scan3A_125 : i32 to index
      %swap3A_158 = arith.constant 96 : index
      %swap3A_159 = tpu.vector_load %arg17[%swap3A_157, %swap3A_158] {strides = array<i32>} : memref<16x128xf32, #tpu.memory_space<vmem>>, vector<1x16xf32>,
      %swap3A_160 = vector.shape_cast %swap3A_159 : vector<1x16xf32> to vector<16xf32>
      %swap3A_161 = vector.shape_cast %broadcast_in_dim3A_24 : vector<16xf32> to vector<1x16xf32>
      tpu.vector_store %arg17[%swap3A_157, %swap3A_158], %swap3A_161 {strides = array<i32>} : memref<16x128xf32, #tpu.memory_space<vmem>>, vector<1x16xf32>,
      %swap3A_162 = arith.index_cast %scan3A_125 : i32 to index
      %swap3A_163 = arith.constant 112 : index
      %swap3A_164 = tpu.vector_load %arg17[%swap3A_162, %swap3A_163] {strides = array<i32>} : memref<16x128xf32, #tpu.memory_space<vmem>>, vector<1x16xf32>,
      %swap3A_165 = vector.shape_cast %swap3A_164 : vector<1x16xf32> to vector<16xf32>
      %swap3A_166 = vector.shape_cast %broadcast_in_dim3A_24 : vector<16xf32> to vector<1x16xf32>
      tpu.vector_store %arg17[%swap3A_162, %swap3A_163], %swap3A_166 {strides = array<i32>} : memref<16x128xf32, #tpu.memory_space<vmem>>, vector<1x16xf32>,
      %scan3A_167 = arith.constant 0 : i32
      scf.yield %scan3A_167 : i32
    }
    %scan3A_30 = arith.constant 16 : i32
    %scan3A_31 = arith.constant 0 : i32
    %scan3A_32 = arith.constant 0 : i32
    %scan3A_33 = arith.constant 39 : i32
    %scan3A_34 = arith.addi %scan3A_32, %scan3A_33 : i32
    %scan3A_35 = arith.constant 1 : i32
    %scan3A_36 = scf.for %scan3A_125 = %scan3A_32 to %scan3A_34 step %scan3A_35 iter_args(%scan3A_126 = %scan3A_31) -> (i32)  : i32 {
      %mul3A_127 = arith.constant 624 : i32
      %mul3A_128 = arith.muli %arg1, %mul3A_127 : i32
      %mul3A_129 = arith.constant 16 : i32
      %mul3A_130 = arith.muli %scan3A_125, %mul3A_129 : i32
      %add3A_131 = arith.addi %mul3A_128, %mul3A_130 : i32
      "tpu.region"() ({
        %run_scoped3A = tpu.sem_alloc : memref<!tpu.dma_semaphore, #tpu.memory_space<semaphore_mem>>
        %dma_start3A_133 = arith.constant 0 : i32
        %dma_start3A_134 = tpu.memref_slice %arg18[%add3A_131, %dma_start3A_133] : memref<10000x128xf32, #tpu.memory_space<vmem_shared>> -> memref<16x128xf32, #tpu.memory_space<vmem_shared>>
        %dma_start3A_135 = arith.constant 0 : i32
        %dma_start3A_136 = tpu.memref_slice %arg18[%add3A_131, %dma_start3A_135] : memref<10000x128xf32, #tpu.memory_space<vmem_shared>> -> memref<16x128xf32, #tpu.memory_space<vmem_shared>>
        tpu.enqueue_dma source(%arg17 : memref<16x128xf32, #tpu.memory_space<vmem>>) target(%dma_start3A_136 : memref<16x128xf32, #tpu.memory_space<vmem_shared>>) target_semaphore(%run_scoped3A : memref<!tpu.dma_semaphore, #tpu.memory_space<semaphore_mem>>)
        %dma_wait3A_137 = arith.constant 0 : i32
        %dma_wait3A_138 = tpu.memref_slice %arg18[%add3A_131, %dma_wait3A_137] : memref<10000x128xf32, #tpu.memory_space<vmem_shared>> -> memref<16x128xf32, #tpu.memory_space<vmem_shared>>
        %dma_wait3A_139 = arith.constant 0 : i32
        %dma_wait3A_140 = tpu.memref_slice %arg18[%add3A_131, %dma_wait3A_139] : memref<10000x128xf32, #tpu.memory_space<vmem_shared>> -> memref<16x128xf32, #tpu.memory_space<vmem_shared>>
        tpu.wait_dma2 semaphore(%run_scoped3A : memref<!tpu.dma_semaphore, #tpu.memory_space<semaphore_mem>>) src(%arg17 : memref<16x128xf32, #tpu.memory_space<vmem>>) dst(%dma_wait3A_140 : memref<16x128xf32, #tpu.memory_space<vmem_shared>>)
        tpu.yield
      }) : () -> ()
      %scan3A_132 = arith.constant 0 : i32
      scf.yield %scan3A_132 : i32
    }
    %scan3A_37 = arith.constant 39 : i32
    %eq3A = arith.constant 15 : i32
    %eq3A_38 = arith.cmpi eq, %arg1, %eq3A : i32
    %convert_element_type3A = arith.extui %eq3A_38 : i1 to i32
    %cond3A = arith.constant 0 : i32
    %cond3A_39 = arith.cmpi ne, %convert_element_type3A, %cond3A : i32
    scf.if %cond3A_39 {
      "tpu.region"() ({
        %run_scoped3A = tpu.sem_alloc : memref<!tpu.dma_semaphore, #tpu.memory_space<semaphore_mem>>
        %dma_start3A_125 = arith.constant 9984 : i32
        %dma_start3A_126 = arith.constant 0 : i32
        %dma_start3A_127 = tpu.memref_slice %arg18[%dma_start3A_125, %dma_start3A_126] : memref<10000x128xf32, #tpu.memory_space<vmem_shared>> -> memref<16x128xf32, #tpu.memory_space<vmem_shared>>
        %dma_start3A_128 = arith.constant 9984 : i32
        %dma_start3A_129 = arith.constant 0 : i32
        %dma_start3A_130 = tpu.memref_slice %arg18[%dma_start3A_128, %dma_start3A_129] : memref<10000x128xf32, #tpu.memory_space<vmem_shared>> -> memref<16x128xf32, #tpu.memory_space<vmem_shared>>
        tpu.enqueue_dma source(%arg17 : memref<16x128xf32, #tpu.memory_space<vmem>>) target(%dma_start3A_130 : memref<16x128xf32, #tpu.memory_space<vmem_shared>>) target_semaphore(%run_scoped3A : memref<!tpu.dma_semaphore, #tpu.memory_space<semaphore_mem>>)
        %dma_wait3A_131 = arith.constant 9984 : i32
        %dma_wait3A_132 = arith.constant 0 : i32
        %dma_wait3A_133 = tpu.memref_slice %arg18[%dma_wait3A_131, %dma_wait3A_132] : memref<10000x128xf32, #tpu.memory_space<vmem_shared>> -> memref<16x128xf32, #tpu.memory_space<vmem_shared>>
        %dma_wait3A_134 = arith.constant 9984 : i32
        %dma_wait3A_135 = arith.constant 0 : i32
        %dma_wait3A_136 = tpu.memref_slice %arg18[%dma_wait3A_134, %dma_wait3A_135] : memref<10000x128xf32, #tpu.memory_space<vmem_shared>> -> memref<16x128xf32, #tpu.memory_space<vmem_shared>>
        tpu.wait_dma2 semaphore(%run_scoped3A : memref<!tpu.dma_semaphore, #tpu.memory_space<semaphore_mem>>) src(%arg17 : memref<16x128xf32, #tpu.memory_space<vmem>>) dst(%dma_wait3A_136 : memref<16x128xf32, #tpu.memory_space<vmem_shared>>)
        tpu.yield
      }) : () -> ()
    } else {
    }
    %barrier3A = arith.constant 0 : index
    tpu.barrier barrier_id(%barrier3A)
    %dma_wait3A = arith.constant 0 : i32
    %dma_wait3A_40 = tpu.memref_slice %arg4[%dma_wait3A] : memref<320000xi32, #tpu.memory_space<hbm>> -> memref<80xi32, #tpu.memory_space<hbm>>
    %dma_wait3A_41 = arith.constant 0 : i32
    %dma_wait3A_42 = tpu.memref_slice %arg4[%dma_wait3A_41] : memref<320000xi32, #tpu.memory_space<hbm>> -> memref<80xi32, #tpu.memory_space<hbm>>
    tpu.wait_dma2 semaphore(%arg19 : memref<!tpu.dma_semaphore, #tpu.memory_space<semaphore_mem>>) src(%dma_wait3A_42 : memref<80xi32, #tpu.memory_space<hbm>>) dst(%arg7 : memref<80xi32, #tpu.memory_space<vmem>>)
    %dma_wait3A_43 = arith.constant 0 : i32
    %dma_wait3A_44 = tpu.memref_slice %arg5[%dma_wait3A_43] : memref<320000xi32, #tpu.memory_space<hbm>> -> memref<80xi32, #tpu.memory_space<hbm>>
    %dma_wait3A_45 = arith.constant 0 : i32
    %dma_wait3A_46 = tpu.memref_slice %arg5[%dma_wait3A_45] : memref<320000xi32, #tpu.memory_space<hbm>> -> memref<80xi32, #tpu.memory_space<hbm>>
    tpu.wait_dma2 semaphore(%arg19 : memref<!tpu.dma_semaphore, #tpu.memory_space<semaphore_mem>>) src(%dma_wait3A_46 : memref<80xi32, #tpu.memory_space<hbm>>) dst(%arg9 : memref<80xi32, #tpu.memory_space<vmem>>)
    %dma_start3A_47 = arith.constant 0 : i32
    %dma_start3A_48 = arith.constant 0 : i32
    %dma_start3A_49 = tpu.memref_slice %arg2[%dma_start3A_47, %dma_start3A_48] : memref<10000x128xf32, #tpu.memory_space<hbm>> -> memref<10000x128xf32, #tpu.memory_space<hbm>>
    tpu.enqueue_indirect_dma source(%dma_start3A_49 : memref<10000x128xf32, #tpu.memory_space<hbm>>) target(%arg11 : memref<80x128xf32, #tpu.memory_space<vmem>>) offsets(%arg7 : memref<80xi32, #tpu.memory_space<vmem>>) semaphore(%arg23 : memref<!tpu.dma_semaphore, #tpu.memory_space<semaphore_mem>>)
    %scan3A_50 = arith.constant 0 : i32
    %scan3A_51 = arith.constant 0 : i32
    %scan3A_52 = arith.constant 62 : i32
    %scan3A_53 = arith.addi %scan3A_51, %scan3A_52 : i32
    %scan3A_54 = arith.constant 1 : i32
    %scan3A_55 = scf.for %scan3A_125 = %scan3A_51 to %scan3A_53 step %scan3A_54 iter_args(%scan3A_126 = %scan3A_50) -> (i32)  : i32 {
      %mul3A_127 = arith.constant 2 : i32
      %mul3A_128 = arith.muli %mul3A_127, %scan3A_125 : i32
      %add3A_129 = arith.constant 0 : i32
      %add3A_130 = arith.addi %mul3A_128, %add3A_129 : i32
      %dma_wait3A_131 = arith.constant 0 : i32
      %dma_wait3A_132 = arith.constant 0 : i32
      %dma_wait3A_133 = tpu.memref_slice %arg2[%dma_wait3A_131, %dma_wait3A_132] : memref<10000x128xf32, #tpu.memory_space<hbm>> -> memref<10000x128xf32, #tpu.memory_space<hbm>>
      tpu.wait_indirect_dma semaphore(%arg23 : memref<!tpu.dma_semaphore, #tpu.memory_space<semaphore_mem>>) src(%dma_wait3A_133 : memref<10000x128xf32, #tpu.memory_space<hbm>>) dst(%arg11 : memref<80x128xf32, #tpu.memory_space<vmem>>)
      %dma_wait3A_134 = arith.constant 0 : i32
      %dma_wait3A_135 = arith.constant 0 : i32
      %dma_wait3A_136 = tpu.memref_slice %arg3[%dma_wait3A_134, %dma_wait3A_135] : memref<320000x128xf32, #tpu.memory_space<hbm>> -> memref<80x128xf32, #tpu.memory_space<hbm>>
      %dma_wait3A_137 = arith.constant 0 : i32
      %dma_wait3A_138 = arith.constant 0 : i32
      %dma_wait3A_139 = tpu.memref_slice %arg3[%dma_wait3A_137, %dma_wait3A_138] : memref<320000x128xf32, #tpu.memory_space<hbm>> -> memref<80x128xf32, #tpu.memory_space<hbm>>
      tpu.wait_dma2 semaphore(%arg21 : memref<!tpu.dma_semaphore, #tpu.memory_space<semaphore_mem>>) src(%dma_wait3A_139 : memref<80x128xf32, #tpu.memory_space<hbm>>) dst(%arg13 : memref<80x128xf32, #tpu.memory_space<vmem>>)
      %scan3A_140 = arith.constant 0 : i32
      %scan3A_141 = arith.constant 0 : i32
      %scan3A_142 = arith.constant 80 : i32
      %scan3A_143 = arith.addi %scan3A_141, %scan3A_142 : i32
      %scan3A_144 = arith.constant 1 : i32
      %scan3A_145 = scf.for %scan3A_280 = %scan3A_141 to %scan3A_143 step %scan3A_144 iter_args(%scan3A_281 = %scan3A_140) -> (i32)  : i32 {
        %get3A_282 = arith.index_cast %scan3A_280 : i32 to index
        %get3A_283 = arith.constant 0 : index
        %get3A_284 = tpu.vector_load %arg11[%get3A_282, %get3A_283] {strides = array<i32>} : memref<80x128xf32, #tpu.memory_space<vmem>>, vector<1x16xf32>,
        %get3A_285 = vector.shape_cast %get3A_284 : vector<1x16xf32> to vector<16xf32>
        %get3A_286 = arith.index_cast %scan3A_280 : i32 to index
        %get3A_287 = arith.constant 0 : index
        %get3A_288 = tpu.vector_load %arg13[%get3A_286, %get3A_287] {strides = array<i32>} : memref<80x128xf32, #tpu.memory_space<vmem>>, vector<1x16xf32>,
        %get3A_289 = vector.shape_cast %get3A_288 : vector<1x16xf32> to vector<16xf32>
        %add3A_290 = arith.addf %get3A_285, %get3A_289 : vector<16xf32>
        %max3A = arith.constant 0.000000e+00 : f32
        %max3A_291 = vector.broadcast %max3A : f32 to vector<16xf32>
        %max3A_292 = arith.maximumf %add3A_290, %max3A_291 : vector<16xf32>
        %swap3A_293 = arith.index_cast %scan3A_280 : i32 to index
        %swap3A_294 = arith.constant 0 : index
        %swap3A_295 = tpu.vector_load %arg11[%swap3A_293, %swap3A_294] {strides = array<i32>} : memref<80x128xf32, #tpu.memory_space<vmem>>, vector<1x16xf32>,
        %swap3A_296 = vector.shape_cast %swap3A_295 : vector<1x16xf32> to vector<16xf32>
        %swap3A_297 = vector.shape_cast %max3A_292 : vector<16xf32> to vector<1x16xf32>
        tpu.vector_store %arg11[%swap3A_293, %swap3A_294], %swap3A_297 {strides = array<i32>} : memref<80x128xf32, #tpu.memory_space<vmem>>, vector<1x16xf32>,
        %get3A_298 = arith.index_cast %scan3A_280 : i32 to index
        %get3A_299 = arith.constant 16 : index
        %get3A_300 = tpu.vector_load %arg11[%get3A_298, %get3A_299] {strides = array<i32>} : memref<80x128xf32, #tpu.memory_space<vmem>>, vector<1x16xf32>,
        %get3A_301 = vector.shape_cast %get3A_300 : vector<1x16xf32> to vector<16xf32>
        %get3A_302 = arith.index_cast %scan3A_280 : i32 to index
        %get3A_303 = arith.constant 16 : index
        %get3A_304 = tpu.vector_load %arg13[%get3A_302, %get3A_303] {strides = array<i32>} : memref<80x128xf32, #tpu.memory_space<vmem>>, vector<1x16xf32>,
        %get3A_305 = vector.shape_cast %get3A_304 : vector<1x16xf32> to vector<16xf32>
        %add3A_306 = arith.addf %get3A_301, %get3A_305 : vector<16xf32>
        %max3A_307 = arith.constant 0.000000e+00 : f32
        %max3A_308 = vector.broadcast %max3A_307 : f32 to vector<16xf32>
        %max3A_309 = arith.maximumf %add3A_306, %max3A_308 : vector<16xf32>
        %swap3A_310 = arith.index_cast %scan3A_280 : i32 to index
        %swap3A_311 = arith.constant 16 : index
        %swap3A_312 = tpu.vector_load %arg11[%swap3A_310, %swap3A_311] {strides = array<i32>} : memref<80x128xf32, #tpu.memory_space<vmem>>, vector<1x16xf32>,
        %swap3A_313 = vector.shape_cast %swap3A_312 : vector<1x16xf32> to vector<16xf32>
        %swap3A_314 = vector.shape_cast %max3A_309 : vector<16xf32> to vector<1x16xf32>
        tpu.vector_store %arg11[%swap3A_310, %swap3A_311], %swap3A_314 {strides = array<i32>} : memref<80x128xf32, #tpu.memory_space<vmem>>, vector<1x16xf32>,
        %get3A_315 = arith.index_cast %scan3A_280 : i32 to index
        %get3A_316 = arith.constant 32 : index
        %get3A_317 = tpu.vector_load %arg11[%get3A_315, %get3A_316] {strides = array<i32>} : memref<80x128xf32, #tpu.memory_space<vmem>>, vector<1x16xf32>,
        %get3A_318 = vector.shape_cast %get3A_317 : vector<1x16xf32> to vector<16xf32>
        %get3A_319 = arith.index_cast %scan3A_280 : i32 to index
        %get3A_320 = arith.constant 32 : index
        %get3A_321 = tpu.vector_load %arg13[%get3A_319, %get3A_320] {strides = array<i32>} : memref<80x128xf32, #tpu.memory_space<vmem>>, vector<1x16xf32>,
        %get3A_322 = vector.shape_cast %get3A_321 : vector<1x16xf32> to vector<16xf32>
        %add3A_323 = arith.addf %get3A_318, %get3A_322 : vector<16xf32>
        %max3A_324 = arith.constant 0.000000e+00 : f32
        %max3A_325 = vector.broadcast %max3A_324 : f32 to vector<16xf32>
        %max3A_326 = arith.maximumf %add3A_323, %max3A_325 : vector<16xf32>
        %swap3A_327 = arith.index_cast %scan3A_280 : i32 to index
        %swap3A_328 = arith.constant 32 : index
        %swap3A_329 = tpu.vector_load %arg11[%swap3A_327, %swap3A_328] {strides = array<i32>} : memref<80x128xf32, #tpu.memory_space<vmem>>, vector<1x16xf32>,
        %swap3A_330 = vector.shape_cast %swap3A_329 : vector<1x16xf32> to vector<16xf32>
        %swap3A_331 = vector.shape_cast %max3A_326 : vector<16xf32> to vector<1x16xf32>
        tpu.vector_store %arg11[%swap3A_327, %swap3A_328], %swap3A_331 {strides = array<i32>} : memref<80x128xf32, #tpu.memory_space<vmem>>, vector<1x16xf32>,
        %get3A_332 = arith.index_cast %scan3A_280 : i32 to index
        %get3A_333 = arith.constant 48 : index
        %get3A_334 = tpu.vector_load %arg11[%get3A_332, %get3A_333] {strides = array<i32>} : memref<80x128xf32, #tpu.memory_space<vmem>>, vector<1x16xf32>,
        %get3A_335 = vector.shape_cast %get3A_334 : vector<1x16xf32> to vector<16xf32>
        %get3A_336 = arith.index_cast %scan3A_280 : i32 to index
        %get3A_337 = arith.constant 48 : index
        %get3A_338 = tpu.vector_load %arg13[%get3A_336, %get3A_337] {strides = array<i32>} : memref<80x128xf32, #tpu.memory_space<vmem>>, vector<1x16xf32>,
        %get3A_339 = vector.shape_cast %get3A_338 : vector<1x16xf32> to vector<16xf32>
        %add3A_340 = arith.addf %get3A_335, %get3A_339 : vector<16xf32>
        %max3A_341 = arith.constant 0.000000e+00 : f32
        %max3A_342 = vector.broadcast %max3A_341 : f32 to vector<16xf32>
        %max3A_343 = arith.maximumf %add3A_340, %max3A_342 : vector<16xf32>
        %swap3A_344 = arith.index_cast %scan3A_280 : i32 to index
        %swap3A_345 = arith.constant 48 : index
        %swap3A_346 = tpu.vector_load %arg11[%swap3A_344, %swap3A_345] {strides = array<i32>} : memref<80x128xf32, #tpu.memory_space<vmem>>, vector<1x16xf32>,
        %swap3A_347 = vector.shape_cast %swap3A_346 : vector<1x16xf32> to vector<16xf32>
        %swap3A_348 = vector.shape_cast %max3A_343 : vector<16xf32> to vector<1x16xf32>
        tpu.vector_store %arg11[%swap3A_344, %swap3A_345], %swap3A_348 {strides = array<i32>} : memref<80x128xf32, #tpu.memory_space<vmem>>, vector<1x16xf32>,
        %get3A_349 = arith.index_cast %scan3A_280 : i32 to index
        %get3A_350 = arith.constant 64 : index
        %get3A_351 = tpu.vector_load %arg11[%get3A_349, %get3A_350] {strides = array<i32>} : memref<80x128xf32, #tpu.memory_space<vmem>>, vector<1x16xf32>,
        %get3A_352 = vector.shape_cast %get3A_351 : vector<1x16xf32> to vector<16xf32>
        %get3A_353 = arith.index_cast %scan3A_280 : i32 to index
        %get3A_354 = arith.constant 64 : index
        %get3A_355 = tpu.vector_load %arg13[%get3A_353, %get3A_354] {strides = array<i32>} : memref<80x128xf32, #tpu.memory_space<vmem>>, vector<1x16xf32>,
        %get3A_356 = vector.shape_cast %get3A_355 : vector<1x16xf32> to vector<16xf32>
        %add3A_357 = arith.addf %get3A_352, %get3A_356 : vector<16xf32>
        %max3A_358 = arith.constant 0.000000e+00 : f32
        %max3A_359 = vector.broadcast %max3A_358 : f32 to vector<16xf32>
        %max3A_360 = arith.maximumf %add3A_357, %max3A_359 : vector<16xf32>
        %swap3A_361 = arith.index_cast %scan3A_280 : i32 to index
        %swap3A_362 = arith.constant 64 : index
        %swap3A_363 = tpu.vector_load %arg11[%swap3A_361, %swap3A_362] {strides = array<i32>} : memref<80x128xf32, #tpu.memory_space<vmem>>, vector<1x16xf32>,
        %swap3A_364 = vector.shape_cast %swap3A_363 : vector<1x16xf32> to vector<16xf32>
        %swap3A_365 = vector.shape_cast %max3A_360 : vector<16xf32> to vector<1x16xf32>
        tpu.vector_store %arg11[%swap3A_361, %swap3A_362], %swap3A_365 {strides = array<i32>} : memref<80x128xf32, #tpu.memory_space<vmem>>, vector<1x16xf32>,
        %get3A_366 = arith.index_cast %scan3A_280 : i32 to index
        %get3A_367 = arith.constant 80 : index
        %get3A_368 = tpu.vector_load %arg11[%get3A_366, %get3A_367] {strides = array<i32>} : memref<80x128xf32, #tpu.memory_space<vmem>>, vector<1x16xf32>,
        %get3A_369 = vector.shape_cast %get3A_368 : vector<1x16xf32> to vector<16xf32>
        %get3A_370 = arith.index_cast %scan3A_280 : i32 to index
        %get3A_371 = arith.constant 80 : index
        %get3A_372 = tpu.vector_load %arg13[%get3A_370, %get3A_371] {strides = array<i32>} : memref<80x128xf32, #tpu.memory_space<vmem>>, vector<1x16xf32>,
        %get3A_373 = vector.shape_cast %get3A_372 : vector<1x16xf32> to vector<16xf32>
        %add3A_374 = arith.addf %get3A_369, %get3A_373 : vector<16xf32>
        %max3A_375 = arith.constant 0.000000e+00 : f32
        %max3A_376 = vector.broadcast %max3A_375 : f32 to vector<16xf32>
        %max3A_377 = arith.maximumf %add3A_374, %max3A_376 : vector<16xf32>
        %swap3A_378 = arith.index_cast %scan3A_280 : i32 to index
        %swap3A_379 = arith.constant 80 : index
        %swap3A_380 = tpu.vector_load %arg11[%swap3A_378, %swap3A_379] {strides = array<i32>} : memref<80x128xf32, #tpu.memory_space<vmem>>, vector<1x16xf32>,
        %swap3A_381 = vector.shape_cast %swap3A_380 : vector<1x16xf32> to vector<16xf32>
        %swap3A_382 = vector.shape_cast %max3A_377 : vector<16xf32> to vector<1x16xf32>
        tpu.vector_store %arg11[%swap3A_378, %swap3A_379], %swap3A_382 {strides = array<i32>} : memref<80x128xf32, #tpu.memory_space<vmem>>, vector<1x16xf32>,
        %get3A_383 = arith.index_cast %scan3A_280 : i32 to index
        %get3A_384 = arith.constant 96 : index
        %get3A_385 = tpu.vector_load %arg11[%get3A_383, %get3A_384] {strides = array<i32>} : memref<80x128xf32, #tpu.memory_space<vmem>>, vector<1x16xf32>,
        %get3A_386 = vector.shape_cast %get3A_385 : vector<1x16xf32> to vector<16xf32>
        %get3A_387 = arith.index_cast %scan3A_280 : i32 to index
        %get3A_388 = arith.constant 96 : index
        %get3A_389 = tpu.vector_load %arg13[%get3A_387, %get3A_388] {strides = array<i32>} : memref<80x128xf32, #tpu.memory_space<vmem>>, vector<1x16xf32>,
        %get3A_390 = vector.shape_cast %get3A_389 : vector<1x16xf32> to vector<16xf32>
        %add3A_391 = arith.addf %get3A_386, %get3A_390 : vector<16xf32>
        %max3A_392 = arith.constant 0.000000e+00 : f32
        %max3A_393 = vector.broadcast %max3A_392 : f32 to vector<16xf32>
        %max3A_394 = arith.maximumf %add3A_391, %max3A_393 : vector<16xf32>
        %swap3A_395 = arith.index_cast %scan3A_280 : i32 to index
        %swap3A_396 = arith.constant 96 : index
        %swap3A_397 = tpu.vector_load %arg11[%swap3A_395, %swap3A_396] {strides = array<i32>} : memref<80x128xf32, #tpu.memory_space<vmem>>, vector<1x16xf32>,
        %swap3A_398 = vector.shape_cast %swap3A_397 : vector<1x16xf32> to vector<16xf32>
        %swap3A_399 = vector.shape_cast %max3A_394 : vector<16xf32> to vector<1x16xf32>
        tpu.vector_store %arg11[%swap3A_395, %swap3A_396], %swap3A_399 {strides = array<i32>} : memref<80x128xf32, #tpu.memory_space<vmem>>, vector<1x16xf32>,
        %get3A_400 = arith.index_cast %scan3A_280 : i32 to index
        %get3A_401 = arith.constant 112 : index
        %get3A_402 = tpu.vector_load %arg11[%get3A_400, %get3A_401] {strides = array<i32>} : memref<80x128xf32, #tpu.memory_space<vmem>>, vector<1x16xf32>,
        %get3A_403 = vector.shape_cast %get3A_402 : vector<1x16xf32> to vector<16xf32>
        %get3A_404 = arith.index_cast %scan3A_280 : i32 to index
        %get3A_405 = arith.constant 112 : index
        %get3A_406 = tpu.vector_load %arg13[%get3A_404, %get3A_405] {strides = array<i32>} : memref<80x128xf32, #tpu.memory_space<vmem>>, vector<1x16xf32>,
        %get3A_407 = vector.shape_cast %get3A_406 : vector<1x16xf32> to vector<16xf32>
        %add3A_408 = arith.addf %get3A_403, %get3A_407 : vector<16xf32>
        %max3A_409 = arith.constant 0.000000e+00 : f32
        %max3A_410 = vector.broadcast %max3A_409 : f32 to vector<16xf32>
        %max3A_411 = arith.maximumf %add3A_408, %max3A_410 : vector<16xf32>
        %swap3A_412 = arith.index_cast %scan3A_280 : i32 to index
        %swap3A_413 = arith.constant 112 : index
        %swap3A_414 = tpu.vector_load %arg11[%swap3A_412, %swap3A_413] {strides = array<i32>} : memref<80x128xf32, #tpu.memory_space<vmem>>, vector<1x16xf32>,
        %swap3A_415 = vector.shape_cast %swap3A_414 : vector<1x16xf32> to vector<16xf32>
        %swap3A_416 = vector.shape_cast %max3A_411 : vector<16xf32> to vector<1x16xf32>
        tpu.vector_store %arg11[%swap3A_412, %swap3A_413], %swap3A_416 {strides = array<i32>} : memref<80x128xf32, #tpu.memory_space<vmem>>, vector<1x16xf32>,
        %scan3A_417 = arith.constant 0 : i32
        scf.yield %scan3A_417 : i32
      }
      %scan3A_146 = arith.constant 80 : i32
      %get3A_147 = arith.constant 0 : index
      %get3A_148 = tpu.vector_load %arg9[%get3A_147] {strides = array<i32>} : memref<80xi32, #tpu.memory_space<vmem>>, vector<16xi32>,
      %get3A_149 = vector.shape_cast %get3A_148 : vector<16xi32> to vector<16xi32>
      %swap3A_150 = arith.constant 0 : index
      %swap3A_151 = tpu.vector_load %arg15[%swap3A_150] {strides = array<i32>} : memref<80xi32, #tpu.memory_space<vmem>>, vector<16xi32>,
      %swap3A_152 = vector.shape_cast %swap3A_151 : vector<16xi32> to vector<16xi32>
      %swap3A_153 = vector.shape_cast %get3A_149 : vector<16xi32> to vector<16xi32>
      tpu.vector_store %arg15[%swap3A_150], %swap3A_153 {strides = array<i32>} : memref<80xi32, #tpu.memory_space<vmem>>, vector<16xi32>,
      %get3A_154 = arith.constant 16 : index
      %get3A_155 = tpu.vector_load %arg9[%get3A_154] {strides = array<i32>} : memref<80xi32, #tpu.memory_space<vmem>>, vector<16xi32>,
      %get3A_156 = vector.shape_cast %get3A_155 : vector<16xi32> to vector<16xi32>
      %swap3A_157 = arith.constant 16 : index
      %swap3A_158 = tpu.vector_load %arg15[%swap3A_157] {strides = array<i32>} : memref<80xi32, #tpu.memory_space<vmem>>, vector<16xi32>,
      %swap3A_159 = vector.shape_cast %swap3A_158 : vector<16xi32> to vector<16xi32>
      %swap3A_160 = vector.shape_cast %get3A_156 : vector<16xi32> to vector<16xi32>
      tpu.vector_store %arg15[%swap3A_157], %swap3A_160 {strides = array<i32>} : memref<80xi32, #tpu.memory_space<vmem>>, vector<16xi32>,
      %get3A_161 = arith.constant 32 : index
      %get3A_162 = tpu.vector_load %arg9[%get3A_161] {strides = array<i32>} : memref<80xi32, #tpu.memory_space<vmem>>, vector<16xi32>,
      %get3A_163 = vector.shape_cast %get3A_162 : vector<16xi32> to vector<16xi32>
      %swap3A_164 = arith.constant 32 : index
      %swap3A_165 = tpu.vector_load %arg15[%swap3A_164] {strides = array<i32>} : memref<80xi32, #tpu.memory_space<vmem>>, vector<16xi32>,
      %swap3A_166 = vector.shape_cast %swap3A_165 : vector<16xi32> to vector<16xi32>
      %swap3A_167 = vector.shape_cast %get3A_163 : vector<16xi32> to vector<16xi32>
      tpu.vector_store %arg15[%swap3A_164], %swap3A_167 {strides = array<i32>} : memref<80xi32, #tpu.memory_space<vmem>>, vector<16xi32>,
      %get3A_168 = arith.constant 48 : index
      %get3A_169 = tpu.vector_load %arg9[%get3A_168] {strides = array<i32>} : memref<80xi32, #tpu.memory_space<vmem>>, vector<16xi32>,
      %get3A_170 = vector.shape_cast %get3A_169 : vector<16xi32> to vector<16xi32>
      %swap3A_171 = arith.constant 48 : index
      %swap3A_172 = tpu.vector_load %arg15[%swap3A_171] {strides = array<i32>} : memref<80xi32, #tpu.memory_space<vmem>>, vector<16xi32>,
      %swap3A_173 = vector.shape_cast %swap3A_172 : vector<16xi32> to vector<16xi32>
      %swap3A_174 = vector.shape_cast %get3A_170 : vector<16xi32> to vector<16xi32>
      tpu.vector_store %arg15[%swap3A_171], %swap3A_174 {strides = array<i32>} : memref<80xi32, #tpu.memory_space<vmem>>, vector<16xi32>,
      %get3A_175 = arith.constant 64 : index
      %get3A_176 = tpu.vector_load %arg9[%get3A_175] {strides = array<i32>} : memref<80xi32, #tpu.memory_space<vmem>>, vector<16xi32>,
      %get3A_177 = vector.shape_cast %get3A_176 : vector<16xi32> to vector<16xi32>
      %swap3A_178 = arith.constant 64 : index
      %swap3A_179 = tpu.vector_load %arg15[%swap3A_178] {strides = array<i32>} : memref<80xi32, #tpu.memory_space<vmem>>, vector<16xi32>,
      %swap3A_180 = vector.shape_cast %swap3A_179 : vector<16xi32> to vector<16xi32>
      %swap3A_181 = vector.shape_cast %get3A_177 : vector<16xi32> to vector<16xi32>
      tpu.vector_store %arg15[%swap3A_178], %swap3A_181 {strides = array<i32>} : memref<80xi32, #tpu.memory_space<vmem>>, vector<16xi32>,
      %dma_start3A_182 = arith.constant 0 : i32
      %dma_start3A_183 = arith.constant 0 : i32
      %dma_start3A_184 = tpu.memref_slice %arg18[%dma_start3A_182, %dma_start3A_183] : memref<10000x128xf32, #tpu.memory_space<vmem_shared>> -> memref<10000x128xf32, #tpu.memory_space<vmem_shared>>
      tpu.enqueue_indirect_dma source(%arg11 : memref<80x128xf32, #tpu.memory_space<vmem>>) target(%dma_start3A_184 : memref<10000x128xf32, #tpu.memory_space<vmem_shared>>) offsets(%arg15 : memref<80xi32, #tpu.memory_space<vmem>>) semaphore(%arg25 : memref<!tpu.dma_semaphore, #tpu.memory_space<semaphore_mem>>) {add = true}
      %add3A_185 = arith.constant 2 : i32
      %add3A_186 = arith.addi %add3A_130, %add3A_185 : i32
      %lt3A = arith.constant 125 : i32
      %lt3A_187 = arith.cmpi slt, %add3A_186, %lt3A : i32
      %convert_element_type3A_188 = arith.extui %lt3A_187 : i1 to i32
      %cond3A_189 = arith.constant 0 : i32
      %cond3A_190 = arith.cmpi ne, %convert_element_type3A_188, %cond3A_189 : i32
      scf.if %cond3A_190 {
        %add3A_280 = arith.constant 2 : i32
        %add3A_281 = arith.addi %add3A_130, %add3A_280 : i32
        %mul3A_282 = arith.constant 10000 : i32
        %mul3A_283 = arith.muli %add3A, %mul3A_282 : i32
        %mul3A_284 = arith.constant 80 : i32
        %mul3A_285 = arith.muli %add3A_281, %mul3A_284 : i32
        %add3A_286 = arith.addi %mul3A_283, %mul3A_285 : i32
        %dma_start3A_287 = tpu.memref_slice %arg4[%add3A_286] : memref<320000xi32, #tpu.memory_space<hbm>> -> memref<80xi32, #tpu.memory_space<hbm>>
        %dma_start3A_288 = tpu.memref_slice %arg4[%add3A_286] : memref<320000xi32, #tpu.memory_space<hbm>> -> memref<80xi32, #tpu.memory_space<hbm>>
        tpu.enqueue_dma source(%dma_start3A_288 : memref<80xi32, #tpu.memory_space<hbm>>) target(%arg7 : memref<80xi32, #tpu.memory_space<vmem>>) target_semaphore(%arg19 : memref<!tpu.dma_semaphore, #tpu.memory_space<semaphore_mem>>)
        %dma_start3A_289 = tpu.memref_slice %arg5[%add3A_286] : memref<320000xi32, #tpu.memory_space<hbm>> -> memref<80xi32, #tpu.memory_space<hbm>>
        %dma_start3A_290 = tpu.memref_slice %arg5[%add3A_286] : memref<320000xi32, #tpu.memory_space<hbm>> -> memref<80xi32, #tpu.memory_space<hbm>>
        tpu.enqueue_dma source(%dma_start3A_290 : memref<80xi32, #tpu.memory_space<hbm>>) target(%arg9 : memref<80xi32, #tpu.memory_space<vmem>>) target_semaphore(%arg19 : memref<!tpu.dma_semaphore, #tpu.memory_space<semaphore_mem>>)
        %dma_start3A_291 = arith.constant 0 : i32
        %dma_start3A_292 = tpu.memref_slice %arg3[%add3A_286, %dma_start3A_291] : memref<320000x128xf32, #tpu.memory_space<hbm>> -> memref<80x128xf32, #tpu.memory_space<hbm>>
        %dma_start3A_293 = arith.constant 0 : i32
        %dma_start3A_294 = tpu.memref_slice %arg3[%add3A_286, %dma_start3A_293] : memref<320000x128xf32, #tpu.memory_space<hbm>> -> memref<80x128xf32, #tpu.memory_space<hbm>>
        tpu.enqueue_dma source(%dma_start3A_294 : memref<80x128xf32, #tpu.memory_space<hbm>>) target(%arg13 : memref<80x128xf32, #tpu.memory_space<vmem>>) target_semaphore(%arg21 : memref<!tpu.dma_semaphore, #tpu.memory_space<semaphore_mem>>)
      } else {
      }
      %ge3A = arith.constant 1 : i32
      %ge3A_191 = arith.cmpi sge, %add3A_130, %ge3A : i32
      %convert_element_type3A_192 = arith.extui %ge3A_191 : i1 to i32
      %cond3A_193 = arith.constant 0 : i32
      %cond3A_194 = arith.cmpi ne, %convert_element_type3A_192, %cond3A_193 : i32
      scf.if %cond3A_194 {
        %dma_wait3A_280 = arith.constant 0 : i32
        %dma_wait3A_281 = arith.constant 0 : i32
        %dma_wait3A_282 = tpu.memref_slice %arg18[%dma_wait3A_280, %dma_wait3A_281] : memref<10000x128xf32, #tpu.memory_space<vmem_shared>> -> memref<10000x128xf32, #tpu.memory_space<vmem_shared>>
        tpu.wait_indirect_dma semaphore(%arg26 : memref<!tpu.dma_semaphore, #tpu.memory_space<semaphore_mem>>) src(%arg12 : memref<80x128xf32, #tpu.memory_space<vmem>>) dst(%dma_wait3A_282 : memref<10000x128xf32, #tpu.memory_space<vmem_shared>>)
      } else {
      }
      %add3A_195 = arith.constant 1 : i32
      %add3A_196 = arith.addi %add3A_130, %add3A_195 : i32
      %lt3A_197 = arith.constant 125 : i32
      %lt3A_198 = arith.cmpi slt, %add3A_196, %lt3A_197 : i32
      %convert_element_type3A_199 = arith.extui %lt3A_198 : i1 to i32
      %cond3A_200 = arith.constant 0 : i32
      %cond3A_201 = arith.cmpi ne, %convert_element_type3A_199, %cond3A_200 : i32
      scf.if %cond3A_201 {
        %dma_wait3A_280 = arith.constant 0 : i32
        %dma_wait3A_281 = tpu.memref_slice %arg4[%dma_wait3A_280] : memref<320000xi32, #tpu.memory_space<hbm>> -> memref<80xi32, #tpu.memory_space<hbm>>
        %dma_wait3A_282 = arith.constant 0 : i32
        %dma_wait3A_283 = tpu.memref_slice %arg4[%dma_wait3A_282] : memref<320000xi32, #tpu.memory_space<hbm>> -> memref<80xi32, #tpu.memory_space<hbm>>
        tpu.wait_dma2 semaphore(%arg20 : memref<!tpu.dma_semaphore, #tpu.memory_space<semaphore_mem>>) src(%dma_wait3A_283 : memref<80xi32, #tpu.memory_space<hbm>>) dst(%arg8 : memref<80xi32, #tpu.memory_space<vmem>>)
        %dma_wait3A_284 = arith.constant 0 : i32
        %dma_wait3A_285 = tpu.memref_slice %arg5[%dma_wait3A_284] : memref<320000xi32, #tpu.memory_space<hbm>> -> memref<80xi32, #tpu.memory_space<hbm>>
        %dma_wait3A_286 = arith.constant 0 : i32
        %dma_wait3A_287 = tpu.memref_slice %arg5[%dma_wait3A_286] : memref<320000xi32, #tpu.memory_space<hbm>> -> memref<80xi32, #tpu.memory_space<hbm>>
        tpu.wait_dma2 semaphore(%arg20 : memref<!tpu.dma_semaphore, #tpu.memory_space<semaphore_mem>>) src(%dma_wait3A_287 : memref<80xi32, #tpu.memory_space<hbm>>) dst(%arg10 : memref<80xi32, #tpu.memory_space<vmem>>)
        %dma_start3A_288 = arith.constant 0 : i32
        %dma_start3A_289 = arith.constant 0 : i32
        %dma_start3A_290 = tpu.memref_slice %arg2[%dma_start3A_288, %dma_start3A_289] : memref<10000x128xf32, #tpu.memory_space<hbm>> -> memref<10000x128xf32, #tpu.memory_space<hbm>>
        tpu.enqueue_indirect_dma source(%dma_start3A_290 : memref<10000x128xf32, #tpu.memory_space<hbm>>) target(%arg12 : memref<80x128xf32, #tpu.memory_space<vmem>>) offsets(%arg8 : memref<80xi32, #tpu.memory_space<vmem>>) semaphore(%arg24 : memref<!tpu.dma_semaphore, #tpu.memory_space<semaphore_mem>>)
      } else {
      }
      %mul3A_202 = arith.constant 2 : i32
      %mul3A_203 = arith.muli %mul3A_202, %scan3A_125 : i32
      %add3A_204 = arith.constant 1 : i32
      %add3A_205 = arith.addi %mul3A_203, %add3A_204 : i32
      %dma_wait3A_206 = arith.constant 0 : i32
      %dma_wait3A_207 = arith.constant 0 : i32
      %dma_wait3A_208 = tpu.memref_slice %arg2[%dma_wait3A_206, %dma_wait3A_207] : memref<10000x128xf32, #tpu.memory_space<hbm>> -> memref<10000x128xf32, #tpu.memory_space<hbm>>
      tpu.wait_indirect_dma semaphore(%arg24 : memref<!tpu.dma_semaphore, #tpu.memory_space<semaphore_mem>>) src(%dma_wait3A_208 : memref<10000x128xf32, #tpu.memory_space<hbm>>) dst(%arg12 : memref<80x128xf32, #tpu.memory_space<vmem>>)
      %dma_wait3A_209 = arith.constant 0 : i32
      %dma_wait3A_210 = arith.constant 0 : i32
      %dma_wait3A_211 = tpu.memref_slice %arg3[%dma_wait3A_209, %dma_wait3A_210] : memref<320000x128xf32, #tpu.memory_space<hbm>> -> memref<80x128xf32, #tpu.memory_space<hbm>>
      %dma_wait3A_212 = arith.constant 0 : i32
      %dma_wait3A_213 = arith.constant 0 : i32
      %dma_wait3A_214 = tpu.memref_slice %arg3[%dma_wait3A_212, %dma_wait3A_213] : memref<320000x128xf32, #tpu.memory_space<hbm>> -> memref<80x128xf32, #tpu.memory_space<hbm>>
      tpu.wait_dma2 semaphore(%arg22 : memref<!tpu.dma_semaphore, #tpu.memory_space<semaphore_mem>>) src(%dma_wait3A_214 : memref<80x128xf32, #tpu.memory_space<hbm>>) dst(%arg14 : memref<80x128xf32, #tpu.memory_space<vmem>>)
      %scan3A_215 = arith.constant 0 : i32
      %scan3A_216 = arith.constant 0 : i32
      %scan3A_217 = arith.constant 80 : i32
      %scan3A_218 = arith.addi %scan3A_216, %scan3A_217 : i32
      %scan3A_219 = arith.constant 1 : i32
      %scan3A_220 = scf.for %scan3A_280 = %scan3A_216 to %scan3A_218 step %scan3A_219 iter_args(%scan3A_281 = %scan3A_215) -> (i32)  : i32 {
        %get3A_282 = arith.index_cast %scan3A_280 : i32 to index
        %get3A_283 = arith.constant 0 : index
        %get3A_284 = tpu.vector_load %arg12[%get3A_282, %get3A_283] {strides = array<i32>} : memref<80x128xf32, #tpu.memory_space<vmem>>, vector<1x16xf32>,
        %get3A_285 = vector.shape_cast %get3A_284 : vector<1x16xf32> to vector<16xf32>
        %get3A_286 = arith.index_cast %scan3A_280 : i32 to index
        %get3A_287 = arith.constant 0 : index
        %get3A_288 = tpu.vector_load %arg14[%get3A_286, %get3A_287] {strides = array<i32>} : memref<80x128xf32, #tpu.memory_space<vmem>>, vector<1x16xf32>,
        %get3A_289 = vector.shape_cast %get3A_288 : vector<1x16xf32> to vector<16xf32>
        %add3A_290 = arith.addf %get3A_285, %get3A_289 : vector<16xf32>
        %max3A = arith.constant 0.000000e+00 : f32
        %max3A_291 = vector.broadcast %max3A : f32 to vector<16xf32>
        %max3A_292 = arith.maximumf %add3A_290, %max3A_291 : vector<16xf32>
        %swap3A_293 = arith.index_cast %scan3A_280 : i32 to index
        %swap3A_294 = arith.constant 0 : index
        %swap3A_295 = tpu.vector_load %arg12[%swap3A_293, %swap3A_294] {strides = array<i32>} : memref<80x128xf32, #tpu.memory_space<vmem>>, vector<1x16xf32>,
        %swap3A_296 = vector.shape_cast %swap3A_295 : vector<1x16xf32> to vector<16xf32>
        %swap3A_297 = vector.shape_cast %max3A_292 : vector<16xf32> to vector<1x16xf32>
        tpu.vector_store %arg12[%swap3A_293, %swap3A_294], %swap3A_297 {strides = array<i32>} : memref<80x128xf32, #tpu.memory_space<vmem>>, vector<1x16xf32>,
        %get3A_298 = arith.index_cast %scan3A_280 : i32 to index
        %get3A_299 = arith.constant 16 : index
        %get3A_300 = tpu.vector_load %arg12[%get3A_298, %get3A_299] {strides = array<i32>} : memref<80x128xf32, #tpu.memory_space<vmem>>, vector<1x16xf32>,
        %get3A_301 = vector.shape_cast %get3A_300 : vector<1x16xf32> to vector<16xf32>
        %get3A_302 = arith.index_cast %scan3A_280 : i32 to index
        %get3A_303 = arith.constant 16 : index
        %get3A_304 = tpu.vector_load %arg14[%get3A_302, %get3A_303] {strides = array<i32>} : memref<80x128xf32, #tpu.memory_space<vmem>>, vector<1x16xf32>,
        %get3A_305 = vector.shape_cast %get3A_304 : vector<1x16xf32> to vector<16xf32>
        %add3A_306 = arith.addf %get3A_301, %get3A_305 : vector<16xf32>
        %max3A_307 = arith.constant 0.000000e+00 : f32
        %max3A_308 = vector.broadcast %max3A_307 : f32 to vector<16xf32>
        %max3A_309 = arith.maximumf %add3A_306, %max3A_308 : vector<16xf32>
        %swap3A_310 = arith.index_cast %scan3A_280 : i32 to index
        %swap3A_311 = arith.constant 16 : index
        %swap3A_312 = tpu.vector_load %arg12[%swap3A_310, %swap3A_311] {strides = array<i32>} : memref<80x128xf32, #tpu.memory_space<vmem>>, vector<1x16xf32>,
        %swap3A_313 = vector.shape_cast %swap3A_312 : vector<1x16xf32> to vector<16xf32>
        %swap3A_314 = vector.shape_cast %max3A_309 : vector<16xf32> to vector<1x16xf32>
        tpu.vector_store %arg12[%swap3A_310, %swap3A_311], %swap3A_314 {strides = array<i32>} : memref<80x128xf32, #tpu.memory_space<vmem>>, vector<1x16xf32>,
        %get3A_315 = arith.index_cast %scan3A_280 : i32 to index
        %get3A_316 = arith.constant 32 : index
        %get3A_317 = tpu.vector_load %arg12[%get3A_315, %get3A_316] {strides = array<i32>} : memref<80x128xf32, #tpu.memory_space<vmem>>, vector<1x16xf32>,
        %get3A_318 = vector.shape_cast %get3A_317 : vector<1x16xf32> to vector<16xf32>
        %get3A_319 = arith.index_cast %scan3A_280 : i32 to index
        %get3A_320 = arith.constant 32 : index
        %get3A_321 = tpu.vector_load %arg14[%get3A_319, %get3A_320] {strides = array<i32>} : memref<80x128xf32, #tpu.memory_space<vmem>>, vector<1x16xf32>,
        %get3A_322 = vector.shape_cast %get3A_321 : vector<1x16xf32> to vector<16xf32>
        %add3A_323 = arith.addf %get3A_318, %get3A_322 : vector<16xf32>
        %max3A_324 = arith.constant 0.000000e+00 : f32
        %max3A_325 = vector.broadcast %max3A_324 : f32 to vector<16xf32>
        %max3A_326 = arith.maximumf %add3A_323, %max3A_325 : vector<16xf32>
        %swap3A_327 = arith.index_cast %scan3A_280 : i32 to index
        %swap3A_328 = arith.constant 32 : index
        %swap3A_329 = tpu.vector_load %arg12[%swap3A_327, %swap3A_328] {strides = array<i32>} : memref<80x128xf32, #tpu.memory_space<vmem>>, vector<1x16xf32>,
        %swap3A_330 = vector.shape_cast %swap3A_329 : vector<1x16xf32> to vector<16xf32>
        %swap3A_331 = vector.shape_cast %max3A_326 : vector<16xf32> to vector<1x16xf32>
        tpu.vector_store %arg12[%swap3A_327, %swap3A_328], %swap3A_331 {strides = array<i32>} : memref<80x128xf32, #tpu.memory_space<vmem>>, vector<1x16xf32>,
        %get3A_332 = arith.index_cast %scan3A_280 : i32 to index
        %get3A_333 = arith.constant 48 : index
        %get3A_334 = tpu.vector_load %arg12[%get3A_332, %get3A_333] {strides = array<i32>} : memref<80x128xf32, #tpu.memory_space<vmem>>, vector<1x16xf32>,
        %get3A_335 = vector.shape_cast %get3A_334 : vector<1x16xf32> to vector<16xf32>
        %get3A_336 = arith.index_cast %scan3A_280 : i32 to index
        %get3A_337 = arith.constant 48 : index
        %get3A_338 = tpu.vector_load %arg14[%get3A_336, %get3A_337] {strides = array<i32>} : memref<80x128xf32, #tpu.memory_space<vmem>>, vector<1x16xf32>,
        %get3A_339 = vector.shape_cast %get3A_338 : vector<1x16xf32> to vector<16xf32>
        %add3A_340 = arith.addf %get3A_335, %get3A_339 : vector<16xf32>
        %max3A_341 = arith.constant 0.000000e+00 : f32
        %max3A_342 = vector.broadcast %max3A_341 : f32 to vector<16xf32>
        %max3A_343 = arith.maximumf %add3A_340, %max3A_342 : vector<16xf32>
        %swap3A_344 = arith.index_cast %scan3A_280 : i32 to index
        %swap3A_345 = arith.constant 48 : index
        %swap3A_346 = tpu.vector_load %arg12[%swap3A_344, %swap3A_345] {strides = array<i32>} : memref<80x128xf32, #tpu.memory_space<vmem>>, vector<1x16xf32>,
        %swap3A_347 = vector.shape_cast %swap3A_346 : vector<1x16xf32> to vector<16xf32>
        %swap3A_348 = vector.shape_cast %max3A_343 : vector<16xf32> to vector<1x16xf32>
        tpu.vector_store %arg12[%swap3A_344, %swap3A_345], %swap3A_348 {strides = array<i32>} : memref<80x128xf32, #tpu.memory_space<vmem>>, vector<1x16xf32>,
        %get3A_349 = arith.index_cast %scan3A_280 : i32 to index
        %get3A_350 = arith.constant 64 : index
        %get3A_351 = tpu.vector_load %arg12[%get3A_349, %get3A_350] {strides = array<i32>} : memref<80x128xf32, #tpu.memory_space<vmem>>, vector<1x16xf32>,
        %get3A_352 = vector.shape_cast %get3A_351 : vector<1x16xf32> to vector<16xf32>
        %get3A_353 = arith.index_cast %scan3A_280 : i32 to index
        %get3A_354 = arith.constant 64 : index
        %get3A_355 = tpu.vector_load %arg14[%get3A_353, %get3A_354] {strides = array<i32>} : memref<80x128xf32, #tpu.memory_space<vmem>>, vector<1x16xf32>,
        %get3A_356 = vector.shape_cast %get3A_355 : vector<1x16xf32> to vector<16xf32>
        %add3A_357 = arith.addf %get3A_352, %get3A_356 : vector<16xf32>
        %max3A_358 = arith.constant 0.000000e+00 : f32
        %max3A_359 = vector.broadcast %max3A_358 : f32 to vector<16xf32>
        %max3A_360 = arith.maximumf %add3A_357, %max3A_359 : vector<16xf32>
        %swap3A_361 = arith.index_cast %scan3A_280 : i32 to index
        %swap3A_362 = arith.constant 64 : index
        %swap3A_363 = tpu.vector_load %arg12[%swap3A_361, %swap3A_362] {strides = array<i32>} : memref<80x128xf32, #tpu.memory_space<vmem>>, vector<1x16xf32>,
        %swap3A_364 = vector.shape_cast %swap3A_363 : vector<1x16xf32> to vector<16xf32>
        %swap3A_365 = vector.shape_cast %max3A_360 : vector<16xf32> to vector<1x16xf32>
        tpu.vector_store %arg12[%swap3A_361, %swap3A_362], %swap3A_365 {strides = array<i32>} : memref<80x128xf32, #tpu.memory_space<vmem>>, vector<1x16xf32>,
        %get3A_366 = arith.index_cast %scan3A_280 : i32 to index
        %get3A_367 = arith.constant 80 : index
        %get3A_368 = tpu.vector_load %arg12[%get3A_366, %get3A_367] {strides = array<i32>} : memref<80x128xf32, #tpu.memory_space<vmem>>, vector<1x16xf32>,
        %get3A_369 = vector.shape_cast %get3A_368 : vector<1x16xf32> to vector<16xf32>
        %get3A_370 = arith.index_cast %scan3A_280 : i32 to index
        %get3A_371 = arith.constant 80 : index
        %get3A_372 = tpu.vector_load %arg14[%get3A_370, %get3A_371] {strides = array<i32>} : memref<80x128xf32, #tpu.memory_space<vmem>>, vector<1x16xf32>,
        %get3A_373 = vector.shape_cast %get3A_372 : vector<1x16xf32> to vector<16xf32>
        %add3A_374 = arith.addf %get3A_369, %get3A_373 : vector<16xf32>
        %max3A_375 = arith.constant 0.000000e+00 : f32
        %max3A_376 = vector.broadcast %max3A_375 : f32 to vector<16xf32>
        %max3A_377 = arith.maximumf %add3A_374, %max3A_376 : vector<16xf32>
        %swap3A_378 = arith.index_cast %scan3A_280 : i32 to index
        %swap3A_379 = arith.constant 80 : index
        %swap3A_380 = tpu.vector_load %arg12[%swap3A_378, %swap3A_379] {strides = array<i32>} : memref<80x128xf32, #tpu.memory_space<vmem>>, vector<1x16xf32>,
        %swap3A_381 = vector.shape_cast %swap3A_380 : vector<1x16xf32> to vector<16xf32>
        %swap3A_382 = vector.shape_cast %max3A_377 : vector<16xf32> to vector<1x16xf32>
        tpu.vector_store %arg12[%swap3A_378, %swap3A_379], %swap3A_382 {strides = array<i32>} : memref<80x128xf32, #tpu.memory_space<vmem>>, vector<1x16xf32>,
        %get3A_383 = arith.index_cast %scan3A_280 : i32 to index
        %get3A_384 = arith.constant 96 : index
        %get3A_385 = tpu.vector_load %arg12[%get3A_383, %get3A_384] {strides = array<i32>} : memref<80x128xf32, #tpu.memory_space<vmem>>, vector<1x16xf32>,
        %get3A_386 = vector.shape_cast %get3A_385 : vector<1x16xf32> to vector<16xf32>
        %get3A_387 = arith.index_cast %scan3A_280 : i32 to index
        %get3A_388 = arith.constant 96 : index
        %get3A_389 = tpu.vector_load %arg14[%get3A_387, %get3A_388] {strides = array<i32>} : memref<80x128xf32, #tpu.memory_space<vmem>>, vector<1x16xf32>,
        %get3A_390 = vector.shape_cast %get3A_389 : vector<1x16xf32> to vector<16xf32>
        %add3A_391 = arith.addf %get3A_386, %get3A_390 : vector<16xf32>
        %max3A_392 = arith.constant 0.000000e+00 : f32
        %max3A_393 = vector.broadcast %max3A_392 : f32 to vector<16xf32>
        %max3A_394 = arith.maximumf %add3A_391, %max3A_393 : vector<16xf32>
        %swap3A_395 = arith.index_cast %scan3A_280 : i32 to index
        %swap3A_396 = arith.constant 96 : index
        %swap3A_397 = tpu.vector_load %arg12[%swap3A_395, %swap3A_396] {strides = array<i32>} : memref<80x128xf32, #tpu.memory_space<vmem>>, vector<1x16xf32>,
        %swap3A_398 = vector.shape_cast %swap3A_397 : vector<1x16xf32> to vector<16xf32>
        %swap3A_399 = vector.shape_cast %max3A_394 : vector<16xf32> to vector<1x16xf32>
        tpu.vector_store %arg12[%swap3A_395, %swap3A_396], %swap3A_399 {strides = array<i32>} : memref<80x128xf32, #tpu.memory_space<vmem>>, vector<1x16xf32>,
        %get3A_400 = arith.index_cast %scan3A_280 : i32 to index
        %get3A_401 = arith.constant 112 : index
        %get3A_402 = tpu.vector_load %arg12[%get3A_400, %get3A_401] {strides = array<i32>} : memref<80x128xf32, #tpu.memory_space<vmem>>, vector<1x16xf32>,
        %get3A_403 = vector.shape_cast %get3A_402 : vector<1x16xf32> to vector<16xf32>
        %get3A_404 = arith.index_cast %scan3A_280 : i32 to index
        %get3A_405 = arith.constant 112 : index
        %get3A_406 = tpu.vector_load %arg14[%get3A_404, %get3A_405] {strides = array<i32>} : memref<80x128xf32, #tpu.memory_space<vmem>>, vector<1x16xf32>,
        %get3A_407 = vector.shape_cast %get3A_406 : vector<1x16xf32> to vector<16xf32>
        %add3A_408 = arith.addf %get3A_403, %get3A_407 : vector<16xf32>
        %max3A_409 = arith.constant 0.000000e+00 : f32
        %max3A_410 = vector.broadcast %max3A_409 : f32 to vector<16xf32>
        %max3A_411 = arith.maximumf %add3A_408, %max3A_410 : vector<16xf32>
        %swap3A_412 = arith.index_cast %scan3A_280 : i32 to index
        %swap3A_413 = arith.constant 112 : index
        %swap3A_414 = tpu.vector_load %arg12[%swap3A_412, %swap3A_413] {strides = array<i32>} : memref<80x128xf32, #tpu.memory_space<vmem>>, vector<1x16xf32>,
        %swap3A_415 = vector.shape_cast %swap3A_414 : vector<1x16xf32> to vector<16xf32>
        %swap3A_416 = vector.shape_cast %max3A_411 : vector<16xf32> to vector<1x16xf32>
        tpu.vector_store %arg12[%swap3A_412, %swap3A_413], %swap3A_416 {strides = array<i32>} : memref<80x128xf32, #tpu.memory_space<vmem>>, vector<1x16xf32>,
        %scan3A_417 = arith.constant 0 : i32
        scf.yield %scan3A_417 : i32
      }
      %scan3A_221 = arith.constant 80 : i32
      %get3A_222 = arith.constant 0 : index
      %get3A_223 = tpu.vector_load %arg10[%get3A_222] {strides = array<i32>} : memref<80xi32, #tpu.memory_space<vmem>>, vector<16xi32>,
      %get3A_224 = vector.shape_cast %get3A_223 : vector<16xi32> to vector<16xi32>
      %swap3A_225 = arith.constant 0 : index
      %swap3A_226 = tpu.vector_load %arg16[%swap3A_225] {strides = array<i32>} : memref<80xi32, #tpu.memory_space<vmem>>, vector<16xi32>,
      %swap3A_227 = vector.shape_cast %swap3A_226 : vector<16xi32> to vector<16xi32>
      %swap3A_228 = vector.shape_cast %get3A_224 : vector<16xi32> to vector<16xi32>
      tpu.vector_store %arg16[%swap3A_225], %swap3A_228 {strides = array<i32>} : memref<80xi32, #tpu.memory_space<vmem>>, vector<16xi32>,
      %get3A_229 = arith.constant 16 : index
      %get3A_230 = tpu.vector_load %arg10[%get3A_229] {strides = array<i32>} : memref<80xi32, #tpu.memory_space<vmem>>, vector<16xi32>,
      %get3A_231 = vector.shape_cast %get3A_230 : vector<16xi32> to vector<16xi32>
      %swap3A_232 = arith.constant 16 : index
      %swap3A_233 = tpu.vector_load %arg16[%swap3A_232] {strides = array<i32>} : memref<80xi32, #tpu.memory_space<vmem>>, vector<16xi32>,
      %swap3A_234 = vector.shape_cast %swap3A_233 : vector<16xi32> to vector<16xi32>
      %swap3A_235 = vector.shape_cast %get3A_231 : vector<16xi32> to vector<16xi32>
      tpu.vector_store %arg16[%swap3A_232], %swap3A_235 {strides = array<i32>} : memref<80xi32, #tpu.memory_space<vmem>>, vector<16xi32>,
      %get3A_236 = arith.constant 32 : index
      %get3A_237 = tpu.vector_load %arg10[%get3A_236] {strides = array<i32>} : memref<80xi32, #tpu.memory_space<vmem>>, vector<16xi32>,
      %get3A_238 = vector.shape_cast %get3A_237 : vector<16xi32> to vector<16xi32>
      %swap3A_239 = arith.constant 32 : index
      %swap3A_240 = tpu.vector_load %arg16[%swap3A_239] {strides = array<i32>} : memref<80xi32, #tpu.memory_space<vmem>>, vector<16xi32>,
      %swap3A_241 = vector.shape_cast %swap3A_240 : vector<16xi32> to vector<16xi32>
      %swap3A_242 = vector.shape_cast %get3A_238 : vector<16xi32> to vector<16xi32>
      tpu.vector_store %arg16[%swap3A_239], %swap3A_242 {strides = array<i32>} : memref<80xi32, #tpu.memory_space<vmem>>, vector<16xi32>,
      %get3A_243 = arith.constant 48 : index
      %get3A_244 = tpu.vector_load %arg10[%get3A_243] {strides = array<i32>} : memref<80xi32, #tpu.memory_space<vmem>>, vector<16xi32>,
      %get3A_245 = vector.shape_cast %get3A_244 : vector<16xi32> to vector<16xi32>
      %swap3A_246 = arith.constant 48 : index
      %swap3A_247 = tpu.vector_load %arg16[%swap3A_246] {strides = array<i32>} : memref<80xi32, #tpu.memory_space<vmem>>, vector<16xi32>,
      %swap3A_248 = vector.shape_cast %swap3A_247 : vector<16xi32> to vector<16xi32>
      %swap3A_249 = vector.shape_cast %get3A_245 : vector<16xi32> to vector<16xi32>
      tpu.vector_store %arg16[%swap3A_246], %swap3A_249 {strides = array<i32>} : memref<80xi32, #tpu.memory_space<vmem>>, vector<16xi32>,
      %get3A_250 = arith.constant 64 : index
      %get3A_251 = tpu.vector_load %arg10[%get3A_250] {strides = array<i32>} : memref<80xi32, #tpu.memory_space<vmem>>, vector<16xi32>,
      %get3A_252 = vector.shape_cast %get3A_251 : vector<16xi32> to vector<16xi32>
      %swap3A_253 = arith.constant 64 : index
      %swap3A_254 = tpu.vector_load %arg16[%swap3A_253] {strides = array<i32>} : memref<80xi32, #tpu.memory_space<vmem>>, vector<16xi32>,
      %swap3A_255 = vector.shape_cast %swap3A_254 : vector<16xi32> to vector<16xi32>
      %swap3A_256 = vector.shape_cast %get3A_252 : vector<16xi32> to vector<16xi32>
      tpu.vector_store %arg16[%swap3A_253], %swap3A_256 {strides = array<i32>} : memref<80xi32, #tpu.memory_space<vmem>>, vector<16xi32>,
      %dma_start3A_257 = arith.constant 0 : i32
      %dma_start3A_258 = arith.constant 0 : i32
      %dma_start3A_259 = tpu.memref_slice %arg18[%dma_start3A_257, %dma_start3A_258] : memref<10000x128xf32, #tpu.memory_space<vmem_shared>> -> memref<10000x128xf32, #tpu.memory_space<vmem_shared>>
      tpu.enqueue_indirect_dma source(%arg12 : memref<80x128xf32, #tpu.memory_space<vmem>>) target(%dma_start3A_259 : memref<10000x128xf32, #tpu.memory_space<vmem_shared>>) offsets(%arg16 : memref<80xi32, #tpu.memory_space<vmem>>) semaphore(%arg26 : memref<!tpu.dma_semaphore, #tpu.memory_space<semaphore_mem>>) {add = true}
      %add3A_260 = arith.constant 2 : i32
      %add3A_261 = arith.addi %add3A_205, %add3A_260 : i32
      %lt3A_262 = arith.constant 125 : i32
      %lt3A_263 = arith.cmpi slt, %add3A_261, %lt3A_262 : i32
      %convert_element_type3A_264 = arith.extui %lt3A_263 : i1 to i32
      %cond3A_265 = arith.constant 0 : i32
      %cond3A_266 = arith.cmpi ne, %convert_element_type3A_264, %cond3A_265 : i32
      scf.if %cond3A_266 {
        %add3A_280 = arith.constant 2 : i32
        %add3A_281 = arith.addi %add3A_205, %add3A_280 : i32
        %mul3A_282 = arith.constant 10000 : i32
        %mul3A_283 = arith.muli %add3A, %mul3A_282 : i32
        %mul3A_284 = arith.constant 80 : i32
        %mul3A_285 = arith.muli %add3A_281, %mul3A_284 : i32
        %add3A_286 = arith.addi %mul3A_283, %mul3A_285 : i32
        %dma_start3A_287 = tpu.memref_slice %arg4[%add3A_286] : memref<320000xi32, #tpu.memory_space<hbm>> -> memref<80xi32, #tpu.memory_space<hbm>>
        %dma_start3A_288 = tpu.memref_slice %arg4[%add3A_286] : memref<320000xi32, #tpu.memory_space<hbm>> -> memref<80xi32, #tpu.memory_space<hbm>>
        tpu.enqueue_dma source(%dma_start3A_288 : memref<80xi32, #tpu.memory_space<hbm>>) target(%arg8 : memref<80xi32, #tpu.memory_space<vmem>>) target_semaphore(%arg20 : memref<!tpu.dma_semaphore, #tpu.memory_space<semaphore_mem>>)
        %dma_start3A_289 = tpu.memref_slice %arg5[%add3A_286] : memref<320000xi32, #tpu.memory_space<hbm>> -> memref<80xi32, #tpu.memory_space<hbm>>
        %dma_start3A_290 = tpu.memref_slice %arg5[%add3A_286] : memref<320000xi32, #tpu.memory_space<hbm>> -> memref<80xi32, #tpu.memory_space<hbm>>
        tpu.enqueue_dma source(%dma_start3A_290 : memref<80xi32, #tpu.memory_space<hbm>>) target(%arg10 : memref<80xi32, #tpu.memory_space<vmem>>) target_semaphore(%arg20 : memref<!tpu.dma_semaphore, #tpu.memory_space<semaphore_mem>>)
        %dma_start3A_291 = arith.constant 0 : i32
        %dma_start3A_292 = tpu.memref_slice %arg3[%add3A_286, %dma_start3A_291] : memref<320000x128xf32, #tpu.memory_space<hbm>> -> memref<80x128xf32, #tpu.memory_space<hbm>>
        %dma_start3A_293 = arith.constant 0 : i32
        %dma_start3A_294 = tpu.memref_slice %arg3[%add3A_286, %dma_start3A_293] : memref<320000x128xf32, #tpu.memory_space<hbm>> -> memref<80x128xf32, #tpu.memory_space<hbm>>
        tpu.enqueue_dma source(%dma_start3A_294 : memref<80x128xf32, #tpu.memory_space<hbm>>) target(%arg14 : memref<80x128xf32, #tpu.memory_space<vmem>>) target_semaphore(%arg22 : memref<!tpu.dma_semaphore, #tpu.memory_space<semaphore_mem>>)
      } else {
      }
      %ge3A_267 = arith.constant 1 : i32
      %ge3A_268 = arith.cmpi sge, %add3A_205, %ge3A_267 : i32
      %convert_element_type3A_269 = arith.extui %ge3A_268 : i1 to i32
      %cond3A_270 = arith.constant 0 : i32
      %cond3A_271 = arith.cmpi ne, %convert_element_type3A_269, %cond3A_270 : i32
      scf.if %cond3A_271 {
        %dma_wait3A_280 = arith.constant 0 : i32
        %dma_wait3A_281 = arith.constant 0 : i32
        %dma_wait3A_282 = tpu.memref_slice %arg18[%dma_wait3A_280, %dma_wait3A_281] : memref<10000x128xf32, #tpu.memory_space<vmem_shared>> -> memref<10000x128xf32, #tpu.memory_space<vmem_shared>>
        tpu.wait_indirect_dma semaphore(%arg25 : memref<!tpu.dma_semaphore, #tpu.memory_space<semaphore_mem>>) src(%arg11 : memref<80x128xf32, #tpu.memory_space<vmem>>) dst(%dma_wait3A_282 : memref<10000x128xf32, #tpu.memory_space<vmem_shared>>)
      } else {
      }
      %add3A_272 = arith.constant 1 : i32
      %add3A_273 = arith.addi %add3A_205, %add3A_272 : i32
      %lt3A_274 = arith.constant 125 : i32
      %lt3A_275 = arith.cmpi slt, %add3A_273, %lt3A_274 : i32
      %convert_element_type3A_276 = arith.extui %lt3A_275 : i1 to i32
      %cond3A_277 = arith.constant 0 : i32
      %cond3A_278 = arith.cmpi ne, %convert_element_type3A_276, %cond3A_277 : i32
      scf.if %cond3A_278 {
        %dma_wait3A_280 = arith.constant 0 : i32
        %dma_wait3A_281 = tpu.memref_slice %arg4[%dma_wait3A_280] : memref<320000xi32, #tpu.memory_space<hbm>> -> memref<80xi32, #tpu.memory_space<hbm>>
        %dma_wait3A_282 = arith.constant 0 : i32
        %dma_wait3A_283 = tpu.memref_slice %arg4[%dma_wait3A_282] : memref<320000xi32, #tpu.memory_space<hbm>> -> memref<80xi32, #tpu.memory_space<hbm>>
        tpu.wait_dma2 semaphore(%arg19 : memref<!tpu.dma_semaphore, #tpu.memory_space<semaphore_mem>>) src(%dma_wait3A_283 : memref<80xi32, #tpu.memory_space<hbm>>) dst(%arg7 : memref<80xi32, #tpu.memory_space<vmem>>)
        %dma_wait3A_284 = arith.constant 0 : i32
        %dma_wait3A_285 = tpu.memref_slice %arg5[%dma_wait3A_284] : memref<320000xi32, #tpu.memory_space<hbm>> -> memref<80xi32, #tpu.memory_space<hbm>>
        %dma_wait3A_286 = arith.constant 0 : i32
        %dma_wait3A_287 = tpu.memref_slice %arg5[%dma_wait3A_286] : memref<320000xi32, #tpu.memory_space<hbm>> -> memref<80xi32, #tpu.memory_space<hbm>>
        tpu.wait_dma2 semaphore(%arg19 : memref<!tpu.dma_semaphore, #tpu.memory_space<semaphore_mem>>) src(%dma_wait3A_287 : memref<80xi32, #tpu.memory_space<hbm>>) dst(%arg9 : memref<80xi32, #tpu.memory_space<vmem>>)
        %dma_start3A_288 = arith.constant 0 : i32
        %dma_start3A_289 = arith.constant 0 : i32
        %dma_start3A_290 = tpu.memref_slice %arg2[%dma_start3A_288, %dma_start3A_289] : memref<10000x128xf32, #tpu.memory_space<hbm>> -> memref<10000x128xf32, #tpu.memory_space<hbm>>
        tpu.enqueue_indirect_dma source(%dma_start3A_290 : memref<10000x128xf32, #tpu.memory_space<hbm>>) target(%arg11 : memref<80x128xf32, #tpu.memory_space<vmem>>) offsets(%arg7 : memref<80xi32, #tpu.memory_space<vmem>>) semaphore(%arg23 : memref<!tpu.dma_semaphore, #tpu.memory_space<semaphore_mem>>)
      } else {
      }
      %scan3A_279 = arith.constant 0 : i32
      scf.yield %scan3A_279 : i32
    }
    %scan3A_56 = arith.constant 62 : i32
    %dma_wait3A_57 = arith.constant 0 : i32
    %dma_wait3A_58 = arith.constant 0 : i32
    %dma_wait3A_59 = tpu.memref_slice %arg2[%dma_wait3A_57, %dma_wait3A_58] : memref<10000x128xf32, #tpu.memory_space<hbm>> -> memref<10000x128xf32, #tpu.memory_space<hbm>>
    tpu.wait_indirect_dma semaphore(%arg23 : memref<!tpu.dma_semaphore, #tpu.memory_space<semaphore_mem>>) src(%dma_wait3A_59 : memref<10000x128xf32, #tpu.memory_space<hbm>>) dst(%arg11 : memref<80x128xf32, #tpu.memory_space<vmem>>)
    %dma_wait3A_60 = arith.constant 0 : i32
    %dma_wait3A_61 = arith.constant 0 : i32
    %dma_wait3A_62 = tpu.memref_slice %arg3[%dma_wait3A_60, %dma_wait3A_61] : memref<320000x128xf32, #tpu.memory_space<hbm>> -> memref<80x128xf32, #tpu.memory_space<hbm>>
    %dma_wait3A_63 = arith.constant 0 : i32
    %dma_wait3A_64 = arith.constant 0 : i32
    %dma_wait3A_65 = tpu.memref_slice %arg3[%dma_wait3A_63, %dma_wait3A_64] : memref<320000x128xf32, #tpu.memory_space<hbm>> -> memref<80x128xf32, #tpu.memory_space<hbm>>
    tpu.wait_dma2 semaphore(%arg21 : memref<!tpu.dma_semaphore, #tpu.memory_space<semaphore_mem>>) src(%dma_wait3A_65 : memref<80x128xf32, #tpu.memory_space<hbm>>) dst(%arg13 : memref<80x128xf32, #tpu.memory_space<vmem>>)
    %scan3A_66 = arith.constant 0 : i32
    %scan3A_67 = arith.constant 0 : i32
    %scan3A_68 = arith.constant 80 : i32
    %scan3A_69 = arith.addi %scan3A_67, %scan3A_68 : i32
    %scan3A_70 = arith.constant 1 : i32
    %scan3A_71 = scf.for %scan3A_125 = %scan3A_67 to %scan3A_69 step %scan3A_70 iter_args(%scan3A_126 = %scan3A_66) -> (i32)  : i32 {
      %get3A_127 = arith.index_cast %scan3A_125 : i32 to index
      %get3A_128 = arith.constant 0 : index
      %get3A_129 = tpu.vector_load %arg11[%get3A_127, %get3A_128] {strides = array<i32>} : memref<80x128xf32, #tpu.memory_space<vmem>>, vector<1x16xf32>,
      %get3A_130 = vector.shape_cast %get3A_129 : vector<1x16xf32> to vector<16xf32>
      %get3A_131 = arith.index_cast %scan3A_125 : i32 to index
      %get3A_132 = arith.constant 0 : index
      %get3A_133 = tpu.vector_load %arg13[%get3A_131, %get3A_132] {strides = array<i32>} : memref<80x128xf32, #tpu.memory_space<vmem>>, vector<1x16xf32>,
      %get3A_134 = vector.shape_cast %get3A_133 : vector<1x16xf32> to vector<16xf32>
      %add3A_135 = arith.addf %get3A_130, %get3A_134 : vector<16xf32>
      %max3A = arith.constant 0.000000e+00 : f32
      %max3A_136 = vector.broadcast %max3A : f32 to vector<16xf32>
      %max3A_137 = arith.maximumf %add3A_135, %max3A_136 : vector<16xf32>
      %swap3A_138 = arith.index_cast %scan3A_125 : i32 to index
      %swap3A_139 = arith.constant 0 : index
      %swap3A_140 = tpu.vector_load %arg11[%swap3A_138, %swap3A_139] {strides = array<i32>} : memref<80x128xf32, #tpu.memory_space<vmem>>, vector<1x16xf32>,
      %swap3A_141 = vector.shape_cast %swap3A_140 : vector<1x16xf32> to vector<16xf32>
      %swap3A_142 = vector.shape_cast %max3A_137 : vector<16xf32> to vector<1x16xf32>
      tpu.vector_store %arg11[%swap3A_138, %swap3A_139], %swap3A_142 {strides = array<i32>} : memref<80x128xf32, #tpu.memory_space<vmem>>, vector<1x16xf32>,
      %get3A_143 = arith.index_cast %scan3A_125 : i32 to index
      %get3A_144 = arith.constant 16 : index
      %get3A_145 = tpu.vector_load %arg11[%get3A_143, %get3A_144] {strides = array<i32>} : memref<80x128xf32, #tpu.memory_space<vmem>>, vector<1x16xf32>,
      %get3A_146 = vector.shape_cast %get3A_145 : vector<1x16xf32> to vector<16xf32>
      %get3A_147 = arith.index_cast %scan3A_125 : i32 to index
      %get3A_148 = arith.constant 16 : index
      %get3A_149 = tpu.vector_load %arg13[%get3A_147, %get3A_148] {strides = array<i32>} : memref<80x128xf32, #tpu.memory_space<vmem>>, vector<1x16xf32>,
      %get3A_150 = vector.shape_cast %get3A_149 : vector<1x16xf32> to vector<16xf32>
      %add3A_151 = arith.addf %get3A_146, %get3A_150 : vector<16xf32>
      %max3A_152 = arith.constant 0.000000e+00 : f32
      %max3A_153 = vector.broadcast %max3A_152 : f32 to vector<16xf32>
      %max3A_154 = arith.maximumf %add3A_151, %max3A_153 : vector<16xf32>
      %swap3A_155 = arith.index_cast %scan3A_125 : i32 to index
      %swap3A_156 = arith.constant 16 : index
      %swap3A_157 = tpu.vector_load %arg11[%swap3A_155, %swap3A_156] {strides = array<i32>} : memref<80x128xf32, #tpu.memory_space<vmem>>, vector<1x16xf32>,
      %swap3A_158 = vector.shape_cast %swap3A_157 : vector<1x16xf32> to vector<16xf32>
      %swap3A_159 = vector.shape_cast %max3A_154 : vector<16xf32> to vector<1x16xf32>
      tpu.vector_store %arg11[%swap3A_155, %swap3A_156], %swap3A_159 {strides = array<i32>} : memref<80x128xf32, #tpu.memory_space<vmem>>, vector<1x16xf32>,
      %get3A_160 = arith.index_cast %scan3A_125 : i32 to index
      %get3A_161 = arith.constant 32 : index
      %get3A_162 = tpu.vector_load %arg11[%get3A_160, %get3A_161] {strides = array<i32>} : memref<80x128xf32, #tpu.memory_space<vmem>>, vector<1x16xf32>,
      %get3A_163 = vector.shape_cast %get3A_162 : vector<1x16xf32> to vector<16xf32>
      %get3A_164 = arith.index_cast %scan3A_125 : i32 to index
      %get3A_165 = arith.constant 32 : index
      %get3A_166 = tpu.vector_load %arg13[%get3A_164, %get3A_165] {strides = array<i32>} : memref<80x128xf32, #tpu.memory_space<vmem>>, vector<1x16xf32>,
      %get3A_167 = vector.shape_cast %get3A_166 : vector<1x16xf32> to vector<16xf32>
      %add3A_168 = arith.addf %get3A_163, %get3A_167 : vector<16xf32>
      %max3A_169 = arith.constant 0.000000e+00 : f32
      %max3A_170 = vector.broadcast %max3A_169 : f32 to vector<16xf32>
      %max3A_171 = arith.maximumf %add3A_168, %max3A_170 : vector<16xf32>
      %swap3A_172 = arith.index_cast %scan3A_125 : i32 to index
      %swap3A_173 = arith.constant 32 : index
      %swap3A_174 = tpu.vector_load %arg11[%swap3A_172, %swap3A_173] {strides = array<i32>} : memref<80x128xf32, #tpu.memory_space<vmem>>, vector<1x16xf32>,
      %swap3A_175 = vector.shape_cast %swap3A_174 : vector<1x16xf32> to vector<16xf32>
      %swap3A_176 = vector.shape_cast %max3A_171 : vector<16xf32> to vector<1x16xf32>
      tpu.vector_store %arg11[%swap3A_172, %swap3A_173], %swap3A_176 {strides = array<i32>} : memref<80x128xf32, #tpu.memory_space<vmem>>, vector<1x16xf32>,
      %get3A_177 = arith.index_cast %scan3A_125 : i32 to index
      %get3A_178 = arith.constant 48 : index
      %get3A_179 = tpu.vector_load %arg11[%get3A_177, %get3A_178] {strides = array<i32>} : memref<80x128xf32, #tpu.memory_space<vmem>>, vector<1x16xf32>,
      %get3A_180 = vector.shape_cast %get3A_179 : vector<1x16xf32> to vector<16xf32>
      %get3A_181 = arith.index_cast %scan3A_125 : i32 to index
      %get3A_182 = arith.constant 48 : index
      %get3A_183 = tpu.vector_load %arg13[%get3A_181, %get3A_182] {strides = array<i32>} : memref<80x128xf32, #tpu.memory_space<vmem>>, vector<1x16xf32>,
      %get3A_184 = vector.shape_cast %get3A_183 : vector<1x16xf32> to vector<16xf32>
      %add3A_185 = arith.addf %get3A_180, %get3A_184 : vector<16xf32>
      %max3A_186 = arith.constant 0.000000e+00 : f32
      %max3A_187 = vector.broadcast %max3A_186 : f32 to vector<16xf32>
      %max3A_188 = arith.maximumf %add3A_185, %max3A_187 : vector<16xf32>
      %swap3A_189 = arith.index_cast %scan3A_125 : i32 to index
      %swap3A_190 = arith.constant 48 : index
      %swap3A_191 = tpu.vector_load %arg11[%swap3A_189, %swap3A_190] {strides = array<i32>} : memref<80x128xf32, #tpu.memory_space<vmem>>, vector<1x16xf32>,
      %swap3A_192 = vector.shape_cast %swap3A_191 : vector<1x16xf32> to vector<16xf32>
      %swap3A_193 = vector.shape_cast %max3A_188 : vector<16xf32> to vector<1x16xf32>
      tpu.vector_store %arg11[%swap3A_189, %swap3A_190], %swap3A_193 {strides = array<i32>} : memref<80x128xf32, #tpu.memory_space<vmem>>, vector<1x16xf32>,
      %get3A_194 = arith.index_cast %scan3A_125 : i32 to index
      %get3A_195 = arith.constant 64 : index
      %get3A_196 = tpu.vector_load %arg11[%get3A_194, %get3A_195] {strides = array<i32>} : memref<80x128xf32, #tpu.memory_space<vmem>>, vector<1x16xf32>,
      %get3A_197 = vector.shape_cast %get3A_196 : vector<1x16xf32> to vector<16xf32>
      %get3A_198 = arith.index_cast %scan3A_125 : i32 to index
      %get3A_199 = arith.constant 64 : index
      %get3A_200 = tpu.vector_load %arg13[%get3A_198, %get3A_199] {strides = array<i32>} : memref<80x128xf32, #tpu.memory_space<vmem>>, vector<1x16xf32>,
      %get3A_201 = vector.shape_cast %get3A_200 : vector<1x16xf32> to vector<16xf32>
      %add3A_202 = arith.addf %get3A_197, %get3A_201 : vector<16xf32>
      %max3A_203 = arith.constant 0.000000e+00 : f32
      %max3A_204 = vector.broadcast %max3A_203 : f32 to vector<16xf32>
      %max3A_205 = arith.maximumf %add3A_202, %max3A_204 : vector<16xf32>
      %swap3A_206 = arith.index_cast %scan3A_125 : i32 to index
      %swap3A_207 = arith.constant 64 : index
      %swap3A_208 = tpu.vector_load %arg11[%swap3A_206, %swap3A_207] {strides = array<i32>} : memref<80x128xf32, #tpu.memory_space<vmem>>, vector<1x16xf32>,
      %swap3A_209 = vector.shape_cast %swap3A_208 : vector<1x16xf32> to vector<16xf32>
      %swap3A_210 = vector.shape_cast %max3A_205 : vector<16xf32> to vector<1x16xf32>
      tpu.vector_store %arg11[%swap3A_206, %swap3A_207], %swap3A_210 {strides = array<i32>} : memref<80x128xf32, #tpu.memory_space<vmem>>, vector<1x16xf32>,
      %get3A_211 = arith.index_cast %scan3A_125 : i32 to index
      %get3A_212 = arith.constant 80 : index
      %get3A_213 = tpu.vector_load %arg11[%get3A_211, %get3A_212] {strides = array<i32>} : memref<80x128xf32, #tpu.memory_space<vmem>>, vector<1x16xf32>,
      %get3A_214 = vector.shape_cast %get3A_213 : vector<1x16xf32> to vector<16xf32>
      %get3A_215 = arith.index_cast %scan3A_125 : i32 to index
      %get3A_216 = arith.constant 80 : index
      %get3A_217 = tpu.vector_load %arg13[%get3A_215, %get3A_216] {strides = array<i32>} : memref<80x128xf32, #tpu.memory_space<vmem>>, vector<1x16xf32>,
      %get3A_218 = vector.shape_cast %get3A_217 : vector<1x16xf32> to vector<16xf32>
      %add3A_219 = arith.addf %get3A_214, %get3A_218 : vector<16xf32>
      %max3A_220 = arith.constant 0.000000e+00 : f32
      %max3A_221 = vector.broadcast %max3A_220 : f32 to vector<16xf32>
      %max3A_222 = arith.maximumf %add3A_219, %max3A_221 : vector<16xf32>
      %swap3A_223 = arith.index_cast %scan3A_125 : i32 to index
      %swap3A_224 = arith.constant 80 : index
      %swap3A_225 = tpu.vector_load %arg11[%swap3A_223, %swap3A_224] {strides = array<i32>} : memref<80x128xf32, #tpu.memory_space<vmem>>, vector<1x16xf32>,
      %swap3A_226 = vector.shape_cast %swap3A_225 : vector<1x16xf32> to vector<16xf32>
      %swap3A_227 = vector.shape_cast %max3A_222 : vector<16xf32> to vector<1x16xf32>
      tpu.vector_store %arg11[%swap3A_223, %swap3A_224], %swap3A_227 {strides = array<i32>} : memref<80x128xf32, #tpu.memory_space<vmem>>, vector<1x16xf32>,
      %get3A_228 = arith.index_cast %scan3A_125 : i32 to index
      %get3A_229 = arith.constant 96 : index
      %get3A_230 = tpu.vector_load %arg11[%get3A_228, %get3A_229] {strides = array<i32>} : memref<80x128xf32, #tpu.memory_space<vmem>>, vector<1x16xf32>,
      %get3A_231 = vector.shape_cast %get3A_230 : vector<1x16xf32> to vector<16xf32>
      %get3A_232 = arith.index_cast %scan3A_125 : i32 to index
      %get3A_233 = arith.constant 96 : index
      %get3A_234 = tpu.vector_load %arg13[%get3A_232, %get3A_233] {strides = array<i32>} : memref<80x128xf32, #tpu.memory_space<vmem>>, vector<1x16xf32>,
      %get3A_235 = vector.shape_cast %get3A_234 : vector<1x16xf32> to vector<16xf32>
      %add3A_236 = arith.addf %get3A_231, %get3A_235 : vector<16xf32>
      %max3A_237 = arith.constant 0.000000e+00 : f32
      %max3A_238 = vector.broadcast %max3A_237 : f32 to vector<16xf32>
      %max3A_239 = arith.maximumf %add3A_236, %max3A_238 : vector<16xf32>
      %swap3A_240 = arith.index_cast %scan3A_125 : i32 to index
      %swap3A_241 = arith.constant 96 : index
      %swap3A_242 = tpu.vector_load %arg11[%swap3A_240, %swap3A_241] {strides = array<i32>} : memref<80x128xf32, #tpu.memory_space<vmem>>, vector<1x16xf32>,
      %swap3A_243 = vector.shape_cast %swap3A_242 : vector<1x16xf32> to vector<16xf32>
      %swap3A_244 = vector.shape_cast %max3A_239 : vector<16xf32> to vector<1x16xf32>
      tpu.vector_store %arg11[%swap3A_240, %swap3A_241], %swap3A_244 {strides = array<i32>} : memref<80x128xf32, #tpu.memory_space<vmem>>, vector<1x16xf32>,
      %get3A_245 = arith.index_cast %scan3A_125 : i32 to index
      %get3A_246 = arith.constant 112 : index
      %get3A_247 = tpu.vector_load %arg11[%get3A_245, %get3A_246] {strides = array<i32>} : memref<80x128xf32, #tpu.memory_space<vmem>>, vector<1x16xf32>,
      %get3A_248 = vector.shape_cast %get3A_247 : vector<1x16xf32> to vector<16xf32>
      %get3A_249 = arith.index_cast %scan3A_125 : i32 to index
      %get3A_250 = arith.constant 112 : index
      %get3A_251 = tpu.vector_load %arg13[%get3A_249, %get3A_250] {strides = array<i32>} : memref<80x128xf32, #tpu.memory_space<vmem>>, vector<1x16xf32>,
      %get3A_252 = vector.shape_cast %get3A_251 : vector<1x16xf32> to vector<16xf32>
      %add3A_253 = arith.addf %get3A_248, %get3A_252 : vector<16xf32>
      %max3A_254 = arith.constant 0.000000e+00 : f32
      %max3A_255 = vector.broadcast %max3A_254 : f32 to vector<16xf32>
      %max3A_256 = arith.maximumf %add3A_253, %max3A_255 : vector<16xf32>
      %swap3A_257 = arith.index_cast %scan3A_125 : i32 to index
      %swap3A_258 = arith.constant 112 : index
      %swap3A_259 = tpu.vector_load %arg11[%swap3A_257, %swap3A_258] {strides = array<i32>} : memref<80x128xf32, #tpu.memory_space<vmem>>, vector<1x16xf32>,
      %swap3A_260 = vector.shape_cast %swap3A_259 : vector<1x16xf32> to vector<16xf32>
      %swap3A_261 = vector.shape_cast %max3A_256 : vector<16xf32> to vector<1x16xf32>
      tpu.vector_store %arg11[%swap3A_257, %swap3A_258], %swap3A_261 {strides = array<i32>} : memref<80x128xf32, #tpu.memory_space<vmem>>, vector<1x16xf32>,
      %scan3A_262 = arith.constant 0 : i32
      scf.yield %scan3A_262 : i32
    }
    %scan3A_72 = arith.constant 80 : i32
    %get3A = arith.constant 0 : index
    %get3A_73 = tpu.vector_load %arg9[%get3A] {strides = array<i32>} : memref<80xi32, #tpu.memory_space<vmem>>, vector<16xi32>,
    %get3A_74 = vector.shape_cast %get3A_73 : vector<16xi32> to vector<16xi32>
    %swap3A = arith.constant 0 : index
    %swap3A_75 = tpu.vector_load %arg15[%swap3A] {strides = array<i32>} : memref<80xi32, #tpu.memory_space<vmem>>, vector<16xi32>,
    %swap3A_76 = vector.shape_cast %swap3A_75 : vector<16xi32> to vector<16xi32>
    %swap3A_77 = vector.shape_cast %get3A_74 : vector<16xi32> to vector<16xi32>
    tpu.vector_store %arg15[%swap3A], %swap3A_77 {strides = array<i32>} : memref<80xi32, #tpu.memory_space<vmem>>, vector<16xi32>,
    %get3A_78 = arith.constant 16 : index
    %get3A_79 = tpu.vector_load %arg9[%get3A_78] {strides = array<i32>} : memref<80xi32, #tpu.memory_space<vmem>>, vector<16xi32>,
    %get3A_80 = vector.shape_cast %get3A_79 : vector<16xi32> to vector<16xi32>
    %swap3A_81 = arith.constant 16 : index
    %swap3A_82 = tpu.vector_load %arg15[%swap3A_81] {strides = array<i32>} : memref<80xi32, #tpu.memory_space<vmem>>, vector<16xi32>,
    %swap3A_83 = vector.shape_cast %swap3A_82 : vector<16xi32> to vector<16xi32>
    %swap3A_84 = vector.shape_cast %get3A_80 : vector<16xi32> to vector<16xi32>
    tpu.vector_store %arg15[%swap3A_81], %swap3A_84 {strides = array<i32>} : memref<80xi32, #tpu.memory_space<vmem>>, vector<16xi32>,
    %get3A_85 = arith.constant 32 : index
    %get3A_86 = tpu.vector_load %arg9[%get3A_85] {strides = array<i32>} : memref<80xi32, #tpu.memory_space<vmem>>, vector<16xi32>,
    %get3A_87 = vector.shape_cast %get3A_86 : vector<16xi32> to vector<16xi32>
    %swap3A_88 = arith.constant 32 : index
    %swap3A_89 = tpu.vector_load %arg15[%swap3A_88] {strides = array<i32>} : memref<80xi32, #tpu.memory_space<vmem>>, vector<16xi32>,
    %swap3A_90 = vector.shape_cast %swap3A_89 : vector<16xi32> to vector<16xi32>
    %swap3A_91 = vector.shape_cast %get3A_87 : vector<16xi32> to vector<16xi32>
    tpu.vector_store %arg15[%swap3A_88], %swap3A_91 {strides = array<i32>} : memref<80xi32, #tpu.memory_space<vmem>>, vector<16xi32>,
    %get3A_92 = arith.constant 48 : index
    %get3A_93 = tpu.vector_load %arg9[%get3A_92] {strides = array<i32>} : memref<80xi32, #tpu.memory_space<vmem>>, vector<16xi32>,
    %get3A_94 = vector.shape_cast %get3A_93 : vector<16xi32> to vector<16xi32>
    %swap3A_95 = arith.constant 48 : index
    %swap3A_96 = tpu.vector_load %arg15[%swap3A_95] {strides = array<i32>} : memref<80xi32, #tpu.memory_space<vmem>>, vector<16xi32>,
    %swap3A_97 = vector.shape_cast %swap3A_96 : vector<16xi32> to vector<16xi32>
    %swap3A_98 = vector.shape_cast %get3A_94 : vector<16xi32> to vector<16xi32>
    tpu.vector_store %arg15[%swap3A_95], %swap3A_98 {strides = array<i32>} : memref<80xi32, #tpu.memory_space<vmem>>, vector<16xi32>,
    %get3A_99 = arith.constant 64 : index
    %get3A_100 = tpu.vector_load %arg9[%get3A_99] {strides = array<i32>} : memref<80xi32, #tpu.memory_space<vmem>>, vector<16xi32>,
    %get3A_101 = vector.shape_cast %get3A_100 : vector<16xi32> to vector<16xi32>
    %swap3A_102 = arith.constant 64 : index
    %swap3A_103 = tpu.vector_load %arg15[%swap3A_102] {strides = array<i32>} : memref<80xi32, #tpu.memory_space<vmem>>, vector<16xi32>,
    %swap3A_104 = vector.shape_cast %swap3A_103 : vector<16xi32> to vector<16xi32>
    %swap3A_105 = vector.shape_cast %get3A_101 : vector<16xi32> to vector<16xi32>
    tpu.vector_store %arg15[%swap3A_102], %swap3A_105 {strides = array<i32>} : memref<80xi32, #tpu.memory_space<vmem>>, vector<16xi32>,
    %dma_start3A_106 = arith.constant 0 : i32
    %dma_start3A_107 = arith.constant 0 : i32
    %dma_start3A_108 = tpu.memref_slice %arg18[%dma_start3A_106, %dma_start3A_107] : memref<10000x128xf32, #tpu.memory_space<vmem_shared>> -> memref<10000x128xf32, #tpu.memory_space<vmem_shared>>
    tpu.enqueue_indirect_dma source(%arg11 : memref<80x128xf32, #tpu.memory_space<vmem>>) target(%dma_start3A_108 : memref<10000x128xf32, #tpu.memory_space<vmem_shared>>) offsets(%arg15 : memref<80xi32, #tpu.memory_space<vmem>>) semaphore(%arg25 : memref<!tpu.dma_semaphore, #tpu.memory_space<semaphore_mem>>) {add = true}
    %dma_wait3A_109 = arith.constant 0 : i32
    %dma_wait3A_110 = arith.constant 0 : i32
    %dma_wait3A_111 = tpu.memref_slice %arg18[%dma_wait3A_109, %dma_wait3A_110] : memref<10000x128xf32, #tpu.memory_space<vmem_shared>> -> memref<10000x128xf32, #tpu.memory_space<vmem_shared>>
    tpu.wait_indirect_dma semaphore(%arg26 : memref<!tpu.dma_semaphore, #tpu.memory_space<semaphore_mem>>) src(%arg12 : memref<80x128xf32, #tpu.memory_space<vmem>>) dst(%dma_wait3A_111 : memref<10000x128xf32, #tpu.memory_space<vmem_shared>>)
    %dma_wait3A_112 = arith.constant 0 : i32
    %dma_wait3A_113 = arith.constant 0 : i32
    %dma_wait3A_114 = tpu.memref_slice %arg18[%dma_wait3A_112, %dma_wait3A_113] : memref<10000x128xf32, #tpu.memory_space<vmem_shared>> -> memref<10000x128xf32, #tpu.memory_space<vmem_shared>>
    tpu.wait_indirect_dma semaphore(%arg25 : memref<!tpu.dma_semaphore, #tpu.memory_space<semaphore_mem>>) src(%arg11 : memref<80x128xf32, #tpu.memory_space<vmem>>) dst(%dma_wait3A_114 : memref<10000x128xf32, #tpu.memory_space<vmem_shared>>)
    %barrier3A_115 = arith.constant 0 : index
    tpu.barrier barrier_id(%barrier3A_115)
    %mul3A_116 = arith.constant 624 : i32
    %mul3A_117 = arith.muli %arg1, %mul3A_116 : i32
    %mul3A_118 = arith.constant 624 : i32
    %mul3A_119 = arith.muli %arg1, %mul3A_118 : i32
    "tpu.region"() ({
      %run_scoped3A = tpu.sem_alloc : memref<!tpu.dma_semaphore, #tpu.memory_space<semaphore_mem>>
      %dma_start3A_125 = arith.constant 0 : i32
      %dma_start3A_126 = tpu.memref_slice %arg6[%arg0, %mul3A_119, %dma_start3A_125] : memref<2x10000x128xf32, #tpu.memory_space<hbm>> -> memref<1x624x128xf32, #tpu.memory_space<hbm>>
      %dma_start3A_127 = tpu.memref_squeeze %dma_start3A_126 : memref<1x624x128xf32, #tpu.memory_space<hbm>> -> memref<624x128xf32, #tpu.memory_space<hbm>>
      %dma_start3A_128 = arith.constant 0 : i32
      %dma_start3A_129 = tpu.memref_slice %arg18[%mul3A_117, %dma_start3A_128] : memref<10000x128xf32, #tpu.memory_space<vmem_shared>> -> memref<624x128xf32, #tpu.memory_space<vmem_shared>>
      tpu.enqueue_dma source(%dma_start3A_129 : memref<624x128xf32, #tpu.memory_space<vmem_shared>>) target(%dma_start3A_127 : memref<624x128xf32, #tpu.memory_space<hbm>>) target_semaphore(%run_scoped3A : memref<!tpu.dma_semaphore, #tpu.memory_space<semaphore_mem>>)
      %dma_wait3A_130 = arith.constant 0 : i32
      %dma_wait3A_131 = tpu.memref_slice %arg6[%arg0, %mul3A_119, %dma_wait3A_130] : memref<2x10000x128xf32, #tpu.memory_space<hbm>> -> memref<1x624x128xf32, #tpu.memory_space<hbm>>
      %dma_wait3A_132 = tpu.memref_squeeze %dma_wait3A_131 : memref<1x624x128xf32, #tpu.memory_space<hbm>> -> memref<624x128xf32, #tpu.memory_space<hbm>>
      %dma_wait3A_133 = arith.constant 0 : i32
      %dma_wait3A_134 = tpu.memref_slice %arg18[%mul3A_117, %dma_wait3A_133] : memref<10000x128xf32, #tpu.memory_space<vmem_shared>> -> memref<624x128xf32, #tpu.memory_space<vmem_shared>>
      tpu.wait_dma2 semaphore(%run_scoped3A : memref<!tpu.dma_semaphore, #tpu.memory_space<semaphore_mem>>) src(%dma_wait3A_134 : memref<624x128xf32, #tpu.memory_space<vmem_shared>>) dst(%dma_wait3A_132 : memref<624x128xf32, #tpu.memory_space<hbm>>)
      tpu.yield
    }) : () -> ()
    %eq3A_120 = arith.constant 15 : i32
    %eq3A_121 = arith.cmpi eq, %arg1, %eq3A_120 : i32
    %convert_element_type3A_122 = arith.extui %eq3A_121 : i1 to i32
    %cond3A_123 = arith.constant 0 : i32
    %cond3A_124 = arith.cmpi ne, %convert_element_type3A_122, %cond3A_123 : i32
    scf.if %cond3A_124 {
      "tpu.region"() ({
        %run_scoped3A = tpu.sem_alloc : memref<!tpu.dma_semaphore, #tpu.memory_space<semaphore_mem>>
        %dma_start3A_125 = arith.constant 9984 : i32
        %dma_start3A_126 = arith.constant 0 : i32
        %dma_start3A_127 = tpu.memref_slice %arg6[%arg0, %dma_start3A_125, %dma_start3A_126] : memref<2x10000x128xf32, #tpu.memory_space<hbm>> -> memref<1x16x128xf32, #tpu.memory_space<hbm>>
        %dma_start3A_128 = tpu.memref_squeeze %dma_start3A_127 : memref<1x16x128xf32, #tpu.memory_space<hbm>> -> memref<16x128xf32, #tpu.memory_space<hbm>>
        %dma_start3A_129 = arith.constant 9984 : i32
        %dma_start3A_130 = arith.constant 0 : i32
        %dma_start3A_131 = tpu.memref_slice %arg18[%dma_start3A_129, %dma_start3A_130] : memref<10000x128xf32, #tpu.memory_space<vmem_shared>> -> memref<16x128xf32, #tpu.memory_space<vmem_shared>>
        tpu.enqueue_dma source(%dma_start3A_131 : memref<16x128xf32, #tpu.memory_space<vmem_shared>>) target(%dma_start3A_128 : memref<16x128xf32, #tpu.memory_space<hbm>>) target_semaphore(%run_scoped3A : memref<!tpu.dma_semaphore, #tpu.memory_space<semaphore_mem>>)
        %dma_wait3A_132 = arith.constant 9984 : i32
        %dma_wait3A_133 = arith.constant 0 : i32
        %dma_wait3A_134 = tpu.memref_slice %arg6[%arg0, %dma_wait3A_132, %dma_wait3A_133] : memref<2x10000x128xf32, #tpu.memory_space<hbm>> -> memref<1x16x128xf32, #tpu.memory_space<hbm>>
        %dma_wait3A_135 = tpu.memref_squeeze %dma_wait3A_134 : memref<1x16x128xf32, #tpu.memory_space<hbm>> -> memref<16x128xf32, #tpu.memory_space<hbm>>
        %dma_wait3A_136 = arith.constant 9984 : i32
        %dma_wait3A_137 = arith.constant 0 : i32
        %dma_wait3A_138 = tpu.memref_slice %arg18[%dma_wait3A_136, %dma_wait3A_137] : memref<10000x128xf32, #tpu.memory_space<vmem_shared>> -> memref<16x128xf32, #tpu.memory_space<vmem_shared>>
        tpu.wait_dma2 semaphore(%run_scoped3A : memref<!tpu.dma_semaphore, #tpu.memory_space<semaphore_mem>>) src(%dma_wait3A_138 : memref<16x128xf32, #tpu.memory_space<vmem_shared>>) dst(%dma_wait3A_135 : memref<16x128xf32, #tpu.memory_space<hbm>>)
        tpu.yield
      }) : () -> ()
    } else {
    }
    return
  }
}

#map = affine_map<(d0, d1) -> (0, 0)>
#map1 = affine_map<(d0, d1) -> (0)>
#map2 = affine_map<(d0, d1) -> (0, 0, 0)>
module attributes {stable_mosaic.version = 14 : i64} {
  func.func @body(%arg0: i32, %arg1: i32, %arg2: memref<10000x128xf32, #tpu.memory_space<hbm>>, %arg3: memref<320000x128xf32, #tpu.memory_space<hbm>>, %arg4: memref<320000xi32, #tpu.memory_space<hbm>>, %arg5: memref<320000xi32, #tpu.memory_space<hbm>>, %arg6: memref<2x10000x128xf32, #tpu.memory_space<hbm>>, %arg7: memref<80xi32, #tpu.memory_space<vmem>>, %arg8: memref<80xi32, #tpu.memory_space<vmem>>, %arg9: memref<80xi32, #tpu.memory_space<vmem>>, %arg10: memref<80xi32, #tpu.memory_space<vmem>>, %arg11: memref<80x128xf32, #tpu.memory_space<vmem>>, %arg12: memref<80x128xf32, #tpu.memory_space<vmem>>, %arg13: memref<80x128xf32, #tpu.memory_space<vmem>>, %arg14: memref<80x128xf32, #tpu.memory_space<vmem>>, %arg15: memref<80xi32, #tpu.memory_space<vmem>>, %arg16: memref<80xi32, #tpu.memory_space<vmem>>, %arg17: memref<16x128xf32, #tpu.memory_space<vmem>>, %arg18: memref<10000x128xf32, #tpu.memory_space<vmem_shared>>, %arg19: memref<!tpu.dma_semaphore, #tpu.memory_space<semaphore_mem>>, %arg20: memref<!tpu.dma_semaphore, #tpu.memory_space<semaphore_mem>>, %arg21: memref<!tpu.dma_semaphore, #tpu.memory_space<semaphore_mem>>, %arg22: memref<!tpu.dma_semaphore, #tpu.memory_space<semaphore_mem>>, %arg23: memref<!tpu.dma_semaphore, #tpu.memory_space<semaphore_mem>>, %arg24: memref<!tpu.dma_semaphore, #tpu.memory_space<semaphore_mem>>, %arg25: memref<!tpu.dma_semaphore, #tpu.memory_space<semaphore_mem>>, %arg26: memref<!tpu.dma_semaphore, #tpu.memory_space<semaphore_mem>>) attributes {dimension_semantics = [#tpu.dimension_semantics<core_parallel>, #tpu.dimension_semantics<subcore_parallel>], iteration_bounds = array<i64: 2, 16>, scalar_prefetch = 0 : i64, scratch_operands = 20 : i64, tpu.core_type = #tpu.core_type<sc_vector_subcore>, window_params = [{transform_indices = #map}, {transform_indices = #map}, {transform_indices = #map1}, {transform_indices = #map1}, {transform_indices = #map2}]} {
    %mul3A = arith.constant 2 : i32
    %mul3A_0 = arith.muli %arg1, %mul3A : i32
    %add3A = arith.addi %mul3A_0, %arg0 : i32
    %mul3A_1 = arith.constant 10000 : i32
    %mul3A_2 = arith.muli %add3A, %mul3A_1 : i32
    %add3A_3 = arith.constant 0 : i32
    %add3A_4 = arith.addi %mul3A_2, %add3A_3 : i32
    %dma_start3A = tpu.memref_slice %arg4[%add3A_4] : memref<320000xi32, #tpu.memory_space<hbm>> -> memref<80xi32, #tpu.memory_space<hbm>>
    %dma_start3A_5 = tpu.memref_slice %arg4[%add3A_4] : memref<320000xi32, #tpu.memory_space<hbm>> -> memref<80xi32, #tpu.memory_space<hbm>>
    tpu.enqueue_dma source(%dma_start3A_5 : memref<80xi32, #tpu.memory_space<hbm>>) target(%arg7 : memref<80xi32, #tpu.memory_space<vmem>>) target_semaphore(%arg19 : memref<!tpu.dma_semaphore, #tpu.memory_space<semaphore_mem>>)
    %dma_start3A_6 = tpu.memref_slice %arg5[%add3A_4] : memref<320000xi32, #tpu.memory_space<hbm>> -> memref<80xi32, #tpu.memory_space<hbm>>
    %dma_start3A_7 = tpu.memref_slice %arg5[%add3A_4] : memref<320000xi32, #tpu.memory_space<hbm>> -> memref<80xi32, #tpu.memory_space<hbm>>
    tpu.enqueue_dma source(%dma_start3A_7 : memref<80xi32, #tpu.memory_space<hbm>>) target(%arg9 : memref<80xi32, #tpu.memory_space<vmem>>) target_semaphore(%arg19 : memref<!tpu.dma_semaphore, #tpu.memory_space<semaphore_mem>>)
    %dma_start3A_8 = arith.constant 0 : i32
    %dma_start3A_9 = tpu.memref_slice %arg3[%add3A_4, %dma_start3A_8] : memref<320000x128xf32, #tpu.memory_space<hbm>> -> memref<80x128xf32, #tpu.memory_space<hbm>>
    %dma_start3A_10 = arith.constant 0 : i32
    %dma_start3A_11 = tpu.memref_slice %arg3[%add3A_4, %dma_start3A_10] : memref<320000x128xf32, #tpu.memory_space<hbm>> -> memref<80x128xf32, #tpu.memory_space<hbm>>
    tpu.enqueue_dma source(%dma_start3A_11 : memref<80x128xf32, #tpu.memory_space<hbm>>) target(%arg13 : memref<80x128xf32, #tpu.memory_space<vmem>>) target_semaphore(%arg21 : memref<!tpu.dma_semaphore, #tpu.memory_space<semaphore_mem>>)
    %mul3A_12 = arith.constant 10000 : i32
    %mul3A_13 = arith.muli %add3A, %mul3A_12 : i32
    %add3A_14 = arith.constant 80 : i32
    %add3A_15 = arith.addi %mul3A_13, %add3A_14 : i32
    %dma_start3A_16 = tpu.memref_slice %arg4[%add3A_15] : memref<320000xi32, #tpu.memory_space<hbm>> -> memref<80xi32, #tpu.memory_space<hbm>>
    %dma_start3A_17 = tpu.memref_slice %arg4[%add3A_15] : memref<320000xi32, #tpu.memory_space<hbm>> -> memref<80xi32, #tpu.memory_space<hbm>>
    tpu.enqueue_dma source(%dma_start3A_17 : memref<80xi32, #tpu.memory_space<hbm>>) target(%arg8 : memref<80xi32, #tpu.memory_space<vmem>>) target_semaphore(%arg20 : memref<!tpu.dma_semaphore, #tpu.memory_space<semaphore_mem>>)
    %dma_start3A_18 = tpu.memref_slice %arg5[%add3A_15] : memref<320000xi32, #tpu.memory_space<hbm>> -> memref<80xi32, #tpu.memory_space<hbm>>
    %dma_start3A_19 = tpu.memref_slice %arg5[%add3A_15] : memref<320000xi32, #tpu.memory_space<hbm>> -> memref<80xi32, #tpu.memory_space<hbm>>
    tpu.enqueue_dma source(%dma_start3A_19 : memref<80xi32, #tpu.memory_space<hbm>>) target(%arg10 : memref<80xi32, #tpu.memory_space<vmem>>) target_semaphore(%arg20 : memref<!tpu.dma_semaphore, #tpu.memory_space<semaphore_mem>>)
    %dma_start3A_20 = arith.constant 0 : i32
    %dma_start3A_21 = tpu.memref_slice %arg3[%add3A_15, %dma_start3A_20] : memref<320000x128xf32, #tpu.memory_space<hbm>> -> memref<80x128xf32, #tpu.memory_space<hbm>>
    %dma_start3A_22 = arith.constant 0 : i32
    %dma_start3A_23 = tpu.memref_slice %arg3[%add3A_15, %dma_start3A_22] : memref<320000x128xf32, #tpu.memory_space<hbm>> -> memref<80x128xf32, #tpu.memory_space<hbm>>
    tpu.enqueue_dma source(%dma_start3A_23 : memref<80x128xf32, #tpu.memory_space<hbm>>) target(%arg14 : memref<80x128xf32, #tpu.memory_space<vmem>>) target_semaphore(%arg22 : memref<!tpu.dma_semaphore, #tpu.memory_space<semaphore_mem>>)
    %broadcast_in_dim3A = arith.constant 0.000000e+00 : f32
    %broadcast_in_dim3A_24 = vector.broadcast %broadcast_in_dim3A : f32 to vector<16xf32>
    %scan3A = arith.constant 0 : i32
    %scan3A_25 = arith.constant 0 : i32
    %scan3A_26 = arith.constant 16 : i32
    %scan3A_27 = arith.addi %scan3A_25, %scan3A_26 : i32
    %scan3A_28 = arith.constant 1 : i32
    %scan3A_29 = scf.for %scan3A_125 = %scan3A_25 to %scan3A_27 step %scan3A_28 iter_args(%scan3A_126 = %scan3A) -> (i32)  : i32 {
      %swap3A_127 = arith.index_cast %scan3A_125 : i32 to index
      %swap3A_128 = arith.constant 0 : index
      %swap3A_129 = tpu.vector_load %arg17[%swap3A_127, %swap3A_128] {strides = array<i32>} : memref<16x128xf32, #tpu.memory_space<vmem>>, vector<1x16xf32>,
      %swap3A_130 = vector.shape_cast %swap3A_129 : vector<1x16xf32> to vector<16xf32>
      %swap3A_131 = vector.shape_cast %broadcast_in_dim3A_24 : vector<16xf32> to vector<1x16xf32>
      tpu.vector_store %arg17[%swap3A_127, %swap3A_128], %swap3A_131 {strides = array<i32>} : memref<16x128xf32, #tpu.memory_space<vmem>>, vector<1x16xf32>,
      %swap3A_132 = arith.index_cast %scan3A_125 : i32 to index
      %swap3A_133 = arith.constant 16 : index
      %swap3A_134 = tpu.vector_load %arg17[%swap3A_132, %swap3A_133] {strides = array<i32>} : memref<16x128xf32, #tpu.memory_space<vmem>>, vector<1x16xf32>,
      %swap3A_135 = vector.shape_cast %swap3A_134 : vector<1x16xf32> to vector<16xf32>
      %swap3A_136 = vector.shape_cast %broadcast_in_dim3A_24 : vector<16xf32> to vector<1x16xf32>
      tpu.vector_store %arg17[%swap3A_132, %swap3A_133], %swap3A_136 {strides = array<i32>} : memref<16x128xf32, #tpu.memory_space<vmem>>, vector<1x16xf32>,
      %swap3A_137 = arith.index_cast %scan3A_125 : i32 to index
      %swap3A_138 = arith.constant 32 : index
      %swap3A_139 = tpu.vector_load %arg17[%swap3A_137, %swap3A_138] {strides = array<i32>} : memref<16x128xf32, #tpu.memory_space<vmem>>, vector<1x16xf32>,
      %swap3A_140 = vector.shape_cast %swap3A_139 : vector<1x16xf32> to vector<16xf32>
      %swap3A_141 = vector.shape_cast %broadcast_in_dim3A_24 : vector<16xf32> to vector<1x16xf32>
      tpu.vector_store %arg17[%swap3A_137, %swap3A_138], %swap3A_141 {strides = array<i32>} : memref<16x128xf32, #tpu.memory_space<vmem>>, vector<1x16xf32>,
      %swap3A_142 = arith.index_cast %scan3A_125 : i32 to index
      %swap3A_143 = arith.constant 48 : index
      %swap3A_144 = tpu.vector_load %arg17[%swap3A_142, %swap3A_143] {strides = array<i32>} : memref<16x128xf32, #tpu.memory_space<vmem>>, vector<1x16xf32>,
      %swap3A_145 = vector.shape_cast %swap3A_144 : vector<1x16xf32> to vector<16xf32>
      %swap3A_146 = vector.shape_cast %broadcast_in_dim3A_24 : vector<16xf32> to vector<1x16xf32>
      tpu.vector_store %arg17[%swap3A_142, %swap3A_143], %swap3A_146 {strides = array<i32>} : memref<16x128xf32, #tpu.memory_space<vmem>>, vector<1x16xf32>,
      %swap3A_147 = arith.index_cast %scan3A_125 : i32 to index
      %swap3A_148 = arith.constant 64 : index
      %swap3A_149 = tpu.vector_load %arg17[%swap3A_147, %swap3A_148] {strides = array<i32>} : memref<16x128xf32, #tpu.memory_space<vmem>>, vector<1x16xf32>,
      %swap3A_150 = vector.shape_cast %swap3A_149 : vector<1x16xf32> to vector<16xf32>
      %swap3A_151 = vector.shape_cast %broadcast_in_dim3A_24 : vector<16xf32> to vector<1x16xf32>
      tpu.vector_store %arg17[%swap3A_147, %swap3A_148], %swap3A_151 {strides = array<i32>} : memref<16x128xf32, #tpu.memory_space<vmem>>, vector<1x16xf32>,
      %swap3A_152 = arith.index_cast %scan3A_125 : i32 to index
      %swap3A_153 = arith.constant 80 : index
      %swap3A_154 = tpu.vector_load %arg17[%swap3A_152, %swap3A_153] {strides = array<i32>} : memref<16x128xf32, #tpu.memory_space<vmem>>, vector<1x16xf32>,
      %swap3A_155 = vector.shape_cast %swap3A_154 : vector<1x16xf32> to vector<16xf32>
      %swap3A_156 = vector.shape_cast %broadcast_in_dim3A_24 : vector<16xf32> to vector<1x16xf32>
      tpu.vector_store %arg17[%swap3A_152, %swap3A_153], %swap3A_156 {strides = array<i32>} : memref<16x128xf32, #tpu.memory_space<vmem>>, vector<1x16xf32>,
      %swap3A_157 = arith.index_cast %scan3A_125 : i32 to index
      %swap3A_158 = arith.constant 96 : index
      %swap3A_159 = tpu.vector_load %arg17[%swap3A_157, %swap3A_158] {strides = array<i32>} : memref<16x128xf32, #tpu.memory_space<vmem>>, vector<1x16xf32>,
      %swap3A_160 = vector.shape_cast %swap3A_159 : vector<1x16xf32> to vector<16xf32>
      %swap3A_161 = vector.shape_cast %broadcast_in_dim3A_24 : vector<16xf32> to vector<1x16xf32>
      tpu.vector_store %arg17[%swap3A_157, %swap3A_158], %swap3A_161 {strides = array<i32>} : memref<16x128xf32, #tpu.memory_space<vmem>>, vector<1x16xf32>,
      %swap3A_162 = arith.index_cast %scan3A_125 : i32 to index
      %swap3A_163 = arith.constant 112 : index
      %swap3A_164 = tpu.vector_load %arg17[%swap3A_162, %swap3A_163] {strides = array<i32>} : memref<16x128xf32, #tpu.memory_space<vmem>>, vector<1x16xf32>,
      %swap3A_165 = vector.shape_cast %swap3A_164 : vector<1x16xf32> to vector<16xf32>
      %swap3A_166 = vector.shape_cast %broadcast_in_dim3A_24 : vector<16xf32> to vector<1x16xf32>
      tpu.vector_store %arg17[%swap3A_162, %swap3A_163], %swap3A_166 {strides = array<i32>} : memref<16x128xf32, #tpu.memory_space<vmem>>, vector<1x16xf32>,
      %scan3A_167 = arith.constant 0 : i32
      scf.yield %scan3A_167 : i32
    }
    %scan3A_30 = arith.constant 16 : i32
    %scan3A_31 = arith.constant 0 : i32
    %scan3A_32 = arith.constant 0 : i32
    %scan3A_33 = arith.constant 39 : i32
    %scan3A_34 = arith.addi %scan3A_32, %scan3A_33 : i32
    %scan3A_35 = arith.constant 1 : i32
    %scan3A_36 = scf.for %scan3A_125 = %scan3A_32 to %scan3A_34 step %scan3A_35 iter_args(%scan3A_126 = %scan3A_31) -> (i32)  : i32 {
      %mul3A_127 = arith.constant 624 : i32
      %mul3A_128 = arith.muli %arg1, %mul3A_127 : i32
      %mul3A_129 = arith.constant 16 : i32
      %mul3A_130 = arith.muli %scan3A_125, %mul3A_129 : i32
      %add3A_131 = arith.addi %mul3A_128, %mul3A_130 : i32
      "tpu.region"() ({
        %run_scoped3A = tpu.sem_alloc : memref<!tpu.dma_semaphore, #tpu.memory_space<semaphore_mem>>
        %dma_start3A_133 = arith.constant 0 : i32
        %dma_start3A_134 = tpu.memref_slice %arg18[%add3A_131, %dma_start3A_133] : memref<10000x128xf32, #tpu.memory_space<vmem_shared>> -> memref<16x128xf32, #tpu.memory_space<vmem_shared>>
        %dma_start3A_135 = arith.constant 0 : i32
        %dma_start3A_136 = tpu.memref_slice %arg18[%add3A_131, %dma_start3A_135] : memref<10000x128xf32, #tpu.memory_space<vmem_shared>> -> memref<16x128xf32, #tpu.memory_space<vmem_shared>>
        tpu.enqueue_dma source(%arg17 : memref<16x128xf32, #tpu.memory_space<vmem>>) target(%dma_start3A_136 : memref<16x128xf32, #tpu.memory_space<vmem_shared>>) target_semaphore(%run_scoped3A : memref<!tpu.dma_semaphore, #tpu.memory_space<semaphore_mem>>)
        %dma_wait3A_137 = arith.constant 0 : i32
        %dma_wait3A_138 = tpu.memref_slice %arg18[%add3A_131, %dma_wait3A_137] : memref<10000x128xf32, #tpu.memory_space<vmem_shared>> -> memref<16x128xf32, #tpu.memory_space<vmem_shared>>
        %dma_wait3A_139 = arith.constant 0 : i32
        %dma_wait3A_140 = tpu.memref_slice %arg18[%add3A_131, %dma_wait3A_139] : memref<10000x128xf32, #tpu.memory_space<vmem_shared>> -> memref<16x128xf32, #tpu.memory_space<vmem_shared>>
        tpu.wait_dma2 semaphore(%run_scoped3A : memref<!tpu.dma_semaphore, #tpu.memory_space<semaphore_mem>>) src(%arg17 : memref<16x128xf32, #tpu.memory_space<vmem>>) dst(%dma_wait3A_140 : memref<16x128xf32, #tpu.memory_space<vmem_shared>>)
        tpu.yield
      }) : () -> ()
      %scan3A_132 = arith.constant 0 : i32
      scf.yield %scan3A_132 : i32
    }
    %scan3A_37 = arith.constant 39 : i32
    %eq3A = arith.constant 15 : i32
    %eq3A_38 = arith.cmpi eq, %arg1, %eq3A : i32
    %convert_element_type3A = arith.extui %eq3A_38 : i1 to i32
    %cond3A = arith.constant 0 : i32
    %cond3A_39 = arith.cmpi ne, %convert_element_type3A, %cond3A : i32
    scf.if %cond3A_39 {
      "tpu.region"() ({
        %run_scoped3A = tpu.sem_alloc : memref<!tpu.dma_semaphore, #tpu.memory_space<semaphore_mem>>
        %dma_start3A_125 = arith.constant 9984 : i32
        %dma_start3A_126 = arith.constant 0 : i32
        %dma_start3A_127 = tpu.memref_slice %arg18[%dma_start3A_125, %dma_start3A_126] : memref<10000x128xf32, #tpu.memory_space<vmem_shared>> -> memref<16x128xf32, #tpu.memory_space<vmem_shared>>
        %dma_start3A_128 = arith.constant 9984 : i32
        %dma_start3A_129 = arith.constant 0 : i32
        %dma_start3A_130 = tpu.memref_slice %arg18[%dma_start3A_128, %dma_start3A_129] : memref<10000x128xf32, #tpu.memory_space<vmem_shared>> -> memref<16x128xf32, #tpu.memory_space<vmem_shared>>
        tpu.enqueue_dma source(%arg17 : memref<16x128xf32, #tpu.memory_space<vmem>>) target(%dma_start3A_130 : memref<16x128xf32, #tpu.memory_space<vmem_shared>>) target_semaphore(%run_scoped3A : memref<!tpu.dma_semaphore, #tpu.memory_space<semaphore_mem>>)
        %dma_wait3A_131 = arith.constant 9984 : i32
        %dma_wait3A_132 = arith.constant 0 : i32
        %dma_wait3A_133 = tpu.memref_slice %arg18[%dma_wait3A_131, %dma_wait3A_132] : memref<10000x128xf32, #tpu.memory_space<vmem_shared>> -> memref<16x128xf32, #tpu.memory_space<vmem_shared>>
        %dma_wait3A_134 = arith.constant 9984 : i32
        %dma_wait3A_135 = arith.constant 0 : i32
        %dma_wait3A_136 = tpu.memref_slice %arg18[%dma_wait3A_134, %dma_wait3A_135] : memref<10000x128xf32, #tpu.memory_space<vmem_shared>> -> memref<16x128xf32, #tpu.memory_space<vmem_shared>>
        tpu.wait_dma2 semaphore(%run_scoped3A : memref<!tpu.dma_semaphore, #tpu.memory_space<semaphore_mem>>) src(%arg17 : memref<16x128xf32, #tpu.memory_space<vmem>>) dst(%dma_wait3A_136 : memref<16x128xf32, #tpu.memory_space<vmem_shared>>)
        tpu.yield
      }) : () -> ()
    } else {
    }
    %barrier3A = arith.constant 0 : index
    tpu.barrier barrier_id(%barrier3A)
    %dma_wait3A = arith.constant 0 : i32
    %dma_wait3A_40 = tpu.memref_slice %arg4[%dma_wait3A] : memref<320000xi32, #tpu.memory_space<hbm>> -> memref<80xi32, #tpu.memory_space<hbm>>
    %dma_wait3A_41 = arith.constant 0 : i32
    %dma_wait3A_42 = tpu.memref_slice %arg4[%dma_wait3A_41] : memref<320000xi32, #tpu.memory_space<hbm>> -> memref<80xi32, #tpu.memory_space<hbm>>
    tpu.wait_dma2 semaphore(%arg19 : memref<!tpu.dma_semaphore, #tpu.memory_space<semaphore_mem>>) src(%dma_wait3A_42 : memref<80xi32, #tpu.memory_space<hbm>>) dst(%arg7 : memref<80xi32, #tpu.memory_space<vmem>>)
    %dma_wait3A_43 = arith.constant 0 : i32
    %dma_wait3A_44 = tpu.memref_slice %arg5[%dma_wait3A_43] : memref<320000xi32, #tpu.memory_space<hbm>> -> memref<80xi32, #tpu.memory_space<hbm>>
    %dma_wait3A_45 = arith.constant 0 : i32
    %dma_wait3A_46 = tpu.memref_slice %arg5[%dma_wait3A_45] : memref<320000xi32, #tpu.memory_space<hbm>> -> memref<80xi32, #tpu.memory_space<hbm>>
    tpu.wait_dma2 semaphore(%arg19 : memref<!tpu.dma_semaphore, #tpu.memory_space<semaphore_mem>>) src(%dma_wait3A_46 : memref<80xi32, #tpu.memory_space<hbm>>) dst(%arg9 : memref<80xi32, #tpu.memory_space<vmem>>)
    %dma_start3A_47 = arith.constant 0 : i32
    %dma_start3A_48 = arith.constant 0 : i32
    %dma_start3A_49 = tpu.memref_slice %arg2[%dma_start3A_47, %dma_start3A_48] : memref<10000x128xf32, #tpu.memory_space<hbm>> -> memref<10000x128xf32, #tpu.memory_space<hbm>>
    tpu.enqueue_indirect_dma source(%dma_start3A_49 : memref<10000x128xf32, #tpu.memory_space<hbm>>) target(%arg11 : memref<80x128xf32, #tpu.memory_space<vmem>>) offsets(%arg7 : memref<80xi32, #tpu.memory_space<vmem>>) semaphore(%arg23 : memref<!tpu.dma_semaphore, #tpu.memory_space<semaphore_mem>>)
    %scan3A_50 = arith.constant 0 : i32
    %scan3A_51 = arith.constant 0 : i32
    %scan3A_52 = arith.constant 62 : i32
    %scan3A_53 = arith.addi %scan3A_51, %scan3A_52 : i32
    %scan3A_54 = arith.constant 1 : i32
    %scan3A_55 = scf.for %scan3A_125 = %scan3A_51 to %scan3A_53 step %scan3A_54 iter_args(%scan3A_126 = %scan3A_50) -> (i32)  : i32 {
      %mul3A_127 = arith.constant 2 : i32
      %mul3A_128 = arith.muli %mul3A_127, %scan3A_125 : i32
      %add3A_129 = arith.constant 0 : i32
      %add3A_130 = arith.addi %mul3A_128, %add3A_129 : i32
      %dma_wait3A_131 = arith.constant 0 : i32
      %dma_wait3A_132 = arith.constant 0 : i32
      %dma_wait3A_133 = tpu.memref_slice %arg2[%dma_wait3A_131, %dma_wait3A_132] : memref<10000x128xf32, #tpu.memory_space<hbm>> -> memref<10000x128xf32, #tpu.memory_space<hbm>>
      tpu.wait_indirect_dma semaphore(%arg23 : memref<!tpu.dma_semaphore, #tpu.memory_space<semaphore_mem>>) src(%dma_wait3A_133 : memref<10000x128xf32, #tpu.memory_space<hbm>>) dst(%arg11 : memref<80x128xf32, #tpu.memory_space<vmem>>)
      %dma_wait3A_134 = arith.constant 0 : i32
      %dma_wait3A_135 = arith.constant 0 : i32
      %dma_wait3A_136 = tpu.memref_slice %arg3[%dma_wait3A_134, %dma_wait3A_135] : memref<320000x128xf32, #tpu.memory_space<hbm>> -> memref<80x128xf32, #tpu.memory_space<hbm>>
      %dma_wait3A_137 = arith.constant 0 : i32
      %dma_wait3A_138 = arith.constant 0 : i32
      %dma_wait3A_139 = tpu.memref_slice %arg3[%dma_wait3A_137, %dma_wait3A_138] : memref<320000x128xf32, #tpu.memory_space<hbm>> -> memref<80x128xf32, #tpu.memory_space<hbm>>
      tpu.wait_dma2 semaphore(%arg21 : memref<!tpu.dma_semaphore, #tpu.memory_space<semaphore_mem>>) src(%dma_wait3A_139 : memref<80x128xf32, #tpu.memory_space<hbm>>) dst(%arg13 : memref<80x128xf32, #tpu.memory_space<vmem>>)
      %scan3A_140 = arith.constant 0 : i32
      %scan3A_141 = arith.constant 0 : i32
      %scan3A_142 = arith.constant 80 : i32
      %scan3A_143 = arith.addi %scan3A_141, %scan3A_142 : i32
      %scan3A_144 = arith.constant 1 : i32
      %scan3A_145 = scf.for %scan3A_280 = %scan3A_141 to %scan3A_143 step %scan3A_144 iter_args(%scan3A_281 = %scan3A_140) -> (i32)  : i32 {
        %get3A_282 = arith.index_cast %scan3A_280 : i32 to index
        %get3A_283 = arith.constant 0 : index
        %get3A_284 = tpu.vector_load %arg11[%get3A_282, %get3A_283] {strides = array<i32>} : memref<80x128xf32, #tpu.memory_space<vmem>>, vector<1x16xf32>,
        %get3A_285 = vector.shape_cast %get3A_284 : vector<1x16xf32> to vector<16xf32>
        %get3A_286 = arith.index_cast %scan3A_280 : i32 to index
        %get3A_287 = arith.constant 0 : index
        %get3A_288 = tpu.vector_load %arg13[%get3A_286, %get3A_287] {strides = array<i32>} : memref<80x128xf32, #tpu.memory_space<vmem>>, vector<1x16xf32>,
        %get3A_289 = vector.shape_cast %get3A_288 : vector<1x16xf32> to vector<16xf32>
        %add3A_290 = arith.addf %get3A_285, %get3A_289 : vector<16xf32>
        %max3A = arith.constant 0.000000e+00 : f32
        %max3A_291 = vector.broadcast %max3A : f32 to vector<16xf32>
        %max3A_292 = arith.maximumf %add3A_290, %max3A_291 : vector<16xf32>
        %swap3A_293 = arith.index_cast %scan3A_280 : i32 to index
        %swap3A_294 = arith.constant 0 : index
        %swap3A_295 = tpu.vector_load %arg11[%swap3A_293, %swap3A_294] {strides = array<i32>} : memref<80x128xf32, #tpu.memory_space<vmem>>, vector<1x16xf32>,
        %swap3A_296 = vector.shape_cast %swap3A_295 : vector<1x16xf32> to vector<16xf32>
        %swap3A_297 = vector.shape_cast %max3A_292 : vector<16xf32> to vector<1x16xf32>
        tpu.vector_store %arg11[%swap3A_293, %swap3A_294], %swap3A_297 {strides = array<i32>} : memref<80x128xf32, #tpu.memory_space<vmem>>, vector<1x16xf32>,
        %get3A_298 = arith.index_cast %scan3A_280 : i32 to index
        %get3A_299 = arith.constant 16 : index
        %get3A_300 = tpu.vector_load %arg11[%get3A_298, %get3A_299] {strides = array<i32>} : memref<80x128xf32, #tpu.memory_space<vmem>>, vector<1x16xf32>,
        %get3A_301 = vector.shape_cast %get3A_300 : vector<1x16xf32> to vector<16xf32>
        %get3A_302 = arith.index_cast %scan3A_280 : i32 to index
        %get3A_303 = arith.constant 16 : index
        %get3A_304 = tpu.vector_load %arg13[%get3A_302, %get3A_303] {strides = array<i32>} : memref<80x128xf32, #tpu.memory_space<vmem>>, vector<1x16xf32>,
        %get3A_305 = vector.shape_cast %get3A_304 : vector<1x16xf32> to vector<16xf32>
        %add3A_306 = arith.addf %get3A_301, %get3A_305 : vector<16xf32>
        %max3A_307 = arith.constant 0.000000e+00 : f32
        %max3A_308 = vector.broadcast %max3A_307 : f32 to vector<16xf32>
        %max3A_309 = arith.maximumf %add3A_306, %max3A_308 : vector<16xf32>
        %swap3A_310 = arith.index_cast %scan3A_280 : i32 to index
        %swap3A_311 = arith.constant 16 : index
        %swap3A_312 = tpu.vector_load %arg11[%swap3A_310, %swap3A_311] {strides = array<i32>} : memref<80x128xf32, #tpu.memory_space<vmem>>, vector<1x16xf32>,
        %swap3A_313 = vector.shape_cast %swap3A_312 : vector<1x16xf32> to vector<16xf32>
        %swap3A_314 = vector.shape_cast %max3A_309 : vector<16xf32> to vector<1x16xf32>
        tpu.vector_store %arg11[%swap3A_310, %swap3A_311], %swap3A_314 {strides = array<i32>} : memref<80x128xf32, #tpu.memory_space<vmem>>, vector<1x16xf32>,
        %get3A_315 = arith.index_cast %scan3A_280 : i32 to index
        %get3A_316 = arith.constant 32 : index
        %get3A_317 = tpu.vector_load %arg11[%get3A_315, %get3A_316] {strides = array<i32>} : memref<80x128xf32, #tpu.memory_space<vmem>>, vector<1x16xf32>,
        %get3A_318 = vector.shape_cast %get3A_317 : vector<1x16xf32> to vector<16xf32>
        %get3A_319 = arith.index_cast %scan3A_280 : i32 to index
        %get3A_320 = arith.constant 32 : index
        %get3A_321 = tpu.vector_load %arg13[%get3A_319, %get3A_320] {strides = array<i32>} : memref<80x128xf32, #tpu.memory_space<vmem>>, vector<1x16xf32>,
        %get3A_322 = vector.shape_cast %get3A_321 : vector<1x16xf32> to vector<16xf32>
        %add3A_323 = arith.addf %get3A_318, %get3A_322 : vector<16xf32>
        %max3A_324 = arith.constant 0.000000e+00 : f32
        %max3A_325 = vector.broadcast %max3A_324 : f32 to vector<16xf32>
        %max3A_326 = arith.maximumf %add3A_323, %max3A_325 : vector<16xf32>
        %swap3A_327 = arith.index_cast %scan3A_280 : i32 to index
        %swap3A_328 = arith.constant 32 : index
        %swap3A_329 = tpu.vector_load %arg11[%swap3A_327, %swap3A_328] {strides = array<i32>} : memref<80x128xf32, #tpu.memory_space<vmem>>, vector<1x16xf32>,
        %swap3A_330 = vector.shape_cast %swap3A_329 : vector<1x16xf32> to vector<16xf32>
        %swap3A_331 = vector.shape_cast %max3A_326 : vector<16xf32> to vector<1x16xf32>
        tpu.vector_store %arg11[%swap3A_327, %swap3A_328], %swap3A_331 {strides = array<i32>} : memref<80x128xf32, #tpu.memory_space<vmem>>, vector<1x16xf32>,
        %get3A_332 = arith.index_cast %scan3A_280 : i32 to index
        %get3A_333 = arith.constant 48 : index
        %get3A_334 = tpu.vector_load %arg11[%get3A_332, %get3A_333] {strides = array<i32>} : memref<80x128xf32, #tpu.memory_space<vmem>>, vector<1x16xf32>,
        %get3A_335 = vector.shape_cast %get3A_334 : vector<1x16xf32> to vector<16xf32>
        %get3A_336 = arith.index_cast %scan3A_280 : i32 to index
        %get3A_337 = arith.constant 48 : index
        %get3A_338 = tpu.vector_load %arg13[%get3A_336, %get3A_337] {strides = array<i32>} : memref<80x128xf32, #tpu.memory_space<vmem>>, vector<1x16xf32>,
        %get3A_339 = vector.shape_cast %get3A_338 : vector<1x16xf32> to vector<16xf32>
        %add3A_340 = arith.addf %get3A_335, %get3A_339 : vector<16xf32>
        %max3A_341 = arith.constant 0.000000e+00 : f32
        %max3A_342 = vector.broadcast %max3A_341 : f32 to vector<16xf32>
        %max3A_343 = arith.maximumf %add3A_340, %max3A_342 : vector<16xf32>
        %swap3A_344 = arith.index_cast %scan3A_280 : i32 to index
        %swap3A_345 = arith.constant 48 : index
        %swap3A_346 = tpu.vector_load %arg11[%swap3A_344, %swap3A_345] {strides = array<i32>} : memref<80x128xf32, #tpu.memory_space<vmem>>, vector<1x16xf32>,
        %swap3A_347 = vector.shape_cast %swap3A_346 : vector<1x16xf32> to vector<16xf32>
        %swap3A_348 = vector.shape_cast %max3A_343 : vector<16xf32> to vector<1x16xf32>
        tpu.vector_store %arg11[%swap3A_344, %swap3A_345], %swap3A_348 {strides = array<i32>} : memref<80x128xf32, #tpu.memory_space<vmem>>, vector<1x16xf32>,
        %get3A_349 = arith.index_cast %scan3A_280 : i32 to index
        %get3A_350 = arith.constant 64 : index
        %get3A_351 = tpu.vector_load %arg11[%get3A_349, %get3A_350] {strides = array<i32>} : memref<80x128xf32, #tpu.memory_space<vmem>>, vector<1x16xf32>,
        %get3A_352 = vector.shape_cast %get3A_351 : vector<1x16xf32> to vector<16xf32>
        %get3A_353 = arith.index_cast %scan3A_280 : i32 to index
        %get3A_354 = arith.constant 64 : index
        %get3A_355 = tpu.vector_load %arg13[%get3A_353, %get3A_354] {strides = array<i32>} : memref<80x128xf32, #tpu.memory_space<vmem>>, vector<1x16xf32>,
        %get3A_356 = vector.shape_cast %get3A_355 : vector<1x16xf32> to vector<16xf32>
        %add3A_357 = arith.addf %get3A_352, %get3A_356 : vector<16xf32>
        %max3A_358 = arith.constant 0.000000e+00 : f32
        %max3A_359 = vector.broadcast %max3A_358 : f32 to vector<16xf32>
        %max3A_360 = arith.maximumf %add3A_357, %max3A_359 : vector<16xf32>
        %swap3A_361 = arith.index_cast %scan3A_280 : i32 to index
        %swap3A_362 = arith.constant 64 : index
        %swap3A_363 = tpu.vector_load %arg11[%swap3A_361, %swap3A_362] {strides = array<i32>} : memref<80x128xf32, #tpu.memory_space<vmem>>, vector<1x16xf32>,
        %swap3A_364 = vector.shape_cast %swap3A_363 : vector<1x16xf32> to vector<16xf32>
        %swap3A_365 = vector.shape_cast %max3A_360 : vector<16xf32> to vector<1x16xf32>
        tpu.vector_store %arg11[%swap3A_361, %swap3A_362], %swap3A_365 {strides = array<i32>} : memref<80x128xf32, #tpu.memory_space<vmem>>, vector<1x16xf32>,
        %get3A_366 = arith.index_cast %scan3A_280 : i32 to index
        %get3A_367 = arith.constant 80 : index
        %get3A_368 = tpu.vector_load %arg11[%get3A_366, %get3A_367] {strides = array<i32>} : memref<80x128xf32, #tpu.memory_space<vmem>>, vector<1x16xf32>,
        %get3A_369 = vector.shape_cast %get3A_368 : vector<1x16xf32> to vector<16xf32>
        %get3A_370 = arith.index_cast %scan3A_280 : i32 to index
        %get3A_371 = arith.constant 80 : index
        %get3A_372 = tpu.vector_load %arg13[%get3A_370, %get3A_371] {strides = array<i32>} : memref<80x128xf32, #tpu.memory_space<vmem>>, vector<1x16xf32>,
        %get3A_373 = vector.shape_cast %get3A_372 : vector<1x16xf32> to vector<16xf32>
        %add3A_374 = arith.addf %get3A_369, %get3A_373 : vector<16xf32>
        %max3A_375 = arith.constant 0.000000e+00 : f32
        %max3A_376 = vector.broadcast %max3A_375 : f32 to vector<16xf32>
        %max3A_377 = arith.maximumf %add3A_374, %max3A_376 : vector<16xf32>
        %swap3A_378 = arith.index_cast %scan3A_280 : i32 to index
        %swap3A_379 = arith.constant 80 : index
        %swap3A_380 = tpu.vector_load %arg11[%swap3A_378, %swap3A_379] {strides = array<i32>} : memref<80x128xf32, #tpu.memory_space<vmem>>, vector<1x16xf32>,
        %swap3A_381 = vector.shape_cast %swap3A_380 : vector<1x16xf32> to vector<16xf32>
        %swap3A_382 = vector.shape_cast %max3A_377 : vector<16xf32> to vector<1x16xf32>
        tpu.vector_store %arg11[%swap3A_378, %swap3A_379], %swap3A_382 {strides = array<i32>} : memref<80x128xf32, #tpu.memory_space<vmem>>, vector<1x16xf32>,
        %get3A_383 = arith.index_cast %scan3A_280 : i32 to index
        %get3A_384 = arith.constant 96 : index
        %get3A_385 = tpu.vector_load %arg11[%get3A_383, %get3A_384] {strides = array<i32>} : memref<80x128xf32, #tpu.memory_space<vmem>>, vector<1x16xf32>,
        %get3A_386 = vector.shape_cast %get3A_385 : vector<1x16xf32> to vector<16xf32>
        %get3A_387 = arith.index_cast %scan3A_280 : i32 to index
        %get3A_388 = arith.constant 96 : index
        %get3A_389 = tpu.vector_load %arg13[%get3A_387, %get3A_388] {strides = array<i32>} : memref<80x128xf32, #tpu.memory_space<vmem>>, vector<1x16xf32>,
        %get3A_390 = vector.shape_cast %get3A_389 : vector<1x16xf32> to vector<16xf32>
        %add3A_391 = arith.addf %get3A_386, %get3A_390 : vector<16xf32>
        %max3A_392 = arith.constant 0.000000e+00 : f32
        %max3A_393 = vector.broadcast %max3A_392 : f32 to vector<16xf32>
        %max3A_394 = arith.maximumf %add3A_391, %max3A_393 : vector<16xf32>
        %swap3A_395 = arith.index_cast %scan3A_280 : i32 to index
        %swap3A_396 = arith.constant 96 : index
        %swap3A_397 = tpu.vector_load %arg11[%swap3A_395, %swap3A_396] {strides = array<i32>} : memref<80x128xf32, #tpu.memory_space<vmem>>, vector<1x16xf32>,
        %swap3A_398 = vector.shape_cast %swap3A_397 : vector<1x16xf32> to vector<16xf32>
        %swap3A_399 = vector.shape_cast %max3A_394 : vector<16xf32> to vector<1x16xf32>
        tpu.vector_store %arg11[%swap3A_395, %swap3A_396], %swap3A_399 {strides = array<i32>} : memref<80x128xf32, #tpu.memory_space<vmem>>, vector<1x16xf32>,
        %get3A_400 = arith.index_cast %scan3A_280 : i32 to index
        %get3A_401 = arith.constant 112 : index
        %get3A_402 = tpu.vector_load %arg11[%get3A_400, %get3A_401] {strides = array<i32>} : memref<80x128xf32, #tpu.memory_space<vmem>>, vector<1x16xf32>,
        %get3A_403 = vector.shape_cast %get3A_402 : vector<1x16xf32> to vector<16xf32>
        %get3A_404 = arith.index_cast %scan3A_280 : i32 to index
        %get3A_405 = arith.constant 112 : index
        %get3A_406 = tpu.vector_load %arg13[%get3A_404, %get3A_405] {strides = array<i32>} : memref<80x128xf32, #tpu.memory_space<vmem>>, vector<1x16xf32>,
        %get3A_407 = vector.shape_cast %get3A_406 : vector<1x16xf32> to vector<16xf32>
        %add3A_408 = arith.addf %get3A_403, %get3A_407 : vector<16xf32>
        %max3A_409 = arith.constant 0.000000e+00 : f32
        %max3A_410 = vector.broadcast %max3A_409 : f32 to vector<16xf32>
        %max3A_411 = arith.maximumf %add3A_408, %max3A_410 : vector<16xf32>
        %swap3A_412 = arith.index_cast %scan3A_280 : i32 to index
        %swap3A_413 = arith.constant 112 : index
        %swap3A_414 = tpu.vector_load %arg11[%swap3A_412, %swap3A_413] {strides = array<i32>} : memref<80x128xf32, #tpu.memory_space<vmem>>, vector<1x16xf32>,
        %swap3A_415 = vector.shape_cast %swap3A_414 : vector<1x16xf32> to vector<16xf32>
        %swap3A_416 = vector.shape_cast %max3A_411 : vector<16xf32> to vector<1x16xf32>
        tpu.vector_store %arg11[%swap3A_412, %swap3A_413], %swap3A_416 {strides = array<i32>} : memref<80x128xf32, #tpu.memory_space<vmem>>, vector<1x16xf32>,
        %scan3A_417 = arith.constant 0 : i32
        scf.yield %scan3A_417 : i32
      }
      %scan3A_146 = arith.constant 80 : i32
      %get3A_147 = arith.constant 0 : index
      %get3A_148 = tpu.vector_load %arg9[%get3A_147] {strides = array<i32>} : memref<80xi32, #tpu.memory_space<vmem>>, vector<16xi32>,
      %get3A_149 = vector.shape_cast %get3A_148 : vector<16xi32> to vector<16xi32>
      %swap3A_150 = arith.constant 0 : index
      %swap3A_151 = tpu.vector_load %arg15[%swap3A_150] {strides = array<i32>} : memref<80xi32, #tpu.memory_space<vmem>>, vector<16xi32>,
      %swap3A_152 = vector.shape_cast %swap3A_151 : vector<16xi32> to vector<16xi32>
      %swap3A_153 = vector.shape_cast %get3A_149 : vector<16xi32> to vector<16xi32>
      tpu.vector_store %arg15[%swap3A_150], %swap3A_153 {strides = array<i32>} : memref<80xi32, #tpu.memory_space<vmem>>, vector<16xi32>,
      %get3A_154 = arith.constant 16 : index
      %get3A_155 = tpu.vector_load %arg9[%get3A_154] {strides = array<i32>} : memref<80xi32, #tpu.memory_space<vmem>>, vector<16xi32>,
      %get3A_156 = vector.shape_cast %get3A_155 : vector<16xi32> to vector<16xi32>
      %swap3A_157 = arith.constant 16 : index
      %swap3A_158 = tpu.vector_load %arg15[%swap3A_157] {strides = array<i32>} : memref<80xi32, #tpu.memory_space<vmem>>, vector<16xi32>,
      %swap3A_159 = vector.shape_cast %swap3A_158 : vector<16xi32> to vector<16xi32>
      %swap3A_160 = vector.shape_cast %get3A_156 : vector<16xi32> to vector<16xi32>
      tpu.vector_store %arg15[%swap3A_157], %swap3A_160 {strides = array<i32>} : memref<80xi32, #tpu.memory_space<vmem>>, vector<16xi32>,
      %get3A_161 = arith.constant 32 : index
      %get3A_162 = tpu.vector_load %arg9[%get3A_161] {strides = array<i32>} : memref<80xi32, #tpu.memory_space<vmem>>, vector<16xi32>,
      %get3A_163 = vector.shape_cast %get3A_162 : vector<16xi32> to vector<16xi32>
      %swap3A_164 = arith.constant 32 : index
      %swap3A_165 = tpu.vector_load %arg15[%swap3A_164] {strides = array<i32>} : memref<80xi32, #tpu.memory_space<vmem>>, vector<16xi32>,
      %swap3A_166 = vector.shape_cast %swap3A_165 : vector<16xi32> to vector<16xi32>
      %swap3A_167 = vector.shape_cast %get3A_163 : vector<16xi32> to vector<16xi32>
      tpu.vector_store %arg15[%swap3A_164], %swap3A_167 {strides = array<i32>} : memref<80xi32, #tpu.memory_space<vmem>>, vector<16xi32>,
      %get3A_168 = arith.constant 48 : index
      %get3A_169 = tpu.vector_load %arg9[%get3A_168] {strides = array<i32>} : memref<80xi32, #tpu.memory_space<vmem>>, vector<16xi32>,
      %get3A_170 = vector.shape_cast %get3A_169 : vector<16xi32> to vector<16xi32>
      %swap3A_171 = arith.constant 48 : index
      %swap3A_172 = tpu.vector_load %arg15[%swap3A_171] {strides = array<i32>} : memref<80xi32, #tpu.memory_space<vmem>>, vector<16xi32>,
      %swap3A_173 = vector.shape_cast %swap3A_172 : vector<16xi32> to vector<16xi32>
      %swap3A_174 = vector.shape_cast %get3A_170 : vector<16xi32> to vector<16xi32>
      tpu.vector_store %arg15[%swap3A_171], %swap3A_174 {strides = array<i32>} : memref<80xi32, #tpu.memory_space<vmem>>, vector<16xi32>,
      %get3A_175 = arith.constant 64 : index
      %get3A_176 = tpu.vector_load %arg9[%get3A_175] {strides = array<i32>} : memref<80xi32, #tpu.memory_space<vmem>>, vector<16xi32>,
      %get3A_177 = vector.shape_cast %get3A_176 : vector<16xi32> to vector<16xi32>
      %swap3A_178 = arith.constant 64 : index
      %swap3A_179 = tpu.vector_load %arg15[%swap3A_178] {strides = array<i32>} : memref<80xi32, #tpu.memory_space<vmem>>, vector<16xi32>,
      %swap3A_180 = vector.shape_cast %swap3A_179 : vector<16xi32> to vector<16xi32>
      %swap3A_181 = vector.shape_cast %get3A_177 : vector<16xi32> to vector<16xi32>
      tpu.vector_store %arg15[%swap3A_178], %swap3A_181 {strides = array<i32>} : memref<80xi32, #tpu.memory_space<vmem>>, vector<16xi32>,
      %dma_start3A_182 = arith.constant 0 : i32
      %dma_start3A_183 = arith.constant 0 : i32
      %dma_start3A_184 = tpu.memref_slice %arg18[%dma_start3A_182, %dma_start3A_183] : memref<10000x128xf32, #tpu.memory_space<vmem_shared>> -> memref<10000x128xf32, #tpu.memory_space<vmem_shared>>
      tpu.enqueue_indirect_dma source(%arg11 : memref<80x128xf32, #tpu.memory_space<vmem>>) target(%dma_start3A_184 : memref<10000x128xf32, #tpu.memory_space<vmem_shared>>) offsets(%arg15 : memref<80xi32, #tpu.memory_space<vmem>>) semaphore(%arg25 : memref<!tpu.dma_semaphore, #tpu.memory_space<semaphore_mem>>) {add = true}
      %add3A_185 = arith.constant 2 : i32
      %add3A_186 = arith.addi %add3A_130, %add3A_185 : i32
      %lt3A = arith.constant 125 : i32
      %lt3A_187 = arith.cmpi slt, %add3A_186, %lt3A : i32
      %convert_element_type3A_188 = arith.extui %lt3A_187 : i1 to i32
      %cond3A_189 = arith.constant 0 : i32
      %cond3A_190 = arith.cmpi ne, %convert_element_type3A_188, %cond3A_189 : i32
      scf.if %cond3A_190 {
        %add3A_280 = arith.constant 2 : i32
        %add3A_281 = arith.addi %add3A_130, %add3A_280 : i32
        %mul3A_282 = arith.constant 10000 : i32
        %mul3A_283 = arith.muli %add3A, %mul3A_282 : i32
        %mul3A_284 = arith.constant 80 : i32
        %mul3A_285 = arith.muli %add3A_281, %mul3A_284 : i32
        %add3A_286 = arith.addi %mul3A_283, %mul3A_285 : i32
        %dma_start3A_287 = tpu.memref_slice %arg4[%add3A_286] : memref<320000xi32, #tpu.memory_space<hbm>> -> memref<80xi32, #tpu.memory_space<hbm>>
        %dma_start3A_288 = tpu.memref_slice %arg4[%add3A_286] : memref<320000xi32, #tpu.memory_space<hbm>> -> memref<80xi32, #tpu.memory_space<hbm>>
        tpu.enqueue_dma source(%dma_start3A_288 : memref<80xi32, #tpu.memory_space<hbm>>) target(%arg7 : memref<80xi32, #tpu.memory_space<vmem>>) target_semaphore(%arg19 : memref<!tpu.dma_semaphore, #tpu.memory_space<semaphore_mem>>)
        %dma_start3A_289 = tpu.memref_slice %arg5[%add3A_286] : memref<320000xi32, #tpu.memory_space<hbm>> -> memref<80xi32, #tpu.memory_space<hbm>>
        %dma_start3A_290 = tpu.memref_slice %arg5[%add3A_286] : memref<320000xi32, #tpu.memory_space<hbm>> -> memref<80xi32, #tpu.memory_space<hbm>>
        tpu.enqueue_dma source(%dma_start3A_290 : memref<80xi32, #tpu.memory_space<hbm>>) target(%arg9 : memref<80xi32, #tpu.memory_space<vmem>>) target_semaphore(%arg19 : memref<!tpu.dma_semaphore, #tpu.memory_space<semaphore_mem>>)
        %dma_start3A_291 = arith.constant 0 : i32
        %dma_start3A_292 = tpu.memref_slice %arg3[%add3A_286, %dma_start3A_291] : memref<320000x128xf32, #tpu.memory_space<hbm>> -> memref<80x128xf32, #tpu.memory_space<hbm>>
        %dma_start3A_293 = arith.constant 0 : i32
        %dma_start3A_294 = tpu.memref_slice %arg3[%add3A_286, %dma_start3A_293] : memref<320000x128xf32, #tpu.memory_space<hbm>> -> memref<80x128xf32, #tpu.memory_space<hbm>>
        tpu.enqueue_dma source(%dma_start3A_294 : memref<80x128xf32, #tpu.memory_space<hbm>>) target(%arg13 : memref<80x128xf32, #tpu.memory_space<vmem>>) target_semaphore(%arg21 : memref<!tpu.dma_semaphore, #tpu.memory_space<semaphore_mem>>)
      } else {
      }
      %ge3A = arith.constant 1 : i32
      %ge3A_191 = arith.cmpi sge, %add3A_130, %ge3A : i32
      %convert_element_type3A_192 = arith.extui %ge3A_191 : i1 to i32
      %cond3A_193 = arith.constant 0 : i32
      %cond3A_194 = arith.cmpi ne, %convert_element_type3A_192, %cond3A_193 : i32
      scf.if %cond3A_194 {
        %dma_wait3A_280 = arith.constant 0 : i32
        %dma_wait3A_281 = arith.constant 0 : i32
        %dma_wait3A_282 = tpu.memref_slice %arg18[%dma_wait3A_280, %dma_wait3A_281] : memref<10000x128xf32, #tpu.memory_space<vmem_shared>> -> memref<10000x128xf32, #tpu.memory_space<vmem_shared>>
        tpu.wait_indirect_dma semaphore(%arg26 : memref<!tpu.dma_semaphore, #tpu.memory_space<semaphore_mem>>) src(%arg12 : memref<80x128xf32, #tpu.memory_space<vmem>>) dst(%dma_wait3A_282 : memref<10000x128xf32, #tpu.memory_space<vmem_shared>>)
      } else {
      }
      %add3A_195 = arith.constant 1 : i32
      %add3A_196 = arith.addi %add3A_130, %add3A_195 : i32
      %lt3A_197 = arith.constant 125 : i32
      %lt3A_198 = arith.cmpi slt, %add3A_196, %lt3A_197 : i32
      %convert_element_type3A_199 = arith.extui %lt3A_198 : i1 to i32
      %cond3A_200 = arith.constant 0 : i32
      %cond3A_201 = arith.cmpi ne, %convert_element_type3A_199, %cond3A_200 : i32
      scf.if %cond3A_201 {
        %dma_wait3A_280 = arith.constant 0 : i32
        %dma_wait3A_281 = tpu.memref_slice %arg4[%dma_wait3A_280] : memref<320000xi32, #tpu.memory_space<hbm>> -> memref<80xi32, #tpu.memory_space<hbm>>
        %dma_wait3A_282 = arith.constant 0 : i32
        %dma_wait3A_283 = tpu.memref_slice %arg4[%dma_wait3A_282] : memref<320000xi32, #tpu.memory_space<hbm>> -> memref<80xi32, #tpu.memory_space<hbm>>
        tpu.wait_dma2 semaphore(%arg20 : memref<!tpu.dma_semaphore, #tpu.memory_space<semaphore_mem>>) src(%dma_wait3A_283 : memref<80xi32, #tpu.memory_space<hbm>>) dst(%arg8 : memref<80xi32, #tpu.memory_space<vmem>>)
        %dma_wait3A_284 = arith.constant 0 : i32
        %dma_wait3A_285 = tpu.memref_slice %arg5[%dma_wait3A_284] : memref<320000xi32, #tpu.memory_space<hbm>> -> memref<80xi32, #tpu.memory_space<hbm>>
        %dma_wait3A_286 = arith.constant 0 : i32
        %dma_wait3A_287 = tpu.memref_slice %arg5[%dma_wait3A_286] : memref<320000xi32, #tpu.memory_space<hbm>> -> memref<80xi32, #tpu.memory_space<hbm>>
        tpu.wait_dma2 semaphore(%arg20 : memref<!tpu.dma_semaphore, #tpu.memory_space<semaphore_mem>>) src(%dma_wait3A_287 : memref<80xi32, #tpu.memory_space<hbm>>) dst(%arg10 : memref<80xi32, #tpu.memory_space<vmem>>)
        %dma_start3A_288 = arith.constant 0 : i32
        %dma_start3A_289 = arith.constant 0 : i32
        %dma_start3A_290 = tpu.memref_slice %arg2[%dma_start3A_288, %dma_start3A_289] : memref<10000x128xf32, #tpu.memory_space<hbm>> -> memref<10000x128xf32, #tpu.memory_space<hbm>>
        tpu.enqueue_indirect_dma source(%dma_start3A_290 : memref<10000x128xf32, #tpu.memory_space<hbm>>) target(%arg12 : memref<80x128xf32, #tpu.memory_space<vmem>>) offsets(%arg8 : memref<80xi32, #tpu.memory_space<vmem>>) semaphore(%arg24 : memref<!tpu.dma_semaphore, #tpu.memory_space<semaphore_mem>>)
      } else {
      }
      %mul3A_202 = arith.constant 2 : i32
      %mul3A_203 = arith.muli %mul3A_202, %scan3A_125 : i32
      %add3A_204 = arith.constant 1 : i32
      %add3A_205 = arith.addi %mul3A_203, %add3A_204 : i32
      %dma_wait3A_206 = arith.constant 0 : i32
      %dma_wait3A_207 = arith.constant 0 : i32
      %dma_wait3A_208 = tpu.memref_slice %arg2[%dma_wait3A_206, %dma_wait3A_207] : memref<10000x128xf32, #tpu.memory_space<hbm>> -> memref<10000x128xf32, #tpu.memory_space<hbm>>
      tpu.wait_indirect_dma semaphore(%arg24 : memref<!tpu.dma_semaphore, #tpu.memory_space<semaphore_mem>>) src(%dma_wait3A_208 : memref<10000x128xf32, #tpu.memory_space<hbm>>) dst(%arg12 : memref<80x128xf32, #tpu.memory_space<vmem>>)
      %dma_wait3A_209 = arith.constant 0 : i32
      %dma_wait3A_210 = arith.constant 0 : i32
      %dma_wait3A_211 = tpu.memref_slice %arg3[%dma_wait3A_209, %dma_wait3A_210] : memref<320000x128xf32, #tpu.memory_space<hbm>> -> memref<80x128xf32, #tpu.memory_space<hbm>>
      %dma_wait3A_212 = arith.constant 0 : i32
      %dma_wait3A_213 = arith.constant 0 : i32
      %dma_wait3A_214 = tpu.memref_slice %arg3[%dma_wait3A_212, %dma_wait3A_213] : memref<320000x128xf32, #tpu.memory_space<hbm>> -> memref<80x128xf32, #tpu.memory_space<hbm>>
      tpu.wait_dma2 semaphore(%arg22 : memref<!tpu.dma_semaphore, #tpu.memory_space<semaphore_mem>>) src(%dma_wait3A_214 : memref<80x128xf32, #tpu.memory_space<hbm>>) dst(%arg14 : memref<80x128xf32, #tpu.memory_space<vmem>>)
      %scan3A_215 = arith.constant 0 : i32
      %scan3A_216 = arith.constant 0 : i32
      %scan3A_217 = arith.constant 80 : i32
      %scan3A_218 = arith.addi %scan3A_216, %scan3A_217 : i32
      %scan3A_219 = arith.constant 1 : i32
      %scan3A_220 = scf.for %scan3A_280 = %scan3A_216 to %scan3A_218 step %scan3A_219 iter_args(%scan3A_281 = %scan3A_215) -> (i32)  : i32 {
        %get3A_282 = arith.index_cast %scan3A_280 : i32 to index
        %get3A_283 = arith.constant 0 : index
        %get3A_284 = tpu.vector_load %arg12[%get3A_282, %get3A_283] {strides = array<i32>} : memref<80x128xf32, #tpu.memory_space<vmem>>, vector<1x16xf32>,
        %get3A_285 = vector.shape_cast %get3A_284 : vector<1x16xf32> to vector<16xf32>
        %get3A_286 = arith.index_cast %scan3A_280 : i32 to index
        %get3A_287 = arith.constant 0 : index
        %get3A_288 = tpu.vector_load %arg14[%get3A_286, %get3A_287] {strides = array<i32>} : memref<80x128xf32, #tpu.memory_space<vmem>>, vector<1x16xf32>,
        %get3A_289 = vector.shape_cast %get3A_288 : vector<1x16xf32> to vector<16xf32>
        %add3A_290 = arith.addf %get3A_285, %get3A_289 : vector<16xf32>
        %max3A = arith.constant 0.000000e+00 : f32
        %max3A_291 = vector.broadcast %max3A : f32 to vector<16xf32>
        %max3A_292 = arith.maximumf %add3A_290, %max3A_291 : vector<16xf32>
        %swap3A_293 = arith.index_cast %scan3A_280 : i32 to index
        %swap3A_294 = arith.constant 0 : index
        %swap3A_295 = tpu.vector_load %arg12[%swap3A_293, %swap3A_294] {strides = array<i32>} : memref<80x128xf32, #tpu.memory_space<vmem>>, vector<1x16xf32>,
        %swap3A_296 = vector.shape_cast %swap3A_295 : vector<1x16xf32> to vector<16xf32>
        %swap3A_297 = vector.shape_cast %max3A_292 : vector<16xf32> to vector<1x16xf32>
        tpu.vector_store %arg12[%swap3A_293, %swap3A_294], %swap3A_297 {strides = array<i32>} : memref<80x128xf32, #tpu.memory_space<vmem>>, vector<1x16xf32>,
        %get3A_298 = arith.index_cast %scan3A_280 : i32 to index
        %get3A_299 = arith.constant 16 : index
        %get3A_300 = tpu.vector_load %arg12[%get3A_298, %get3A_299] {strides = array<i32>} : memref<80x128xf32, #tpu.memory_space<vmem>>, vector<1x16xf32>,
        %get3A_301 = vector.shape_cast %get3A_300 : vector<1x16xf32> to vector<16xf32>
        %get3A_302 = arith.index_cast %scan3A_280 : i32 to index
        %get3A_303 = arith.constant 16 : index
        %get3A_304 = tpu.vector_load %arg14[%get3A_302, %get3A_303] {strides = array<i32>} : memref<80x128xf32, #tpu.memory_space<vmem>>, vector<1x16xf32>,
        %get3A_305 = vector.shape_cast %get3A_304 : vector<1x16xf32> to vector<16xf32>
        %add3A_306 = arith.addf %get3A_301, %get3A_305 : vector<16xf32>
        %max3A_307 = arith.constant 0.000000e+00 : f32
        %max3A_308 = vector.broadcast %max3A_307 : f32 to vector<16xf32>
        %max3A_309 = arith.maximumf %add3A_306, %max3A_308 : vector<16xf32>
        %swap3A_310 = arith.index_cast %scan3A_280 : i32 to index
        %swap3A_311 = arith.constant 16 : index
        %swap3A_312 = tpu.vector_load %arg12[%swap3A_310, %swap3A_311] {strides = array<i32>} : memref<80x128xf32, #tpu.memory_space<vmem>>, vector<1x16xf32>,
        %swap3A_313 = vector.shape_cast %swap3A_312 : vector<1x16xf32> to vector<16xf32>
        %swap3A_314 = vector.shape_cast %max3A_309 : vector<16xf32> to vector<1x16xf32>
        tpu.vector_store %arg12[%swap3A_310, %swap3A_311], %swap3A_314 {strides = array<i32>} : memref<80x128xf32, #tpu.memory_space<vmem>>, vector<1x16xf32>,
        %get3A_315 = arith.index_cast %scan3A_280 : i32 to index
        %get3A_316 = arith.constant 32 : index
        %get3A_317 = tpu.vector_load %arg12[%get3A_315, %get3A_316] {strides = array<i32>} : memref<80x128xf32, #tpu.memory_space<vmem>>, vector<1x16xf32>,
        %get3A_318 = vector.shape_cast %get3A_317 : vector<1x16xf32> to vector<16xf32>
        %get3A_319 = arith.index_cast %scan3A_280 : i32 to index
        %get3A_320 = arith.constant 32 : index
        %get3A_321 = tpu.vector_load %arg14[%get3A_319, %get3A_320] {strides = array<i32>} : memref<80x128xf32, #tpu.memory_space<vmem>>, vector<1x16xf32>,
        %get3A_322 = vector.shape_cast %get3A_321 : vector<1x16xf32> to vector<16xf32>
        %add3A_323 = arith.addf %get3A_318, %get3A_322 : vector<16xf32>
        %max3A_324 = arith.constant 0.000000e+00 : f32
        %max3A_325 = vector.broadcast %max3A_324 : f32 to vector<16xf32>
        %max3A_326 = arith.maximumf %add3A_323, %max3A_325 : vector<16xf32>
        %swap3A_327 = arith.index_cast %scan3A_280 : i32 to index
        %swap3A_328 = arith.constant 32 : index
        %swap3A_329 = tpu.vector_load %arg12[%swap3A_327, %swap3A_328] {strides = array<i32>} : memref<80x128xf32, #tpu.memory_space<vmem>>, vector<1x16xf32>,
        %swap3A_330 = vector.shape_cast %swap3A_329 : vector<1x16xf32> to vector<16xf32>
        %swap3A_331 = vector.shape_cast %max3A_326 : vector<16xf32> to vector<1x16xf32>
        tpu.vector_store %arg12[%swap3A_327, %swap3A_328], %swap3A_331 {strides = array<i32>} : memref<80x128xf32, #tpu.memory_space<vmem>>, vector<1x16xf32>,
        %get3A_332 = arith.index_cast %scan3A_280 : i32 to index
        %get3A_333 = arith.constant 48 : index
        %get3A_334 = tpu.vector_load %arg12[%get3A_332, %get3A_333] {strides = array<i32>} : memref<80x128xf32, #tpu.memory_space<vmem>>, vector<1x16xf32>,
        %get3A_335 = vector.shape_cast %get3A_334 : vector<1x16xf32> to vector<16xf32>
        %get3A_336 = arith.index_cast %scan3A_280 : i32 to index
        %get3A_337 = arith.constant 48 : index
        %get3A_338 = tpu.vector_load %arg14[%get3A_336, %get3A_337] {strides = array<i32>} : memref<80x128xf32, #tpu.memory_space<vmem>>, vector<1x16xf32>,
        %get3A_339 = vector.shape_cast %get3A_338 : vector<1x16xf32> to vector<16xf32>
        %add3A_340 = arith.addf %get3A_335, %get3A_339 : vector<16xf32>
        %max3A_341 = arith.constant 0.000000e+00 : f32
        %max3A_342 = vector.broadcast %max3A_341 : f32 to vector<16xf32>
        %max3A_343 = arith.maximumf %add3A_340, %max3A_342 : vector<16xf32>
        %swap3A_344 = arith.index_cast %scan3A_280 : i32 to index
        %swap3A_345 = arith.constant 48 : index
        %swap3A_346 = tpu.vector_load %arg12[%swap3A_344, %swap3A_345] {strides = array<i32>} : memref<80x128xf32, #tpu.memory_space<vmem>>, vector<1x16xf32>,
        %swap3A_347 = vector.shape_cast %swap3A_346 : vector<1x16xf32> to vector<16xf32>
        %swap3A_348 = vector.shape_cast %max3A_343 : vector<16xf32> to vector<1x16xf32>
        tpu.vector_store %arg12[%swap3A_344, %swap3A_345], %swap3A_348 {strides = array<i32>} : memref<80x128xf32, #tpu.memory_space<vmem>>, vector<1x16xf32>,
        %get3A_349 = arith.index_cast %scan3A_280 : i32 to index
        %get3A_350 = arith.constant 64 : index
        %get3A_351 = tpu.vector_load %arg12[%get3A_349, %get3A_350] {strides = array<i32>} : memref<80x128xf32, #tpu.memory_space<vmem>>, vector<1x16xf32>,
        %get3A_352 = vector.shape_cast %get3A_351 : vector<1x16xf32> to vector<16xf32>
        %get3A_353 = arith.index_cast %scan3A_280 : i32 to index
        %get3A_354 = arith.constant 64 : index
        %get3A_355 = tpu.vector_load %arg14[%get3A_353, %get3A_354] {strides = array<i32>} : memref<80x128xf32, #tpu.memory_space<vmem>>, vector<1x16xf32>,
        %get3A_356 = vector.shape_cast %get3A_355 : vector<1x16xf32> to vector<16xf32>
        %add3A_357 = arith.addf %get3A_352, %get3A_356 : vector<16xf32>
        %max3A_358 = arith.constant 0.000000e+00 : f32
        %max3A_359 = vector.broadcast %max3A_358 : f32 to vector<16xf32>
        %max3A_360 = arith.maximumf %add3A_357, %max3A_359 : vector<16xf32>
        %swap3A_361 = arith.index_cast %scan3A_280 : i32 to index
        %swap3A_362 = arith.constant 64 : index
        %swap3A_363 = tpu.vector_load %arg12[%swap3A_361, %swap3A_362] {strides = array<i32>} : memref<80x128xf32, #tpu.memory_space<vmem>>, vector<1x16xf32>,
        %swap3A_364 = vector.shape_cast %swap3A_363 : vector<1x16xf32> to vector<16xf32>
        %swap3A_365 = vector.shape_cast %max3A_360 : vector<16xf32> to vector<1x16xf32>
        tpu.vector_store %arg12[%swap3A_361, %swap3A_362], %swap3A_365 {strides = array<i32>} : memref<80x128xf32, #tpu.memory_space<vmem>>, vector<1x16xf32>,
        %get3A_366 = arith.index_cast %scan3A_280 : i32 to index
        %get3A_367 = arith.constant 80 : index
        %get3A_368 = tpu.vector_load %arg12[%get3A_366, %get3A_367] {strides = array<i32>} : memref<80x128xf32, #tpu.memory_space<vmem>>, vector<1x16xf32>,
        %get3A_369 = vector.shape_cast %get3A_368 : vector<1x16xf32> to vector<16xf32>
        %get3A_370 = arith.index_cast %scan3A_280 : i32 to index
        %get3A_371 = arith.constant 80 : index
        %get3A_372 = tpu.vector_load %arg14[%get3A_370, %get3A_371] {strides = array<i32>} : memref<80x128xf32, #tpu.memory_space<vmem>>, vector<1x16xf32>,
        %get3A_373 = vector.shape_cast %get3A_372 : vector<1x16xf32> to vector<16xf32>
        %add3A_374 = arith.addf %get3A_369, %get3A_373 : vector<16xf32>
        %max3A_375 = arith.constant 0.000000e+00 : f32
        %max3A_376 = vector.broadcast %max3A_375 : f32 to vector<16xf32>
        %max3A_377 = arith.maximumf %add3A_374, %max3A_376 : vector<16xf32>
        %swap3A_378 = arith.index_cast %scan3A_280 : i32 to index
        %swap3A_379 = arith.constant 80 : index
        %swap3A_380 = tpu.vector_load %arg12[%swap3A_378, %swap3A_379] {strides = array<i32>} : memref<80x128xf32, #tpu.memory_space<vmem>>, vector<1x16xf32>,
        %swap3A_381 = vector.shape_cast %swap3A_380 : vector<1x16xf32> to vector<16xf32>
        %swap3A_382 = vector.shape_cast %max3A_377 : vector<16xf32> to vector<1x16xf32>
        tpu.vector_store %arg12[%swap3A_378, %swap3A_379], %swap3A_382 {strides = array<i32>} : memref<80x128xf32, #tpu.memory_space<vmem>>, vector<1x16xf32>,
        %get3A_383 = arith.index_cast %scan3A_280 : i32 to index
        %get3A_384 = arith.constant 96 : index
        %get3A_385 = tpu.vector_load %arg12[%get3A_383, %get3A_384] {strides = array<i32>} : memref<80x128xf32, #tpu.memory_space<vmem>>, vector<1x16xf32>,
        %get3A_386 = vector.shape_cast %get3A_385 : vector<1x16xf32> to vector<16xf32>
        %get3A_387 = arith.index_cast %scan3A_280 : i32 to index
        %get3A_388 = arith.constant 96 : index
        %get3A_389 = tpu.vector_load %arg14[%get3A_387, %get3A_388] {strides = array<i32>} : memref<80x128xf32, #tpu.memory_space<vmem>>, vector<1x16xf32>,
        %get3A_390 = vector.shape_cast %get3A_389 : vector<1x16xf32> to vector<16xf32>
        %add3A_391 = arith.addf %get3A_386, %get3A_390 : vector<16xf32>
        %max3A_392 = arith.constant 0.000000e+00 : f32
        %max3A_393 = vector.broadcast %max3A_392 : f32 to vector<16xf32>
        %max3A_394 = arith.maximumf %add3A_391, %max3A_393 : vector<16xf32>
        %swap3A_395 = arith.index_cast %scan3A_280 : i32 to index
        %swap3A_396 = arith.constant 96 : index
        %swap3A_397 = tpu.vector_load %arg12[%swap3A_395, %swap3A_396] {strides = array<i32>} : memref<80x128xf32, #tpu.memory_space<vmem>>, vector<1x16xf32>,
        %swap3A_398 = vector.shape_cast %swap3A_397 : vector<1x16xf32> to vector<16xf32>
        %swap3A_399 = vector.shape_cast %max3A_394 : vector<16xf32> to vector<1x16xf32>
        tpu.vector_store %arg12[%swap3A_395, %swap3A_396], %swap3A_399 {strides = array<i32>} : memref<80x128xf32, #tpu.memory_space<vmem>>, vector<1x16xf32>,
        %get3A_400 = arith.index_cast %scan3A_280 : i32 to index
        %get3A_401 = arith.constant 112 : index
        %get3A_402 = tpu.vector_load %arg12[%get3A_400, %get3A_401] {strides = array<i32>} : memref<80x128xf32, #tpu.memory_space<vmem>>, vector<1x16xf32>,
        %get3A_403 = vector.shape_cast %get3A_402 : vector<1x16xf32> to vector<16xf32>
        %get3A_404 = arith.index_cast %scan3A_280 : i32 to index
        %get3A_405 = arith.constant 112 : index
        %get3A_406 = tpu.vector_load %arg14[%get3A_404, %get3A_405] {strides = array<i32>} : memref<80x128xf32, #tpu.memory_space<vmem>>, vector<1x16xf32>,
        %get3A_407 = vector.shape_cast %get3A_406 : vector<1x16xf32> to vector<16xf32>
        %add3A_408 = arith.addf %get3A_403, %get3A_407 : vector<16xf32>
        %max3A_409 = arith.constant 0.000000e+00 : f32
        %max3A_410 = vector.broadcast %max3A_409 : f32 to vector<16xf32>
        %max3A_411 = arith.maximumf %add3A_408, %max3A_410 : vector<16xf32>
        %swap3A_412 = arith.index_cast %scan3A_280 : i32 to index
        %swap3A_413 = arith.constant 112 : index
        %swap3A_414 = tpu.vector_load %arg12[%swap3A_412, %swap3A_413] {strides = array<i32>} : memref<80x128xf32, #tpu.memory_space<vmem>>, vector<1x16xf32>,
        %swap3A_415 = vector.shape_cast %swap3A_414 : vector<1x16xf32> to vector<16xf32>
        %swap3A_416 = vector.shape_cast %max3A_411 : vector<16xf32> to vector<1x16xf32>
        tpu.vector_store %arg12[%swap3A_412, %swap3A_413], %swap3A_416 {strides = array<i32>} : memref<80x128xf32, #tpu.memory_space<vmem>>, vector<1x16xf32>,
        %scan3A_417 = arith.constant 0 : i32
        scf.yield %scan3A_417 : i32
      }
      %scan3A_221 = arith.constant 80 : i32
      %get3A_222 = arith.constant 0 : index
      %get3A_223 = tpu.vector_load %arg10[%get3A_222] {strides = array<i32>} : memref<80xi32, #tpu.memory_space<vmem>>, vector<16xi32>,
      %get3A_224 = vector.shape_cast %get3A_223 : vector<16xi32> to vector<16xi32>
      %swap3A_225 = arith.constant 0 : index
      %swap3A_226 = tpu.vector_load %arg16[%swap3A_225] {strides = array<i32>} : memref<80xi32, #tpu.memory_space<vmem>>, vector<16xi32>,
      %swap3A_227 = vector.shape_cast %swap3A_226 : vector<16xi32> to vector<16xi32>
      %swap3A_228 = vector.shape_cast %get3A_224 : vector<16xi32> to vector<16xi32>
      tpu.vector_store %arg16[%swap3A_225], %swap3A_228 {strides = array<i32>} : memref<80xi32, #tpu.memory_space<vmem>>, vector<16xi32>,
      %get3A_229 = arith.constant 16 : index
      %get3A_230 = tpu.vector_load %arg10[%get3A_229] {strides = array<i32>} : memref<80xi32, #tpu.memory_space<vmem>>, vector<16xi32>,
      %get3A_231 = vector.shape_cast %get3A_230 : vector<16xi32> to vector<16xi32>
      %swap3A_232 = arith.constant 16 : index
      %swap3A_233 = tpu.vector_load %arg16[%swap3A_232] {strides = array<i32>} : memref<80xi32, #tpu.memory_space<vmem>>, vector<16xi32>,
      %swap3A_234 = vector.shape_cast %swap3A_233 : vector<16xi32> to vector<16xi32>
      %swap3A_235 = vector.shape_cast %get3A_231 : vector<16xi32> to vector<16xi32>
      tpu.vector_store %arg16[%swap3A_232], %swap3A_235 {strides = array<i32>} : memref<80xi32, #tpu.memory_space<vmem>>, vector<16xi32>,
      %get3A_236 = arith.constant 32 : index
      %get3A_237 = tpu.vector_load %arg10[%get3A_236] {strides = array<i32>} : memref<80xi32, #tpu.memory_space<vmem>>, vector<16xi32>,
      %get3A_238 = vector.shape_cast %get3A_237 : vector<16xi32> to vector<16xi32>
      %swap3A_239 = arith.constant 32 : index
      %swap3A_240 = tpu.vector_load %arg16[%swap3A_239] {strides = array<i32>} : memref<80xi32, #tpu.memory_space<vmem>>, vector<16xi32>,
      %swap3A_241 = vector.shape_cast %swap3A_240 : vector<16xi32> to vector<16xi32>
      %swap3A_242 = vector.shape_cast %get3A_238 : vector<16xi32> to vector<16xi32>
      tpu.vector_store %arg16[%swap3A_239], %swap3A_242 {strides = array<i32>} : memref<80xi32, #tpu.memory_space<vmem>>, vector<16xi32>,
      %get3A_243 = arith.constant 48 : index
      %get3A_244 = tpu.vector_load %arg10[%get3A_243] {strides = array<i32>} : memref<80xi32, #tpu.memory_space<vmem>>, vector<16xi32>,
      %get3A_245 = vector.shape_cast %get3A_244 : vector<16xi32> to vector<16xi32>
      %swap3A_246 = arith.constant 48 : index
      %swap3A_247 = tpu.vector_load %arg16[%swap3A_246] {strides = array<i32>} : memref<80xi32, #tpu.memory_space<vmem>>, vector<16xi32>,
      %swap3A_248 = vector.shape_cast %swap3A_247 : vector<16xi32> to vector<16xi32>
      %swap3A_249 = vector.shape_cast %get3A_245 : vector<16xi32> to vector<16xi32>
      tpu.vector_store %arg16[%swap3A_246], %swap3A_249 {strides = array<i32>} : memref<80xi32, #tpu.memory_space<vmem>>, vector<16xi32>,
      %get3A_250 = arith.constant 64 : index
      %get3A_251 = tpu.vector_load %arg10[%get3A_250] {strides = array<i32>} : memref<80xi32, #tpu.memory_space<vmem>>, vector<16xi32>,
      %get3A_252 = vector.shape_cast %get3A_251 : vector<16xi32> to vector<16xi32>
      %swap3A_253 = arith.constant 64 : index
      %swap3A_254 = tpu.vector_load %arg16[%swap3A_253] {strides = array<i32>} : memref<80xi32, #tpu.memory_space<vmem>>, vector<16xi32>,
      %swap3A_255 = vector.shape_cast %swap3A_254 : vector<16xi32> to vector<16xi32>
      %swap3A_256 = vector.shape_cast %get3A_252 : vector<16xi32> to vector<16xi32>
      tpu.vector_store %arg16[%swap3A_253], %swap3A_256 {strides = array<i32>} : memref<80xi32, #tpu.memory_space<vmem>>, vector<16xi32>,
      %dma_start3A_257 = arith.constant 0 : i32
      %dma_start3A_258 = arith.constant 0 : i32
      %dma_start3A_259 = tpu.memref_slice %arg18[%dma_start3A_257, %dma_start3A_258] : memref<10000x128xf32, #tpu.memory_space<vmem_shared>> -> memref<10000x128xf32, #tpu.memory_space<vmem_shared>>
      tpu.enqueue_indirect_dma source(%arg12 : memref<80x128xf32, #tpu.memory_space<vmem>>) target(%dma_start3A_259 : memref<10000x128xf32, #tpu.memory_space<vmem_shared>>) offsets(%arg16 : memref<80xi32, #tpu.memory_space<vmem>>) semaphore(%arg26 : memref<!tpu.dma_semaphore, #tpu.memory_space<semaphore_mem>>) {add = true}
      %add3A_260 = arith.constant 2 : i32
      %add3A_261 = arith.addi %add3A_205, %add3A_260 : i32
      %lt3A_262 = arith.constant 125 : i32
      %lt3A_263 = arith.cmpi slt, %add3A_261, %lt3A_262 : i32
      %convert_element_type3A_264 = arith.extui %lt3A_263 : i1 to i32
      %cond3A_265 = arith.constant 0 : i32
      %cond3A_266 = arith.cmpi ne, %convert_element_type3A_264, %cond3A_265 : i32
      scf.if %cond3A_266 {
        %add3A_280 = arith.constant 2 : i32
        %add3A_281 = arith.addi %add3A_205, %add3A_280 : i32
        %mul3A_282 = arith.constant 10000 : i32
        %mul3A_283 = arith.muli %add3A, %mul3A_282 : i32
        %mul3A_284 = arith.constant 80 : i32
        %mul3A_285 = arith.muli %add3A_281, %mul3A_284 : i32
        %add3A_286 = arith.addi %mul3A_283, %mul3A_285 : i32
        %dma_start3A_287 = tpu.memref_slice %arg4[%add3A_286] : memref<320000xi32, #tpu.memory_space<hbm>> -> memref<80xi32, #tpu.memory_space<hbm>>
        %dma_start3A_288 = tpu.memref_slice %arg4[%add3A_286] : memref<320000xi32, #tpu.memory_space<hbm>> -> memref<80xi32, #tpu.memory_space<hbm>>
        tpu.enqueue_dma source(%dma_start3A_288 : memref<80xi32, #tpu.memory_space<hbm>>) target(%arg8 : memref<80xi32, #tpu.memory_space<vmem>>) target_semaphore(%arg20 : memref<!tpu.dma_semaphore, #tpu.memory_space<semaphore_mem>>)
        %dma_start3A_289 = tpu.memref_slice %arg5[%add3A_286] : memref<320000xi32, #tpu.memory_space<hbm>> -> memref<80xi32, #tpu.memory_space<hbm>>
        %dma_start3A_290 = tpu.memref_slice %arg5[%add3A_286] : memref<320000xi32, #tpu.memory_space<hbm>> -> memref<80xi32, #tpu.memory_space<hbm>>
        tpu.enqueue_dma source(%dma_start3A_290 : memref<80xi32, #tpu.memory_space<hbm>>) target(%arg10 : memref<80xi32, #tpu.memory_space<vmem>>) target_semaphore(%arg20 : memref<!tpu.dma_semaphore, #tpu.memory_space<semaphore_mem>>)
        %dma_start3A_291 = arith.constant 0 : i32
        %dma_start3A_292 = tpu.memref_slice %arg3[%add3A_286, %dma_start3A_291] : memref<320000x128xf32, #tpu.memory_space<hbm>> -> memref<80x128xf32, #tpu.memory_space<hbm>>
        %dma_start3A_293 = arith.constant 0 : i32
        %dma_start3A_294 = tpu.memref_slice %arg3[%add3A_286, %dma_start3A_293] : memref<320000x128xf32, #tpu.memory_space<hbm>> -> memref<80x128xf32, #tpu.memory_space<hbm>>
        tpu.enqueue_dma source(%dma_start3A_294 : memref<80x128xf32, #tpu.memory_space<hbm>>) target(%arg14 : memref<80x128xf32, #tpu.memory_space<vmem>>) target_semaphore(%arg22 : memref<!tpu.dma_semaphore, #tpu.memory_space<semaphore_mem>>)
      } else {
      }
      %ge3A_267 = arith.constant 1 : i32
      %ge3A_268 = arith.cmpi sge, %add3A_205, %ge3A_267 : i32
      %convert_element_type3A_269 = arith.extui %ge3A_268 : i1 to i32
      %cond3A_270 = arith.constant 0 : i32
      %cond3A_271 = arith.cmpi ne, %convert_element_type3A_269, %cond3A_270 : i32
      scf.if %cond3A_271 {
        %dma_wait3A_280 = arith.constant 0 : i32
        %dma_wait3A_281 = arith.constant 0 : i32
        %dma_wait3A_282 = tpu.memref_slice %arg18[%dma_wait3A_280, %dma_wait3A_281] : memref<10000x128xf32, #tpu.memory_space<vmem_shared>> -> memref<10000x128xf32, #tpu.memory_space<vmem_shared>>
        tpu.wait_indirect_dma semaphore(%arg25 : memref<!tpu.dma_semaphore, #tpu.memory_space<semaphore_mem>>) src(%arg11 : memref<80x128xf32, #tpu.memory_space<vmem>>) dst(%dma_wait3A_282 : memref<10000x128xf32, #tpu.memory_space<vmem_shared>>)
      } else {
      }
      %add3A_272 = arith.constant 1 : i32
      %add3A_273 = arith.addi %add3A_205, %add3A_272 : i32
      %lt3A_274 = arith.constant 125 : i32
      %lt3A_275 = arith.cmpi slt, %add3A_273, %lt3A_274 : i32
      %convert_element_type3A_276 = arith.extui %lt3A_275 : i1 to i32
      %cond3A_277 = arith.constant 0 : i32
      %cond3A_278 = arith.cmpi ne, %convert_element_type3A_276, %cond3A_277 : i32
      scf.if %cond3A_278 {
        %dma_wait3A_280 = arith.constant 0 : i32
        %dma_wait3A_281 = tpu.memref_slice %arg4[%dma_wait3A_280] : memref<320000xi32, #tpu.memory_space<hbm>> -> memref<80xi32, #tpu.memory_space<hbm>>
        %dma_wait3A_282 = arith.constant 0 : i32
        %dma_wait3A_283 = tpu.memref_slice %arg4[%dma_wait3A_282] : memref<320000xi32, #tpu.memory_space<hbm>> -> memref<80xi32, #tpu.memory_space<hbm>>
        tpu.wait_dma2 semaphore(%arg19 : memref<!tpu.dma_semaphore, #tpu.memory_space<semaphore_mem>>) src(%dma_wait3A_283 : memref<80xi32, #tpu.memory_space<hbm>>) dst(%arg7 : memref<80xi32, #tpu.memory_space<vmem>>)
        %dma_wait3A_284 = arith.constant 0 : i32
        %dma_wait3A_285 = tpu.memref_slice %arg5[%dma_wait3A_284] : memref<320000xi32, #tpu.memory_space<hbm>> -> memref<80xi32, #tpu.memory_space<hbm>>
        %dma_wait3A_286 = arith.constant 0 : i32
        %dma_wait3A_287 = tpu.memref_slice %arg5[%dma_wait3A_286] : memref<320000xi32, #tpu.memory_space<hbm>> -> memref<80xi32, #tpu.memory_space<hbm>>
        tpu.wait_dma2 semaphore(%arg19 : memref<!tpu.dma_semaphore, #tpu.memory_space<semaphore_mem>>) src(%dma_wait3A_287 : memref<80xi32, #tpu.memory_space<hbm>>) dst(%arg9 : memref<80xi32, #tpu.memory_space<vmem>>)
        %dma_start3A_288 = arith.constant 0 : i32
        %dma_start3A_289 = arith.constant 0 : i32
        %dma_start3A_290 = tpu.memref_slice %arg2[%dma_start3A_288, %dma_start3A_289] : memref<10000x128xf32, #tpu.memory_space<hbm>> -> memref<10000x128xf32, #tpu.memory_space<hbm>>
        tpu.enqueue_indirect_dma source(%dma_start3A_290 : memref<10000x128xf32, #tpu.memory_space<hbm>>) target(%arg11 : memref<80x128xf32, #tpu.memory_space<vmem>>) offsets(%arg7 : memref<80xi32, #tpu.memory_space<vmem>>) semaphore(%arg23 : memref<!tpu.dma_semaphore, #tpu.memory_space<semaphore_mem>>)
      } else {
      }
      %scan3A_279 = arith.constant 0 : i32
      scf.yield %scan3A_279 : i32
    }
    %scan3A_56 = arith.constant 62 : i32
    %dma_wait3A_57 = arith.constant 0 : i32
    %dma_wait3A_58 = arith.constant 0 : i32
    %dma_wait3A_59 = tpu.memref_slice %arg2[%dma_wait3A_57, %dma_wait3A_58] : memref<10000x128xf32, #tpu.memory_space<hbm>> -> memref<10000x128xf32, #tpu.memory_space<hbm>>
    tpu.wait_indirect_dma semaphore(%arg23 : memref<!tpu.dma_semaphore, #tpu.memory_space<semaphore_mem>>) src(%dma_wait3A_59 : memref<10000x128xf32, #tpu.memory_space<hbm>>) dst(%arg11 : memref<80x128xf32, #tpu.memory_space<vmem>>)
    %dma_wait3A_60 = arith.constant 0 : i32
    %dma_wait3A_61 = arith.constant 0 : i32
    %dma_wait3A_62 = tpu.memref_slice %arg3[%dma_wait3A_60, %dma_wait3A_61] : memref<320000x128xf32, #tpu.memory_space<hbm>> -> memref<80x128xf32, #tpu.memory_space<hbm>>
    %dma_wait3A_63 = arith.constant 0 : i32
    %dma_wait3A_64 = arith.constant 0 : i32
    %dma_wait3A_65 = tpu.memref_slice %arg3[%dma_wait3A_63, %dma_wait3A_64] : memref<320000x128xf32, #tpu.memory_space<hbm>> -> memref<80x128xf32, #tpu.memory_space<hbm>>
    tpu.wait_dma2 semaphore(%arg21 : memref<!tpu.dma_semaphore, #tpu.memory_space<semaphore_mem>>) src(%dma_wait3A_65 : memref<80x128xf32, #tpu.memory_space<hbm>>) dst(%arg13 : memref<80x128xf32, #tpu.memory_space<vmem>>)
    %scan3A_66 = arith.constant 0 : i32
    %scan3A_67 = arith.constant 0 : i32
    %scan3A_68 = arith.constant 80 : i32
    %scan3A_69 = arith.addi %scan3A_67, %scan3A_68 : i32
    %scan3A_70 = arith.constant 1 : i32
    %scan3A_71 = scf.for %scan3A_125 = %scan3A_67 to %scan3A_69 step %scan3A_70 iter_args(%scan3A_126 = %scan3A_66) -> (i32)  : i32 {
      %get3A_127 = arith.index_cast %scan3A_125 : i32 to index
      %get3A_128 = arith.constant 0 : index
      %get3A_129 = tpu.vector_load %arg11[%get3A_127, %get3A_128] {strides = array<i32>} : memref<80x128xf32, #tpu.memory_space<vmem>>, vector<1x16xf32>,
      %get3A_130 = vector.shape_cast %get3A_129 : vector<1x16xf32> to vector<16xf32>
      %get3A_131 = arith.index_cast %scan3A_125 : i32 to index
      %get3A_132 = arith.constant 0 : index
      %get3A_133 = tpu.vector_load %arg13[%get3A_131, %get3A_132] {strides = array<i32>} : memref<80x128xf32, #tpu.memory_space<vmem>>, vector<1x16xf32>,
      %get3A_134 = vector.shape_cast %get3A_133 : vector<1x16xf32> to vector<16xf32>
      %add3A_135 = arith.addf %get3A_130, %get3A_134 : vector<16xf32>
      %max3A = arith.constant 0.000000e+00 : f32
      %max3A_136 = vector.broadcast %max3A : f32 to vector<16xf32>
      %max3A_137 = arith.maximumf %add3A_135, %max3A_136 : vector<16xf32>
      %swap3A_138 = arith.index_cast %scan3A_125 : i32 to index
      %swap3A_139 = arith.constant 0 : index
      %swap3A_140 = tpu.vector_load %arg11[%swap3A_138, %swap3A_139] {strides = array<i32>} : memref<80x128xf32, #tpu.memory_space<vmem>>, vector<1x16xf32>,
      %swap3A_141 = vector.shape_cast %swap3A_140 : vector<1x16xf32> to vector<16xf32>
      %swap3A_142 = vector.shape_cast %max3A_137 : vector<16xf32> to vector<1x16xf32>
      tpu.vector_store %arg11[%swap3A_138, %swap3A_139], %swap3A_142 {strides = array<i32>} : memref<80x128xf32, #tpu.memory_space<vmem>>, vector<1x16xf32>,
      %get3A_143 = arith.index_cast %scan3A_125 : i32 to index
      %get3A_144 = arith.constant 16 : index
      %get3A_145 = tpu.vector_load %arg11[%get3A_143, %get3A_144] {strides = array<i32>} : memref<80x128xf32, #tpu.memory_space<vmem>>, vector<1x16xf32>,
      %get3A_146 = vector.shape_cast %get3A_145 : vector<1x16xf32> to vector<16xf32>
      %get3A_147 = arith.index_cast %scan3A_125 : i32 to index
      %get3A_148 = arith.constant 16 : index
      %get3A_149 = tpu.vector_load %arg13[%get3A_147, %get3A_148] {strides = array<i32>} : memref<80x128xf32, #tpu.memory_space<vmem>>, vector<1x16xf32>,
      %get3A_150 = vector.shape_cast %get3A_149 : vector<1x16xf32> to vector<16xf32>
      %add3A_151 = arith.addf %get3A_146, %get3A_150 : vector<16xf32>
      %max3A_152 = arith.constant 0.000000e+00 : f32
      %max3A_153 = vector.broadcast %max3A_152 : f32 to vector<16xf32>
      %max3A_154 = arith.maximumf %add3A_151, %max3A_153 : vector<16xf32>
      %swap3A_155 = arith.index_cast %scan3A_125 : i32 to index
      %swap3A_156 = arith.constant 16 : index
      %swap3A_157 = tpu.vector_load %arg11[%swap3A_155, %swap3A_156] {strides = array<i32>} : memref<80x128xf32, #tpu.memory_space<vmem>>, vector<1x16xf32>,
      %swap3A_158 = vector.shape_cast %swap3A_157 : vector<1x16xf32> to vector<16xf32>
      %swap3A_159 = vector.shape_cast %max3A_154 : vector<16xf32> to vector<1x16xf32>
      tpu.vector_store %arg11[%swap3A_155, %swap3A_156], %swap3A_159 {strides = array<i32>} : memref<80x128xf32, #tpu.memory_space<vmem>>, vector<1x16xf32>,
      %get3A_160 = arith.index_cast %scan3A_125 : i32 to index
      %get3A_161 = arith.constant 32 : index
      %get3A_162 = tpu.vector_load %arg11[%get3A_160, %get3A_161] {strides = array<i32>} : memref<80x128xf32, #tpu.memory_space<vmem>>, vector<1x16xf32>,
      %get3A_163 = vector.shape_cast %get3A_162 : vector<1x16xf32> to vector<16xf32>
      %get3A_164 = arith.index_cast %scan3A_125 : i32 to index
      %get3A_165 = arith.constant 32 : index
      %get3A_166 = tpu.vector_load %arg13[%get3A_164, %get3A_165] {strides = array<i32>} : memref<80x128xf32, #tpu.memory_space<vmem>>, vector<1x16xf32>,
      %get3A_167 = vector.shape_cast %get3A_166 : vector<1x16xf32> to vector<16xf32>
      %add3A_168 = arith.addf %get3A_163, %get3A_167 : vector<16xf32>
      %max3A_169 = arith.constant 0.000000e+00 : f32
      %max3A_170 = vector.broadcast %max3A_169 : f32 to vector<16xf32>
      %max3A_171 = arith.maximumf %add3A_168, %max3A_170 : vector<16xf32>
      %swap3A_172 = arith.index_cast %scan3A_125 : i32 to index
      %swap3A_173 = arith.constant 32 : index
      %swap3A_174 = tpu.vector_load %arg11[%swap3A_172, %swap3A_173] {strides = array<i32>} : memref<80x128xf32, #tpu.memory_space<vmem>>, vector<1x16xf32>,
      %swap3A_175 = vector.shape_cast %swap3A_174 : vector<1x16xf32> to vector<16xf32>
      %swap3A_176 = vector.shape_cast %max3A_171 : vector<16xf32> to vector<1x16xf32>
      tpu.vector_store %arg11[%swap3A_172, %swap3A_173], %swap3A_176 {strides = array<i32>} : memref<80x128xf32, #tpu.memory_space<vmem>>, vector<1x16xf32>,
      %get3A_177 = arith.index_cast %scan3A_125 : i32 to index
      %get3A_178 = arith.constant 48 : index
      %get3A_179 = tpu.vector_load %arg11[%get3A_177, %get3A_178] {strides = array<i32>} : memref<80x128xf32, #tpu.memory_space<vmem>>, vector<1x16xf32>,
      %get3A_180 = vector.shape_cast %get3A_179 : vector<1x16xf32> to vector<16xf32>
      %get3A_181 = arith.index_cast %scan3A_125 : i32 to index
      %get3A_182 = arith.constant 48 : index
      %get3A_183 = tpu.vector_load %arg13[%get3A_181, %get3A_182] {strides = array<i32>} : memref<80x128xf32, #tpu.memory_space<vmem>>, vector<1x16xf32>,
      %get3A_184 = vector.shape_cast %get3A_183 : vector<1x16xf32> to vector<16xf32>
      %add3A_185 = arith.addf %get3A_180, %get3A_184 : vector<16xf32>
      %max3A_186 = arith.constant 0.000000e+00 : f32
      %max3A_187 = vector.broadcast %max3A_186 : f32 to vector<16xf32>
      %max3A_188 = arith.maximumf %add3A_185, %max3A_187 : vector<16xf32>
      %swap3A_189 = arith.index_cast %scan3A_125 : i32 to index
      %swap3A_190 = arith.constant 48 : index
      %swap3A_191 = tpu.vector_load %arg11[%swap3A_189, %swap3A_190] {strides = array<i32>} : memref<80x128xf32, #tpu.memory_space<vmem>>, vector<1x16xf32>,
      %swap3A_192 = vector.shape_cast %swap3A_191 : vector<1x16xf32> to vector<16xf32>
      %swap3A_193 = vector.shape_cast %max3A_188 : vector<16xf32> to vector<1x16xf32>
      tpu.vector_store %arg11[%swap3A_189, %swap3A_190], %swap3A_193 {strides = array<i32>} : memref<80x128xf32, #tpu.memory_space<vmem>>, vector<1x16xf32>,
      %get3A_194 = arith.index_cast %scan3A_125 : i32 to index
      %get3A_195 = arith.constant 64 : index
      %get3A_196 = tpu.vector_load %arg11[%get3A_194, %get3A_195] {strides = array<i32>} : memref<80x128xf32, #tpu.memory_space<vmem>>, vector<1x16xf32>,
      %get3A_197 = vector.shape_cast %get3A_196 : vector<1x16xf32> to vector<16xf32>
      %get3A_198 = arith.index_cast %scan3A_125 : i32 to index
      %get3A_199 = arith.constant 64 : index
      %get3A_200 = tpu.vector_load %arg13[%get3A_198, %get3A_199] {strides = array<i32>} : memref<80x128xf32, #tpu.memory_space<vmem>>, vector<1x16xf32>,
      %get3A_201 = vector.shape_cast %get3A_200 : vector<1x16xf32> to vector<16xf32>
      %add3A_202 = arith.addf %get3A_197, %get3A_201 : vector<16xf32>
      %max3A_203 = arith.constant 0.000000e+00 : f32
      %max3A_204 = vector.broadcast %max3A_203 : f32 to vector<16xf32>
      %max3A_205 = arith.maximumf %add3A_202, %max3A_204 : vector<16xf32>
      %swap3A_206 = arith.index_cast %scan3A_125 : i32 to index
      %swap3A_207 = arith.constant 64 : index
      %swap3A_208 = tpu.vector_load %arg11[%swap3A_206, %swap3A_207] {strides = array<i32>} : memref<80x128xf32, #tpu.memory_space<vmem>>, vector<1x16xf32>,
      %swap3A_209 = vector.shape_cast %swap3A_208 : vector<1x16xf32> to vector<16xf32>
      %swap3A_210 = vector.shape_cast %max3A_205 : vector<16xf32> to vector<1x16xf32>
      tpu.vector_store %arg11[%swap3A_206, %swap3A_207], %swap3A_210 {strides = array<i32>} : memref<80x128xf32, #tpu.memory_space<vmem>>, vector<1x16xf32>,
      %get3A_211 = arith.index_cast %scan3A_125 : i32 to index
      %get3A_212 = arith.constant 80 : index
      %get3A_213 = tpu.vector_load %arg11[%get3A_211, %get3A_212] {strides = array<i32>} : memref<80x128xf32, #tpu.memory_space<vmem>>, vector<1x16xf32>,
      %get3A_214 = vector.shape_cast %get3A_213 : vector<1x16xf32> to vector<16xf32>
      %get3A_215 = arith.index_cast %scan3A_125 : i32 to index
      %get3A_216 = arith.constant 80 : index
      %get3A_217 = tpu.vector_load %arg13[%get3A_215, %get3A_216] {strides = array<i32>} : memref<80x128xf32, #tpu.memory_space<vmem>>, vector<1x16xf32>,
      %get3A_218 = vector.shape_cast %get3A_217 : vector<1x16xf32> to vector<16xf32>
      %add3A_219 = arith.addf %get3A_214, %get3A_218 : vector<16xf32>
      %max3A_220 = arith.constant 0.000000e+00 : f32
      %max3A_221 = vector.broadcast %max3A_220 : f32 to vector<16xf32>
      %max3A_222 = arith.maximumf %add3A_219, %max3A_221 : vector<16xf32>
      %swap3A_223 = arith.index_cast %scan3A_125 : i32 to index
      %swap3A_224 = arith.constant 80 : index
      %swap3A_225 = tpu.vector_load %arg11[%swap3A_223, %swap3A_224] {strides = array<i32>} : memref<80x128xf32, #tpu.memory_space<vmem>>, vector<1x16xf32>,
      %swap3A_226 = vector.shape_cast %swap3A_225 : vector<1x16xf32> to vector<16xf32>
      %swap3A_227 = vector.shape_cast %max3A_222 : vector<16xf32> to vector<1x16xf32>
      tpu.vector_store %arg11[%swap3A_223, %swap3A_224], %swap3A_227 {strides = array<i32>} : memref<80x128xf32, #tpu.memory_space<vmem>>, vector<1x16xf32>,
      %get3A_228 = arith.index_cast %scan3A_125 : i32 to index
      %get3A_229 = arith.constant 96 : index
      %get3A_230 = tpu.vector_load %arg11[%get3A_228, %get3A_229] {strides = array<i32>} : memref<80x128xf32, #tpu.memory_space<vmem>>, vector<1x16xf32>,
      %get3A_231 = vector.shape_cast %get3A_230 : vector<1x16xf32> to vector<16xf32>
      %get3A_232 = arith.index_cast %scan3A_125 : i32 to index
      %get3A_233 = arith.constant 96 : index
      %get3A_234 = tpu.vector_load %arg13[%get3A_232, %get3A_233] {strides = array<i32>} : memref<80x128xf32, #tpu.memory_space<vmem>>, vector<1x16xf32>,
      %get3A_235 = vector.shape_cast %get3A_234 : vector<1x16xf32> to vector<16xf32>
      %add3A_236 = arith.addf %get3A_231, %get3A_235 : vector<16xf32>
      %max3A_237 = arith.constant 0.000000e+00 : f32
      %max3A_238 = vector.broadcast %max3A_237 : f32 to vector<16xf32>
      %max3A_239 = arith.maximumf %add3A_236, %max3A_238 : vector<16xf32>
      %swap3A_240 = arith.index_cast %scan3A_125 : i32 to index
      %swap3A_241 = arith.constant 96 : index
      %swap3A_242 = tpu.vector_load %arg11[%swap3A_240, %swap3A_241] {strides = array<i32>} : memref<80x128xf32, #tpu.memory_space<vmem>>, vector<1x16xf32>,
      %swap3A_243 = vector.shape_cast %swap3A_242 : vector<1x16xf32> to vector<16xf32>
      %swap3A_244 = vector.shape_cast %max3A_239 : vector<16xf32> to vector<1x16xf32>
      tpu.vector_store %arg11[%swap3A_240, %swap3A_241], %swap3A_244 {strides = array<i32>} : memref<80x128xf32, #tpu.memory_space<vmem>>, vector<1x16xf32>,
      %get3A_245 = arith.index_cast %scan3A_125 : i32 to index
      %get3A_246 = arith.constant 112 : index
      %get3A_247 = tpu.vector_load %arg11[%get3A_245, %get3A_246] {strides = array<i32>} : memref<80x128xf32, #tpu.memory_space<vmem>>, vector<1x16xf32>,
      %get3A_248 = vector.shape_cast %get3A_247 : vector<1x16xf32> to vector<16xf32>
      %get3A_249 = arith.index_cast %scan3A_125 : i32 to index
      %get3A_250 = arith.constant 112 : index
      %get3A_251 = tpu.vector_load %arg13[%get3A_249, %get3A_250] {strides = array<i32>} : memref<80x128xf32, #tpu.memory_space<vmem>>, vector<1x16xf32>,
      %get3A_252 = vector.shape_cast %get3A_251 : vector<1x16xf32> to vector<16xf32>
      %add3A_253 = arith.addf %get3A_248, %get3A_252 : vector<16xf32>
      %max3A_254 = arith.constant 0.000000e+00 : f32
      %max3A_255 = vector.broadcast %max3A_254 : f32 to vector<16xf32>
      %max3A_256 = arith.maximumf %add3A_253, %max3A_255 : vector<16xf32>
      %swap3A_257 = arith.index_cast %scan3A_125 : i32 to index
      %swap3A_258 = arith.constant 112 : index
      %swap3A_259 = tpu.vector_load %arg11[%swap3A_257, %swap3A_258] {strides = array<i32>} : memref<80x128xf32, #tpu.memory_space<vmem>>, vector<1x16xf32>,
      %swap3A_260 = vector.shape_cast %swap3A_259 : vector<1x16xf32> to vector<16xf32>
      %swap3A_261 = vector.shape_cast %max3A_256 : vector<16xf32> to vector<1x16xf32>
      tpu.vector_store %arg11[%swap3A_257, %swap3A_258], %swap3A_261 {strides = array<i32>} : memref<80x128xf32, #tpu.memory_space<vmem>>, vector<1x16xf32>,
      %scan3A_262 = arith.constant 0 : i32
      scf.yield %scan3A_262 : i32
    }
    %scan3A_72 = arith.constant 80 : i32
    %get3A = arith.constant 0 : index
    %get3A_73 = tpu.vector_load %arg9[%get3A] {strides = array<i32>} : memref<80xi32, #tpu.memory_space<vmem>>, vector<16xi32>,
    %get3A_74 = vector.shape_cast %get3A_73 : vector<16xi32> to vector<16xi32>
    %swap3A = arith.constant 0 : index
    %swap3A_75 = tpu.vector_load %arg15[%swap3A] {strides = array<i32>} : memref<80xi32, #tpu.memory_space<vmem>>, vector<16xi32>,
    %swap3A_76 = vector.shape_cast %swap3A_75 : vector<16xi32> to vector<16xi32>
    %swap3A_77 = vector.shape_cast %get3A_74 : vector<16xi32> to vector<16xi32>
    tpu.vector_store %arg15[%swap3A], %swap3A_77 {strides = array<i32>} : memref<80xi32, #tpu.memory_space<vmem>>, vector<16xi32>,
    %get3A_78 = arith.constant 16 : index
    %get3A_79 = tpu.vector_load %arg9[%get3A_78] {strides = array<i32>} : memref<80xi32, #tpu.memory_space<vmem>>, vector<16xi32>,
    %get3A_80 = vector.shape_cast %get3A_79 : vector<16xi32> to vector<16xi32>
    %swap3A_81 = arith.constant 16 : index
    %swap3A_82 = tpu.vector_load %arg15[%swap3A_81] {strides = array<i32>} : memref<80xi32, #tpu.memory_space<vmem>>, vector<16xi32>,
    %swap3A_83 = vector.shape_cast %swap3A_82 : vector<16xi32> to vector<16xi32>
    %swap3A_84 = vector.shape_cast %get3A_80 : vector<16xi32> to vector<16xi32>
    tpu.vector_store %arg15[%swap3A_81], %swap3A_84 {strides = array<i32>} : memref<80xi32, #tpu.memory_space<vmem>>, vector<16xi32>,
    %get3A_85 = arith.constant 32 : index
    %get3A_86 = tpu.vector_load %arg9[%get3A_85] {strides = array<i32>} : memref<80xi32, #tpu.memory_space<vmem>>, vector<16xi32>,
    %get3A_87 = vector.shape_cast %get3A_86 : vector<16xi32> to vector<16xi32>
    %swap3A_88 = arith.constant 32 : index
    %swap3A_89 = tpu.vector_load %arg15[%swap3A_88] {strides = array<i32>} : memref<80xi32, #tpu.memory_space<vmem>>, vector<16xi32>,
    %swap3A_90 = vector.shape_cast %swap3A_89 : vector<16xi32> to vector<16xi32>
    %swap3A_91 = vector.shape_cast %get3A_87 : vector<16xi32> to vector<16xi32>
    tpu.vector_store %arg15[%swap3A_88], %swap3A_91 {strides = array<i32>} : memref<80xi32, #tpu.memory_space<vmem>>, vector<16xi32>,
    %get3A_92 = arith.constant 48 : index
    %get3A_93 = tpu.vector_load %arg9[%get3A_92] {strides = array<i32>} : memref<80xi32, #tpu.memory_space<vmem>>, vector<16xi32>,
    %get3A_94 = vector.shape_cast %get3A_93 : vector<16xi32> to vector<16xi32>
    %swap3A_95 = arith.constant 48 : index
    %swap3A_96 = tpu.vector_load %arg15[%swap3A_95] {strides = array<i32>} : memref<80xi32, #tpu.memory_space<vmem>>, vector<16xi32>,
    %swap3A_97 = vector.shape_cast %swap3A_96 : vector<16xi32> to vector<16xi32>
    %swap3A_98 = vector.shape_cast %get3A_94 : vector<16xi32> to vector<16xi32>
    tpu.vector_store %arg15[%swap3A_95], %swap3A_98 {strides = array<i32>} : memref<80xi32, #tpu.memory_space<vmem>>, vector<16xi32>,
    %get3A_99 = arith.constant 64 : index
    %get3A_100 = tpu.vector_load %arg9[%get3A_99] {strides = array<i32>} : memref<80xi32, #tpu.memory_space<vmem>>, vector<16xi32>,
    %get3A_101 = vector.shape_cast %get3A_100 : vector<16xi32> to vector<16xi32>
    %swap3A_102 = arith.constant 64 : index
    %swap3A_103 = tpu.vector_load %arg15[%swap3A_102] {strides = array<i32>} : memref<80xi32, #tpu.memory_space<vmem>>, vector<16xi32>,
    %swap3A_104 = vector.shape_cast %swap3A_103 : vector<16xi32> to vector<16xi32>
    %swap3A_105 = vector.shape_cast %get3A_101 : vector<16xi32> to vector<16xi32>
    tpu.vector_store %arg15[%swap3A_102], %swap3A_105 {strides = array<i32>} : memref<80xi32, #tpu.memory_space<vmem>>, vector<16xi32>,
    %dma_start3A_106 = arith.constant 0 : i32
    %dma_start3A_107 = arith.constant 0 : i32
    %dma_start3A_108 = tpu.memref_slice %arg18[%dma_start3A_106, %dma_start3A_107] : memref<10000x128xf32, #tpu.memory_space<vmem_shared>> -> memref<10000x128xf32, #tpu.memory_space<vmem_shared>>
    tpu.enqueue_indirect_dma source(%arg11 : memref<80x128xf32, #tpu.memory_space<vmem>>) target(%dma_start3A_108 : memref<10000x128xf32, #tpu.memory_space<vmem_shared>>) offsets(%arg15 : memref<80xi32, #tpu.memory_space<vmem>>) semaphore(%arg25 : memref<!tpu.dma_semaphore, #tpu.memory_space<semaphore_mem>>) {add = true}
    %dma_wait3A_109 = arith.constant 0 : i32
    %dma_wait3A_110 = arith.constant 0 : i32
    %dma_wait3A_111 = tpu.memref_slice %arg18[%dma_wait3A_109, %dma_wait3A_110] : memref<10000x128xf32, #tpu.memory_space<vmem_shared>> -> memref<10000x128xf32, #tpu.memory_space<vmem_shared>>
    tpu.wait_indirect_dma semaphore(%arg26 : memref<!tpu.dma_semaphore, #tpu.memory_space<semaphore_mem>>) src(%arg12 : memref<80x128xf32, #tpu.memory_space<vmem>>) dst(%dma_wait3A_111 : memref<10000x128xf32, #tpu.memory_space<vmem_shared>>)
    %dma_wait3A_112 = arith.constant 0 : i32
    %dma_wait3A_113 = arith.constant 0 : i32
    %dma_wait3A_114 = tpu.memref_slice %arg18[%dma_wait3A_112, %dma_wait3A_113] : memref<10000x128xf32, #tpu.memory_space<vmem_shared>> -> memref<10000x128xf32, #tpu.memory_space<vmem_shared>>
    tpu.wait_indirect_dma semaphore(%arg25 : memref<!tpu.dma_semaphore, #tpu.memory_space<semaphore_mem>>) src(%arg11 : memref<80x128xf32, #tpu.memory_space<vmem>>) dst(%dma_wait3A_114 : memref<10000x128xf32, #tpu.memory_space<vmem_shared>>)
    %barrier3A_115 = arith.constant 0 : index
    tpu.barrier barrier_id(%barrier3A_115)
    %mul3A_116 = arith.constant 624 : i32
    %mul3A_117 = arith.muli %arg1, %mul3A_116 : i32
    %mul3A_118 = arith.constant 624 : i32
    %mul3A_119 = arith.muli %arg1, %mul3A_118 : i32
    "tpu.region"() ({
      %run_scoped3A = tpu.sem_alloc : memref<!tpu.dma_semaphore, #tpu.memory_space<semaphore_mem>>
      %dma_start3A_125 = arith.constant 0 : i32
      %dma_start3A_126 = tpu.memref_slice %arg6[%arg0, %mul3A_119, %dma_start3A_125] : memref<2x10000x128xf32, #tpu.memory_space<hbm>> -> memref<1x624x128xf32, #tpu.memory_space<hbm>>
      %dma_start3A_127 = tpu.memref_squeeze %dma_start3A_126 : memref<1x624x128xf32, #tpu.memory_space<hbm>> -> memref<624x128xf32, #tpu.memory_space<hbm>>
      %dma_start3A_128 = arith.constant 0 : i32
      %dma_start3A_129 = tpu.memref_slice %arg18[%mul3A_117, %dma_start3A_128] : memref<10000x128xf32, #tpu.memory_space<vmem_shared>> -> memref<624x128xf32, #tpu.memory_space<vmem_shared>>
      tpu.enqueue_dma source(%dma_start3A_129 : memref<624x128xf32, #tpu.memory_space<vmem_shared>>) target(%dma_start3A_127 : memref<624x128xf32, #tpu.memory_space<hbm>>) target_semaphore(%run_scoped3A : memref<!tpu.dma_semaphore, #tpu.memory_space<semaphore_mem>>)
      %dma_wait3A_130 = arith.constant 0 : i32
      %dma_wait3A_131 = tpu.memref_slice %arg6[%arg0, %mul3A_119, %dma_wait3A_130] : memref<2x10000x128xf32, #tpu.memory_space<hbm>> -> memref<1x624x128xf32, #tpu.memory_space<hbm>>
      %dma_wait3A_132 = tpu.memref_squeeze %dma_wait3A_131 : memref<1x624x128xf32, #tpu.memory_space<hbm>> -> memref<624x128xf32, #tpu.memory_space<hbm>>
      %dma_wait3A_133 = arith.constant 0 : i32
      %dma_wait3A_134 = tpu.memref_slice %arg18[%mul3A_117, %dma_wait3A_133] : memref<10000x128xf32, #tpu.memory_space<vmem_shared>> -> memref<624x128xf32, #tpu.memory_space<vmem_shared>>
      tpu.wait_dma2 semaphore(%run_scoped3A : memref<!tpu.dma_semaphore, #tpu.memory_space<semaphore_mem>>) src(%dma_wait3A_134 : memref<624x128xf32, #tpu.memory_space<vmem_shared>>) dst(%dma_wait3A_132 : memref<624x128xf32, #tpu.memory_space<hbm>>)
      tpu.yield
    }) : () -> ()
    %eq3A_120 = arith.constant 15 : i32
    %eq3A_121 = arith.cmpi eq, %arg1, %eq3A_120 : i32
    %convert_element_type3A_122 = arith.extui %eq3A_121 : i1 to i32
    %cond3A_123 = arith.constant 0 : i32
    %cond3A_124 = arith.cmpi ne, %convert_element_type3A_122, %cond3A_123 : i32
    scf.if %cond3A_124 {
      "tpu.region"() ({
        %run_scoped3A = tpu.sem_alloc : memref<!tpu.dma_semaphore, #tpu.memory_space<semaphore_mem>>
        %dma_start3A_125 = arith.constant 9984 : i32
        %dma_start3A_126 = arith.constant 0 : i32
        %dma_start3A_127 = tpu.memref_slice %arg6[%arg0, %dma_start3A_125, %dma_start3A_126] : memref<2x10000x128xf32, #tpu.memory_space<hbm>> -> memref<1x16x128xf32, #tpu.memory_space<hbm>>
        %dma_start3A_128 = tpu.memref_squeeze %dma_start3A_127 : memref<1x16x128xf32, #tpu.memory_space<hbm>> -> memref<16x128xf32, #tpu.memory_space<hbm>>
        %dma_start3A_129 = arith.constant 9984 : i32
        %dma_start3A_130 = arith.constant 0 : i32
        %dma_start3A_131 = tpu.memref_slice %arg18[%dma_start3A_129, %dma_start3A_130] : memref<10000x128xf32, #tpu.memory_space<vmem_shared>> -> memref<16x128xf32, #tpu.memory_space<vmem_shared>>
        tpu.enqueue_dma source(%dma_start3A_131 : memref<16x128xf32, #tpu.memory_space<vmem_shared>>) target(%dma_start3A_128 : memref<16x128xf32, #tpu.memory_space<hbm>>) target_semaphore(%run_scoped3A : memref<!tpu.dma_semaphore, #tpu.memory_space<semaphore_mem>>)
        %dma_wait3A_132 = arith.constant 9984 : i32
        %dma_wait3A_133 = arith.constant 0 : i32
        %dma_wait3A_134 = tpu.memref_slice %arg6[%arg0, %dma_wait3A_132, %dma_wait3A_133] : memref<2x10000x128xf32, #tpu.memory_space<hbm>> -> memref<1x16x128xf32, #tpu.memory_space<hbm>>
        %dma_wait3A_135 = tpu.memref_squeeze %dma_wait3A_134 : memref<1x16x128xf32, #tpu.memory_space<hbm>> -> memref<16x128xf32, #tpu.memory_space<hbm>>
        %dma_wait3A_136 = arith.constant 9984 : i32
        %dma_wait3A_137 = arith.constant 0 : i32
        %dma_wait3A_138 = tpu.memref_slice %arg18[%dma_wait3A_136, %dma_wait3A_137] : memref<10000x128xf32, #tpu.memory_space<vmem_shared>> -> memref<16x128xf32, #tpu.memory_space<vmem_shared>>
        tpu.wait_dma2 semaphore(%run_scoped3A : memref<!tpu.dma_semaphore, #tpu.memory_space<semaphore_mem>>) src(%dma_wait3A_138 : memref<16x128xf32, #tpu.memory_space<vmem_shared>>) dst(%dma_wait3A_135 : memref<16x128xf32, #tpu.memory_space<hbm>>)
        tpu.yield
      }) : () -> ()
    } else {
    }
    return
  }
}

module attributes {stable_mosaic.version = 14 : i64} {
  func.func @_h0_body(%arg0: i32, %arg1: memref<2000x128xf32, #tpu.memory_space<vmem>>, %arg2: memref<128x128xf32, #tpu.memory_space<vmem>>, %arg3: memref<1x128xf32, #tpu.memory_space<vmem>>, %arg4: memref<2000x128xf32, #tpu.memory_space<vmem>>) attributes {dimension_semantics = [#tpu.dimension_semantics<arbitrary>], iteration_bounds = array<i64: 5>, scalar_prefetch = 0 : i64, scratch_operands = 0 : i64, tpu.core_type = #tpu.core_type<tc>, window_params = [{transform_indices = @transform_0, window_bounds = array<i64: 2000, 128>}, {pipeline_mode = #tpu.pipeline_mode<synchronous>, transform_indices = @transform_1, window_bounds = array<i64: 128, 128>}, {pipeline_mode = #tpu.pipeline_mode<synchronous>, transform_indices = @transform_2, window_bounds = array<i64: 1, 128>}, {transform_indices = @transform_3, window_bounds = array<i64: 2000, 128>}]} {
    %get3A = arith.constant 0 : index
    %get3A_0 = arith.constant 0 : index
    %get3A_1 = vector.load %arg1[%get3A, %get3A_0] : memref<2000x128xf32, #tpu.memory_space<vmem>>, vector<2000x128xf32>
    %get3A_2 = arith.constant 0 : index
    %get3A_3 = arith.constant 0 : index
    %get3A_4 = vector.load %arg2[%get3A_2, %get3A_3] : memref<128x128xf32, #tpu.memory_space<vmem>>, vector<128x128xf32>
    %dot_general3A = arith.constant dense<0.000000e+00> : vector<2000x128xf32>
    %dot_general3A_5 = tpu.matmul %get3A_1, %get3A_4, %dot_general3A {dimension_numbers = #tpu.dot_dimension_numbers<[1], [0], [0], [1], [0, 0, 1, 1], [], []>, transpose_lhs_hint = false} : vector<2000x128xf32>, vector<128x128xf32>, vector<2000x128xf32> -> vector<2000x128xf32>
    %get3A_6 = arith.constant 0 : index
    %get3A_7 = arith.constant 0 : index
    %get3A_8 = vector.load %arg3[%get3A_6, %get3A_7] : memref<1x128xf32, #tpu.memory_space<vmem>>, vector<1x128xf32>
    %add3A = vector.broadcast %get3A_8 : vector<1x128xf32> to vector<2000x128xf32>
    %add3A_9 = arith.addf %dot_general3A_5, %add3A : vector<2000x128xf32>
    %swap3A = arith.constant 0 : index
    %swap3A_10 = arith.constant 0 : index
    %swap3A_11 = vector.load %arg4[%swap3A, %swap3A_10] : memref<2000x128xf32, #tpu.memory_space<vmem>>, vector<2000x128xf32>
    tpu.vector_store %arg4[%swap3A, %swap3A_10], %add3A_9 {strides = array<i32>} : memref<2000x128xf32, #tpu.memory_space<vmem>>, vector<2000x128xf32>,
    return
  }
  func.func @transform_0(%arg0: i32) -> (i32, i32) {
    %c0_i32 = arith.constant 0 : i32
    %c0_i32_0 = arith.constant 0 : i32
    return %arg0, %c0_i32 : i32, i32
  }
  func.func @transform_1(%arg0: i32) -> (i32, i32) {
    %c0_i32 = arith.constant 0 : i32
    %c0_i32_0 = arith.constant 0 : i32
    %c0_i32_1 = arith.constant 0 : i32
    return %c0_i32, %c0_i32_0 : i32, i32
  }
  func.func @transform_2(%arg0: i32) -> (i32, i32) {
    %c0_i32 = arith.constant 0 : i32
    %c0_i32_0 = arith.constant 0 : i32
    %c0_i32_1 = arith.constant 0 : i32
    return %c0_i32, %c0_i32_0 : i32, i32
  }
  func.func @transform_3(%arg0: i32) -> (i32, i32) {
    %c0_i32 = arith.constant 0 : i32
    %c0_i32_0 = arith.constant 0 : i32
    return %arg0, %c0_i32 : i32, i32
  }
}

module attributes {stable_mosaic.version = 14 : i64} {
  func.func @_ea_body(%arg0: i32, %arg1: memref<8000x16xf32, #tpu.memory_space<vmem>>, %arg2: memref<1x16x128xf32, #tpu.memory_space<vmem>>, %arg3: memref<1x1x128xf32, #tpu.memory_space<vmem>>, %arg4: memref<8000x128xf32, #tpu.memory_space<vmem>>) attributes {dimension_semantics = [#tpu.dimension_semantics<arbitrary>], iteration_bounds = array<i64: 40>, scalar_prefetch = 0 : i64, scratch_operands = 0 : i64, tpu.core_type = #tpu.core_type<tc>, window_params = [{transform_indices = @transform_0, window_bounds = array<i64: 8000, 16>}, {transform_indices = @transform_1, window_bounds = array<i64: 1, 16, 128>}, {transform_indices = @transform_2, window_bounds = array<i64: 1, 1, 128>}, {transform_indices = @transform_3, window_bounds = array<i64: 8000, 128>}]} {
    %get3A = arith.constant 0 : index
    %get3A_0 = arith.constant 0 : index
    %get3A_1 = vector.load %arg1[%get3A, %get3A_0] : memref<8000x16xf32, #tpu.memory_space<vmem>>, vector<8000x16xf32>
    %get3A_2 = arith.constant 0 : index
    %get3A_3 = arith.constant 0 : index
    %get3A_4 = arith.constant 0 : index
    %get3A_5 = vector.load %arg2[%get3A_2, %get3A_3, %get3A_4] : memref<1x16x128xf32, #tpu.memory_space<vmem>>, vector<1x16x128xf32>
    %get3A_6 = vector.shape_cast %get3A_5 : vector<1x16x128xf32> to vector<16x128xf32>
    %dot_general3A = arith.constant dense<0.000000e+00> : vector<8000x128xf32>
    %dot_general3A_7 = tpu.matmul %get3A_1, %get3A_6, %dot_general3A {dimension_numbers = #tpu.dot_dimension_numbers<[1], [0], [0], [1], [0, 0, 1, 1], [], []>, transpose_lhs_hint = false} : vector<8000x16xf32>, vector<16x128xf32>, vector<8000x128xf32> -> vector<8000x128xf32>
    %get3A_8 = arith.constant 0 : index
    %get3A_9 = arith.constant 0 : index
    %get3A_10 = arith.constant 0 : index
    %get3A_11 = vector.load %arg3[%get3A_8, %get3A_9, %get3A_10] : memref<1x1x128xf32, #tpu.memory_space<vmem>>, vector<1x1x128xf32>
    %get3A_12 = vector.shape_cast %get3A_11 : vector<1x1x128xf32> to vector<128xf32>
    %broadcast_in_dim3A = vector.shape_cast %get3A_12 : vector<128xf32> to vector<1x128xf32>
    %add3A = vector.broadcast %broadcast_in_dim3A : vector<1x128xf32> to vector<8000x128xf32>
    %add3A_13 = arith.addf %dot_general3A_7, %add3A : vector<8000x128xf32>
    %swap3A = arith.constant 0 : index
    %swap3A_14 = arith.constant 0 : index
    %swap3A_15 = vector.load %arg4[%swap3A, %swap3A_14] : memref<8000x128xf32, #tpu.memory_space<vmem>>, vector<8000x128xf32>
    tpu.vector_store %arg4[%swap3A, %swap3A_14], %add3A_13 {strides = array<i32>} : memref<8000x128xf32, #tpu.memory_space<vmem>>, vector<8000x128xf32>,
    return
  }
  func.func @transform_0(%arg0: i32) -> (i32, i32) {
    %c0_i32 = arith.constant 0 : i32
    %c0_i32_0 = arith.constant 0 : i32
    return %arg0, %c0_i32 : i32, i32
  }
  func.func @transform_1(%arg0: i32) -> (i32, i32, i32) {
    %c0_i32 = arith.constant 0 : i32
    %c0_i32_0 = arith.constant 0 : i32
    %c0_i32_1 = arith.constant 0 : i32
    %c0_i32_2 = arith.constant 0 : i32
    return %c0_i32, %c0_i32_0, %c0_i32_1 : i32, i32, i32
  }
  func.func @transform_2(%arg0: i32) -> (i32, i32, i32) {
    %c0_i32 = arith.constant 0 : i32
    %c0_i32_0 = arith.constant 0 : i32
    %c0_i32_1 = arith.constant 0 : i32
    %c0_i32_2 = arith.constant 0 : i32
    return %c0_i32, %c0_i32_0, %c0_i32_1 : i32, i32, i32
  }
  func.func @transform_3(%arg0: i32) -> (i32, i32) {
    %c0_i32 = arith.constant 0 : i32
    %c0_i32_0 = arith.constant 0 : i32
    return %arg0, %c0_i32 : i32, i32
  }
}

module attributes {stable_mosaic.version = 14 : i64} {
  func.func @_ea_body(%arg0: i32, %arg1: memref<8000x16xf32, #tpu.memory_space<vmem>>, %arg2: memref<1x16x128xf32, #tpu.memory_space<vmem>>, %arg3: memref<1x1x128xf32, #tpu.memory_space<vmem>>, %arg4: memref<8000x128xf32, #tpu.memory_space<vmem>>) attributes {dimension_semantics = [#tpu.dimension_semantics<arbitrary>], iteration_bounds = array<i64: 40>, scalar_prefetch = 0 : i64, scratch_operands = 0 : i64, tpu.core_type = #tpu.core_type<tc>, window_params = [{transform_indices = @transform_0, window_bounds = array<i64: 8000, 16>}, {transform_indices = @transform_1, window_bounds = array<i64: 1, 16, 128>}, {transform_indices = @transform_2, window_bounds = array<i64: 1, 1, 128>}, {transform_indices = @transform_3, window_bounds = array<i64: 8000, 128>}]} {
    %get3A = arith.constant 0 : index
    %get3A_0 = arith.constant 0 : index
    %get3A_1 = vector.load %arg1[%get3A, %get3A_0] : memref<8000x16xf32, #tpu.memory_space<vmem>>, vector<8000x16xf32>
    %get3A_2 = arith.constant 0 : index
    %get3A_3 = arith.constant 0 : index
    %get3A_4 = arith.constant 0 : index
    %get3A_5 = vector.load %arg2[%get3A_2, %get3A_3, %get3A_4] : memref<1x16x128xf32, #tpu.memory_space<vmem>>, vector<1x16x128xf32>
    %get3A_6 = vector.shape_cast %get3A_5 : vector<1x16x128xf32> to vector<16x128xf32>
    %dot_general3A = arith.constant dense<0.000000e+00> : vector<8000x128xf32>
    %dot_general3A_7 = tpu.matmul %get3A_1, %get3A_6, %dot_general3A {dimension_numbers = #tpu.dot_dimension_numbers<[1], [0], [0], [1], [0, 0, 1, 1], [], []>, transpose_lhs_hint = false} : vector<8000x16xf32>, vector<16x128xf32>, vector<8000x128xf32> -> vector<8000x128xf32>
    %get3A_8 = arith.constant 0 : index
    %get3A_9 = arith.constant 0 : index
    %get3A_10 = arith.constant 0 : index
    %get3A_11 = vector.load %arg3[%get3A_8, %get3A_9, %get3A_10] : memref<1x1x128xf32, #tpu.memory_space<vmem>>, vector<1x1x128xf32>
    %get3A_12 = vector.shape_cast %get3A_11 : vector<1x1x128xf32> to vector<128xf32>
    %broadcast_in_dim3A = vector.shape_cast %get3A_12 : vector<128xf32> to vector<1x128xf32>
    %add3A = vector.broadcast %broadcast_in_dim3A : vector<1x128xf32> to vector<8000x128xf32>
    %add3A_13 = arith.addf %dot_general3A_7, %add3A : vector<8000x128xf32>
    %swap3A = arith.constant 0 : index
    %swap3A_14 = arith.constant 0 : index
    %swap3A_15 = vector.load %arg4[%swap3A, %swap3A_14] : memref<8000x128xf32, #tpu.memory_space<vmem>>, vector<8000x128xf32>
    tpu.vector_store %arg4[%swap3A, %swap3A_14], %add3A_13 {strides = array<i32>} : memref<8000x128xf32, #tpu.memory_space<vmem>>, vector<8000x128xf32>,
    return
  }
  func.func @transform_0(%arg0: i32) -> (i32, i32) {
    %c0_i32 = arith.constant 0 : i32
    %c0_i32_0 = arith.constant 0 : i32
    return %arg0, %c0_i32 : i32, i32
  }
  func.func @transform_1(%arg0: i32) -> (i32, i32, i32) {
    %c1_i32 = arith.constant 1 : i32
    %c0_i32 = arith.constant 0 : i32
    %c0_i32_0 = arith.constant 0 : i32
    %c0_i32_1 = arith.constant 0 : i32
    return %c1_i32, %c0_i32, %c0_i32_0 : i32, i32, i32
  }
  func.func @transform_2(%arg0: i32) -> (i32, i32, i32) {
    %c1_i32 = arith.constant 1 : i32
    %c0_i32 = arith.constant 0 : i32
    %c0_i32_0 = arith.constant 0 : i32
    %c0_i32_1 = arith.constant 0 : i32
    return %c1_i32, %c0_i32, %c0_i32_0 : i32, i32, i32
  }
  func.func @transform_3(%arg0: i32) -> (i32, i32) {
    %c0_i32 = arith.constant 0 : i32
    %c0_i32_0 = arith.constant 0 : i32
    return %arg0, %c0_i32 : i32, i32
  }
}

module attributes {stable_mosaic.version = 14 : i64} {
  func.func @_node_body(%arg0: i32, %arg1: memref<1x1xf32, #tpu.memory_space<vmem>>, %arg2: memref<2000x128xf32, #tpu.memory_space<vmem>>, %arg3: memref<2x2000x128xf32, #tpu.memory_space<vmem>>, %arg4: memref<1x128x128xf32, #tpu.memory_space<vmem>>, %arg5: memref<1x1x128xf32, #tpu.memory_space<vmem>>, %arg6: memref<1x128x128xf32, #tpu.memory_space<vmem>>, %arg7: memref<1x1x128xf32, #tpu.memory_space<vmem>>, %arg8: memref<1x1x128xf32, #tpu.memory_space<vmem>>, %arg9: memref<1x1x128xf32, #tpu.memory_space<vmem>>, %arg10: memref<2000x128xf32, #tpu.memory_space<vmem>>) attributes {dimension_semantics = [#tpu.dimension_semantics<arbitrary>], iteration_bounds = array<i64: 5>, scalar_prefetch = 0 : i64, scratch_operands = 0 : i64, tpu.core_type = #tpu.core_type<tc>, window_params = [{pipeline_mode = #tpu.pipeline_mode<synchronous>, transform_indices = @transform_0, window_bounds = array<i64: 1, 1>}, {transform_indices = @transform_1, window_bounds = array<i64: 2000, 128>}, {transform_indices = @transform_2, window_bounds = array<i64: 2, 2000, 128>}, {transform_indices = @transform_3, window_bounds = array<i64: 1, 128, 128>}, {transform_indices = @transform_4, window_bounds = array<i64: 1, 1, 128>}, {transform_indices = @transform_5, window_bounds = array<i64: 1, 128, 128>}, {transform_indices = @transform_6, window_bounds = array<i64: 1, 1, 128>}, {transform_indices = @transform_7, window_bounds = array<i64: 1, 1, 128>}, {transform_indices = @transform_8, window_bounds = array<i64: 1, 1, 128>}, {transform_indices = @transform_9, window_bounds = array<i64: 2000, 128>}]} {
    %get3A = arith.constant 0 : index
    %get3A_0 = arith.constant 0 : index
    %get3A_1 = vector.load %arg1[%get3A, %get3A_0] : memref<1x1xf32, #tpu.memory_space<vmem>>, vector<1x1xf32>
    %get3A_2 = vector.extract %get3A_1[0, 0] : f32 from vector<1x1xf32>
    %add3A = arith.constant 1.000000e+00 : f32
    %add3A_3 = arith.addf %add3A, %get3A_2 : f32
    %get3A_4 = arith.constant 0 : index
    %get3A_5 = arith.constant 0 : index
    %get3A_6 = vector.load %arg2[%get3A_4, %get3A_5] : memref<2000x128xf32, #tpu.memory_space<vmem>>, vector<2000x128xf32>
    %mul3A = vector.broadcast %add3A_3 : f32 to vector<2000x128xf32>
    %mul3A_7 = arith.mulf %mul3A, %get3A_6 : vector<2000x128xf32>
    %get3A_8 = arith.constant 0 : index
    %get3A_9 = arith.constant 0 : index
    %get3A_10 = arith.constant 0 : index
    %get3A_11 = vector.load %arg3[%get3A_8, %get3A_9, %get3A_10] : memref<2x2000x128xf32, #tpu.memory_space<vmem>>, vector<1x2000x128xf32>
    %get3A_12 = vector.shape_cast %get3A_11 : vector<1x2000x128xf32> to vector<2000x128xf32>
    %add3A_13 = arith.addf %mul3A_7, %get3A_12 : vector<2000x128xf32>
    %get3A_14 = arith.constant 1 : index
    %get3A_15 = arith.constant 0 : index
    %get3A_16 = arith.constant 0 : index
    %get3A_17 = vector.load %arg3[%get3A_14, %get3A_15, %get3A_16] : memref<2x2000x128xf32, #tpu.memory_space<vmem>>, vector<1x2000x128xf32>
    %get3A_18 = vector.shape_cast %get3A_17 : vector<1x2000x128xf32> to vector<2000x128xf32>
    %add3A_19 = arith.addf %add3A_13, %get3A_18 : vector<2000x128xf32>
    %get3A_20 = arith.constant 0 : index
    %get3A_21 = arith.constant 0 : index
    %get3A_22 = arith.constant 0 : index
    %get3A_23 = vector.load %arg4[%get3A_20, %get3A_21, %get3A_22] : memref<1x128x128xf32, #tpu.memory_space<vmem>>, vector<1x128x128xf32>
    %get3A_24 = vector.shape_cast %get3A_23 : vector<1x128x128xf32> to vector<128x128xf32>
    %dot_general3A = arith.constant dense<0.000000e+00> : vector<2000x128xf32>
    %dot_general3A_25 = tpu.matmul %add3A_19, %get3A_24, %dot_general3A {dimension_numbers = #tpu.dot_dimension_numbers<[1], [0], [0], [1], [0, 0, 1, 1], [], []>, transpose_lhs_hint = false} : vector<2000x128xf32>, vector<128x128xf32>, vector<2000x128xf32> -> vector<2000x128xf32>
    %get3A_26 = arith.constant 0 : index
    %get3A_27 = arith.constant 0 : index
    %get3A_28 = arith.constant 0 : index
    %get3A_29 = vector.load %arg5[%get3A_26, %get3A_27, %get3A_28] : memref<1x1x128xf32, #tpu.memory_space<vmem>>, vector<1x1x128xf32>
    %get3A_30 = vector.shape_cast %get3A_29 : vector<1x1x128xf32> to vector<128xf32>
    %broadcast_in_dim3A = vector.shape_cast %get3A_30 : vector<128xf32> to vector<1x128xf32>
    %add3A_31 = vector.broadcast %broadcast_in_dim3A : vector<1x128xf32> to vector<2000x128xf32>
    %add3A_32 = arith.addf %dot_general3A_25, %add3A_31 : vector<2000x128xf32>
    %max3A = arith.constant 0.000000e+00 : f32
    %max3A_33 = vector.broadcast %max3A : f32 to vector<2000x128xf32>
    %max3A_34 = arith.maximumf %add3A_32, %max3A_33 : vector<2000x128xf32>
    %get3A_35 = arith.constant 0 : index
    %get3A_36 = arith.constant 0 : index
    %get3A_37 = arith.constant 0 : index
    %get3A_38 = vector.load %arg6[%get3A_35, %get3A_36, %get3A_37] : memref<1x128x128xf32, #tpu.memory_space<vmem>>, vector<1x128x128xf32>
    %get3A_39 = vector.shape_cast %get3A_38 : vector<1x128x128xf32> to vector<128x128xf32>
    %dot_general3A_40 = arith.constant dense<0.000000e+00> : vector<2000x128xf32>
    %dot_general3A_41 = tpu.matmul %max3A_34, %get3A_39, %dot_general3A_40 {dimension_numbers = #tpu.dot_dimension_numbers<[1], [0], [0], [1], [0, 0, 1, 1], [], []>, transpose_lhs_hint = false} : vector<2000x128xf32>, vector<128x128xf32>, vector<2000x128xf32> -> vector<2000x128xf32>
    %get3A_42 = arith.constant 0 : index
    %get3A_43 = arith.constant 0 : index
    %get3A_44 = arith.constant 0 : index
    %get3A_45 = vector.load %arg7[%get3A_42, %get3A_43, %get3A_44] : memref<1x1x128xf32, #tpu.memory_space<vmem>>, vector<1x1x128xf32>
    %get3A_46 = vector.shape_cast %get3A_45 : vector<1x1x128xf32> to vector<128xf32>
    %broadcast_in_dim3A_47 = vector.shape_cast %get3A_46 : vector<128xf32> to vector<1x128xf32>
    %add3A_48 = vector.broadcast %broadcast_in_dim3A_47 : vector<1x128xf32> to vector<2000x128xf32>
    %add3A_49 = arith.addf %dot_general3A_41, %add3A_48 : vector<2000x128xf32>
    %get3A_50 = arith.constant 0 : index
    %get3A_51 = arith.constant 0 : index
    %get3A_52 = arith.constant 0 : index
    %get3A_53 = vector.load %arg8[%get3A_50, %get3A_51, %get3A_52] : memref<1x1x128xf32, #tpu.memory_space<vmem>>, vector<1x1x128xf32>
    %get3A_54 = vector.shape_cast %get3A_53 : vector<1x1x128xf32> to vector<128xf32>
    %broadcast_in_dim3A_55 = vector.shape_cast %get3A_54 : vector<128xf32> to vector<1x128xf32>
    %mul3A_56 = vector.broadcast %broadcast_in_dim3A_55 : vector<1x128xf32> to vector<2000x128xf32>
    %mul3A_57 = arith.mulf %add3A_49, %mul3A_56 : vector<2000x128xf32>
    %get3A_58 = arith.constant 0 : index
    %get3A_59 = arith.constant 0 : index
    %get3A_60 = arith.constant 0 : index
    %get3A_61 = vector.load %arg9[%get3A_58, %get3A_59, %get3A_60] : memref<1x1x128xf32, #tpu.memory_space<vmem>>, vector<1x1x128xf32>
    %get3A_62 = vector.shape_cast %get3A_61 : vector<1x1x128xf32> to vector<128xf32>
    %broadcast_in_dim3A_63 = vector.shape_cast %get3A_62 : vector<128xf32> to vector<1x128xf32>
    %add3A_64 = vector.broadcast %broadcast_in_dim3A_63 : vector<1x128xf32> to vector<2000x128xf32>
    %add3A_65 = arith.addf %mul3A_57, %add3A_64 : vector<2000x128xf32>
    %max3A_66 = arith.constant 0.000000e+00 : f32
    %max3A_67 = vector.broadcast %max3A_66 : f32 to vector<2000x128xf32>
    %max3A_68 = arith.maximumf %add3A_65, %max3A_67 : vector<2000x128xf32>
    %swap3A = arith.constant 0 : index
    %swap3A_69 = arith.constant 0 : index
    %swap3A_70 = vector.load %arg10[%swap3A, %swap3A_69] : memref<2000x128xf32, #tpu.memory_space<vmem>>, vector<2000x128xf32>
    tpu.vector_store %arg10[%swap3A, %swap3A_69], %max3A_68 {strides = array<i32>} : memref<2000x128xf32, #tpu.memory_space<vmem>>, vector<2000x128xf32>,
    return
  }
  func.func @transform_0(%arg0: i32) -> (i32, i32) {
    %c0_i32 = arith.constant 0 : i32
    %c0_i32_0 = arith.constant 0 : i32
    %c0_i32_1 = arith.constant 0 : i32
    return %c0_i32, %c0_i32_0 : i32, i32
  }
  func.func @transform_1(%arg0: i32) -> (i32, i32) {
    %c0_i32 = arith.constant 0 : i32
    %c0_i32_0 = arith.constant 0 : i32
    return %arg0, %c0_i32 : i32, i32
  }
  func.func @transform_2(%arg0: i32) -> (i32, i32, i32) {
    %c0_i32 = arith.constant 0 : i32
    %c0_i32_0 = arith.constant 0 : i32
    %c0_i32_1 = arith.constant 0 : i32
    return %c0_i32, %arg0, %c0_i32_0 : i32, i32, i32
  }
  func.func @transform_3(%arg0: i32) -> (i32, i32, i32) {
    %c0_i32 = arith.constant 0 : i32
    %c0_i32_0 = arith.constant 0 : i32
    %c0_i32_1 = arith.constant 0 : i32
    %c0_i32_2 = arith.constant 0 : i32
    return %c0_i32, %c0_i32_0, %c0_i32_1 : i32, i32, i32
  }
  func.func @transform_4(%arg0: i32) -> (i32, i32, i32) {
    %c0_i32 = arith.constant 0 : i32
    %c0_i32_0 = arith.constant 0 : i32
    %c0_i32_1 = arith.constant 0 : i32
    %c0_i32_2 = arith.constant 0 : i32
    return %c0_i32, %c0_i32_0, %c0_i32_1 : i32, i32, i32
  }
  func.func @transform_5(%arg0: i32) -> (i32, i32, i32) {
    %c0_i32 = arith.constant 0 : i32
    %c0_i32_0 = arith.constant 0 : i32
    %c0_i32_1 = arith.constant 0 : i32
    %c0_i32_2 = arith.constant 0 : i32
    return %c0_i32, %c0_i32_0, %c0_i32_1 : i32, i32, i32
  }
  func.func @transform_6(%arg0: i32) -> (i32, i32, i32) {
    %c0_i32 = arith.constant 0 : i32
    %c0_i32_0 = arith.constant 0 : i32
    %c0_i32_1 = arith.constant 0 : i32
    %c0_i32_2 = arith.constant 0 : i32
    return %c0_i32, %c0_i32_0, %c0_i32_1 : i32, i32, i32
  }
  func.func @transform_7(%arg0: i32) -> (i32, i32, i32) {
    %c0_i32 = arith.constant 0 : i32
    %c0_i32_0 = arith.constant 0 : i32
    %c0_i32_1 = arith.constant 0 : i32
    %c0_i32_2 = arith.constant 0 : i32
    return %c0_i32, %c0_i32_0, %c0_i32_1 : i32, i32, i32
  }
  func.func @transform_8(%arg0: i32) -> (i32, i32, i32) {
    %c0_i32 = arith.constant 0 : i32
    %c0_i32_0 = arith.constant 0 : i32
    %c0_i32_1 = arith.constant 0 : i32
    %c0_i32_2 = arith.constant 0 : i32
    return %c0_i32, %c0_i32_0, %c0_i32_1 : i32, i32, i32
  }
  func.func @transform_9(%arg0: i32) -> (i32, i32) {
    %c0_i32 = arith.constant 0 : i32
    %c0_i32_0 = arith.constant 0 : i32
    return %arg0, %c0_i32 : i32, i32
  }
}

module attributes {stable_mosaic.version = 14 : i64} {
  func.func @_ea_body(%arg0: i32, %arg1: memref<8000x16xf32, #tpu.memory_space<vmem>>, %arg2: memref<1x16x128xf32, #tpu.memory_space<vmem>>, %arg3: memref<1x1x128xf32, #tpu.memory_space<vmem>>, %arg4: memref<8000x128xf32, #tpu.memory_space<vmem>>) attributes {dimension_semantics = [#tpu.dimension_semantics<arbitrary>], iteration_bounds = array<i64: 40>, scalar_prefetch = 0 : i64, scratch_operands = 0 : i64, tpu.core_type = #tpu.core_type<tc>, window_params = [{transform_indices = @transform_0, window_bounds = array<i64: 8000, 16>}, {transform_indices = @transform_1, window_bounds = array<i64: 1, 16, 128>}, {transform_indices = @transform_2, window_bounds = array<i64: 1, 1, 128>}, {transform_indices = @transform_3, window_bounds = array<i64: 8000, 128>}]} {
    %get3A = arith.constant 0 : index
    %get3A_0 = arith.constant 0 : index
    %get3A_1 = vector.load %arg1[%get3A, %get3A_0] : memref<8000x16xf32, #tpu.memory_space<vmem>>, vector<8000x16xf32>
    %get3A_2 = arith.constant 0 : index
    %get3A_3 = arith.constant 0 : index
    %get3A_4 = arith.constant 0 : index
    %get3A_5 = vector.load %arg2[%get3A_2, %get3A_3, %get3A_4] : memref<1x16x128xf32, #tpu.memory_space<vmem>>, vector<1x16x128xf32>
    %get3A_6 = vector.shape_cast %get3A_5 : vector<1x16x128xf32> to vector<16x128xf32>
    %dot_general3A = arith.constant dense<0.000000e+00> : vector<8000x128xf32>
    %dot_general3A_7 = tpu.matmul %get3A_1, %get3A_6, %dot_general3A {dimension_numbers = #tpu.dot_dimension_numbers<[1], [0], [0], [1], [0, 0, 1, 1], [], []>, transpose_lhs_hint = false} : vector<8000x16xf32>, vector<16x128xf32>, vector<8000x128xf32> -> vector<8000x128xf32>
    %get3A_8 = arith.constant 0 : index
    %get3A_9 = arith.constant 0 : index
    %get3A_10 = arith.constant 0 : index
    %get3A_11 = vector.load %arg3[%get3A_8, %get3A_9, %get3A_10] : memref<1x1x128xf32, #tpu.memory_space<vmem>>, vector<1x1x128xf32>
    %get3A_12 = vector.shape_cast %get3A_11 : vector<1x1x128xf32> to vector<128xf32>
    %broadcast_in_dim3A = vector.shape_cast %get3A_12 : vector<128xf32> to vector<1x128xf32>
    %add3A = vector.broadcast %broadcast_in_dim3A : vector<1x128xf32> to vector<8000x128xf32>
    %add3A_13 = arith.addf %dot_general3A_7, %add3A : vector<8000x128xf32>
    %swap3A = arith.constant 0 : index
    %swap3A_14 = arith.constant 0 : index
    %swap3A_15 = vector.load %arg4[%swap3A, %swap3A_14] : memref<8000x128xf32, #tpu.memory_space<vmem>>, vector<8000x128xf32>
    tpu.vector_store %arg4[%swap3A, %swap3A_14], %add3A_13 {strides = array<i32>} : memref<8000x128xf32, #tpu.memory_space<vmem>>, vector<8000x128xf32>,
    return
  }
  func.func @transform_0(%arg0: i32) -> (i32, i32) {
    %c0_i32 = arith.constant 0 : i32
    %c0_i32_0 = arith.constant 0 : i32
    return %arg0, %c0_i32 : i32, i32
  }
  func.func @transform_1(%arg0: i32) -> (i32, i32, i32) {
    %c2_i32 = arith.constant 2 : i32
    %c0_i32 = arith.constant 0 : i32
    %c0_i32_0 = arith.constant 0 : i32
    %c0_i32_1 = arith.constant 0 : i32
    return %c2_i32, %c0_i32, %c0_i32_0 : i32, i32, i32
  }
  func.func @transform_2(%arg0: i32) -> (i32, i32, i32) {
    %c2_i32 = arith.constant 2 : i32
    %c0_i32 = arith.constant 0 : i32
    %c0_i32_0 = arith.constant 0 : i32
    %c0_i32_1 = arith.constant 0 : i32
    return %c2_i32, %c0_i32, %c0_i32_0 : i32, i32, i32
  }
  func.func @transform_3(%arg0: i32) -> (i32, i32) {
    %c0_i32 = arith.constant 0 : i32
    %c0_i32_0 = arith.constant 0 : i32
    return %arg0, %c0_i32 : i32, i32
  }
}

module attributes {stable_mosaic.version = 14 : i64} {
  func.func @_node_body(%arg0: i32, %arg1: memref<1x1xf32, #tpu.memory_space<vmem>>, %arg2: memref<2000x128xf32, #tpu.memory_space<vmem>>, %arg3: memref<2x2000x128xf32, #tpu.memory_space<vmem>>, %arg4: memref<1x128x128xf32, #tpu.memory_space<vmem>>, %arg5: memref<1x1x128xf32, #tpu.memory_space<vmem>>, %arg6: memref<1x128x128xf32, #tpu.memory_space<vmem>>, %arg7: memref<1x1x128xf32, #tpu.memory_space<vmem>>, %arg8: memref<1x1x128xf32, #tpu.memory_space<vmem>>, %arg9: memref<1x1x128xf32, #tpu.memory_space<vmem>>, %arg10: memref<2000x128xf32, #tpu.memory_space<vmem>>) attributes {dimension_semantics = [#tpu.dimension_semantics<arbitrary>], iteration_bounds = array<i64: 5>, scalar_prefetch = 0 : i64, scratch_operands = 0 : i64, tpu.core_type = #tpu.core_type<tc>, window_params = [{pipeline_mode = #tpu.pipeline_mode<synchronous>, transform_indices = @transform_0, window_bounds = array<i64: 1, 1>}, {transform_indices = @transform_1, window_bounds = array<i64: 2000, 128>}, {transform_indices = @transform_2, window_bounds = array<i64: 2, 2000, 128>}, {transform_indices = @transform_3, window_bounds = array<i64: 1, 128, 128>}, {transform_indices = @transform_4, window_bounds = array<i64: 1, 1, 128>}, {transform_indices = @transform_5, window_bounds = array<i64: 1, 128, 128>}, {transform_indices = @transform_6, window_bounds = array<i64: 1, 1, 128>}, {transform_indices = @transform_7, window_bounds = array<i64: 1, 1, 128>}, {transform_indices = @transform_8, window_bounds = array<i64: 1, 1, 128>}, {transform_indices = @transform_9, window_bounds = array<i64: 2000, 128>}]} {
    %get3A = arith.constant 0 : index
    %get3A_0 = arith.constant 0 : index
    %get3A_1 = vector.load %arg1[%get3A, %get3A_0] : memref<1x1xf32, #tpu.memory_space<vmem>>, vector<1x1xf32>
    %get3A_2 = vector.extract %get3A_1[0, 0] : f32 from vector<1x1xf32>
    %add3A = arith.constant 1.000000e+00 : f32
    %add3A_3 = arith.addf %add3A, %get3A_2 : f32
    %get3A_4 = arith.constant 0 : index
    %get3A_5 = arith.constant 0 : index
    %get3A_6 = vector.load %arg2[%get3A_4, %get3A_5] : memref<2000x128xf32, #tpu.memory_space<vmem>>, vector<2000x128xf32>
    %mul3A = vector.broadcast %add3A_3 : f32 to vector<2000x128xf32>
    %mul3A_7 = arith.mulf %mul3A, %get3A_6 : vector<2000x128xf32>
    %get3A_8 = arith.constant 0 : index
    %get3A_9 = arith.constant 0 : index
    %get3A_10 = arith.constant 0 : index
    %get3A_11 = vector.load %arg3[%get3A_8, %get3A_9, %get3A_10] : memref<2x2000x128xf32, #tpu.memory_space<vmem>>, vector<1x2000x128xf32>
    %get3A_12 = vector.shape_cast %get3A_11 : vector<1x2000x128xf32> to vector<2000x128xf32>
    %add3A_13 = arith.addf %mul3A_7, %get3A_12 : vector<2000x128xf32>
    %get3A_14 = arith.constant 1 : index
    %get3A_15 = arith.constant 0 : index
    %get3A_16 = arith.constant 0 : index
    %get3A_17 = vector.load %arg3[%get3A_14, %get3A_15, %get3A_16] : memref<2x2000x128xf32, #tpu.memory_space<vmem>>, vector<1x2000x128xf32>
    %get3A_18 = vector.shape_cast %get3A_17 : vector<1x2000x128xf32> to vector<2000x128xf32>
    %add3A_19 = arith.addf %add3A_13, %get3A_18 : vector<2000x128xf32>
    %get3A_20 = arith.constant 0 : index
    %get3A_21 = arith.constant 0 : index
    %get3A_22 = arith.constant 0 : index
    %get3A_23 = vector.load %arg4[%get3A_20, %get3A_21, %get3A_22] : memref<1x128x128xf32, #tpu.memory_space<vmem>>, vector<1x128x128xf32>
    %get3A_24 = vector.shape_cast %get3A_23 : vector<1x128x128xf32> to vector<128x128xf32>
    %dot_general3A = arith.constant dense<0.000000e+00> : vector<2000x128xf32>
    %dot_general3A_25 = tpu.matmul %add3A_19, %get3A_24, %dot_general3A {dimension_numbers = #tpu.dot_dimension_numbers<[1], [0], [0], [1], [0, 0, 1, 1], [], []>, transpose_lhs_hint = false} : vector<2000x128xf32>, vector<128x128xf32>, vector<2000x128xf32> -> vector<2000x128xf32>
    %get3A_26 = arith.constant 0 : index
    %get3A_27 = arith.constant 0 : index
    %get3A_28 = arith.constant 0 : index
    %get3A_29 = vector.load %arg5[%get3A_26, %get3A_27, %get3A_28] : memref<1x1x128xf32, #tpu.memory_space<vmem>>, vector<1x1x128xf32>
    %get3A_30 = vector.shape_cast %get3A_29 : vector<1x1x128xf32> to vector<128xf32>
    %broadcast_in_dim3A = vector.shape_cast %get3A_30 : vector<128xf32> to vector<1x128xf32>
    %add3A_31 = vector.broadcast %broadcast_in_dim3A : vector<1x128xf32> to vector<2000x128xf32>
    %add3A_32 = arith.addf %dot_general3A_25, %add3A_31 : vector<2000x128xf32>
    %max3A = arith.constant 0.000000e+00 : f32
    %max3A_33 = vector.broadcast %max3A : f32 to vector<2000x128xf32>
    %max3A_34 = arith.maximumf %add3A_32, %max3A_33 : vector<2000x128xf32>
    %get3A_35 = arith.constant 0 : index
    %get3A_36 = arith.constant 0 : index
    %get3A_37 = arith.constant 0 : index
    %get3A_38 = vector.load %arg6[%get3A_35, %get3A_36, %get3A_37] : memref<1x128x128xf32, #tpu.memory_space<vmem>>, vector<1x128x128xf32>
    %get3A_39 = vector.shape_cast %get3A_38 : vector<1x128x128xf32> to vector<128x128xf32>
    %dot_general3A_40 = arith.constant dense<0.000000e+00> : vector<2000x128xf32>
    %dot_general3A_41 = tpu.matmul %max3A_34, %get3A_39, %dot_general3A_40 {dimension_numbers = #tpu.dot_dimension_numbers<[1], [0], [0], [1], [0, 0, 1, 1], [], []>, transpose_lhs_hint = false} : vector<2000x128xf32>, vector<128x128xf32>, vector<2000x128xf32> -> vector<2000x128xf32>
    %get3A_42 = arith.constant 0 : index
    %get3A_43 = arith.constant 0 : index
    %get3A_44 = arith.constant 0 : index
    %get3A_45 = vector.load %arg7[%get3A_42, %get3A_43, %get3A_44] : memref<1x1x128xf32, #tpu.memory_space<vmem>>, vector<1x1x128xf32>
    %get3A_46 = vector.shape_cast %get3A_45 : vector<1x1x128xf32> to vector<128xf32>
    %broadcast_in_dim3A_47 = vector.shape_cast %get3A_46 : vector<128xf32> to vector<1x128xf32>
    %add3A_48 = vector.broadcast %broadcast_in_dim3A_47 : vector<1x128xf32> to vector<2000x128xf32>
    %add3A_49 = arith.addf %dot_general3A_41, %add3A_48 : vector<2000x128xf32>
    %get3A_50 = arith.constant 0 : index
    %get3A_51 = arith.constant 0 : index
    %get3A_52 = arith.constant 0 : index
    %get3A_53 = vector.load %arg8[%get3A_50, %get3A_51, %get3A_52] : memref<1x1x128xf32, #tpu.memory_space<vmem>>, vector<1x1x128xf32>
    %get3A_54 = vector.shape_cast %get3A_53 : vector<1x1x128xf32> to vector<128xf32>
    %broadcast_in_dim3A_55 = vector.shape_cast %get3A_54 : vector<128xf32> to vector<1x128xf32>
    %mul3A_56 = vector.broadcast %broadcast_in_dim3A_55 : vector<1x128xf32> to vector<2000x128xf32>
    %mul3A_57 = arith.mulf %add3A_49, %mul3A_56 : vector<2000x128xf32>
    %get3A_58 = arith.constant 0 : index
    %get3A_59 = arith.constant 0 : index
    %get3A_60 = arith.constant 0 : index
    %get3A_61 = vector.load %arg9[%get3A_58, %get3A_59, %get3A_60] : memref<1x1x128xf32, #tpu.memory_space<vmem>>, vector<1x1x128xf32>
    %get3A_62 = vector.shape_cast %get3A_61 : vector<1x1x128xf32> to vector<128xf32>
    %broadcast_in_dim3A_63 = vector.shape_cast %get3A_62 : vector<128xf32> to vector<1x128xf32>
    %add3A_64 = vector.broadcast %broadcast_in_dim3A_63 : vector<1x128xf32> to vector<2000x128xf32>
    %add3A_65 = arith.addf %mul3A_57, %add3A_64 : vector<2000x128xf32>
    %max3A_66 = arith.constant 0.000000e+00 : f32
    %max3A_67 = vector.broadcast %max3A_66 : f32 to vector<2000x128xf32>
    %max3A_68 = arith.maximumf %add3A_65, %max3A_67 : vector<2000x128xf32>
    %swap3A = arith.constant 0 : index
    %swap3A_69 = arith.constant 0 : index
    %swap3A_70 = vector.load %arg10[%swap3A, %swap3A_69] : memref<2000x128xf32, #tpu.memory_space<vmem>>, vector<2000x128xf32>
    tpu.vector_store %arg10[%swap3A, %swap3A_69], %max3A_68 {strides = array<i32>} : memref<2000x128xf32, #tpu.memory_space<vmem>>, vector<2000x128xf32>,
    return
  }
  func.func @transform_0(%arg0: i32) -> (i32, i32) {
    %c0_i32 = arith.constant 0 : i32
    %c0_i32_0 = arith.constant 0 : i32
    %c0_i32_1 = arith.constant 0 : i32
    return %c0_i32, %c0_i32_0 : i32, i32
  }
  func.func @transform_1(%arg0: i32) -> (i32, i32) {
    %c0_i32 = arith.constant 0 : i32
    %c0_i32_0 = arith.constant 0 : i32
    return %arg0, %c0_i32 : i32, i32
  }
  func.func @transform_2(%arg0: i32) -> (i32, i32, i32) {
    %c0_i32 = arith.constant 0 : i32
    %c0_i32_0 = arith.constant 0 : i32
    %c0_i32_1 = arith.constant 0 : i32
    return %c0_i32, %arg0, %c0_i32_0 : i32, i32, i32
  }
  func.func @transform_3(%arg0: i32) -> (i32, i32, i32) {
    %c1_i32 = arith.constant 1 : i32
    %c0_i32 = arith.constant 0 : i32
    %c0_i32_0 = arith.constant 0 : i32
    %c0_i32_1 = arith.constant 0 : i32
    return %c1_i32, %c0_i32, %c0_i32_0 : i32, i32, i32
  }
  func.func @transform_4(%arg0: i32) -> (i32, i32, i32) {
    %c1_i32 = arith.constant 1 : i32
    %c0_i32 = arith.constant 0 : i32
    %c0_i32_0 = arith.constant 0 : i32
    %c0_i32_1 = arith.constant 0 : i32
    return %c1_i32, %c0_i32, %c0_i32_0 : i32, i32, i32
  }
  func.func @transform_5(%arg0: i32) -> (i32, i32, i32) {
    %c1_i32 = arith.constant 1 : i32
    %c0_i32 = arith.constant 0 : i32
    %c0_i32_0 = arith.constant 0 : i32
    %c0_i32_1 = arith.constant 0 : i32
    return %c1_i32, %c0_i32, %c0_i32_0 : i32, i32, i32
  }
  func.func @transform_6(%arg0: i32) -> (i32, i32, i32) {
    %c1_i32 = arith.constant 1 : i32
    %c0_i32 = arith.constant 0 : i32
    %c0_i32_0 = arith.constant 0 : i32
    %c0_i32_1 = arith.constant 0 : i32
    return %c1_i32, %c0_i32, %c0_i32_0 : i32, i32, i32
  }
  func.func @transform_7(%arg0: i32) -> (i32, i32, i32) {
    %c1_i32 = arith.constant 1 : i32
    %c0_i32 = arith.constant 0 : i32
    %c0_i32_0 = arith.constant 0 : i32
    %c0_i32_1 = arith.constant 0 : i32
    return %c1_i32, %c0_i32, %c0_i32_0 : i32, i32, i32
  }
  func.func @transform_8(%arg0: i32) -> (i32, i32, i32) {
    %c1_i32 = arith.constant 1 : i32
    %c0_i32 = arith.constant 0 : i32
    %c0_i32_0 = arith.constant 0 : i32
    %c0_i32_1 = arith.constant 0 : i32
    return %c1_i32, %c0_i32, %c0_i32_0 : i32, i32, i32
  }
  func.func @transform_9(%arg0: i32) -> (i32, i32) {
    %c0_i32 = arith.constant 0 : i32
    %c0_i32_0 = arith.constant 0 : i32
    return %arg0, %c0_i32 : i32, i32
  }
}

module attributes {stable_mosaic.version = 14 : i64} {
  func.func @_node_body(%arg0: i32, %arg1: memref<1x1xf32, #tpu.memory_space<vmem>>, %arg2: memref<2000x128xf32, #tpu.memory_space<vmem>>, %arg3: memref<2x2000x128xf32, #tpu.memory_space<vmem>>, %arg4: memref<1x128x128xf32, #tpu.memory_space<vmem>>, %arg5: memref<1x1x128xf32, #tpu.memory_space<vmem>>, %arg6: memref<1x128x128xf32, #tpu.memory_space<vmem>>, %arg7: memref<1x1x128xf32, #tpu.memory_space<vmem>>, %arg8: memref<1x1x128xf32, #tpu.memory_space<vmem>>, %arg9: memref<1x1x128xf32, #tpu.memory_space<vmem>>, %arg10: memref<2000x128xf32, #tpu.memory_space<vmem>>) attributes {dimension_semantics = [#tpu.dimension_semantics<arbitrary>], iteration_bounds = array<i64: 5>, scalar_prefetch = 0 : i64, scratch_operands = 0 : i64, tpu.core_type = #tpu.core_type<tc>, window_params = [{pipeline_mode = #tpu.pipeline_mode<synchronous>, transform_indices = @transform_0, window_bounds = array<i64: 1, 1>}, {transform_indices = @transform_1, window_bounds = array<i64: 2000, 128>}, {transform_indices = @transform_2, window_bounds = array<i64: 2, 2000, 128>}, {transform_indices = @transform_3, window_bounds = array<i64: 1, 128, 128>}, {transform_indices = @transform_4, window_bounds = array<i64: 1, 1, 128>}, {transform_indices = @transform_5, window_bounds = array<i64: 1, 128, 128>}, {transform_indices = @transform_6, window_bounds = array<i64: 1, 1, 128>}, {transform_indices = @transform_7, window_bounds = array<i64: 1, 1, 128>}, {transform_indices = @transform_8, window_bounds = array<i64: 1, 1, 128>}, {transform_indices = @transform_9, window_bounds = array<i64: 2000, 128>}]} {
    %get3A = arith.constant 0 : index
    %get3A_0 = arith.constant 0 : index
    %get3A_1 = vector.load %arg1[%get3A, %get3A_0] : memref<1x1xf32, #tpu.memory_space<vmem>>, vector<1x1xf32>
    %get3A_2 = vector.extract %get3A_1[0, 0] : f32 from vector<1x1xf32>
    %add3A = arith.constant 1.000000e+00 : f32
    %add3A_3 = arith.addf %add3A, %get3A_2 : f32
    %get3A_4 = arith.constant 0 : index
    %get3A_5 = arith.constant 0 : index
    %get3A_6 = vector.load %arg2[%get3A_4, %get3A_5] : memref<2000x128xf32, #tpu.memory_space<vmem>>, vector<2000x128xf32>
    %mul3A = vector.broadcast %add3A_3 : f32 to vector<2000x128xf32>
    %mul3A_7 = arith.mulf %mul3A, %get3A_6 : vector<2000x128xf32>
    %get3A_8 = arith.constant 0 : index
    %get3A_9 = arith.constant 0 : index
    %get3A_10 = arith.constant 0 : index
    %get3A_11 = vector.load %arg3[%get3A_8, %get3A_9, %get3A_10] : memref<2x2000x128xf32, #tpu.memory_space<vmem>>, vector<1x2000x128xf32>
    %get3A_12 = vector.shape_cast %get3A_11 : vector<1x2000x128xf32> to vector<2000x128xf32>
    %add3A_13 = arith.addf %mul3A_7, %get3A_12 : vector<2000x128xf32>
    %get3A_14 = arith.constant 1 : index
    %get3A_15 = arith.constant 0 : index
    %get3A_16 = arith.constant 0 : index
    %get3A_17 = vector.load %arg3[%get3A_14, %get3A_15, %get3A_16] : memref<2x2000x128xf32, #tpu.memory_space<vmem>>, vector<1x2000x128xf32>
    %get3A_18 = vector.shape_cast %get3A_17 : vector<1x2000x128xf32> to vector<2000x128xf32>
    %add3A_19 = arith.addf %add3A_13, %get3A_18 : vector<2000x128xf32>
    %get3A_20 = arith.constant 0 : index
    %get3A_21 = arith.constant 0 : index
    %get3A_22 = arith.constant 0 : index
    %get3A_23 = vector.load %arg4[%get3A_20, %get3A_21, %get3A_22] : memref<1x128x128xf32, #tpu.memory_space<vmem>>, vector<1x128x128xf32>
    %get3A_24 = vector.shape_cast %get3A_23 : vector<1x128x128xf32> to vector<128x128xf32>
    %dot_general3A = arith.constant dense<0.000000e+00> : vector<2000x128xf32>
    %dot_general3A_25 = tpu.matmul %add3A_19, %get3A_24, %dot_general3A {dimension_numbers = #tpu.dot_dimension_numbers<[1], [0], [0], [1], [0, 0, 1, 1], [], []>, transpose_lhs_hint = false} : vector<2000x128xf32>, vector<128x128xf32>, vector<2000x128xf32> -> vector<2000x128xf32>
    %get3A_26 = arith.constant 0 : index
    %get3A_27 = arith.constant 0 : index
    %get3A_28 = arith.constant 0 : index
    %get3A_29 = vector.load %arg5[%get3A_26, %get3A_27, %get3A_28] : memref<1x1x128xf32, #tpu.memory_space<vmem>>, vector<1x1x128xf32>
    %get3A_30 = vector.shape_cast %get3A_29 : vector<1x1x128xf32> to vector<128xf32>
    %broadcast_in_dim3A = vector.shape_cast %get3A_30 : vector<128xf32> to vector<1x128xf32>
    %add3A_31 = vector.broadcast %broadcast_in_dim3A : vector<1x128xf32> to vector<2000x128xf32>
    %add3A_32 = arith.addf %dot_general3A_25, %add3A_31 : vector<2000x128xf32>
    %max3A = arith.constant 0.000000e+00 : f32
    %max3A_33 = vector.broadcast %max3A : f32 to vector<2000x128xf32>
    %max3A_34 = arith.maximumf %add3A_32, %max3A_33 : vector<2000x128xf32>
    %get3A_35 = arith.constant 0 : index
    %get3A_36 = arith.constant 0 : index
    %get3A_37 = arith.constant 0 : index
    %get3A_38 = vector.load %arg6[%get3A_35, %get3A_36, %get3A_37] : memref<1x128x128xf32, #tpu.memory_space<vmem>>, vector<1x128x128xf32>
    %get3A_39 = vector.shape_cast %get3A_38 : vector<1x128x128xf32> to vector<128x128xf32>
    %dot_general3A_40 = arith.constant dense<0.000000e+00> : vector<2000x128xf32>
    %dot_general3A_41 = tpu.matmul %max3A_34, %get3A_39, %dot_general3A_40 {dimension_numbers = #tpu.dot_dimension_numbers<[1], [0], [0], [1], [0, 0, 1, 1], [], []>, transpose_lhs_hint = false} : vector<2000x128xf32>, vector<128x128xf32>, vector<2000x128xf32> -> vector<2000x128xf32>
    %get3A_42 = arith.constant 0 : index
    %get3A_43 = arith.constant 0 : index
    %get3A_44 = arith.constant 0 : index
    %get3A_45 = vector.load %arg7[%get3A_42, %get3A_43, %get3A_44] : memref<1x1x128xf32, #tpu.memory_space<vmem>>, vector<1x1x128xf32>
    %get3A_46 = vector.shape_cast %get3A_45 : vector<1x1x128xf32> to vector<128xf32>
    %broadcast_in_dim3A_47 = vector.shape_cast %get3A_46 : vector<128xf32> to vector<1x128xf32>
    %add3A_48 = vector.broadcast %broadcast_in_dim3A_47 : vector<1x128xf32> to vector<2000x128xf32>
    %add3A_49 = arith.addf %dot_general3A_41, %add3A_48 : vector<2000x128xf32>
    %get3A_50 = arith.constant 0 : index
    %get3A_51 = arith.constant 0 : index
    %get3A_52 = arith.constant 0 : index
    %get3A_53 = vector.load %arg8[%get3A_50, %get3A_51, %get3A_52] : memref<1x1x128xf32, #tpu.memory_space<vmem>>, vector<1x1x128xf32>
    %get3A_54 = vector.shape_cast %get3A_53 : vector<1x1x128xf32> to vector<128xf32>
    %broadcast_in_dim3A_55 = vector.shape_cast %get3A_54 : vector<128xf32> to vector<1x128xf32>
    %mul3A_56 = vector.broadcast %broadcast_in_dim3A_55 : vector<1x128xf32> to vector<2000x128xf32>
    %mul3A_57 = arith.mulf %add3A_49, %mul3A_56 : vector<2000x128xf32>
    %get3A_58 = arith.constant 0 : index
    %get3A_59 = arith.constant 0 : index
    %get3A_60 = arith.constant 0 : index
    %get3A_61 = vector.load %arg9[%get3A_58, %get3A_59, %get3A_60] : memref<1x1x128xf32, #tpu.memory_space<vmem>>, vector<1x1x128xf32>
    %get3A_62 = vector.shape_cast %get3A_61 : vector<1x1x128xf32> to vector<128xf32>
    %broadcast_in_dim3A_63 = vector.shape_cast %get3A_62 : vector<128xf32> to vector<1x128xf32>
    %add3A_64 = vector.broadcast %broadcast_in_dim3A_63 : vector<1x128xf32> to vector<2000x128xf32>
    %add3A_65 = arith.addf %mul3A_57, %add3A_64 : vector<2000x128xf32>
    %max3A_66 = arith.constant 0.000000e+00 : f32
    %max3A_67 = vector.broadcast %max3A_66 : f32 to vector<2000x128xf32>
    %max3A_68 = arith.maximumf %add3A_65, %max3A_67 : vector<2000x128xf32>
    %swap3A = arith.constant 0 : index
    %swap3A_69 = arith.constant 0 : index
    %swap3A_70 = vector.load %arg10[%swap3A, %swap3A_69] : memref<2000x128xf32, #tpu.memory_space<vmem>>, vector<2000x128xf32>
    tpu.vector_store %arg10[%swap3A, %swap3A_69], %max3A_68 {strides = array<i32>} : memref<2000x128xf32, #tpu.memory_space<vmem>>, vector<2000x128xf32>,
    return
  }
  func.func @transform_0(%arg0: i32) -> (i32, i32) {
    %c0_i32 = arith.constant 0 : i32
    %c0_i32_0 = arith.constant 0 : i32
    %c0_i32_1 = arith.constant 0 : i32
    return %c0_i32, %c0_i32_0 : i32, i32
  }
  func.func @transform_1(%arg0: i32) -> (i32, i32) {
    %c0_i32 = arith.constant 0 : i32
    %c0_i32_0 = arith.constant 0 : i32
    return %arg0, %c0_i32 : i32, i32
  }
  func.func @transform_2(%arg0: i32) -> (i32, i32, i32) {
    %c0_i32 = arith.constant 0 : i32
    %c0_i32_0 = arith.constant 0 : i32
    %c0_i32_1 = arith.constant 0 : i32
    return %c0_i32, %arg0, %c0_i32_0 : i32, i32, i32
  }
  func.func @transform_3(%arg0: i32) -> (i32, i32, i32) {
    %c2_i32 = arith.constant 2 : i32
    %c0_i32 = arith.constant 0 : i32
    %c0_i32_0 = arith.constant 0 : i32
    %c0_i32_1 = arith.constant 0 : i32
    return %c2_i32, %c0_i32, %c0_i32_0 : i32, i32, i32
  }
  func.func @transform_4(%arg0: i32) -> (i32, i32, i32) {
    %c2_i32 = arith.constant 2 : i32
    %c0_i32 = arith.constant 0 : i32
    %c0_i32_0 = arith.constant 0 : i32
    %c0_i32_1 = arith.constant 0 : i32
    return %c2_i32, %c0_i32, %c0_i32_0 : i32, i32, i32
  }
  func.func @transform_5(%arg0: i32) -> (i32, i32, i32) {
    %c2_i32 = arith.constant 2 : i32
    %c0_i32 = arith.constant 0 : i32
    %c0_i32_0 = arith.constant 0 : i32
    %c0_i32_1 = arith.constant 0 : i32
    return %c2_i32, %c0_i32, %c0_i32_0 : i32, i32, i32
  }
  func.func @transform_6(%arg0: i32) -> (i32, i32, i32) {
    %c2_i32 = arith.constant 2 : i32
    %c0_i32 = arith.constant 0 : i32
    %c0_i32_0 = arith.constant 0 : i32
    %c0_i32_1 = arith.constant 0 : i32
    return %c2_i32, %c0_i32, %c0_i32_0 : i32, i32, i32
  }
  func.func @transform_7(%arg0: i32) -> (i32, i32, i32) {
    %c2_i32 = arith.constant 2 : i32
    %c0_i32 = arith.constant 0 : i32
    %c0_i32_0 = arith.constant 0 : i32
    %c0_i32_1 = arith.constant 0 : i32
    return %c2_i32, %c0_i32, %c0_i32_0 : i32, i32, i32
  }
  func.func @transform_8(%arg0: i32) -> (i32, i32, i32) {
    %c2_i32 = arith.constant 2 : i32
    %c0_i32 = arith.constant 0 : i32
    %c0_i32_0 = arith.constant 0 : i32
    %c0_i32_1 = arith.constant 0 : i32
    return %c2_i32, %c0_i32, %c0_i32_0 : i32, i32, i32
  }
  func.func @transform_9(%arg0: i32) -> (i32, i32) {
    %c0_i32 = arith.constant 0 : i32
    %c0_i32_0 = arith.constant 0 : i32
    return %arg0, %c0_i32 : i32, i32
  }
}

module attributes {stable_mosaic.version = 14 : i64} {
  func.func @_pool_body(%arg0: i32, %arg1: memref<1x1x2000xi32, #tpu.memory_space<vmem>>, %arg2: memref<2000x128xf32, #tpu.memory_space<vmem>>, %arg3: memref<1x64x128xf32, #tpu.memory_space<vmem>>) attributes {dimension_semantics = [#tpu.dimension_semantics<arbitrary>], iteration_bounds = array<i64: 5>, scalar_prefetch = 0 : i64, scratch_operands = 0 : i64, tpu.core_type = #tpu.core_type<tc>, window_params = [{transform_indices = @transform_0, window_bounds = array<i64: 1, 1, 2000>}, {transform_indices = @transform_1, window_bounds = array<i64: 2000, 128>}, {transform_indices = @transform_2, window_bounds = array<i64: 1, 64, 128>}]} {
    %get3A = arith.constant 0 : index
    %get3A_0 = arith.constant 0 : index
    %get3A_1 = arith.constant 0 : index
    %get3A_2 = vector.load %arg1[%get3A, %get3A_0, %get3A_1] : memref<1x1x2000xi32, #tpu.memory_space<vmem>>, vector<1x1x2000xi32>
    %get3A_3 = vector.shape_cast %get3A_2 : vector<1x1x2000xi32> to vector<2000xi32>
    %get3A_4 = arith.constant 0 : index
    %get3A_5 = arith.constant 0 : index
    %get3A_6 = vector.load %arg2[%get3A_4, %get3A_5] : memref<2000x128xf32, #tpu.memory_space<vmem>>, vector<2000x128xf32>
    %iota3A = tpu.iota {dimensions = array<i32: 0>} : vector<64x2000xi32>
    %broadcast_in_dim3A = vector.shape_cast %get3A_3 : vector<2000xi32> to vector<1x2000xi32>
    %eq3A = vector.broadcast %broadcast_in_dim3A : vector<1x2000xi32> to vector<64x2000xi32>
    %eq3A_7 = arith.cmpi eq, %iota3A, %eq3A : vector<64x2000xi32>
    %convert_element_type3A = arith.extui %eq3A_7 : vector<64x2000xi1> to vector<64x2000xi32>
    %convert_element_type3A_8 = arith.sitofp %convert_element_type3A : vector<64x2000xi32> to vector<64x2000xf32>
    %dot_general3A = arith.constant dense<0.000000e+00> : vector<64x128xf32>
    %dot_general3A_9 = tpu.matmul %convert_element_type3A_8, %get3A_6, %dot_general3A {dimension_numbers = #tpu.dot_dimension_numbers<[1], [0], [0], [1], [0, 0, 1, 1], [], []>, precision = #tpu.contract_precision<fp32>, transpose_lhs_hint = false} : vector<64x2000xf32>, vector<2000x128xf32>, vector<64x128xf32> -> vector<64x128xf32>
    %swap3A = arith.constant 0 : index
    %swap3A_10 = arith.constant 0 : index
    %swap3A_11 = arith.constant 0 : index
    %swap3A_12 = vector.load %arg3[%swap3A, %swap3A_10, %swap3A_11] : memref<1x64x128xf32, #tpu.memory_space<vmem>>, vector<1x64x128xf32>
    %swap3A_13 = vector.shape_cast %swap3A_12 : vector<1x64x128xf32> to vector<64x128xf32>
    %swap3A_14 = vector.shape_cast %dot_general3A_9 : vector<64x128xf32> to vector<1x64x128xf32>
    tpu.vector_store %arg3[%swap3A, %swap3A_10, %swap3A_11], %swap3A_14 {strides = array<i32>} : memref<1x64x128xf32, #tpu.memory_space<vmem>>, vector<1x64x128xf32>,
    return
  }
  func.func @transform_0(%arg0: i32) -> (i32, i32, i32) {
    %c0_i32 = arith.constant 0 : i32
    %c0_i32_0 = arith.constant 0 : i32
    %c0_i32_1 = arith.constant 0 : i32
    return %arg0, %c0_i32, %c0_i32_0 : i32, i32, i32
  }
  func.func @transform_1(%arg0: i32) -> (i32, i32) {
    %c0_i32 = arith.constant 0 : i32
    %c0_i32_0 = arith.constant 0 : i32
    return %arg0, %c0_i32 : i32, i32
  }
  func.func @transform_2(%arg0: i32) -> (i32, i32, i32) {
    %c0_i32 = arith.constant 0 : i32
    %c0_i32_0 = arith.constant 0 : i32
    %c0_i32_1 = arith.constant 0 : i32
    return %arg0, %c0_i32, %c0_i32_0 : i32, i32, i32
  }
}

module attributes {stable_mosaic.version = 14 : i64} {
  func.func @_headmlp_body(%arg0: memref<5x64x128xf32, #tpu.memory_space<vmem>>, %arg1: memref<1x64xi32, #tpu.memory_space<vmem>>, %arg2: memref<12x32xf32, #tpu.memory_space<vmem>>, %arg3: memref<160x128xf32, #tpu.memory_space<vmem>>, %arg4: memref<1x128xf32, #tpu.memory_space<vmem>>, %arg5: memref<128x64xf32, #tpu.memory_space<vmem>>, %arg6: memref<1x64xf32, #tpu.memory_space<vmem>>, %arg7: memref<64x1xf32, #tpu.memory_space<vmem>>, %arg8: memref<1x1xf32, #tpu.memory_space<vmem>>, %arg9: memref<1x64xf32, #tpu.memory_space<vmem>>) attributes {dimension_semantics = [], scalar_prefetch = 0 : i64, scratch_operands = 0 : i64, tpu.core_type = #tpu.core_type<tc>} {
    %get3A = arith.constant 0 : index
    %get3A_0 = arith.constant 0 : index
    %get3A_1 = arith.constant 0 : index
    %get3A_2 = vector.load %arg0[%get3A, %get3A_0, %get3A_1] : memref<5x64x128xf32, #tpu.memory_space<vmem>>, vector<1x64x128xf32>
    %get3A_3 = vector.shape_cast %get3A_2 : vector<1x64x128xf32> to vector<64x128xf32>
    %get3A_4 = arith.constant 1 : index
    %get3A_5 = arith.constant 0 : index
    %get3A_6 = arith.constant 0 : index
    %get3A_7 = vector.load %arg0[%get3A_4, %get3A_5, %get3A_6] : memref<5x64x128xf32, #tpu.memory_space<vmem>>, vector<1x64x128xf32>
    %get3A_8 = vector.shape_cast %get3A_7 : vector<1x64x128xf32> to vector<64x128xf32>
    %add3A = arith.addf %get3A_3, %get3A_8 : vector<64x128xf32>
    %get3A_9 = arith.constant 2 : index
    %get3A_10 = arith.constant 0 : index
    %get3A_11 = arith.constant 0 : index
    %get3A_12 = vector.load %arg0[%get3A_9, %get3A_10, %get3A_11] : memref<5x64x128xf32, #tpu.memory_space<vmem>>, vector<1x64x128xf32>
    %get3A_13 = vector.shape_cast %get3A_12 : vector<1x64x128xf32> to vector<64x128xf32>
    %add3A_14 = arith.addf %add3A, %get3A_13 : vector<64x128xf32>
    %get3A_15 = arith.constant 3 : index
    %get3A_16 = arith.constant 0 : index
    %get3A_17 = arith.constant 0 : index
    %get3A_18 = vector.load %arg0[%get3A_15, %get3A_16, %get3A_17] : memref<5x64x128xf32, #tpu.memory_space<vmem>>, vector<1x64x128xf32>
    %get3A_19 = vector.shape_cast %get3A_18 : vector<1x64x128xf32> to vector<64x128xf32>
    %add3A_20 = arith.addf %add3A_14, %get3A_19 : vector<64x128xf32>
    %get3A_21 = arith.constant 4 : index
    %get3A_22 = arith.constant 0 : index
    %get3A_23 = arith.constant 0 : index
    %get3A_24 = vector.load %arg0[%get3A_21, %get3A_22, %get3A_23] : memref<5x64x128xf32, #tpu.memory_space<vmem>>, vector<1x64x128xf32>
    %get3A_25 = vector.shape_cast %get3A_24 : vector<1x64x128xf32> to vector<64x128xf32>
    %add3A_26 = arith.addf %add3A_20, %get3A_25 : vector<64x128xf32>
    %get3A_27 = arith.constant 0 : index
    %get3A_28 = arith.constant 0 : index
    %get3A_29 = vector.load %arg1[%get3A_27, %get3A_28] : memref<1x64xi32, #tpu.memory_space<vmem>>, vector<1x64xi32>
    %get3A_30 = vector.shape_cast %get3A_29 : vector<1x64xi32> to vector<64xi32>
    %iota3A = tpu.iota {dimensions = array<i32: 1>} : vector<64x12xi32>
    %broadcast_in_dim3A = vector.shape_cast %get3A_30 : vector<64xi32> to vector<64x1xi32>
    %eq3A = vector.broadcast %broadcast_in_dim3A : vector<64x1xi32> to vector<64x12xi32>
    %eq3A_31 = arith.cmpi eq, %iota3A, %eq3A : vector<64x12xi32>
    %convert_element_type3A = arith.extui %eq3A_31 : vector<64x12xi1> to vector<64x12xi32>
    %convert_element_type3A_32 = arith.sitofp %convert_element_type3A : vector<64x12xi32> to vector<64x12xf32>
    %get3A_33 = arith.constant 0 : index
    %get3A_34 = arith.constant 0 : index
    %get3A_35 = vector.load %arg2[%get3A_33, %get3A_34] : memref<12x32xf32, #tpu.memory_space<vmem>>, vector<12x32xf32>
    %dot_general3A = arith.constant dense<0.000000e+00> : vector<64x32xf32>
    %dot_general3A_36 = tpu.matmul %convert_element_type3A_32, %get3A_35, %dot_general3A {dimension_numbers = #tpu.dot_dimension_numbers<[1], [0], [0], [1], [0, 0, 1, 1], [], []>, precision = #tpu.contract_precision<fp32>, transpose_lhs_hint = false} : vector<64x12xf32>, vector<12x32xf32>, vector<64x32xf32> -> vector<64x32xf32>
    %get3A_37 = arith.constant 0 : index
    %get3A_38 = arith.constant 0 : index
    %get3A_39 = vector.load %arg3[%get3A_37, %get3A_38] : memref<160x128xf32, #tpu.memory_space<vmem>>, vector<128x128xf32>
    %dot_general3A_40 = arith.constant dense<0.000000e+00> : vector<64x128xf32>
    %dot_general3A_41 = tpu.matmul %add3A_26, %get3A_39, %dot_general3A_40 {dimension_numbers = #tpu.dot_dimension_numbers<[1], [0], [0], [1], [0, 0, 1, 1], [], []>, transpose_lhs_hint = false} : vector<64x128xf32>, vector<128x128xf32>, vector<64x128xf32> -> vector<64x128xf32>
    %get3A_42 = arith.constant 128 : index
    %get3A_43 = arith.constant 0 : index
    %get3A_44 = vector.load %arg3[%get3A_42, %get3A_43] : memref<160x128xf32, #tpu.memory_space<vmem>>, vector<32x128xf32>
    %dot_general3A_45 = arith.constant dense<0.000000e+00> : vector<64x128xf32>
    %dot_general3A_46 = tpu.matmul %dot_general3A_36, %get3A_44, %dot_general3A_45 {dimension_numbers = #tpu.dot_dimension_numbers<[1], [0], [0], [1], [0, 0, 1, 1], [], []>, transpose_lhs_hint = false} : vector<64x32xf32>, vector<32x128xf32>, vector<64x128xf32> -> vector<64x128xf32>
    %add3A_47 = arith.addf %dot_general3A_41, %dot_general3A_46 : vector<64x128xf32>
    %get3A_48 = arith.constant 0 : index
    %get3A_49 = arith.constant 0 : index
    %get3A_50 = vector.load %arg4[%get3A_48, %get3A_49] : memref<1x128xf32, #tpu.memory_space<vmem>>, vector<1x128xf32>
    %add3A_51 = vector.broadcast %get3A_50 : vector<1x128xf32> to vector<64x128xf32>
    %add3A_52 = arith.addf %add3A_47, %add3A_51 : vector<64x128xf32>
    %max3A = arith.constant 0.000000e+00 : f32
    %max3A_53 = vector.broadcast %max3A : f32 to vector<64x128xf32>
    %max3A_54 = arith.maximumf %add3A_52, %max3A_53 : vector<64x128xf32>
    %get3A_55 = arith.constant 0 : index
    %get3A_56 = arith.constant 0 : index
    %get3A_57 = vector.load %arg5[%get3A_55, %get3A_56] : memref<128x64xf32, #tpu.memory_space<vmem>>, vector<128x64xf32>
    %dot_general3A_58 = arith.constant dense<0.000000e+00> : vector<64x64xf32>
    %dot_general3A_59 = tpu.matmul %max3A_54, %get3A_57, %dot_general3A_58 {dimension_numbers = #tpu.dot_dimension_numbers<[1], [0], [0], [1], [0, 0, 1, 1], [], []>, transpose_lhs_hint = false} : vector<64x128xf32>, vector<128x64xf32>, vector<64x64xf32> -> vector<64x64xf32>
    %get3A_60 = arith.constant 0 : index
    %get3A_61 = arith.constant 0 : index
    %get3A_62 = vector.load %arg6[%get3A_60, %get3A_61] : memref<1x64xf32, #tpu.memory_space<vmem>>, vector<1x64xf32>
    %add3A_63 = vector.broadcast %get3A_62 : vector<1x64xf32> to vector<64x64xf32>
    %add3A_64 = arith.addf %dot_general3A_59, %add3A_63 : vector<64x64xf32>
    %max3A_65 = arith.constant 0.000000e+00 : f32
    %max3A_66 = vector.broadcast %max3A_65 : f32 to vector<64x64xf32>
    %max3A_67 = arith.maximumf %add3A_64, %max3A_66 : vector<64x64xf32>
    %get3A_68 = arith.constant 0 : index
    %get3A_69 = arith.constant 0 : index
    %get3A_70 = vector.load %arg7[%get3A_68, %get3A_69] : memref<64x1xf32, #tpu.memory_space<vmem>>, vector<64x1xf32>
    %dot_general3A_71 = arith.constant dense<0.000000e+00> : vector<64x1xf32>
    %dot_general3A_72 = tpu.matmul %max3A_67, %get3A_70, %dot_general3A_71 {dimension_numbers = #tpu.dot_dimension_numbers<[1], [0], [0], [1], [0, 0, 1, 1], [], []>, transpose_lhs_hint = false} : vector<64x64xf32>, vector<64x1xf32>, vector<64x1xf32> -> vector<64x1xf32>
    %get3A_73 = arith.constant 0 : index
    %get3A_74 = arith.constant 0 : index
    %get3A_75 = vector.load %arg8[%get3A_73, %get3A_74] : memref<1x1xf32, #tpu.memory_space<vmem>>, vector<1x1xf32>
    %add3A_76 = vector.broadcast %get3A_75 : vector<1x1xf32> to vector<64x1xf32>
    %add3A_77 = arith.addf %dot_general3A_72, %add3A_76 : vector<64x1xf32>
    %reshape3A = vector.shape_cast %add3A_77 : vector<64x1xf32> to vector<1x64xf32>
    %swap3A = arith.constant 0 : index
    %swap3A_78 = arith.constant 0 : index
    %swap3A_79 = vector.load %arg9[%swap3A, %swap3A_78] : memref<1x64xf32, #tpu.memory_space<vmem>>, vector<1x64xf32>
    tpu.vector_store %arg9[%swap3A, %swap3A_78], %reshape3A {strides = array<i32>} : memref<1x64xf32, #tpu.memory_space<vmem>>, vector<1x64xf32>,
    return
  }
}

</mosaic_0001>

<sc_bundles>
// kernel: kernel.14.cloned.1.call-start
scs
__scs_entry_jumppad:
0x0: {  	(pc) =	sbr.rel $0x88, $3  }
0x1: {  	(tag) =	ssettag $0x0;
	lr =	simm.s32 $0x1  }
0x2: {  	[smem:$0x3F8A] =	sst lr;
	_ =	strace $0xD0000000  }
0x3: {  	_ = 	snop  }
0x4: {  	_ = 	snop  }
0x5: {  	_ = 	snop  }
0x6: {  	_ = 	snop  }
0x7: {  	_ = 	snop  }
__scs_overlays_trampoline_lowered:
0x8: {  	[smem:$0x3F99] =	sst s0  }
0x9: {  	[smem:$0x3F9A] =	sst s1  }
0xa: {  	[smem:$0x3F9B] =	sst s2  }
0xb: {  	[smem:$0x3F9C] =	sst s3  }
0xc: {  	[smem:$0x3F9D] =	sst s4  }
0xd: {  	[smem:$0x3F9E] =	sst s5  }
0xe: {  	[smem:$0x3F9F] =	sst s6  }
0xf: {  	[smem:$0x3FA0] =	sst s7  }
0x10: {  	[smem:$0x3FA1] =	sst s8  }
0x11: {  	[smem:$0x3FA2] =	sst s9;
	s0 =	simm.s32 @!p0 $0x0  }
0x12: {  	s1 =	sld [smem:$0x3F88];
	s0 =	simm.s32 @p0 $0x1  }
0x13: {  	[smem:$0x3FA3] =	sst s0;
	s0 =	simm.s32 @!p1 $0x0  }
0x14: {  	s2 =	sld [smem:$0x3F87];
	s0 =	simm.s32 @p1 $0x1  }
0x15: {  	[smem:$0x3FA4] =	sst s0;
	s0 =	simm.s32 @!p2 $0x0  }
0x16: {  	s3 =	sld [smem:$0x3FDB];
	s0 =	simm.s32 @p2 $0x1  }
0x17: {  	s4 =	simm.s32 $0x1BF5;
	[smem:$0x3FA6] =	sst s0  }
0x18: {  	s0 =	sld [smem:$0x3F89];
	_ =	swait.ge [sflag:s4], $0x0  }
0x19: {  	s7 =	sld [smem:$0x3F8A]  }
0x1a: {  	s8 =	sadd.s32 $0xFFFFE003, lr  }
0x1b: {  	s9 =	sadd.s32 $0xFFFFFEF7, lr;
	s5 =	simm.s32 $0xFFFFFFFF;
	p2 =	slt.u32 s8, $0xFFFFF086  }
0x1c: {  	p1 =	slt.u32 s9, $0xF7A;
	s5 =	simm.s32 @!p2 $0x0  }
0x1d: {  	s5 =	simm.s32 @p1 $0x1;
	p0 =	seq.s32 s7, s2  }
0x1e: {  	s7 =	smul.u32 @!p0 $0xF7A, s2;
	p2 =	seq.s32 @!p0 s5, $0x0  }
0x1f: {  	s9 =	smul.u32 $0xF7A, s1;
	s8 =	simm.s32 @!p0 $0x1BF5;
	p2 =	por !p2, p0  }
0x20: {  	[sflag:s8] =	ssyncset.s32 @!p0 $0xFFFFF086;
	s6 =	sadd.s32 @!p0 s3, s7;
	s7 =	simm.s32 @!p0 $0x108  }
0x21: {  	s3 =	sadd.s32 s3, s9;
	s6 =	sadd.s32 @!p0 $0x88, s6;
	s7 =	simm.s32 @p2 $0x1082  }
0x22: {  	[simem:s7], [sflag:s8] =	dma.local @!p0 [hbm:s6], $0xF7A  }
0x23: {  	s9 =	sor.u32 $0xD0000000, s2;
	s6 =	simm.s32 $0x108;
	_ =	swait.ge @!p0 [sflag:s8], $0x0  }
0x24: {  	s3 =	sadd.s32 $0x88, s3;
	s6 =	simm.s32 @!p1 $0x1082;
	[sflag:s4] =	ssyncset.s32 $0xFFFFF086  }
0x25: {  	[simem:s6], [sflag:s4] =	dma.local [hbm:s3], $0xF7A  }
0x26: {  	[smem:$0x3F8A] =	sst s1;
	(tag) =	ssettag s2;
	_ =	strace s9  }
0x27: {  	s1 =	sld [smem:$0x3F9A]  }
0x28: {  	s2 =	sld [smem:$0x3F9B]  }
0x29: {  	s4 =	sld [smem:$0x3F9D]  }
0x2a: {  	p0 =	seq.s32 s5, $0x0;
	s5 =	sld [smem:$0x3F9E]  }
0x2b: {  	s6 =	sld [smem:$0x3F9F]  }
0x2c: {  	s7 =	sld [smem:$0x3FA0]  }
0x2d: {  	s3 =	simm.s32 $0x108;
	s8 =	sld [smem:$0x3FA1]  }
0x2e: {  	s3 =	simm.s32 @!p0 $0x1082;
	s9 =	sld [smem:$0x3FA2]  }
0x2f: {  	lr =	sadd.s32 s0, s3;
	s0 =	sld [smem:$0x3F99]  }
0x30: {  	s3 =	sld [smem:$0x3F9C]  }
0x31: {  	[smem:$0x3FA5] =	sst s10  }
0x32: {  	s10 =	sld [smem:$0x3FA3];
	_ =	sdelay $0x3  }
0x33: {  	p0 =	seq.s32 s10, $0x1;
	s10 =	sld [smem:$0x3FA5];
	_ =	sdelay $0x3  }
0x34: {  	[smem:$0x3FA5] =	sst s10  }
0x35: {  	s10 =	sld [smem:$0x3FA4];
	_ =	sdelay $0x3  }
0x36: {  	p1 =	seq.s32 s10, $0x1;
	s10 =	sld [smem:$0x3FA5];
	_ =	sdelay $0x3  }
0x37: {  	[smem:$0x3FA5] =	sst s10  }
0x38: {  	s10 =	sld [smem:$0x3FA6]  }
0x39: {  	_ = 	snop;
	(pc) =	sbr.ind lr, $3  }
0x3a: {  	_ = 	snop  }
0x3b: {  	_ = 	snop  }
0x3c: {  	p2 =	seq.s32 s10, $0x1;
	s10 =	sld [smem:$0x3FA5]  }
0x3d: {  	_ =	shalt  }
0x3e: {  	_ =	shalt  }
0x3f: {  	_ =	shalt  }
0x40: {  	_ =	shalt  }
0x41: {  	_ =	shalt  }
0x42: {  	_ =	shalt  }
0x43: {  	_ =	shalt  }
0x44: {  	_ =	shalt  }
0x45: {  	_ =	shalt  }
0x46: {  	_ =	shalt  }
0x47: {  	_ =	shalt  }
0x48: {  	_ =	shalt  }
0x49: {  	_ =	shalt  }
0x4a: {  	_ =	shalt  }
0x4b: {  	_ =	shalt  }
0x4c: {  	_ =	shalt  }
0x4d: {  	_ =	shalt  }
0x4e: {  	_ =	shalt  }
0x4f: {  	_ =	shalt  }
0x50: {  	_ =	shalt  }
0x51: {  	_ =	shalt  }
0x52: {  	_ =	shalt  }
0x53: {  	_ =	shalt  }
0x54: {  	_ =	shalt  }
0x55: {  	_ =	shalt  }
0x56: {  	_ =	shalt  }
0x57: {  	_ =	shalt  }
0x58: {  	_ =	shalt  }
0x59: {  	_ =	shalt  }
0x5a: {  	_ =	shalt  }
0x5b: {  	_ =	shalt  }
0x5c: {  	_ =	shalt  }
0x5d: {  	_ =	shalt  }
0x5e: {  	_ =	shalt  }
0x5f: {  	_ =	shalt  }
0x60: {  	_ =	shalt  }
0x61: {  	_ =	shalt  }
0x62: {  	_ =	shalt  }
0x63: {  	_ =	shalt  }
0x64: {  	_ =	shalt  }
0x65: {  	_ =	shalt  }
0x66: {  	_ =	shalt  }
0x67: {  	_ =	shalt  }
0x68: {  	_ =	shalt  }
0x69: {  	_ =	shalt  }
0x6a: {  	_ =	shalt  }
0x6b: {  	_ =	shalt  }
0x6c: {  	_ =	shalt  }
0x6d: {  	_ =	shalt  }
0x6e: {  	_ =	shalt  }
0x6f: {  	_ =	shalt  }
0x70: {  	_ =	shalt  }
0x71: {  	_ =	shalt  }
0x72: {  	_ =	shalt  }
0x73: {  	_ =	shalt  }
0x74: {  	_ =	shalt  }
0x75: {  	_ =	shalt  }
0x76: {  	_ =	shalt  }
0x77: {  	_ =	shalt  }
0x78: {  	_ =	shalt  }
0x79: {  	_ =	shalt  }
0x7a: {  	_ =	shalt  }
0x7b: {  	_ =	shalt  }
0x7c: {  	_ =	shalt  }
0x7d: {  	_ =	shalt  }
0x7e: {  	_ =	shalt  }
0x7f: {  	_ =	shalt  }
0x80: {  	_ =	shalt  }
0x81: {  	_ =	shalt  }
0x82: {  	_ =	shalt  }
0x83: {  	_ =	shalt  }
0x84: {  	_ =	shalt  }
0x85: {  	_ =	shalt  }
0x86: {  	_ =	shalt  }
0x87: {  	_ =	shalt  }
.Lfunc_end0:
.L_simem_size_0:
called_computation_lowered:
.L_overlay_start_0:
0x88: {  	s2 =	sld [smem:$0x3FD9]  }
0x89: {  	s3 =	sld [smem:$0x3FFE];
	_ =	sdelay $0x1  }
0x8a: {  	s1 =	srdreg.scid  }
0x8b: {  	s0 =	sand.u32 $0x1, s1  }
0x8c: {  	s16 =	sshll.u32 s0, $0xA;
	s2 =	sadd.s32 s3, s2  }
0x8d: {  	s2 =	sadd.s32 s2, s16  }
0x8e: {  	[smem:$0x3FB1] =	sst s2  }
0x8f: {  	_ = 	snop  }
0x90: {  	(tm) =	ssettm $0x1  }
0x91: {  	s17 =	sld [smem:$0x3FFB];
	_ =	sdelay $0x3  }
0x92: {  	_ =	strace s17  }
0x93: {  	s2 =	sld [smem:$0x3FFC];
	_ =	sdelay $0x3  }
0x94: {  	_ =	strace s2  }
0x95: {  	s2 =	sld [smem:$0x3FFD];
	_ =	sdelay $0x3  }
0x96: {  	_ =	strace s2  }
0x97: {  	_ =	strace $0x8FFFFFFF  }
0x98: {  	s18 =	sld [smem:$0x3FDB];
	_ =	sdelay $0x1  }
0x99: {  	s19 =	simm.s32 $_scs_section_size  }
0x9a: {  	s4 =	simm.s32 $_size__tile_overlayer_lowered;
	s5 =	simm.s32 $_tile_overlayer_lowered  }
0x9b: {  	s22 =	simm.s32 $0x1BFF;
	s21 =	sshll.u32 s5, $0x1;
	s2 =	sadd.s32 s19, s18  }
0x9c: {  	s6 =	simm.s32 $0x0;
	s20 =	sshll.u32 s4, $0x1;
	s4 =	sadd.s32 s21, s2  }
0x9d: {  	[timem:s6], [sflag:s22] =	dma.local [hbm:s4], s20  }
0x9e: {  	_ =	swait.ge [sflag:s22], s20  }
0x9f: {  	s3 =	ssub.s32 $0x0, s20;
	[sflag:s22] =	ssyncset.done $0x0  }
0xa0: {  	[sflag:s22] =	ssyncadd.s32 s3;
	_ =	sdelay $0x1  }
0xa1: {  	s23 =	simm.s32 $0x1B8B  }
0xa2: {  	_ =	swait.ge [sflag:s23], $0x1  }
0xa3: {  	[sflag:s23] =	ssyncset.done $0x0  }
0xa4: {  	s25 =	simm.s32 $0x1B8E;
	s24 =	sld [smem:$0x3FFE];
	[sflag:s23] =	ssyncadd.s32 $0xFFFFFFFF  }
0xa5: {  	s26 =	simm.s32 $execute0_lowered;
	[smem:$0x3FD2] =	sst s25  }
0xa6: {  	s4 =	sshll.u32 s26, $0x1;
	_ =	strace $0x80000046;
	[dreg:$0x1] =	wrdreg $0xFFFFFFFF  }
0xa7: {  	s28 =	simm.s32 $_size_execute0_lowered;
	s2 =	sadd.s32 s2, s4;
	[dreg:$0x0] =	wrdreg $0x0  }
0xa8: {  	s4 =	sshll.u32 s28, $0x1;
	[dreg:$0x2] =	wrdreg s2  }
0xa9: {  	[dreg:$0x3] =	wrdreg s4  }
0xaa: {  	[dreg:$0x4] =	wrdreg $0xC0  }
0xab: {  	_ =	task [dreg:s6], $0x5FFFF  }
0xac: {  	[dreg:$0x1] =	wrdreg $0xFFFFFFFF  }
0xad: {  	[dreg:$0x0] =	wrdreg $0x60  }
0xae: {  	[dreg:$0x2] =	wrdreg s24  }
0xaf: {  	[dreg:$0x3] =	wrdreg $0xAB000  }
0xb0: {  	[dreg:$0x4] =	wrdreg $0x9  }
0xb1: {  	_ =	task.clear_ibuf [dreg:s6], $0x5FFFF;
	_ =	strace $0x90000046  }
0xb2: {  	s29 =	simm.s32 $0x9;
	_ =	strace $0x80000048  }
0xb3: {  	_ =	swait.ge [sflag:s29], $0x1  }
0xb4: {  	[sflag:s29] =	ssyncadd.s32 $0xFFFFFFFF  }
0xb5: {  	_ =	strace $0x90000048  }
0xb6: {  	_ =	sfence  }
0xb7: {  	s30 =	sld [smem:$0x0];
	_ =	sdelay $0x2  }
0xb8: {  	s31 =	sshll.u32 s1, $0xD;
	s1 =	sshrl.u32 s1, $0x2  }
0xb9: {  	s3 =	sand.u32 $0x4000, s31;
	s1 =	sadd.s32 s1, s30  }
0xba: {  	s0 =	sor.u32 s3, s0;
	s1 =	sshll.u32 s1, $0x11  }
0xbb: {  	s0 =	sor.u32 s1, s0  }
0xbc: {  	s0 =	sadd.s32 $0x8F2B, s0  }
0xbd: {  	[sflag:s0] =	ssyncadd.remote.s32 $0x1  }
0xbe: {  	_ =	sfence.sel $0xFFFF  }
0xbf: {  	[dreg:$0x0] =	wrdreg $0xFFFFFFFF;
	(pc) =	sbr.abs _section_cstart, $3  }
0xc0: {  	[dreg:$0x1] =	wrdreg $0xFFFFFFFF  }
0xc1: {  	_ =	task.clear_ibuf [dreg:s6], $0x2FFFF;
	_ =	strace $0x9FFFFFFF  }
0xc2: {  	(tm) =	ssettm $0x7FFFFFFF  }
0xc3: {  	_ =	shalt  }
tec
execute0_lowered:
.L_overlay_start_1:
0x0: {  	(tag) =	ssettag $0x1  }
0x1: {  	s0 =	rddreg [dreg:$0x0]  }
0x2: {  	s2 =	rddreg [dreg:$0x1];
	s3 =	simm.s32 $0x0;
	s1 =	srdreg.scid  }
0x3: {  	s15 =	stileid.u32;
	s28 =	simm.s32 $0x9;
	s29 =	simm.s32 $0x1  }
0x4: {  	s30 =	simm.s32 $0x50;
	s31 =	simm.s32 $0x200;
	[smem:$0x7FF] =	sst s3  }
0x5: {  	s1 =	sand.u32 $0x1, s1;
	s4 =	sshll.u32 s15, $0x1;
	s6 =	sadd.s32 $0x4F3200, s0  }
0x6: {  	s5 =	sadd.s32 $0x4FD000, s0;
	s7 =	sadd.s32 $0x4E9400, s0;
	s20 =	smul.u32 $0x4E000, s15  }
0x7: {  	s22 =	smul.u32 $0x13800, s15;
	p0 =	sne.s32 s15, $0xF;
	_ =	strace $0x80000047  }
0x8: {  	s8 =	sor.u32 s1, s4;
	s10 =	ssub.s32 $0x2, s1;
	s1 =	smul.u32 $0x138800, s1  }
0x9: {  	s4 =	sadd.s32 $0x9DF000, s0;
	s0 =	sadd.s32 $0xA06200, s0;
	s9 =	smul.u32 $0x2710, s8  }
0xa: {  	s11 =	sshrl.u32 s10, $0x1;
	s8 =	smul.u32 $0x27100, s8;
	s24 =	sshrl.u32 s20, $0x2  }
0xb: {  	s10 =	ssub.s32 s10, s11;
	s14 =	sadd.s32 s24, s2;
	s25 =	sadd.s32 s22, s1  }
0xc: {  	s1 =	sshrl.u32 s1, $0x3;
	s22 =	simm.s32 $0x5200;
	s24 =	simm.s32 $0x3  }
0xd: {  	s12 =	sshrl.u32 s9, $0x3;
	s19 =	sadd.s32 $0x50, s9;
	s8 =	sadd.s32 s5, s8  }
0xe: {  	s16 =	sadd.s32 $0xA0, s9;
	s26 =	smax.u32 s10, $0x1;
	s10 =	simm.s32 $0x4  }
0xf: {  	s17 =	sadd.s32 s6, s12;
	s18 =	sadd.s32 s7, s12;
	[dreg:$0x5] =	wrdreg s8  }
0x10: {  	s21 =	sshrl.u32 s19, $0x3;
	s11 =	sshll.u32 s19, $0x4;
	[dreg:$0xc] =	wrdreg s26  }
0x11: {  	s26 =	simm.s32 $0xA300;
	s12 =	simm.s32 $0x7;
	[dreg:$0x3] =	wrdreg s17  }
0x12: {  	s19 =	simm.s32 $0x0;
	[dreg:$0x4] =	wrdreg s18;
	s13 =	sadd.s32 s6, s21  }
0x13: {  	s8 =	sadd.s32 s7, s21;
	s23 =	sadd.s32 s5, s11;
	[dreg:$0x6] =	wrdreg s13  }
0x14: {  	s18 =	sadd.s32 $0x138000, s2;
	s17 =	sadd.s32 $0xF0, s9;
	[dreg:$0x7] =	wrdreg s8  }
0x15: {  	s9 =	simm.s32 $0x6;
	s11 =	simm.s32 $0xA280;
	[dreg:$0x8] =	wrdreg s23  }
0x16: {  	s8 =	sshrl.u32 s25, $0x3;
	s23 =	simm.s32 $0x80;
	s25 =	simm.s32 $0xA200  }
0x17: {  	[dreg:$0x9] =	wrdreg s18;
	s8 =	sadd.s32 s0, s8;
	s0 =	sadd.s32 s0, s1  }
0x18: {  	s1 =	simm.s32 $0x2;
	[dreg:$0xa] =	wrdreg s8;
	s0 =	sadd.s32 $0x27000, s0  }
0x19: {  	v0 =	vimm.f32 $0.0e+00;
	s8 =	simm.s32 $0x2A00;
	[dreg:$0xb] =	wrdreg s0;
	s0 =	simm.s32 $0x5  }
.LBB2_1:
0x1a: {  	s13 =	rddreg [dreg:$0x3]  }
0x1b: {  	[tilespmem:s3], [sflag:$0x1] =	stream.linear.gather [hbm4b:s13+s3], $0x50, $0x38;
	[tilespmem:$0x1E380] =	vst v63  }
0x1c: {  	s20 =	rddreg [dreg:$0x4];
	s15 =	simm.s32 $0x100  }
0x1d: {  	[tilespmem:s15], [sflag:$0x1] =	stream.linear.gather [hbm4b:s20+s3], $0x50, $0x38;
	[tilespmem:$0x1E380] =	vst v63  }
0x1e: {  	s21 =	rddreg [dreg:$0x5]  }
0x1f: {  	[tilespmem:s22], [sflag:$0x3] =	stream.linear.gather [hbm4b:s21+s3], $0x2800, $0x38;
	[tilespmem:$0x1E380] =	vst v63  }
0x20: {  	s15 =	rddreg [dreg:$0x6]  }
0x21: {  	[tilespmem:s23], [sflag:$0x2] =	stream.linear.gather [hbm4b:s15+s3], $0x50, $0x38;
	[tilespmem:$0x1E380] =	vst v63  }
0x22: {  	s13 =	simm.s32 $0x0;
	s20 =	rddreg [dreg:$0x7];
	s21 =	simm.s32 $0x180  }
0x23: {  	[tilespmem:s21], [sflag:$0x2] =	stream.linear.gather [hbm4b:s20+s3], $0x50, $0x38;
	[tilespmem:$0x1E380] =	vst v63  }
0x24: {  	s15 =	simm.s32 $0x200;
	s20 =	rddreg [dreg:$0x8];
	s21 =	simm.s32 $0x7A00  }
0x25: {  	[tilespmem:s21], [sflag:$0x4] =	stream.linear.gather [hbm4b:s20+s3], $0x2800, $0x38;
	[tilespmem:$0x1E380] =	vst v63  }
.LBB2_2:
0x26: {  	p1 =	sne.s32 s15, $0x1E00;
	[tilespmem:s13+$0xA370] =	vst v0  }
0x27: {  	[tilespmem:s13+$0xA300] =	vst v0  }
0x28: {  	[tilespmem:s13+$0xA310] =	vst v0  }
.Ltmp0:
0x29: {  	[tilespmem:s13+$0xA320] =	vst v0;
	(pc) =	sbr.rel @p1 .LBB2_2-.Ltmp0, $4  }
0x2a: {  	[tilespmem:s13+$0xA330] =	vst v0  }
0x2b: {  	[tilespmem:s13+$0xA340] =	vst v0  }
0x2c: {  	[tilespmem:s13+$0xA350] =	vst v0  }
0x2d: {  	[tilespmem:s13+$0xA360] =	vst v0;
	s13 =	sshra.s32 s15, $0x2;
	s15 =	sadd.s32 $0x200, s15  }
0x2e: {  	[tilespmem:s13+$0xA370] =	vst v0  }
0x2f: {  	[tilespmem:s13+$0xA300] =	vst v0  }
0x30: {  	[tilespmem:s13+$0xA310] =	vst v0  }
0x31: {  	[tilespmem:s13+$0xA320] =	vst v0  }
0x32: {  	[tilespmem:s13+$0xA330] =	vst v0  }
0x33: {  	[tilespmem:s13+$0xA340] =	vst v0  }
0x34: {  	[tilespmem:s13+$0xA350] =	vst v0  }
0x35: {  	[dreg:$0xd] =	wrdreg s19;
	[tilespmem:s13+$0xA360] =	vst v0;
	s21 =	sadd.s32 $0x0, s14  }
0x36: {  	[spmem:s21] =	stream.linear.scatter [tilespmem:s26], [sflag:$0x9], $0x800, $0x38;
	[tilespmem:$0x1E380] =	vst v63  }
0x37: {  	s13 =	simm.s32 $0x2000;
	_ =	swait.ge [sflag:s28], $0x800  }
.LBB2_4:
0x38: {  	s15 =	sshra.s32 s13, $0x2;
	[sflag:s28] =	ssyncset.done $0x0;
	p1 =	sne.s32 s13, $0x4C000  }
.Ltmp1:
0x39: {  	s15 =	sadd.s32 s15, s14;
	[sflag:s28] =	ssyncadd.s32 $0xFFFFF800;
	(pc) =	sbr.rel @p1 .LBB2_4-.Ltmp1, $3  }
0x3a: {  	[spmem:s15] =	stream.linear.scatter [tilespmem:s26], [sflag:$0x9], $0x800, $0x38;
	[tilespmem:$0x1E380] =	vst v63  }
0x3b: {  	s13 =	sadd.s32 $0x2000, s13;
	_ =	sdelay $0x1  }
0x3c: {  	_ =	swait.ge [sflag:s28], $0x800  }
0x3d: {  	[sflag:s28] =	ssyncset.done $0x0  }
0x3e: {  	s13 =	simm.s32 @!p0 $0xA300;
	[sflag:s28] =	ssyncadd.s32 $0xFFFFF800  }
0x3f: {  	[spmem:s18] =	stream.linear.scatter @!p0 [tilespmem:s13], [sflag:$0x9], $0x800, $0x38;
	[tilespmem:$0x1E380] =	vst v63  }
0x40: {  	s13 =	simm.s32 @!p0 $0x9  }
0x41: {  	_ =	swait.ge @!p0 [sflag:s13], $0x800  }
0x42: {  	[sflag:s13] =	ssyncset.done @!p0 $0x0  }
0x43: {  	[sflag:s13] =	ssyncadd.s32 @!p0 $0xFFFFF800  }
0x44: {  	[bflag:$0x0] =	sbarrier.arrive $0xFFFF  }
0x45: {  	_ =	swait.ge [sflag:s29], $0x50  }
0x46: {  	[sflag:s29] =	ssyncset.done $0x0  }
0x47: {  	[sflag:s29] =	ssyncadd.s32 $0xFFFFFFB0  }
0x48: {  	_ =	swait.ge [sflag:s29], $0x50  }
0x49: {  	[sflag:s29] =	ssyncset.done $0x0  }
0x4a: {  	s19 =	simm.s32 $0x0;
	[sflag:s29] =	ssyncadd.s32 $0xFFFFFFB0  }
0x4b: {  	[tilespmem:s31], [sflag:$0x5] =	stream.indirect.gather [hbm4b:s4+s30], $0x80, s19, s30, $0xb8;
	[tilespmem:$0x1E380] =	vst v63  }
.LBB2_6:
0x4c: {  	_ =	swait.ge [sflag:s0], $0x2800  }
0x4d: {  	[sflag:s0] =	ssyncset.done $0x0  }
0x4e: {  	[sflag:s0] =	ssyncadd.s32 $0xFFFFD800  }
0x4f: {  	_ =	swait.ge [sflag:s24], $0x2800  }
0x50: {  	[sflag:s24] =	ssyncset.done $0x0  }
0x51: {  	s20 =	simm.s32 $0x0;
	[sflag:s24] =	ssyncadd.s32 $0xFFFFD800  }
0x52: {  	v7 =	vld [tilespmem:s20+$0x5200]  }
0x53: {  	v12 =	vld [tilespmem:s20+$0x5210]  }
0x54: {  	v6 =	vld [tilespmem:s20+$0x5220]  }
0x55: {  	v5 =	vld [tilespmem:s20+$0x5230]  }
0x56: {  	v4 =	vld [tilespmem:s20+$0x5240]  }
0x57: {  	v3 =	vld [tilespmem:s20+$0x5250]  }
0x58: {  	v2 =	vld [tilespmem:s20+$0x5260]  }
0x59: {  	v1 =	vld [tilespmem:s20+$0x5270]  }
0x5a: {  	v13 =	vld [tilespmem:s20+$0x200]  }
0x5b: {  	v14 =	vld [tilespmem:s20+$0x210]  }
0x5c: {  	v11 =	vld [tilespmem:s20+$0x220]  }
0x5d: {  	v10 =	vld [tilespmem:s20+$0x230]  }
0x5e: {  	v9 =	vld [tilespmem:s20+$0x240]  }
0x5f: {  	v8 =	vld [tilespmem:s20+$0x250];
	v13 =	vadd.f32 v7, v13  }
0x60: {  	s13 =	simm.s32 $0x200;
	v12 =	vadd.f32 v12, v14;
	v7 =	vld [tilespmem:s20+$0x260]  }
.LBB2_7:
0x61: {  	s15 =	sshra.s32 s13, $0x2;
	p1 =	sne.s32 s13, $0x9E00;
	v13 =	vmax.f32 v13, $0.0e+00;
	v6 =	vadd.f32 v6, v11;
	v11 =	vld [tilespmem:s20+$0x270]  }
0x62: {  	v14 =	vld [tilespmem:s15+$0x5200];
	[tilespmem:s20+$0x200] =	vst v13;
	v12 =	vmax.f32 v12, $0.0e+00;
	v5 =	vadd.f32 v5, v10  }
0x63: {  	v15 =	vld [tilespmem:s15+$0x5210];
	[tilespmem:s20+$0x210] =	vst v12;
	v10 =	vmax.f32 v6, $0.0e+00;
	v4 =	vadd.f32 v4, v9  }
0x64: {  	v6 =	vld [tilespmem:s15+$0x5220];
	[tilespmem:s20+$0x220] =	vst v10;
	v9 =	vmax.f32 v5, $0.0e+00;
	v3 =	vadd.f32 v3, v8  }
0x65: {  	v5 =	vld [tilespmem:s15+$0x5230];
	[tilespmem:s20+$0x230] =	vst v9;
	v8 =	vmax.f32 v4, $0.0e+00;
	v2 =	vadd.f32 v2, v7  }
0x66: {  	v4 =	vld [tilespmem:s15+$0x5240];
	[tilespmem:s20+$0x240] =	vst v8;
	v7 =	vmax.f32 v3, $0.0e+00;
	v1 =	vadd.f32 v1, v11  }
0x67: {  	v3 =	vld [tilespmem:s15+$0x5250];
	[tilespmem:s20+$0x250] =	vst v7;
	v7 =	vmax.f32 v2, $0.0e+00  }
0x68: {  	v2 =	vld [tilespmem:s15+$0x5260];
	[tilespmem:s20+$0x260] =	vst v7;
	v7 =	vmax.f32 v1, $0.0e+00  }
0x69: {  	v1 =	vld [tilespmem:s15+$0x5270];
	[tilespmem:s20+$0x270] =	vst v7;
	s20 =	smov.u32 s15  }
0x6a: {  	v7 =	vld [tilespmem:s20+$0x200]  }
0x6b: {  	v12 =	vld [tilespmem:s20+$0x210]  }
.Ltmp2:
0x6c: {  	v11 =	vld [tilespmem:s20+$0x220];
	(pc) =	sbr.rel @p1 .LBB2_7-.Ltmp2, $4  }
0x6d: {  	v10 =	vld [tilespmem:s20+$0x230]  }
0x6e: {  	v9 =	vld [tilespmem:s20+$0x240]  }
0x6f: {  	v13 =	vadd.f32 v14, v7;
	v8 =	vld [tilespmem:s20+$0x250]  }
0x70: {  	s13 =	sadd.s32 $0x200, s13;
	v12 =	vadd.f32 v15, v12;
	v7 =	vld [tilespmem:s20+$0x260]  }
0x71: {  	v13 =	vmax.f32 v13, $0.0e+00;
	v6 =	vadd.f32 v6, v11;
	v11 =	vld [tilespmem:s20+$0x270]  }
0x72: {  	[tilespmem:s20+$0x200] =	vst v13;
	v12 =	vmax.f32 v12, $0.0e+00;
	v5 =	vadd.f32 v5, v10  }
0x73: {  	[tilespmem:s20+$0x210] =	vst v12;
	v6 =	vmax.f32 v6, $0.0e+00;
	v4 =	vadd.f32 v4, v9  }
0x74: {  	[tilespmem:s20+$0x220] =	vst v6;
	v5 =	vmax.f32 v5, $0.0e+00;
	v3 =	vadd.f32 v3, v8  }
0x75: {  	[tilespmem:s20+$0x230] =	vst v5;
	v4 =	vmax.f32 v4, $0.0e+00;
	v2 =	vadd.f32 v2, v7  }
0x76: {  	[tilespmem:s20+$0x240] =	vst v4;
	v3 =	vmax.f32 v3, $0.0e+00;
	v1 =	vadd.f32 v1, v11  }
0x77: {  	[tilespmem:s20+$0x250] =	vst v3;
	v2 =	vmax.f32 v2, $0.0e+00  }
0x78: {  	[tilespmem:s20+$0x260] =	vst v2;
	v1 =	vmax.f32 v1, $0.0e+00  }
0x79: {  	[tilespmem:s20+$0x270] =	vst v1  }
0x7a: {  	v1 =	vld [tilespmem:$0x100]  }
0x7b: {  	v2 =	vld [tilespmem:$0x110]  }
0x7c: {  	v3 =	vld [tilespmem:$0x120]  }
0x7d: {  	v4 =	vld [tilespmem:$0x130]  }
0x7e: {  	v5 =	vld [tilespmem:$0x140]  }
0x7f: {  	[tilespmem:$0xA200] =	vst v1  }
0x80: {  	s20 =	smul.u32 $0xA0, s19;
	[tilespmem:$0xA210] =	vst v2  }
0x81: {  	[tilespmem:$0xA220] =	vst v3  }
0x82: {  	s13 =	sadd.s32 s20, s16;
	[tilespmem:$0xA230] =	vst v4  }
0x83: {  	s15 =	sshrl.u32 s13, $0x3;
	[tilespmem:$0xA240] =	vst v5  }
0x84: {  	[spmem:s2] =	stream.indirect.scatter.add.f32 [tilespmem:s31], [sflag:$0x7], $0x80, s25, s30, $0xb8;
	[tilespmem:$0x1E380] =	vst v63  }
0x85: {  	s18 =	sadd.s32 s6, s15  }
0x86: {  	[tilespmem:s3], [sflag:$0x1] =	stream.linear.gather [hbm4b:s18+s3], $0x50, $0x38;
	[tilespmem:$0x1E380] =	vst v63  }
0x87: {  	s21 =	simm.s32 $0x100;
	s13 =	sshll.u32 s13, $0x4;
	s15 =	sadd.s32 s7, s15  }
0x88: {  	[tilespmem:s21], [sflag:$0x1] =	stream.linear.gather [hbm4b:s15+s3], $0x50, $0x38;
	[tilespmem:$0x1E380] =	vst v63  }
0x89: {  	p1 =	seq.s32 s19, $0x0;
	s13 =	sadd.s32 s5, s13  }
0x8a: {  	[tilespmem:s22], [sflag:$0x3] =	stream.linear.gather [hbm4b:s13+s3], $0x2800, $0x38;
	[tilespmem:$0x1E380] =	vst v63  }
0x8b: {  	s13 =	simm.s32 @!p1 $0x8  }
0x8c: {  	_ =	swait.ge @!p1 [sflag:s13], $0x2800  }
0x8d: {  	[sflag:s13] =	ssyncset.done @!p1 $0x0  }
0x8e: {  	[sflag:s13] =	ssyncadd.s32 @!p1 $0xFFFFD800  }
0x8f: {  	_ =	swait.ge [sflag:s1], $0x50  }
0x90: {  	[sflag:s1] =	ssyncset.done $0x0  }
0x91: {  	[sflag:s1] =	ssyncadd.s32 $0xFFFFFFB0  }
0x92: {  	_ =	swait.ge [sflag:s1], $0x50  }
0x93: {  	[sflag:s1] =	ssyncset.done $0x0  }
0x94: {  	[sflag:s1] =	ssyncadd.s32 $0xFFFFFFB0  }
0x95: {  	[tilespmem:s8], [sflag:$0x6] =	stream.indirect.gather [hbm4b:s4+s30], $0x80, s23, s30, $0xb8;
	[tilespmem:$0x1E380] =	vst v63  }
0x96: {  	_ =	swait.ge [sflag:s9], $0x2800  }
0x97: {  	[sflag:s9] =	ssyncset.done $0x0  }
0x98: {  	[sflag:s9] =	ssyncadd.s32 $0xFFFFD800  }
0x99: {  	_ =	swait.ge [sflag:s10], $0x2800  }
0x9a: {  	[sflag:s10] =	ssyncset.done $0x0  }
0x9b: {  	s13 =	simm.s32 $0x0;
	[sflag:s10] =	ssyncadd.s32 $0xFFFFD800  }
0x9c: {  	v7 =	vld [tilespmem:s13+$0x7A00]  }
0x9d: {  	v12 =	vld [tilespmem:s13+$0x7A10]  }
0x9e: {  	v6 =	vld [tilespmem:s13+$0x7A20]  }
0x9f: {  	v5 =	vld [tilespmem:s13+$0x7A30]  }
0xa0: {  	v4 =	vld [tilespmem:s13+$0x7A40]  }
0xa1: {  	v3 =	vld [tilespmem:s13+$0x7A50]  }
0xa2: {  	v2 =	vld [tilespmem:s13+$0x7A60]  }
0xa3: {  	v1 =	vld [tilespmem:s13+$0x7A70]  }
0xa4: {  	v13 =	vld [tilespmem:s13+$0x2A00]  }
0xa5: {  	v14 =	vld [tilespmem:s13+$0x2A10]  }
0xa6: {  	v11 =	vld [tilespmem:s13+$0x2A20]  }
0xa7: {  	v10 =	vld [tilespmem:s13+$0x2A30]  }
0xa8: {  	v9 =	vld [tilespmem:s13+$0x2A40]  }
0xa9: {  	v8 =	vld [tilespmem:s13+$0x2A50];
	v13 =	vadd.f32 v7, v13  }
0xaa: {  	s15 =	simm.s32 $0x200;
	v12 =	vadd.f32 v12, v14;
	v7 =	vld [tilespmem:s13+$0x2A60]  }
.LBB2_9:
0xab: {  	s18 =	sshra.s32 s15, $0x2;
	p1 =	sne.s32 s15, $0x9E00;
	v13 =	vmax.f32 v13, $0.0e+00;
	v6 =	vadd.f32 v6, v11;
	v11 =	vld [tilespmem:s13+$0x2A70]  }
0xac: {  	v14 =	vld [tilespmem:s18+$0x7A00];
	[tilespmem:s13+$0x2A00] =	vst v13;
	v12 =	vmax.f32 v12, $0.0e+00;
	v5 =	vadd.f32 v5, v10  }
0xad: {  	v15 =	vld [tilespmem:s18+$0x7A10];
	[tilespmem:s13+$0x2A10] =	vst v12;
	v10 =	vmax.f32 v6, $0.0e+00;
	v4 =	vadd.f32 v4, v9  }
0xae: {  	v6 =	vld [tilespmem:s18+$0x7A20];
	[tilespmem:s13+$0x2A20] =	vst v10;
	v9 =	vmax.f32 v5, $0.0e+00;
	v3 =	vadd.f32 v3, v8  }
0xaf: {  	v5 =	vld [tilespmem:s18+$0x7A30];
	[tilespmem:s13+$0x2A30] =	vst v9;
	v8 =	vmax.f32 v4, $0.0e+00;
	v2 =	vadd.f32 v2, v7  }
0xb0: {  	v4 =	vld [tilespmem:s18+$0x7A40];
	[tilespmem:s13+$0x2A40] =	vst v8;
	v7 =	vmax.f32 v3, $0.0e+00;
	v1 =	vadd.f32 v1, v11  }
0xb1: {  	v3 =	vld [tilespmem:s18+$0x7A50];
	[tilespmem:s13+$0x2A50] =	vst v7;
	v7 =	vmax.f32 v2, $0.0e+00  }
0xb2: {  	v2 =	vld [tilespmem:s18+$0x7A60];
	[tilespmem:s13+$0x2A60] =	vst v7;
	v7 =	vmax.f32 v1, $0.0e+00  }
0xb3: {  	v1 =	vld [tilespmem:s18+$0x7A70];
	[tilespmem:s13+$0x2A70] =	vst v7;
	s13 =	smov.u32 s18  }
0xb4: {  	v7 =	vld [tilespmem:s13+$0x2A00]  }
0xb5: {  	v12 =	vld [tilespmem:s13+$0x2A10]  }
.Ltmp3:
0xb6: {  	v11 =	vld [tilespmem:s13+$0x2A20];
	(pc) =	sbr.rel @p1 .LBB2_9-.Ltmp3, $4  }
0xb7: {  	v10 =	vld [tilespmem:s13+$0x2A30]  }
0xb8: {  	v9 =	vld [tilespmem:s13+$0x2A40]  }
0xb9: {  	v13 =	vadd.f32 v14, v7;
	v8 =	vld [tilespmem:s13+$0x2A50]  }
0xba: {  	s15 =	sadd.s32 $0x200, s15;
	v12 =	vadd.f32 v15, v12;
	v7 =	vld [tilespmem:s13+$0x2A60]  }
0xbb: {  	v13 =	vmax.f32 v13, $0.0e+00;
	v6 =	vadd.f32 v6, v11;
	v63 =	vld [tilespmem:s13+$0x2A70]  }
0xbc: {  	[tilespmem:s13+$0x2A00] =	vst v13;
	v12 =	vmax.f32 v12, $0.0e+00;
	v5 =	vadd.f32 v5, v10  }
0xbd: {  	[tilespmem:s13+$0x2A10] =	vst v12;
	v6 =	vmax.f32 v6, $0.0e+00;
	v4 =	vadd.f32 v4, v9  }
0xbe: {  	[tilespmem:s13+$0x2A20] =	vst v6;
	v5 =	vmax.f32 v5, $0.0e+00;
	v3 =	vadd.f32 v3, v8  }
0xbf: {  	[tilespmem:s13+$0x2A30] =	vst v5;
	v4 =	vmax.f32 v4, $0.0e+00;
	v2 =	vadd.f32 v2, v7  }
0xc0: {  	[tilespmem:s13+$0x2A40] =	vst v4;
	v3 =	vmax.f32 v3, $0.0e+00;
	v1 =	vadd.f32 v1, v63  }
0xc1: {  	[tilespmem:s13+$0x2A50] =	vst v3;
	v2 =	vmax.f32 v2, $0.0e+00  }
0xc2: {  	[tilespmem:s13+$0x2A60] =	vst v2;
	v1 =	vmax.f32 v1, $0.0e+00  }
0xc3: {  	[tilespmem:s13+$0x2A70] =	vst v1  }
0xc4: {  	v1 =	vld [tilespmem:$0x180]  }
0xc5: {  	v2 =	vld [tilespmem:$0x190]  }
0xc6: {  	v3 =	vld [tilespmem:$0x1A0]  }
0xc7: {  	v4 =	vld [tilespmem:$0x1B0]  }
0xc8: {  	v5 =	vld [tilespmem:$0x1C0]  }
0xc9: {  	[tilespmem:$0xA280] =	vst v1  }
0xca: {  	[tilespmem:$0xA290] =	vst v2  }
0xcb: {  	p1 =	seq.s32 s19, $0x3D;
	[tilespmem:$0xA2A0] =	vst v3  }
0xcc: {  	s13 =	sadd.s32 @!p1 s20, s17;
	[tilespmem:$0xA2B0] =	vst v4  }
0xcd: {  	s15 =	sshrl.u32 @!p1 s13, $0x3;
	[tilespmem:$0xA2C0] =	vst v5  }
0xce: {  	[spmem:s2] =	stream.indirect.scatter.add.f32 [tilespmem:s8], [sflag:$0x8], $0x80, s11, s30, $0xb8;
	[tilespmem:$0x1E380] =	vst v63  }
0xcf: {  	s21 =	simm.s32 @!p1 $0x80;
	s20 =	simm.s32 @!p1 $0x0;
	s18 =	sadd.s32 @!p1 s6, s15  }
0xd0: {  	[tilespmem:s21], [sflag:$0x2] =	stream.linear.gather @!p1 [hbm4b:s18+s20], $0x50, $0x38;
	[tilespmem:$0x1E380] =	vst v63  }
0xd1: {  	s13 =	sshll.u32 @!p1 s13, $0x4;
	s15 =	sadd.s32 @!p1 s7, s15;
	s18 =	simm.s32 @!p1 $0x180  }
0xd2: {  	[tilespmem:s18], [sflag:$0x2] =	stream.linear.gather @!p1 [hbm4b:s15+s20], $0x50, $0x38;
	[tilespmem:$0x1E380] =	vst v63  }
0xd3: {  	s13 =	sadd.s32 @!p1 s5, s13;
	s15 =	simm.s32 @!p1 $0x7A00  }
0xd4: {  	[tilespmem:s15], [sflag:$0x4] =	stream.linear.gather @!p1 [hbm4b:s13+s20], $0x2800, $0x38;
	[tilespmem:$0x1E380] =	vst v63  }
0xd5: {  	_ =	swait.ge [sflag:s12], $0x2800  }
0xd6: {  	[sflag:s12] =	ssyncset.done $0x0  }
0xd7: {  	[sflag:s12] =	ssyncadd.s32 $0xFFFFD800  }
0xd8: {  	s19 =	sadd.s32 $0x1, s19;
	_ =	swait.ge [sflag:s29], $0x50  }
0xd9: {  	p1 =	sne.s32 s19, $0x3E;
	[sflag:s29] =	ssyncset.done $0x0  }
.Ltmp4:
0xda: {  	[sflag:s29] =	ssyncadd.s32 $0xFFFFFFB0;
	(pc) =	sbr.rel @p1 .LBB2_6-.Ltmp4, $4  }
0xdb: {  	_ =	swait.ge [sflag:s29], $0x50  }
0xdc: {  	[sflag:s29] =	ssyncset.done $0x0  }
0xdd: {  	[sflag:s29] =	ssyncadd.s32 $0xFFFFFFB0  }
0xde: {  	[tilespmem:s31], [sflag:$0x5] =	stream.indirect.gather [hbm4b:s4+s30], $0x80, s3, s30, $0xb8;
	[tilespmem:$0x1E380] =	vst v63  }
0xdf: {  	_ =	swait.ge [sflag:s0], $0x2800  }
0xe0: {  	[sflag:s0] =	ssyncset.done $0x0  }
0xe1: {  	[sflag:s0] =	ssyncadd.s32 $0xFFFFD800  }
0xe2: {  	_ =	swait.ge [sflag:s24], $0x2800  }
0xe3: {  	[sflag:s24] =	ssyncset.done $0x0  }
0xe4: {  	s13 =	simm.s32 $0x0;
	[sflag:s24] =	ssyncadd.s32 $0xFFFFD800  }
0xe5: {  	v7 =	vld [tilespmem:s13+$0x5200]  }
0xe6: {  	v12 =	vld [tilespmem:s13+$0x5210]  }
0xe7: {  	v6 =	vld [tilespmem:s13+$0x5220]  }
0xe8: {  	v5 =	vld [tilespmem:s13+$0x5230]  }
0xe9: {  	v4 =	vld [tilespmem:s13+$0x5240]  }
0xea: {  	v3 =	vld [tilespmem:s13+$0x5250]  }
0xeb: {  	v2 =	vld [tilespmem:s13+$0x5260]  }
0xec: {  	v1 =	vld [tilespmem:s13+$0x5270]  }
0xed: {  	v13 =	vld [tilespmem:s13+$0x200]  }
0xee: {  	v14 =	vld [tilespmem:s13+$0x210]  }
0xef: {  	v11 =	vld [tilespmem:s13+$0x220]  }
0xf0: {  	v10 =	vld [tilespmem:s13+$0x230]  }
0xf1: {  	v9 =	vld [tilespmem:s13+$0x240]  }
0xf2: {  	v8 =	vld [tilespmem:s13+$0x250];
	v13 =	vadd.f32 v7, v13  }
0xf3: {  	s15 =	simm.s32 $0x200;
	v12 =	vadd.f32 v12, v14;
	v7 =	vld [tilespmem:s13+$0x260]  }
.LBB2_12:
0xf4: {  	s18 =	sshra.s32 s15, $0x2;
	p1 =	sne.s32 s15, $0x9E00;
	v13 =	vmax.f32 v13, $0.0e+00;
	v6 =	vadd.f32 v6, v11;
	v11 =	vld [tilespmem:s13+$0x270]  }
0xf5: {  	v14 =	vld [tilespmem:s18+$0x5200];
	[tilespmem:s13+$0x200] =	vst v13;
	v12 =	vmax.f32 v12, $0.0e+00;
	v5 =	vadd.f32 v5, v10  }
0xf6: {  	v15 =	vld [tilespmem:s18+$0x5210];
	[tilespmem:s13+$0x210] =	vst v12;
	v10 =	vmax.f32 v6, $0.0e+00;
	v4 =	vadd.f32 v4, v9  }
0xf7: {  	v6 =	vld [tilespmem:s18+$0x5220];
	[tilespmem:s13+$0x220] =	vst v10;
	v9 =	vmax.f32 v5, $0.0e+00;
	v3 =	vadd.f32 v3, v8  }
0xf8: {  	v5 =	vld [tilespmem:s18+$0x5230];
	[tilespmem:s13+$0x230] =	vst v9;
	v8 =	vmax.f32 v4, $0.0e+00;
	v2 =	vadd.f32 v2, v7  }
0xf9: {  	v4 =	vld [tilespmem:s18+$0x5240];
	[tilespmem:s13+$0x240] =	vst v8;
	v7 =	vmax.f32 v3, $0.0e+00;
	v1 =	vadd.f32 v1, v11  }
0xfa: {  	v3 =	vld [tilespmem:s18+$0x5250];
	[tilespmem:s13+$0x250] =	vst v7;
	v7 =	vmax.f32 v2, $0.0e+00  }
0xfb: {  	v2 =	vld [tilespmem:s18+$0x5260];
	[tilespmem:s13+$0x260] =	vst v7;
	v7 =	vmax.f32 v1, $0.0e+00  }
0xfc: {  	v1 =	vld [tilespmem:s18+$0x5270];
	[tilespmem:s13+$0x270] =	vst v7;
	s13 =	smov.u32 s18  }
0xfd: {  	v7 =	vld [tilespmem:s13+$0x200]  }
0xfe: {  	v12 =	vld [tilespmem:s13+$0x210]  }
.Ltmp5:
0xff: {  	v11 =	vld [tilespmem:s13+$0x220];
	(pc) =	sbr.rel @p1 .LBB2_12-.Ltmp5, $4  }
0x100: {  	v10 =	vld [tilespmem:s13+$0x230]  }
0x101: {  	v9 =	vld [tilespmem:s13+$0x240]  }
0x102: {  	v13 =	vadd.f32 v14, v7;
	v8 =	vld [tilespmem:s13+$0x250]  }
0x103: {  	s15 =	sadd.s32 $0x200, s15;
	v12 =	vadd.f32 v15, v12;
	v7 =	vld [tilespmem:s13+$0x260]  }
0x104: {  	v13 =	vmax.f32 v13, $0.0e+00;
	v6 =	vadd.f32 v6, v11;
	v63 =	vld [tilespmem:s13+$0x270]  }
0x105: {  	[tilespmem:s13+$0x200] =	vst v13;
	v12 =	vmax.f32 v12, $0.0e+00;
	v5 =	vadd.f32 v5, v10  }
0x106: {  	[tilespmem:s13+$0x210] =	vst v12;
	v6 =	vmax.f32 v6, $0.0e+00;
	v4 =	vadd.f32 v4, v9  }
0x107: {  	[tilespmem:s13+$0x220] =	vst v6;
	v5 =	vmax.f32 v5, $0.0e+00;
	v3 =	vadd.f32 v3, v8  }
0x108: {  	[tilespmem:s13+$0x230] =	vst v5;
	v4 =	vmax.f32 v4, $0.0e+00;
	v2 =	vadd.f32 v2, v7  }
0x109: {  	[tilespmem:s13+$0x240] =	vst v4;
	v3 =	vmax.f32 v3, $0.0e+00;
	v1 =	vadd.f32 v1, v63  }
0x10a: {  	[tilespmem:s13+$0x250] =	vst v3;
	v2 =	vmax.f32 v2, $0.0e+00  }
0x10b: {  	[tilespmem:s13+$0x260] =	vst v2;
	v1 =	vmax.f32 v1, $0.0e+00  }
0x10c: {  	[tilespmem:s13+$0x270] =	vst v1  }
0x10d: {  	v1 =	vld [tilespmem:$0x100]  }
0x10e: {  	v2 =	vld [tilespmem:$0x110]  }
0x10f: {  	v3 =	vld [tilespmem:$0x120]  }
0x110: {  	v4 =	vld [tilespmem:$0x130]  }
0x111: {  	v5 =	vld [tilespmem:$0x140]  }
0x112: {  	[tilespmem:$0xA200] =	vst v1  }
0x113: {  	[tilespmem:$0xA210] =	vst v2  }
0x114: {  	[tilespmem:$0xA220] =	vst v3  }
0x115: {  	[tilespmem:$0xA230] =	vst v4  }
0x116: {  	s18 =	simm.s32 $0x8;
	[tilespmem:$0xA240] =	vst v5  }
0x117: {  	[spmem:s2] =	stream.indirect.scatter.add.f32 [tilespmem:s31], [sflag:$0x7], $0x80, s25, s30, $0xb8;
	[tilespmem:$0x1E380] =	vst v63  }
0x118: {  	_ =	swait.ge [sflag:s18], $0x2800  }
0x119: {  	[sflag:s18] =	ssyncset.done $0x0  }
0x11a: {  	[sflag:s18] =	ssyncadd.s32 $0xFFFFD800  }
0x11b: {  	_ =	swait.ge [sflag:s12], $0x2800  }
0x11c: {  	[sflag:s12] =	ssyncset.done $0x0  }
0x11d: {  	s19 =	stileid.u32;
	[sflag:s12] =	ssyncadd.s32 $0xFFFFD800  }
0x11e: {  	s13 =	sshll.u32 s19, $0x6;
	[bflag:$0x0] =	sbarrier.arrive $0xFFFF  }
0x11f: {  	s15 =	sshrl.u32 s14, $0x3;
	s13 =	sor.u32 $0x1C09, s13;
	s18 =	rddreg [dreg:$0xa]  }
0x120: {  	[hbm:s18], [sflag:s13] =	dma.local [spmem:s15], $0x2700  }
0x121: {  	_ =	swait.ge [sflag:s28], $0x2700  }
0x122: {  	[sflag:s28] =	ssyncset.done $0x0;
	s18 =	rddreg [dreg:$0x9]  }
0x123: {  	s19 =	rddreg [dreg:$0xb];
	[sflag:s28] =	ssyncadd.s32 $0xFFFFD900;
	s15 =	sshrl.u32 @!p0 s18, $0x3  }
0x124: {  	[hbm:s19], [sflag:s13] =	dma.local @!p0 [spmem:s15], $0x100  }
0x125: {  	s13 =	simm.s32 @!p0 $0x9  }
0x126: {  	_ =	swait.ge @!p0 [sflag:s13], $0x100  }
0x127: {  	s20 =	rddreg [dreg:$0xd]  }
0x128: {  	s21 =	rddreg [dreg:$0xc];
	s19 =	sadd.s32 $0x1, s20  }
0x129: {  	p1 =	sne.s32 s19, s21  }
.Ltmp6:
0x12a: {  	_ = 	snop;
	(pc) =	sbr.rel @p1 .LBB2_1-.Ltmp6, $3  }
0x12b: {  	_ =	sdelay $0x1  }
0x12c: {  	[sflag:s13] =	ssyncset.done @!p0 $0x0  }
0x12d: {  	[sflag:s13] =	ssyncadd.s32 @!p0 $0xFFFFFF00  }
0x12e: {  	_ =	sfence.sel $0x180000  }
0x12f: {  	[bflag:$0x0] =	sbarrier.arrive $0xFFFF  }
0x130: {  	_ =	strace $0x90000047  }
0x131: {  	s0 =	stileid.u32;
	[bflag:$0x2] =	sbarrier.arrive $0xFFFF  }
0x132: {  	p0 =	sne.s32 s0, $0x0;
	s0 =	rddreg [dreg:$0x2]  }
0x133: {  	s0 =	sadd.s32 @!p0 $0x100000, s0  }
0x134: {  	[sflag:s0] =	ssyncadd.tile.s32 @!p0 $0x1;
	_ =	shalt  }
.Lfunc_end2:
_tile_overlayer_lowered:
.L_overlay_start_2:
0x135: {  	(tag) =	ssettag $0x2  }
0x136: {  	s0 =	rddreg [dreg:$0x0];
	s2 =	stileid.u32  }
0x137: {  	s1 =	rddreg [dreg:$0x1];
	p0 =	sne.s32 s2, $0x0  }
0x138: {  	s3 =	rddreg [dreg:$0x2];
	[bflag:$0x3] =	sbarrier.arrive $0xFFFF;
	s2 =	simm.s32 @!p0 $0x1C09  }
0x139: {  	[timem:s3], [sflag:s2] =	dma.local @!p0 [hbm:s0], s1  }
0x13a: {  	s0 =	simm.s32 @!p0 $0x9  }
0x13b: {  	_ =	swait.ge @!p0 [sflag:s0], s1  }
0x13c: {  	s1 =	ssub.s32 @!p0 $0x0, s1;
	[sflag:s0] =	ssyncset.done @!p0 $0x0  }
0x13d: {  	[sflag:s0] =	ssyncadd.s32 @!p0 s1  }
0x13e: {  	[bflag:$0x3] =	sbarrier.arrive $0xFFFF  }
0x13f: {  	_ =	shalt  }

// kernel: kernel.17.cloned.1.call-start
scs
__scs_entry_jumppad:
0x0: {  	(pc) =	sbr.rel $0x88, $3  }
0x1: {  	(tag) =	ssettag $0x0;
	lr =	simm.s32 $0x1  }
0x2: {  	[smem:$0x3F8A] =	sst lr;
	_ =	strace $0xD0000000  }
0x3: {  	_ = 	snop  }
0x4: {  	_ = 	snop  }
0x5: {  	_ = 	snop  }
0x6: {  	_ = 	snop  }
0x7: {  	_ = 	snop  }
__scs_overlays_trampoline_lowered:
0x8: {  	[smem:$0x3F99] =	sst s0  }
0x9: {  	[smem:$0x3F9A] =	sst s1  }
0xa: {  	[smem:$0x3F9B] =	sst s2  }
0xb: {  	[smem:$0x3F9C] =	sst s3  }
0xc: {  	[smem:$0x3F9D] =	sst s4  }
0xd: {  	[smem:$0x3F9E] =	sst s5  }
0xe: {  	[smem:$0x3F9F] =	sst s6  }
0xf: {  	[smem:$0x3FA0] =	sst s7  }
0x10: {  	[smem:$0x3FA1] =	sst s8  }
0x11: {  	[smem:$0x3FA2] =	sst s9;
	s0 =	simm.s32 @!p0 $0x0  }
0x12: {  	s1 =	sld [smem:$0x3F88];
	s0 =	simm.s32 @p0 $0x1  }
0x13: {  	[smem:$0x3FA3] =	sst s0;
	s0 =	simm.s32 @!p1 $0x0  }
0x14: {  	s2 =	sld [smem:$0x3F87];
	s0 =	simm.s32 @p1 $0x1  }
0x15: {  	[smem:$0x3FA4] =	sst s0;
	s0 =	simm.s32 @!p2 $0x0  }
0x16: {  	s3 =	sld [smem:$0x3FDB];
	s0 =	simm.s32 @p2 $0x1  }
0x17: {  	s4 =	simm.s32 $0x1BF5;
	[smem:$0x3FA6] =	sst s0  }
0x18: {  	s0 =	sld [smem:$0x3F89];
	_ =	swait.ge [sflag:s4], $0x0  }
0x19: {  	s7 =	sld [smem:$0x3F8A]  }
0x1a: {  	s8 =	sadd.s32 $0xFFFFE003, lr  }
0x1b: {  	s9 =	sadd.s32 $0xFFFFFEF7, lr;
	s5 =	simm.s32 $0xFFFFFFFF;
	p2 =	slt.u32 s8, $0xFFFFF086  }
0x1c: {  	p1 =	slt.u32 s9, $0xF7A;
	s5 =	simm.s32 @!p2 $0x0  }
0x1d: {  	s5 =	simm.s32 @p1 $0x1;
	p0 =	seq.s32 s7, s2  }
0x1e: {  	s7 =	smul.u32 @!p0 $0xF7A, s2;
	p2 =	seq.s32 @!p0 s5, $0x0  }
0x1f: {  	s9 =	smul.u32 $0xF7A, s1;
	s8 =	simm.s32 @!p0 $0x1BF5;
	p2 =	por !p2, p0  }
0x20: {  	[sflag:s8] =	ssyncset.s32 @!p0 $0xFFFFF086;
	s6 =	sadd.s32 @!p0 s3, s7;
	s7 =	simm.s32 @!p0 $0x108  }
0x21: {  	s3 =	sadd.s32 s3, s9;
	s6 =	sadd.s32 @!p0 $0x88, s6;
	s7 =	simm.s32 @p2 $0x1082  }
0x22: {  	[simem:s7], [sflag:s8] =	dma.local @!p0 [hbm:s6], $0xF7A  }
0x23: {  	s9 =	sor.u32 $0xD0000000, s2;
	s6 =	simm.s32 $0x108;
	_ =	swait.ge @!p0 [sflag:s8], $0x0  }
0x24: {  	s3 =	sadd.s32 $0x88, s3;
	s6 =	simm.s32 @!p1 $0x1082;
	[sflag:s4] =	ssyncset.s32 $0xFFFFF086  }
0x25: {  	[simem:s6], [sflag:s4] =	dma.local [hbm:s3], $0xF7A  }
0x26: {  	[smem:$0x3F8A] =	sst s1;
	(tag) =	ssettag s2;
	_ =	strace s9  }
0x27: {  	s1 =	sld [smem:$0x3F9A]  }
0x28: {  	s2 =	sld [smem:$0x3F9B]  }
0x29: {  	s4 =	sld [smem:$0x3F9D]  }
0x2a: {  	p0 =	seq.s32 s5, $0x0;
	s5 =	sld [smem:$0x3F9E]  }
0x2b: {  	s6 =	sld [smem:$0x3F9F]  }
0x2c: {  	s7 =	sld [smem:$0x3FA0]  }
0x2d: {  	s3 =	simm.s32 $0x108;
	s8 =	sld [smem:$0x3FA1]  }
0x2e: {  	s3 =	simm.s32 @!p0 $0x1082;
	s9 =	sld [smem:$0x3FA2]  }
0x2f: {  	lr =	sadd.s32 s0, s3;
	s0 =	sld [smem:$0x3F99]  }
0x30: {  	s3 =	sld [smem:$0x3F9C]  }
0x31: {  	[smem:$0x3FA5] =	sst s10  }
0x32: {  	s10 =	sld [smem:$0x3FA3];
	_ =	sdelay $0x3  }
0x33: {  	p0 =	seq.s32 s10, $0x1;
	s10 =	sld [smem:$0x3FA5];
	_ =	sdelay $0x3  }
0x34: {  	[smem:$0x3FA5] =	sst s10  }
0x35: {  	s10 =	sld [smem:$0x3FA4];
	_ =	sdelay $0x3  }
0x36: {  	p1 =	seq.s32 s10, $0x1;
	s10 =	sld [smem:$0x3FA5];
	_ =	sdelay $0x3  }
0x37: {  	[smem:$0x3FA5] =	sst s10  }
0x38: {  	s10 =	sld [smem:$0x3FA6]  }
0x39: {  	_ = 	snop;
	(pc) =	sbr.ind lr, $3  }
0x3a: {  	_ = 	snop  }
0x3b: {  	_ = 	snop  }
0x3c: {  	p2 =	seq.s32 s10, $0x1;
	s10 =	sld [smem:$0x3FA5]  }
0x3d: {  	_ =	shalt  }
0x3e: {  	_ =	shalt  }
0x3f: {  	_ =	shalt  }
0x40: {  	_ =	shalt  }
0x41: {  	_ =	shalt  }
0x42: {  	_ =	shalt  }
0x43: {  	_ =	shalt  }
0x44: {  	_ =	shalt  }
0x45: {  	_ =	shalt  }
0x46: {  	_ =	shalt  }
0x47: {  	_ =	shalt  }
0x48: {  	_ =	shalt  }
0x49: {  	_ =	shalt  }
0x4a: {  	_ =	shalt  }
0x4b: {  	_ =	shalt  }
0x4c: {  	_ =	shalt  }
0x4d: {  	_ =	shalt  }
0x4e: {  	_ =	shalt  }
0x4f: {  	_ =	shalt  }
0x50: {  	_ =	shalt  }
0x51: {  	_ =	shalt  }
0x52: {  	_ =	shalt  }
0x53: {  	_ =	shalt  }
0x54: {  	_ =	shalt  }
0x55: {  	_ =	shalt  }
0x56: {  	_ =	shalt  }
0x57: {  	_ =	shalt  }
0x58: {  	_ =	shalt  }
0x59: {  	_ =	shalt  }
0x5a: {  	_ =	shalt  }
0x5b: {  	_ =	shalt  }
0x5c: {  	_ =	shalt  }
0x5d: {  	_ =	shalt  }
0x5e: {  	_ =	shalt  }
0x5f: {  	_ =	shalt  }
0x60: {  	_ =	shalt  }
0x61: {  	_ =	shalt  }
0x62: {  	_ =	shalt  }
0x63: {  	_ =	shalt  }
0x64: {  	_ =	shalt  }
0x65: {  	_ =	shalt  }
0x66: {  	_ =	shalt  }
0x67: {  	_ =	shalt  }
0x68: {  	_ =	shalt  }
0x69: {  	_ =	shalt  }
0x6a: {  	_ =	shalt  }
0x6b: {  	_ =	shalt  }
0x6c: {  	_ =	shalt  }
0x6d: {  	_ =	shalt  }
0x6e: {  	_ =	shalt  }
0x6f: {  	_ =	shalt  }
0x70: {  	_ =	shalt  }
0x71: {  	_ =	shalt  }
0x72: {  	_ =	shalt  }
0x73: {  	_ =	shalt  }
0x74: {  	_ =	shalt  }
0x75: {  	_ =	shalt  }
0x76: {  	_ =	shalt  }
0x77: {  	_ =	shalt  }
0x78: {  	_ =	shalt  }
0x79: {  	_ =	shalt  }
0x7a: {  	_ =	shalt  }
0x7b: {  	_ =	shalt  }
0x7c: {  	_ =	shalt  }
0x7d: {  	_ =	shalt  }
0x7e: {  	_ =	shalt  }
0x7f: {  	_ =	shalt  }
0x80: {  	_ =	shalt  }
0x81: {  	_ =	shalt  }
0x82: {  	_ =	shalt  }
0x83: {  	_ =	shalt  }
0x84: {  	_ =	shalt  }
0x85: {  	_ =	shalt  }
0x86: {  	_ =	shalt  }
0x87: {  	_ =	shalt  }
.Lfunc_end0:
.L_simem_size_0:
called_computation.1_lowered:
.L_overlay_start_0:
0x88: {  	s2 =	sld [smem:$0x3FD9]  }
0x89: {  	s3 =	sld [smem:$0x3FFE];
	_ =	sdelay $0x1  }
0x8a: {  	s1 =	srdreg.scid  }
0x8b: {  	s0 =	sand.u32 $0x1, s1  }
0x8c: {  	s16 =	sshll.u32 s0, $0xA;
	s2 =	sadd.s32 s3, s2  }
0x8d: {  	s2 =	sadd.s32 s2, s16  }
0x8e: {  	[smem:$0x3FB1] =	sst s2  }
0x8f: {  	_ = 	snop  }
0x90: {  	(tm) =	ssettm $0x1  }
0x91: {  	s17 =	sld [smem:$0x3FFB];
	_ =	sdelay $0x3  }
0x92: {  	_ =	strace s17  }
0x93: {  	s2 =	sld [smem:$0x3FFC];
	_ =	sdelay $0x3  }
0x94: {  	_ =	strace s2  }
0x95: {  	s2 =	sld [smem:$0x3FFD];
	_ =	sdelay $0x3  }
0x96: {  	_ =	strace s2  }
0x97: {  	_ =	strace $0x8FFFFFFF  }
0x98: {  	s18 =	sld [smem:$0x3FDB];
	_ =	sdelay $0x1  }
0x99: {  	s19 =	simm.s32 $_scs_section_size  }
0x9a: {  	s4 =	simm.s32 $_size__tile_overlayer_lowered;
	s5 =	simm.s32 $_tile_overlayer_lowered  }
0x9b: {  	s22 =	simm.s32 $0x1BFF;
	s21 =	sshll.u32 s5, $0x1;
	s2 =	sadd.s32 s19, s18  }
0x9c: {  	s6 =	simm.s32 $0x0;
	s20 =	sshll.u32 s4, $0x1;
	s4 =	sadd.s32 s21, s2  }
0x9d: {  	[timem:s6], [sflag:s22] =	dma.local [hbm:s4], s20  }
0x9e: {  	_ =	swait.ge [sflag:s22], s20  }
0x9f: {  	s3 =	ssub.s32 $0x0, s20;
	[sflag:s22] =	ssyncset.done $0x0  }
0xa0: {  	[sflag:s22] =	ssyncadd.s32 s3;
	_ =	sdelay $0x1  }
0xa1: {  	s23 =	simm.s32 $0x1B8B  }
0xa2: {  	_ =	swait.ge [sflag:s23], $0x1  }
0xa3: {  	[sflag:s23] =	ssyncset.done $0x0  }
0xa4: {  	s25 =	simm.s32 $0x1B8E;
	s24 =	sld [smem:$0x3FFE];
	[sflag:s23] =	ssyncadd.s32 $0xFFFFFFFF  }
0xa5: {  	s26 =	simm.s32 $execute0_lowered;
	[smem:$0x3FD2] =	sst s25  }
0xa6: {  	s4 =	sshll.u32 s26, $0x1;
	_ =	strace $0x80000049;
	[dreg:$0x1] =	wrdreg $0xFFFFFFFF  }
0xa7: {  	s28 =	simm.s32 $_size_execute0_lowered;
	s2 =	sadd.s32 s2, s4;
	[dreg:$0x0] =	wrdreg $0x0  }
0xa8: {  	s4 =	sshll.u32 s28, $0x1;
	[dreg:$0x2] =	wrdreg s2  }
0xa9: {  	[dreg:$0x3] =	wrdreg s4  }
0xaa: {  	[dreg:$0x4] =	wrdreg $0xC0  }
0xab: {  	_ =	task [dreg:s6], $0x5FFFF  }
0xac: {  	[dreg:$0x1] =	wrdreg $0xFFFFFFFF  }
0xad: {  	[dreg:$0x0] =	wrdreg $0x60  }
0xae: {  	[dreg:$0x2] =	wrdreg s24  }
0xaf: {  	[dreg:$0x3] =	wrdreg $0xAB000  }
0xb0: {  	[dreg:$0x4] =	wrdreg $0x9  }
0xb1: {  	_ =	task.clear_ibuf [dreg:s6], $0x5FFFF;
	_ =	strace $0x90000049  }
0xb2: {  	s29 =	simm.s32 $0x9;
	_ =	strace $0x8000004B  }
0xb3: {  	_ =	swait.ge [sflag:s29], $0x1  }
0xb4: {  	[sflag:s29] =	ssyncadd.s32 $0xFFFFFFFF  }
0xb5: {  	_ =	strace $0x9000004B  }
0xb6: {  	_ =	sfence  }
0xb7: {  	s30 =	sld [smem:$0x0];
	_ =	sdelay $0x2  }
0xb8: {  	s31 =	sshll.u32 s1, $0xD;
	s1 =	sshrl.u32 s1, $0x2  }
0xb9: {  	s3 =	sand.u32 $0x4000, s31;
	s1 =	sadd.s32 s1, s30  }
0xba: {  	s0 =	sor.u32 s3, s0;
	s1 =	sshll.u32 s1, $0x11  }
0xbb: {  	s0 =	sor.u32 s1, s0  }
0xbc: {  	s0 =	sadd.s32 $0x8F2B, s0  }
0xbd: {  	[sflag:s0] =	ssyncadd.remote.s32 $0x1  }
0xbe: {  	_ =	sfence.sel $0xFFFF  }
0xbf: {  	[dreg:$0x0] =	wrdreg $0xFFFFFFFF;
	(pc) =	sbr.abs _section_cstart, $3  }
0xc0: {  	[dreg:$0x1] =	wrdreg $0xFFFFFFFF  }
0xc1: {  	_ =	task.clear_ibuf [dreg:s6], $0x2FFFF;
	_ =	strace $0x9FFFFFFF  }
0xc2: {  	(tm) =	ssettm $0x7FFFFFFF  }
0xc3: {  	_ =	shalt  }
tec
execute0_lowered:
.L_overlay_start_1:
0x0: {  	(tag) =	ssettag $0x1  }
0x1: {  	s0 =	rddreg [dreg:$0x0]  }
0x2: {  	s2 =	rddreg [dreg:$0x1];
	s3 =	simm.s32 $0x0;
	s1 =	srdreg.scid  }
0x3: {  	s15 =	stileid.u32;
	s28 =	simm.s32 $0x9;
	s29 =	simm.s32 $0x1  }
0x4: {  	s30 =	simm.s32 $0x50;
	s31 =	simm.s32 $0x200;
	[smem:$0x7FF] =	sst s3  }
0x5: {  	s1 =	sand.u32 $0x1, s1;
	s5 =	sadd.s32 $0xA54400, s0;
	s6 =	sadd.s32 $0x4F3200, s0  }
0x6: {  	s4 =	sshll.u32 s15, $0x1;
	s7 =	sadd.s32 $0x4E9400, s0;
	s20 =	smul.u32 $0x4E000, s15  }
0x7: {  	s22 =	smul.u32 $0x13800, s15;
	p0 =	sne.s32 s15, $0xF;
	_ =	strace $0x8000004A  }
0x8: {  	s8 =	sor.u32 s1, s4;
	s10 =	ssub.s32 $0x2, s1;
	s1 =	smul.u32 $0x138800, s1  }
0x9: {  	s4 =	sadd.s32 $0x4FD000, s0;
	s0 =	sadd.s32 $0x524200, s0;
	s9 =	smul.u32 $0x2710, s8  }
0xa: {  	s11 =	sshrl.u32 s10, $0x1;
	s8 =	smul.u32 $0x27100, s8;
	s24 =	sshrl.u32 s20, $0x2  }
0xb: {  	s10 =	ssub.s32 s10, s11;
	s14 =	sadd.s32 s24, s2;
	s25 =	sadd.s32 s22, s1  }
0xc: {  	s1 =	sshrl.u32 s1, $0x3;
	s22 =	simm.s32 $0x5200;
	s24 =	simm.s32 $0x3  }
0xd: {  	s12 =	sshrl.u32 s9, $0x3;
	s19 =	sadd.s32 $0x50, s9;
	s8 =	sadd.s32 s5, s8  }
0xe: {  	s16 =	sadd.s32 $0xA0, s9;
	s26 =	smax.u32 s10, $0x1;
	s10 =	simm.s32 $0x4  }
0xf: {  	s17 =	sadd.s32 s6, s12;
	s18 =	sadd.s32 s7, s12;
	[dreg:$0x5] =	wrdreg s8  }
0x10: {  	s21 =	sshrl.u32 s19, $0x3;
	s11 =	sshll.u32 s19, $0x4;
	[dreg:$0xc] =	wrdreg s26  }
0x11: {  	s26 =	simm.s32 $0xA300;
	s12 =	simm.s32 $0x7;
	[dreg:$0x3] =	wrdreg s17  }
0x12: {  	s19 =	simm.s32 $0x0;
	[dreg:$0x4] =	wrdreg s18;
	s13 =	sadd.s32 s6, s21  }
0x13: {  	s8 =	sadd.s32 s7, s21;
	s23 =	sadd.s32 s5, s11;
	[dreg:$0x6] =	wrdreg s13  }
0x14: {  	s18 =	sadd.s32 $0x138000, s2;
	s17 =	sadd.s32 $0xF0, s9;
	[dreg:$0x7] =	wrdreg s8  }
0x15: {  	s9 =	simm.s32 $0x6;
	s11 =	simm.s32 $0xA280;
	[dreg:$0x8] =	wrdreg s23  }
0x16: {  	s8 =	sshrl.u32 s25, $0x3;
	s23 =	simm.s32 $0x80;
	s25 =	simm.s32 $0xA200  }
0x17: {  	[dreg:$0x9] =	wrdreg s18;
	s8 =	sadd.s32 s0, s8;
	s0 =	sadd.s32 s0, s1  }
0x18: {  	s1 =	simm.s32 $0x2;
	[dreg:$0xa] =	wrdreg s8;
	s0 =	sadd.s32 $0x27000, s0  }
0x19: {  	v0 =	vimm.f32 $0.0e+00;
	s8 =	simm.s32 $0x2A00;
	[dreg:$0xb] =	wrdreg s0;
	s0 =	simm.s32 $0x5  }
.LBB2_1:
0x1a: {  	s13 =	rddreg [dreg:$0x3]  }
0x1b: {  	[tilespmem:s3], [sflag:$0x1] =	stream.linear.gather [hbm4b:s13+s3], $0x50, $0x38;
	[tilespmem:$0x1E380] =	vst v63  }
0x1c: {  	s20 =	rddreg [dreg:$0x4];
	s15 =	simm.s32 $0x100  }
0x1d: {  	[tilespmem:s15], [sflag:$0x1] =	stream.linear.gather [hbm4b:s20+s3], $0x50, $0x38;
	[tilespmem:$0x1E380] =	vst v63  }
0x1e: {  	s21 =	rddreg [dreg:$0x5]  }
0x1f: {  	[tilespmem:s22], [sflag:$0x3] =	stream.linear.gather [hbm4b:s21+s3], $0x2800, $0x38;
	[tilespmem:$0x1E380] =	vst v63  }
0x20: {  	s15 =	rddreg [dreg:$0x6]  }
0x21: {  	[tilespmem:s23], [sflag:$0x2] =	stream.linear.gather [hbm4b:s15+s3], $0x50, $0x38;
	[tilespmem:$0x1E380] =	vst v63  }
0x22: {  	s13 =	simm.s32 $0x0;
	s20 =	rddreg [dreg:$0x7];
	s21 =	simm.s32 $0x180  }
0x23: {  	[tilespmem:s21], [sflag:$0x2] =	stream.linear.gather [hbm4b:s20+s3], $0x50, $0x38;
	[tilespmem:$0x1E380] =	vst v63  }
0x24: {  	s15 =	simm.s32 $0x200;
	s20 =	rddreg [dreg:$0x8];
	s21 =	simm.s32 $0x7A00  }
0x25: {  	[tilespmem:s21], [sflag:$0x4] =	stream.linear.gather [hbm4b:s20+s3], $0x2800, $0x38;
	[tilespmem:$0x1E380] =	vst v63  }
.LBB2_2:
0x26: {  	p1 =	sne.s32 s15, $0x1E00;
	[tilespmem:s13+$0xA370] =	vst v0  }
0x27: {  	[tilespmem:s13+$0xA300] =	vst v0  }
0x28: {  	[tilespmem:s13+$0xA310] =	vst v0  }
.Ltmp0:
0x29: {  	[tilespmem:s13+$0xA320] =	vst v0;
	(pc) =	sbr.rel @p1 .LBB2_2-.Ltmp0, $4  }
0x2a: {  	[tilespmem:s13+$0xA330] =	vst v0  }
0x2b: {  	[tilespmem:s13+$0xA340] =	vst v0  }
0x2c: {  	[tilespmem:s13+$0xA350] =	vst v0  }
0x2d: {  	[tilespmem:s13+$0xA360] =	vst v0;
	s13 =	sshra.s32 s15, $0x2;
	s15 =	sadd.s32 $0x200, s15  }
0x2e: {  	[tilespmem:s13+$0xA370] =	vst v0  }
0x2f: {  	[tilespmem:s13+$0xA300] =	vst v0  }
0x30: {  	[tilespmem:s13+$0xA310] =	vst v0  }
0x31: {  	[tilespmem:s13+$0xA320] =	vst v0  }
0x32: {  	[tilespmem:s13+$0xA330] =	vst v0  }
0x33: {  	[tilespmem:s13+$0xA340] =	vst v0  }
0x34: {  	[tilespmem:s13+$0xA350] =	vst v0  }
0x35: {  	[dreg:$0xd] =	wrdreg s19;
	[tilespmem:s13+$0xA360] =	vst v0;
	s21 =	sadd.s32 $0x0, s14  }
0x36: {  	[spmem:s21] =	stream.linear.scatter [tilespmem:s26], [sflag:$0x9], $0x800, $0x38;
	[tilespmem:$0x1E380] =	vst v63  }
0x37: {  	s13 =	simm.s32 $0x2000;
	_ =	swait.ge [sflag:s28], $0x800  }
.LBB2_4:
0x38: {  	s15 =	sshra.s32 s13, $0x2;
	[sflag:s28] =	ssyncset.done $0x0;
	p1 =	sne.s32 s13, $0x4C000  }
.Ltmp1:
0x39: {  	s15 =	sadd.s32 s15, s14;
	[sflag:s28] =	ssyncadd.s32 $0xFFFFF800;
	(pc) =	sbr.rel @p1 .LBB2_4-.Ltmp1, $3  }
0x3a: {  	[spmem:s15] =	stream.linear.scatter [tilespmem:s26], [sflag:$0x9], $0x800, $0x38;
	[tilespmem:$0x1E380] =	vst v63  }
0x3b: {  	s13 =	sadd.s32 $0x2000, s13;
	_ =	sdelay $0x1  }
0x3c: {  	_ =	swait.ge [sflag:s28], $0x800  }
0x3d: {  	[sflag:s28] =	ssyncset.done $0x0  }
0x3e: {  	s13 =	simm.s32 @!p0 $0xA300;
	[sflag:s28] =	ssyncadd.s32 $0xFFFFF800  }
0x3f: {  	[spmem:s18] =	stream.linear.scatter @!p0 [tilespmem:s13], [sflag:$0x9], $0x800, $0x38;
	[tilespmem:$0x1E380] =	vst v63  }
0x40: {  	s13 =	simm.s32 @!p0 $0x9  }
0x41: {  	_ =	swait.ge @!p0 [sflag:s13], $0x800  }
0x42: {  	[sflag:s13] =	ssyncset.done @!p0 $0x0  }
0x43: {  	[sflag:s13] =	ssyncadd.s32 @!p0 $0xFFFFF800  }
0x44: {  	[bflag:$0x0] =	sbarrier.arrive $0xFFFF  }
0x45: {  	_ =	swait.ge [sflag:s29], $0x50  }
0x46: {  	[sflag:s29] =	ssyncset.done $0x0  }
0x47: {  	[sflag:s29] =	ssyncadd.s32 $0xFFFFFFB0  }
0x48: {  	_ =	swait.ge [sflag:s29], $0x50  }
0x49: {  	[sflag:s29] =	ssyncset.done $0x0  }
0x4a: {  	s19 =	simm.s32 $0x0;
	[sflag:s29] =	ssyncadd.s32 $0xFFFFFFB0  }
0x4b: {  	[tilespmem:s31], [sflag:$0x5] =	stream.indirect.gather [hbm4b:s4+s30], $0x80, s19, s30, $0xb8;
	[tilespmem:$0x1E380] =	vst v63  }
.LBB2_6:
0x4c: {  	_ =	swait.ge [sflag:s0], $0x2800  }
0x4d: {  	[sflag:s0] =	ssyncset.done $0x0  }
0x4e: {  	[sflag:s0] =	ssyncadd.s32 $0xFFFFD800  }
0x4f: {  	_ =	swait.ge [sflag:s24], $0x2800  }
0x50: {  	[sflag:s24] =	ssyncset.done $0x0  }
0x51: {  	s20 =	simm.s32 $0x0;
	[sflag:s24] =	ssyncadd.s32 $0xFFFFD800  }
0x52: {  	v7 =	vld [tilespmem:s20+$0x5200]  }
0x53: {  	v12 =	vld [tilespmem:s20+$0x5210]  }
0x54: {  	v6 =	vld [tilespmem:s20+$0x5220]  }
0x55: {  	v5 =	vld [tilespmem:s20+$0x5230]  }
0x56: {  	v4 =	vld [tilespmem:s20+$0x5240]  }
0x57: {  	v3 =	vld [tilespmem:s20+$0x5250]  }
0x58: {  	v2 =	vld [tilespmem:s20+$0x5260]  }
0x59: {  	v1 =	vld [tilespmem:s20+$0x5270]  }
0x5a: {  	v13 =	vld [tilespmem:s20+$0x200]  }
0x5b: {  	v14 =	vld [tilespmem:s20+$0x210]  }
0x5c: {  	v11 =	vld [tilespmem:s20+$0x220]  }
0x5d: {  	v10 =	vld [tilespmem:s20+$0x230]  }
0x5e: {  	v9 =	vld [tilespmem:s20+$0x240]  }
0x5f: {  	v8 =	vld [tilespmem:s20+$0x250];
	v13 =	vadd.f32 v7, v13  }
0x60: {  	s13 =	simm.s32 $0x200;
	v12 =	vadd.f32 v12, v14;
	v7 =	vld [tilespmem:s20+$0x260]  }
.LBB2_7:
0x61: {  	s15 =	sshra.s32 s13, $0x2;
	p1 =	sne.s32 s13, $0x9E00;
	v13 =	vmax.f32 v13, $0.0e+00;
	v6 =	vadd.f32 v6, v11;
	v11 =	vld [tilespmem:s20+$0x270]  }
0x62: {  	v14 =	vld [tilespmem:s15+$0x5200];
	[tilespmem:s20+$0x200] =	vst v13;
	v12 =	vmax.f32 v12, $0.0e+00;
	v5 =	vadd.f32 v5, v10  }
0x63: {  	v15 =	vld [tilespmem:s15+$0x5210];
	[tilespmem:s20+$0x210] =	vst v12;
	v10 =	vmax.f32 v6, $0.0e+00;
	v4 =	vadd.f32 v4, v9  }
0x64: {  	v6 =	vld [tilespmem:s15+$0x5220];
	[tilespmem:s20+$0x220] =	vst v10;
	v9 =	vmax.f32 v5, $0.0e+00;
	v3 =	vadd.f32 v3, v8  }
0x65: {  	v5 =	vld [tilespmem:s15+$0x5230];
	[tilespmem:s20+$0x230] =	vst v9;
	v8 =	vmax.f32 v4, $0.0e+00;
	v2 =	vadd.f32 v2, v7  }
0x66: {  	v4 =	vld [tilespmem:s15+$0x5240];
	[tilespmem:s20+$0x240] =	vst v8;
	v7 =	vmax.f32 v3, $0.0e+00;
	v1 =	vadd.f32 v1, v11  }
0x67: {  	v3 =	vld [tilespmem:s15+$0x5250];
	[tilespmem:s20+$0x250] =	vst v7;
	v7 =	vmax.f32 v2, $0.0e+00  }
0x68: {  	v2 =	vld [tilespmem:s15+$0x5260];
	[tilespmem:s20+$0x260] =	vst v7;
	v7 =	vmax.f32 v1, $0.0e+00  }
0x69: {  	v1 =	vld [tilespmem:s15+$0x5270];
	[tilespmem:s20+$0x270] =	vst v7;
	s20 =	smov.u32 s15  }
0x6a: {  	v7 =	vld [tilespmem:s20+$0x200]  }
0x6b: {  	v12 =	vld [tilespmem:s20+$0x210]  }
.Ltmp2:
0x6c: {  	v11 =	vld [tilespmem:s20+$0x220];
	(pc) =	sbr.rel @p1 .LBB2_7-.Ltmp2, $4  }
0x6d: {  	v10 =	vld [tilespmem:s20+$0x230]  }
0x6e: {  	v9 =	vld [tilespmem:s20+$0x240]  }
0x6f: {  	v13 =	vadd.f32 v14, v7;
	v8 =	vld [tilespmem:s20+$0x250]  }
0x70: {  	s13 =	sadd.s32 $0x200, s13;
	v12 =	vadd.f32 v15, v12;
	v7 =	vld [tilespmem:s20+$0x260]  }
0x71: {  	v13 =	vmax.f32 v13, $0.0e+00;
	v6 =	vadd.f32 v6, v11;
	v11 =	vld [tilespmem:s20+$0x270]  }
0x72: {  	[tilespmem:s20+$0x200] =	vst v13;
	v12 =	vmax.f32 v12, $0.0e+00;
	v5 =	vadd.f32 v5, v10  }
0x73: {  	[tilespmem:s20+$0x210] =	vst v12;
	v6 =	vmax.f32 v6, $0.0e+00;
	v4 =	vadd.f32 v4, v9  }
0x74: {  	[tilespmem:s20+$0x220] =	vst v6;
	v5 =	vmax.f32 v5, $0.0e+00;
	v3 =	vadd.f32 v3, v8  }
0x75: {  	[tilespmem:s20+$0x230] =	vst v5;
	v4 =	vmax.f32 v4, $0.0e+00;
	v2 =	vadd.f32 v2, v7  }
0x76: {  	[tilespmem:s20+$0x240] =	vst v4;
	v3 =	vmax.f32 v3, $0.0e+00;
	v1 =	vadd.f32 v1, v11  }
0x77: {  	[tilespmem:s20+$0x250] =	vst v3;
	v2 =	vmax.f32 v2, $0.0e+00  }
0x78: {  	[tilespmem:s20+$0x260] =	vst v2;
	v1 =	vmax.f32 v1, $0.0e+00  }
0x79: {  	[tilespmem:s20+$0x270] =	vst v1  }
0x7a: {  	v1 =	vld [tilespmem:$0x100]  }
0x7b: {  	v2 =	vld [tilespmem:$0x110]  }
0x7c: {  	v3 =	vld [tilespmem:$0x120]  }
0x7d: {  	v4 =	vld [tilespmem:$0x130]  }
0x7e: {  	v5 =	vld [tilespmem:$0x140]  }
0x7f: {  	[tilespmem:$0xA200] =	vst v1  }
0x80: {  	s20 =	smul.u32 $0xA0, s19;
	[tilespmem:$0xA210] =	vst v2  }
0x81: {  	[tilespmem:$0xA220] =	vst v3  }
0x82: {  	s13 =	sadd.s32 s20, s16;
	[tilespmem:$0xA230] =	vst v4  }
0x83: {  	s15 =	sshrl.u32 s13, $0x3;
	[tilespmem:$0xA240] =	vst v5  }
0x84: {  	[spmem:s2] =	stream.indirect.scatter.add.f32 [tilespmem:s31], [sflag:$0x7], $0x80, s25, s30, $0xb8;
	[tilespmem:$0x1E380] =	vst v63  }
0x85: {  	s18 =	sadd.s32 s6, s15  }
0x86: {  	[tilespmem:s3], [sflag:$0x1] =	stream.linear.gather [hbm4b:s18+s3], $0x50, $0x38;
	[tilespmem:$0x1E380] =	vst v63  }
0x87: {  	s21 =	simm.s32 $0x100;
	s13 =	sshll.u32 s13, $0x4;
	s15 =	sadd.s32 s7, s15  }
0x88: {  	[tilespmem:s21], [sflag:$0x1] =	stream.linear.gather [hbm4b:s15+s3], $0x50, $0x38;
	[tilespmem:$0x1E380] =	vst v63  }
0x89: {  	p1 =	seq.s32 s19, $0x0;
	s13 =	sadd.s32 s5, s13  }
0x8a: {  	[tilespmem:s22], [sflag:$0x3] =	stream.linear.gather [hbm4b:s13+s3], $0x2800, $0x38;
	[tilespmem:$0x1E380] =	vst v63  }
0x8b: {  	s13 =	simm.s32 @!p1 $0x8  }
0x8c: {  	_ =	swait.ge @!p1 [sflag:s13], $0x2800  }
0x8d: {  	[sflag:s13] =	ssyncset.done @!p1 $0x0  }
0x8e: {  	[sflag:s13] =	ssyncadd.s32 @!p1 $0xFFFFD800  }
0x8f: {  	_ =	swait.ge [sflag:s1], $0x50  }
0x90: {  	[sflag:s1] =	ssyncset.done $0x0  }
0x91: {  	[sflag:s1] =	ssyncadd.s32 $0xFFFFFFB0  }
0x92: {  	_ =	swait.ge [sflag:s1], $0x50  }
0x93: {  	[sflag:s1] =	ssyncset.done $0x0  }
0x94: {  	[sflag:s1] =	ssyncadd.s32 $0xFFFFFFB0  }
0x95: {  	[tilespmem:s8], [sflag:$0x6] =	stream.indirect.gather [hbm4b:s4+s30], $0x80, s23, s30, $0xb8;
	[tilespmem:$0x1E380] =	vst v63  }
0x96: {  	_ =	swait.ge [sflag:s9], $0x2800  }
0x97: {  	[sflag:s9] =	ssyncset.done $0x0  }
0x98: {  	[sflag:s9] =	ssyncadd.s32 $0xFFFFD800  }
0x99: {  	_ =	swait.ge [sflag:s10], $0x2800  }
0x9a: {  	[sflag:s10] =	ssyncset.done $0x0  }
0x9b: {  	s13 =	simm.s32 $0x0;
	[sflag:s10] =	ssyncadd.s32 $0xFFFFD800  }
0x9c: {  	v7 =	vld [tilespmem:s13+$0x7A00]  }
0x9d: {  	v12 =	vld [tilespmem:s13+$0x7A10]  }
0x9e: {  	v6 =	vld [tilespmem:s13+$0x7A20]  }
0x9f: {  	v5 =	vld [tilespmem:s13+$0x7A30]  }
0xa0: {  	v4 =	vld [tilespmem:s13+$0x7A40]  }
0xa1: {  	v3 =	vld [tilespmem:s13+$0x7A50]  }
0xa2: {  	v2 =	vld [tilespmem:s13+$0x7A60]  }
0xa3: {  	v1 =	vld [tilespmem:s13+$0x7A70]  }
0xa4: {  	v13 =	vld [tilespmem:s13+$0x2A00]  }
0xa5: {  	v14 =	vld [tilespmem:s13+$0x2A10]  }
0xa6: {  	v11 =	vld [tilespmem:s13+$0x2A20]  }
0xa7: {  	v10 =	vld [tilespmem:s13+$0x2A30]  }
0xa8: {  	v9 =	vld [tilespmem:s13+$0x2A40]  }
0xa9: {  	v8 =	vld [tilespmem:s13+$0x2A50];
	v13 =	vadd.f32 v7, v13  }
0xaa: {  	s15 =	simm.s32 $0x200;
	v12 =	vadd.f32 v12, v14;
	v7 =	vld [tilespmem:s13+$0x2A60]  }
.LBB2_9:
0xab: {  	s18 =	sshra.s32 s15, $0x2;
	p1 =	sne.s32 s15, $0x9E00;
	v13 =	vmax.f32 v13, $0.0e+00;
	v6 =	vadd.f32 v6, v11;
	v11 =	vld [tilespmem:s13+$0x2A70]  }
0xac: {  	v14 =	vld [tilespmem:s18+$0x7A00];
	[tilespmem:s13+$0x2A00] =	vst v13;
	v12 =	vmax.f32 v12, $0.0e+00;
	v5 =	vadd.f32 v5, v10  }
0xad: {  	v15 =	vld [tilespmem:s18+$0x7A10];
	[tilespmem:s13+$0x2A10] =	vst v12;
	v10 =	vmax.f32 v6, $0.0e+00;
	v4 =	vadd.f32 v4, v9  }
0xae: {  	v6 =	vld [tilespmem:s18+$0x7A20];
	[tilespmem:s13+$0x2A20] =	vst v10;
	v9 =	vmax.f32 v5, $0.0e+00;
	v3 =	vadd.f32 v3, v8  }
0xaf: {  	v5 =	vld [tilespmem:s18+$0x7A30];
	[tilespmem:s13+$0x2A30] =	vst v9;
	v8 =	vmax.f32 v4, $0.0e+00;
	v2 =	vadd.f32 v2, v7  }
0xb0: {  	v4 =	vld [tilespmem:s18+$0x7A40];
	[tilespmem:s13+$0x2A40] =	vst v8;
	v7 =	vmax.f32 v3, $0.0e+00;
	v1 =	vadd.f32 v1, v11  }
0xb1: {  	v3 =	vld [tilespmem:s18+$0x7A50];
	[tilespmem:s13+$0x2A50] =	vst v7;
	v7 =	vmax.f32 v2, $0.0e+00  }
0xb2: {  	v2 =	vld [tilespmem:s18+$0x7A60];
	[tilespmem:s13+$0x2A60] =	vst v7;
	v7 =	vmax.f32 v1, $0.0e+00  }
0xb3: {  	v1 =	vld [tilespmem:s18+$0x7A70];
	[tilespmem:s13+$0x2A70] =	vst v7;
	s13 =	smov.u32 s18  }
0xb4: {  	v7 =	vld [tilespmem:s13+$0x2A00]  }
0xb5: {  	v12 =	vld [tilespmem:s13+$0x2A10]  }
.Ltmp3:
0xb6: {  	v11 =	vld [tilespmem:s13+$0x2A20];
	(pc) =	sbr.rel @p1 .LBB2_9-.Ltmp3, $4  }
0xb7: {  	v10 =	vld [tilespmem:s13+$0x2A30]  }
0xb8: {  	v9 =	vld [tilespmem:s13+$0x2A40]  }
0xb9: {  	v13 =	vadd.f32 v14, v7;
	v8 =	vld [tilespmem:s13+$0x2A50]  }
0xba: {  	s15 =	sadd.s32 $0x200, s15;
	v12 =	vadd.f32 v15, v12;
	v7 =	vld [tilespmem:s13+$0x2A60]  }
0xbb: {  	v13 =	vmax.f32 v13, $0.0e+00;
	v6 =	vadd.f32 v6, v11;
	v63 =	vld [tilespmem:s13+$0x2A70]  }
0xbc: {  	[tilespmem:s13+$0x2A00] =	vst v13;
	v12 =	vmax.f32 v12, $0.0e+00;
	v5 =	vadd.f32 v5, v10  }
0xbd: {  	[tilespmem:s13+$0x2A10] =	vst v12;
	v6 =	vmax.f32 v6, $0.0e+00;
	v4 =	vadd.f32 v4, v9  }
0xbe: {  	[tilespmem:s13+$0x2A20] =	vst v6;
	v5 =	vmax.f32 v5, $0.0e+00;
	v3 =	vadd.f32 v3, v8  }
0xbf: {  	[tilespmem:s13+$0x2A30] =	vst v5;
	v4 =	vmax.f32 v4, $0.0e+00;
	v2 =	vadd.f32 v2, v7  }
0xc0: {  	[tilespmem:s13+$0x2A40] =	vst v4;
	v3 =	vmax.f32 v3, $0.0e+00;
	v1 =	vadd.f32 v1, v63  }
0xc1: {  	[tilespmem:s13+$0x2A50] =	vst v3;
	v2 =	vmax.f32 v2, $0.0e+00  }
0xc2: {  	[tilespmem:s13+$0x2A60] =	vst v2;
	v1 =	vmax.f32 v1, $0.0e+00  }
0xc3: {  	[tilespmem:s13+$0x2A70] =	vst v1  }
0xc4: {  	v1 =	vld [tilespmem:$0x180]  }
0xc5: {  	v2 =	vld [tilespmem:$0x190]  }
0xc6: {  	v3 =	vld [tilespmem:$0x1A0]  }
0xc7: {  	v4 =	vld [tilespmem:$0x1B0]  }
0xc8: {  	v5 =	vld [tilespmem:$0x1C0]  }
0xc9: {  	[tilespmem:$0xA280] =	vst v1  }
0xca: {  	[tilespmem:$0xA290] =	vst v2  }
0xcb: {  	p1 =	seq.s32 s19, $0x3D;
	[tilespmem:$0xA2A0] =	vst v3  }
0xcc: {  	s13 =	sadd.s32 @!p1 s20, s17;
	[tilespmem:$0xA2B0] =	vst v4  }
0xcd: {  	s15 =	sshrl.u32 @!p1 s13, $0x3;
	[tilespmem:$0xA2C0] =	vst v5  }
0xce: {  	[spmem:s2] =	stream.indirect.scatter.add.f32 [tilespmem:s8], [sflag:$0x8], $0x80, s11, s30, $0xb8;
	[tilespmem:$0x1E380] =	vst v63  }
0xcf: {  	s21 =	simm.s32 @!p1 $0x80;
	s20 =	simm.s32 @!p1 $0x0;
	s18 =	sadd.s32 @!p1 s6, s15  }
0xd0: {  	[tilespmem:s21], [sflag:$0x2] =	stream.linear.gather @!p1 [hbm4b:s18+s20], $0x50, $0x38;
	[tilespmem:$0x1E380] =	vst v63  }
0xd1: {  	s13 =	sshll.u32 @!p1 s13, $0x4;
	s15 =	sadd.s32 @!p1 s7, s15;
	s18 =	simm.s32 @!p1 $0x180  }
0xd2: {  	[tilespmem:s18], [sflag:$0x2] =	stream.linear.gather @!p1 [hbm4b:s15+s20], $0x50, $0x38;
	[tilespmem:$0x1E380] =	vst v63  }
0xd3: {  	s13 =	sadd.s32 @!p1 s5, s13;
	s15 =	simm.s32 @!p1 $0x7A00  }
0xd4: {  	[tilespmem:s15], [sflag:$0x4] =	stream.linear.gather @!p1 [hbm4b:s13+s20], $0x2800, $0x38;
	[tilespmem:$0x1E380] =	vst v63  }
0xd5: {  	_ =	swait.ge [sflag:s12], $0x2800  }
0xd6: {  	[sflag:s12] =	ssyncset.done $0x0  }
0xd7: {  	[sflag:s12] =	ssyncadd.s32 $0xFFFFD800  }
0xd8: {  	s19 =	sadd.s32 $0x1, s19;
	_ =	swait.ge [sflag:s29], $0x50  }
0xd9: {  	p1 =	sne.s32 s19, $0x3E;
	[sflag:s29] =	ssyncset.done $0x0  }
.Ltmp4:
0xda: {  	[sflag:s29] =	ssyncadd.s32 $0xFFFFFFB0;
	(pc) =	sbr.rel @p1 .LBB2_6-.Ltmp4, $4  }
0xdb: {  	_ =	swait.ge [sflag:s29], $0x50  }
0xdc: {  	[sflag:s29] =	ssyncset.done $0x0  }
0xdd: {  	[sflag:s29] =	ssyncadd.s32 $0xFFFFFFB0  }
0xde: {  	[tilespmem:s31], [sflag:$0x5] =	stream.indirect.gather [hbm4b:s4+s30], $0x80, s3, s30, $0xb8;
	[tilespmem:$0x1E380] =	vst v63  }
0xdf: {  	_ =	swait.ge [sflag:s0], $0x2800  }
0xe0: {  	[sflag:s0] =	ssyncset.done $0x0  }
0xe1: {  	[sflag:s0] =	ssyncadd.s32 $0xFFFFD800  }
0xe2: {  	_ =	swait.ge [sflag:s24], $0x2800  }
0xe3: {  	[sflag:s24] =	ssyncset.done $0x0  }
0xe4: {  	s13 =	simm.s32 $0x0;
	[sflag:s24] =	ssyncadd.s32 $0xFFFFD800  }
0xe5: {  	v7 =	vld [tilespmem:s13+$0x5200]  }
0xe6: {  	v12 =	vld [tilespmem:s13+$0x5210]  }
0xe7: {  	v6 =	vld [tilespmem:s13+$0x5220]  }
0xe8: {  	v5 =	vld [tilespmem:s13+$0x5230]  }
0xe9: {  	v4 =	vld [tilespmem:s13+$0x5240]  }
0xea: {  	v3 =	vld [tilespmem:s13+$0x5250]  }
0xeb: {  	v2 =	vld [tilespmem:s13+$0x5260]  }
0xec: {  	v1 =	vld [tilespmem:s13+$0x5270]  }
0xed: {  	v13 =	vld [tilespmem:s13+$0x200]  }
0xee: {  	v14 =	vld [tilespmem:s13+$0x210]  }
0xef: {  	v11 =	vld [tilespmem:s13+$0x220]  }
0xf0: {  	v10 =	vld [tilespmem:s13+$0x230]  }
0xf1: {  	v9 =	vld [tilespmem:s13+$0x240]  }
0xf2: {  	v8 =	vld [tilespmem:s13+$0x250];
	v13 =	vadd.f32 v7, v13  }
0xf3: {  	s15 =	simm.s32 $0x200;
	v12 =	vadd.f32 v12, v14;
	v7 =	vld [tilespmem:s13+$0x260]  }
.LBB2_12:
0xf4: {  	s18 =	sshra.s32 s15, $0x2;
	p1 =	sne.s32 s15, $0x9E00;
	v13 =	vmax.f32 v13, $0.0e+00;
	v6 =	vadd.f32 v6, v11;
	v11 =	vld [tilespmem:s13+$0x270]  }
0xf5: {  	v14 =	vld [tilespmem:s18+$0x5200];
	[tilespmem:s13+$0x200] =	vst v13;
	v12 =	vmax.f32 v12, $0.0e+00;
	v5 =	vadd.f32 v5, v10  }
0xf6: {  	v15 =	vld [tilespmem:s18+$0x5210];
	[tilespmem:s13+$0x210] =	vst v12;
	v10 =	vmax.f32 v6, $0.0e+00;
	v4 =	vadd.f32 v4, v9  }
0xf7: {  	v6 =	vld [tilespmem:s18+$0x5220];
	[tilespmem:s13+$0x220] =	vst v10;
	v9 =	vmax.f32 v5, $0.0e+00;
	v3 =	vadd.f32 v3, v8  }
0xf8: {  	v5 =	vld [tilespmem:s18+$0x5230];
	[tilespmem:s13+$0x230] =	vst v9;
	v8 =	vmax.f32 v4, $0.0e+00;
	v2 =	vadd.f32 v2, v7  }
0xf9: {  	v4 =	vld [tilespmem:s18+$0x5240];
	[tilespmem:s13+$0x240] =	vst v8;
	v7 =	vmax.f32 v3, $0.0e+00;
	v1 =	vadd.f32 v1, v11  }
0xfa: {  	v3 =	vld [tilespmem:s18+$0x5250];
	[tilespmem:s13+$0x250] =	vst v7;
	v7 =	vmax.f32 v2, $0.0e+00  }
0xfb: {  	v2 =	vld [tilespmem:s18+$0x5260];
	[tilespmem:s13+$0x260] =	vst v7;
	v7 =	vmax.f32 v1, $0.0e+00  }
0xfc: {  	v1 =	vld [tilespmem:s18+$0x5270];
	[tilespmem:s13+$0x270] =	vst v7;
	s13 =	smov.u32 s18  }
0xfd: {  	v7 =	vld [tilespmem:s13+$0x200]  }
0xfe: {  	v12 =	vld [tilespmem:s13+$0x210]  }
.Ltmp5:
0xff: {  	v11 =	vld [tilespmem:s13+$0x220];
	(pc) =	sbr.rel @p1 .LBB2_12-.Ltmp5, $4  }
0x100: {  	v10 =	vld [tilespmem:s13+$0x230]  }
0x101: {  	v9 =	vld [tilespmem:s13+$0x240]  }
0x102: {  	v13 =	vadd.f32 v14, v7;
	v8 =	vld [tilespmem:s13+$0x250]  }
0x103: {  	s15 =	sadd.s32 $0x200, s15;
	v12 =	vadd.f32 v15, v12;
	v7 =	vld [tilespmem:s13+$0x260]  }
0x104: {  	v13 =	vmax.f32 v13, $0.0e+00;
	v6 =	vadd.f32 v6, v11;
	v63 =	vld [tilespmem:s13+$0x270]  }
0x105: {  	[tilespmem:s13+$0x200] =	vst v13;
	v12 =	vmax.f32 v12, $0.0e+00;
	v5 =	vadd.f32 v5, v10  }
0x106: {  	[tilespmem:s13+$0x210] =	vst v12;
	v6 =	vmax.f32 v6, $0.0e+00;
	v4 =	vadd.f32 v4, v9  }
0x107: {  	[tilespmem:s13+$0x220] =	vst v6;
	v5 =	vmax.f32 v5, $0.0e+00;
	v3 =	vadd.f32 v3, v8  }
0x108: {  	[tilespmem:s13+$0x230] =	vst v5;
	v4 =	vmax.f32 v4, $0.0e+00;
	v2 =	vadd.f32 v2, v7  }
0x109: {  	[tilespmem:s13+$0x240] =	vst v4;
	v3 =	vmax.f32 v3, $0.0e+00;
	v1 =	vadd.f32 v1, v63  }
0x10a: {  	[tilespmem:s13+$0x250] =	vst v3;
	v2 =	vmax.f32 v2, $0.0e+00  }
0x10b: {  	[tilespmem:s13+$0x260] =	vst v2;
	v1 =	vmax.f32 v1, $0.0e+00  }
0x10c: {  	[tilespmem:s13+$0x270] =	vst v1  }
0x10d: {  	v1 =	vld [tilespmem:$0x100]  }
0x10e: {  	v2 =	vld [tilespmem:$0x110]  }
0x10f: {  	v3 =	vld [tilespmem:$0x120]  }
0x110: {  	v4 =	vld [tilespmem:$0x130]  }
0x111: {  	v5 =	vld [tilespmem:$0x140]  }
0x112: {  	[tilespmem:$0xA200] =	vst v1  }
0x113: {  	[tilespmem:$0xA210] =	vst v2  }
0x114: {  	[tilespmem:$0xA220] =	vst v3  }
0x115: {  	[tilespmem:$0xA230] =	vst v4  }
0x116: {  	s18 =	simm.s32 $0x8;
	[tilespmem:$0xA240] =	vst v5  }
0x117: {  	[spmem:s2] =	stream.indirect.scatter.add.f32 [tilespmem:s31], [sflag:$0x7], $0x80, s25, s30, $0xb8;
	[tilespmem:$0x1E380] =	vst v63  }
0x118: {  	_ =	swait.ge [sflag:s18], $0x2800  }
0x119: {  	[sflag:s18] =	ssyncset.done $0x0  }
0x11a: {  	[sflag:s18] =	ssyncadd.s32 $0xFFFFD800  }
0x11b: {  	_ =	swait.ge [sflag:s12], $0x2800  }
0x11c: {  	[sflag:s12] =	ssyncset.done $0x0  }
0x11d: {  	s19 =	stileid.u32;
	[sflag:s12] =	ssyncadd.s32 $0xFFFFD800  }
0x11e: {  	s13 =	sshll.u32 s19, $0x6;
	[bflag:$0x0] =	sbarrier.arrive $0xFFFF  }
0x11f: {  	s15 =	sshrl.u32 s14, $0x3;
	s13 =	sor.u32 $0x1C09, s13;
	s18 =	rddreg [dreg:$0xa]  }
0x120: {  	[hbm:s18], [sflag:s13] =	dma.local [spmem:s15], $0x2700  }
0x121: {  	_ =	swait.ge [sflag:s28], $0x2700  }
0x122: {  	[sflag:s28] =	ssyncset.done $0x0;
	s18 =	rddreg [dreg:$0x9]  }
0x123: {  	s19 =	rddreg [dreg:$0xb];
	[sflag:s28] =	ssyncadd.s32 $0xFFFFD900;
	s15 =	sshrl.u32 @!p0 s18, $0x3  }
0x124: {  	[hbm:s19], [sflag:s13] =	dma.local @!p0 [spmem:s15], $0x100  }
0x125: {  	s13 =	simm.s32 @!p0 $0x9  }
0x126: {  	_ =	swait.ge @!p0 [sflag:s13], $0x100  }
0x127: {  	s20 =	rddreg [dreg:$0xd]  }
0x128: {  	s21 =	rddreg [dreg:$0xc];
	s19 =	sadd.s32 $0x1, s20  }
0x129: {  	p1 =	sne.s32 s19, s21  }
.Ltmp6:
0x12a: {  	_ = 	snop;
	(pc) =	sbr.rel @p1 .LBB2_1-.Ltmp6, $3  }
0x12b: {  	_ =	sdelay $0x1  }
0x12c: {  	[sflag:s13] =	ssyncset.done @!p0 $0x0  }
0x12d: {  	[sflag:s13] =	ssyncadd.s32 @!p0 $0xFFFFFF00  }
0x12e: {  	_ =	sfence.sel $0x180000  }
0x12f: {  	[bflag:$0x0] =	sbarrier.arrive $0xFFFF  }
0x130: {  	_ =	strace $0x9000004A  }
0x131: {  	s0 =	stileid.u32;
	[bflag:$0x2] =	sbarrier.arrive $0xFFFF  }
0x132: {  	p0 =	sne.s32 s0, $0x0;
	s0 =	rddreg [dreg:$0x2]  }
0x133: {  	s0 =	sadd.s32 @!p0 $0x100000, s0  }
0x134: {  	[sflag:s0] =	ssyncadd.tile.s32 @!p0 $0x1;
	_ =	shalt  }
.Lfunc_end2:
_tile_overlayer_lowered:
.L_overlay_start_2:
0x135: {  	(tag) =	ssettag $0x2  }
0x136: {  	s0 =	rddreg [dreg:$0x0];
	s2 =	stileid.u32  }
0x137: {  	s1 =	rddreg [dreg:$0x1];
	p0 =	sne.s32 s2, $0x0  }
0x138: {  	s3 =	rddreg [dreg:$0x2];
	[bflag:$0x3] =	sbarrier.arrive $0xFFFF;
	s2 =	simm.s32 @!p0 $0x1C09  }
0x139: {  	[timem:s3], [sflag:s2] =	dma.local @!p0 [hbm:s0], s1  }
0x13a: {  	s0 =	simm.s32 @!p0 $0x9  }
0x13b: {  	_ =	swait.ge @!p0 [sflag:s0], s1  }
0x13c: {  	s1 =	ssub.s32 @!p0 $0x0, s1;
	[sflag:s0] =	ssyncset.done @!p0 $0x0  }
0x13d: {  	[sflag:s0] =	ssyncadd.s32 @!p0 s1  }
0x13e: {  	[bflag:$0x3] =	sbarrier.arrive $0xFFFF  }
0x13f: {  	_ =	shalt  }

// kernel: kernel.20.cloned.1.call-start
scs
__scs_entry_jumppad:
0x0: {  	(pc) =	sbr.rel $0x88, $3  }
0x1: {  	(tag) =	ssettag $0x0;
	lr =	simm.s32 $0x1  }
0x2: {  	[smem:$0x3F8A] =	sst lr;
	_ =	strace $0xD0000000  }
0x3: {  	_ = 	snop  }
0x4: {  	_ = 	snop  }
0x5: {  	_ = 	snop  }
0x6: {  	_ = 	snop  }
0x7: {  	_ = 	snop  }
__scs_overlays_trampoline_lowered:
0x8: {  	[smem:$0x3F99] =	sst s0  }
0x9: {  	[smem:$0x3F9A] =	sst s1  }
0xa: {  	[smem:$0x3F9B] =	sst s2  }
0xb: {  	[smem:$0x3F9C] =	sst s3  }
0xc: {  	[smem:$0x3F9D] =	sst s4  }
0xd: {  	[smem:$0x3F9E] =	sst s5  }
0xe: {  	[smem:$0x3F9F] =	sst s6  }
0xf: {  	[smem:$0x3FA0] =	sst s7  }
0x10: {  	[smem:$0x3FA1] =	sst s8  }
0x11: {  	[smem:$0x3FA2] =	sst s9;
	s0 =	simm.s32 @!p0 $0x0  }
0x12: {  	s1 =	sld [smem:$0x3F88];
	s0 =	simm.s32 @p0 $0x1  }
0x13: {  	[smem:$0x3FA3] =	sst s0;
	s0 =	simm.s32 @!p1 $0x0  }
0x14: {  	s2 =	sld [smem:$0x3F87];
	s0 =	simm.s32 @p1 $0x1  }
0x15: {  	[smem:$0x3FA4] =	sst s0;
	s0 =	simm.s32 @!p2 $0x0  }
0x16: {  	s3 =	sld [smem:$0x3FDB];
	s0 =	simm.s32 @p2 $0x1  }
0x17: {  	s4 =	simm.s32 $0x1BF5;
	[smem:$0x3FA6] =	sst s0  }
0x18: {  	s0 =	sld [smem:$0x3F89];
	_ =	swait.ge [sflag:s4], $0x0  }
0x19: {  	s7 =	sld [smem:$0x3F8A]  }
0x1a: {  	s8 =	sadd.s32 $0xFFFFE003, lr  }
0x1b: {  	s9 =	sadd.s32 $0xFFFFFEF7, lr;
	s5 =	simm.s32 $0xFFFFFFFF;
	p2 =	slt.u32 s8, $0xFFFFF086  }
0x1c: {  	p1 =	slt.u32 s9, $0xF7A;
	s5 =	simm.s32 @!p2 $0x0  }
0x1d: {  	s5 =	simm.s32 @p1 $0x1;
	p0 =	seq.s32 s7, s2  }
0x1e: {  	s7 =	smul.u32 @!p0 $0xF7A, s2;
	p2 =	seq.s32 @!p0 s5, $0x0  }
0x1f: {  	s9 =	smul.u32 $0xF7A, s1;
	s8 =	simm.s32 @!p0 $0x1BF5;
	p2 =	por !p2, p0  }
0x20: {  	[sflag:s8] =	ssyncset.s32 @!p0 $0xFFFFF086;
	s6 =	sadd.s32 @!p0 s3, s7;
	s7 =	simm.s32 @!p0 $0x108  }
0x21: {  	s3 =	sadd.s32 s3, s9;
	s6 =	sadd.s32 @!p0 $0x88, s6;
	s7 =	simm.s32 @p2 $0x1082  }
0x22: {  	[simem:s7], [sflag:s8] =	dma.local @!p0 [hbm:s6], $0xF7A  }
0x23: {  	s9 =	sor.u32 $0xD0000000, s2;
	s6 =	simm.s32 $0x108;
	_ =	swait.ge @!p0 [sflag:s8], $0x0  }
0x24: {  	s3 =	sadd.s32 $0x88, s3;
	s6 =	simm.s32 @!p1 $0x1082;
	[sflag:s4] =	ssyncset.s32 $0xFFFFF086  }
0x25: {  	[simem:s6], [sflag:s4] =	dma.local [hbm:s3], $0xF7A  }
0x26: {  	[smem:$0x3F8A] =	sst s1;
	(tag) =	ssettag s2;
	_ =	strace s9  }
0x27: {  	s1 =	sld [smem:$0x3F9A]  }
0x28: {  	s2 =	sld [smem:$0x3F9B]  }
0x29: {  	s4 =	sld [smem:$0x3F9D]  }
0x2a: {  	p0 =	seq.s32 s5, $0x0;
	s5 =	sld [smem:$0x3F9E]  }
0x2b: {  	s6 =	sld [smem:$0x3F9F]  }
0x2c: {  	s7 =	sld [smem:$0x3FA0]  }
0x2d: {  	s3 =	simm.s32 $0x108;
	s8 =	sld [smem:$0x3FA1]  }
0x2e: {  	s3 =	simm.s32 @!p0 $0x1082;
	s9 =	sld [smem:$0x3FA2]  }
0x2f: {  	lr =	sadd.s32 s0, s3;
	s0 =	sld [smem:$0x3F99]  }
0x30: {  	s3 =	sld [smem:$0x3F9C]  }
0x31: {  	[smem:$0x3FA5] =	sst s10  }
0x32: {  	s10 =	sld [smem:$0x3FA3];
	_ =	sdelay $0x3  }
0x33: {  	p0 =	seq.s32 s10, $0x1;
	s10 =	sld [smem:$0x3FA5];
	_ =	sdelay $0x3  }
0x34: {  	[smem:$0x3FA5] =	sst s10  }
0x35: {  	s10 =	sld [smem:$0x3FA4];
	_ =	sdelay $0x3  }
0x36: {  	p1 =	seq.s32 s10, $0x1;
	s10 =	sld [smem:$0x3FA5];
	_ =	sdelay $0x3  }
0x37: {  	[smem:$0x3FA5] =	sst s10  }
0x38: {  	s10 =	sld [smem:$0x3FA6]  }
0x39: {  	_ = 	snop;
	(pc) =	sbr.ind lr, $3  }
0x3a: {  	_ = 	snop  }
0x3b: {  	_ = 	snop  }
0x3c: {  	p2 =	seq.s32 s10, $0x1;
	s10 =	sld [smem:$0x3FA5]  }
0x3d: {  	_ =	shalt  }
0x3e: {  	_ =	shalt  }
0x3f: {  	_ =	shalt  }
0x40: {  	_ =	shalt  }
0x41: {  	_ =	shalt  }
0x42: {  	_ =	shalt  }
0x43: {  	_ =	shalt  }
0x44: {  	_ =	shalt  }
0x45: {  	_ =	shalt  }
0x46: {  	_ =	shalt  }
0x47: {  	_ =	shalt  }
0x48: {  	_ =	shalt  }
0x49: {  	_ =	shalt  }
0x4a: {  	_ =	shalt  }
0x4b: {  	_ =	shalt  }
0x4c: {  	_ =	shalt  }
0x4d: {  	_ =	shalt  }
0x4e: {  	_ =	shalt  }
0x4f: {  	_ =	shalt  }
0x50: {  	_ =	shalt  }
0x51: {  	_ =	shalt  }
0x52: {  	_ =	shalt  }
0x53: {  	_ =	shalt  }
0x54: {  	_ =	shalt  }
0x55: {  	_ =	shalt  }
0x56: {  	_ =	shalt  }
0x57: {  	_ =	shalt  }
0x58: {  	_ =	shalt  }
0x59: {  	_ =	shalt  }
0x5a: {  	_ =	shalt  }
0x5b: {  	_ =	shalt  }
0x5c: {  	_ =	shalt  }
0x5d: {  	_ =	shalt  }
0x5e: {  	_ =	shalt  }
0x5f: {  	_ =	shalt  }
0x60: {  	_ =	shalt  }
0x61: {  	_ =	shalt  }
0x62: {  	_ =	shalt  }
0x63: {  	_ =	shalt  }
0x64: {  	_ =	shalt  }
0x65: {  	_ =	shalt  }
0x66: {  	_ =	shalt  }
0x67: {  	_ =	shalt  }
0x68: {  	_ =	shalt  }
0x69: {  	_ =	shalt  }
0x6a: {  	_ =	shalt  }
0x6b: {  	_ =	shalt  }
0x6c: {  	_ =	shalt  }
0x6d: {  	_ =	shalt  }
0x6e: {  	_ =	shalt  }
0x6f: {  	_ =	shalt  }
0x70: {  	_ =	shalt  }
0x71: {  	_ =	shalt  }
0x72: {  	_ =	shalt  }
0x73: {  	_ =	shalt  }
0x74: {  	_ =	shalt  }
0x75: {  	_ =	shalt  }
0x76: {  	_ =	shalt  }
0x77: {  	_ =	shalt  }
0x78: {  	_ =	shalt  }
0x79: {  	_ =	shalt  }
0x7a: {  	_ =	shalt  }
0x7b: {  	_ =	shalt  }
0x7c: {  	_ =	shalt  }
0x7d: {  	_ =	shalt  }
0x7e: {  	_ =	shalt  }
0x7f: {  	_ =	shalt  }
0x80: {  	_ =	shalt  }
0x81: {  	_ =	shalt  }
0x82: {  	_ =	shalt  }
0x83: {  	_ =	shalt  }
0x84: {  	_ =	shalt  }
0x85: {  	_ =	shalt  }
0x86: {  	_ =	shalt  }
0x87: {  	_ =	shalt  }
.Lfunc_end0:
.L_simem_size_0:
called_computation.2_lowered:
.L_overlay_start_0:
0x88: {  	s2 =	sld [smem:$0x3FD9]  }
0x89: {  	s3 =	sld [smem:$0x3FFE];
	_ =	sdelay $0x1  }
0x8a: {  	s1 =	srdreg.scid  }
0x8b: {  	s0 =	sand.u32 $0x1, s1  }
0x8c: {  	s16 =	sshll.u32 s0, $0xA;
	s2 =	sadd.s32 s3, s2  }
0x8d: {  	s2 =	sadd.s32 s2, s16  }
0x8e: {  	[smem:$0x3FB1] =	sst s2  }
0x8f: {  	_ = 	snop  }
0x90: {  	(tm) =	ssettm $0x1  }
0x91: {  	s17 =	sld [smem:$0x3FFB];
	_ =	sdelay $0x3  }
0x92: {  	_ =	strace s17  }
0x93: {  	s2 =	sld [smem:$0x3FFC];
	_ =	sdelay $0x3  }
0x94: {  	_ =	strace s2  }
0x95: {  	s2 =	sld [smem:$0x3FFD];
	_ =	sdelay $0x3  }
0x96: {  	_ =	strace s2  }
0x97: {  	_ =	strace $0x8FFFFFFF  }
0x98: {  	s18 =	sld [smem:$0x3FDB];
	_ =	sdelay $0x1  }
0x99: {  	s19 =	simm.s32 $_scs_section_size  }
0x9a: {  	s4 =	simm.s32 $_size__tile_overlayer_lowered;
	s5 =	simm.s32 $_tile_overlayer_lowered  }
0x9b: {  	s22 =	simm.s32 $0x1BFF;
	s21 =	sshll.u32 s5, $0x1;
	s2 =	sadd.s32 s19, s18  }
0x9c: {  	s6 =	simm.s32 $0x0;
	s20 =	sshll.u32 s4, $0x1;
	s4 =	sadd.s32 s21, s2  }
0x9d: {  	[timem:s6], [sflag:s22] =	dma.local [hbm:s4], s20  }
0x9e: {  	_ =	swait.ge [sflag:s22], s20  }
0x9f: {  	s3 =	ssub.s32 $0x0, s20;
	[sflag:s22] =	ssyncset.done $0x0  }
0xa0: {  	[sflag:s22] =	ssyncadd.s32 s3;
	_ =	sdelay $0x1  }
0xa1: {  	s23 =	simm.s32 $0x1B8B  }
0xa2: {  	_ =	swait.ge [sflag:s23], $0x1  }
0xa3: {  	[sflag:s23] =	ssyncset.done $0x0  }
0xa4: {  	s25 =	simm.s32 $0x1B8E;
	s24 =	sld [smem:$0x3FFE];
	[sflag:s23] =	ssyncadd.s32 $0xFFFFFFFF  }
0xa5: {  	s26 =	simm.s32 $execute0_lowered;
	[smem:$0x3FD2] =	sst s25  }
0xa6: {  	s4 =	sshll.u32 s26, $0x1;
	_ =	strace $0x8000004C;
	[dreg:$0x1] =	wrdreg $0xFFFFFFFF  }
0xa7: {  	s28 =	simm.s32 $_size_execute0_lowered;
	s2 =	sadd.s32 s2, s4;
	[dreg:$0x0] =	wrdreg $0x0  }
0xa8: {  	s4 =	sshll.u32 s28, $0x1;
	[dreg:$0x2] =	wrdreg s2  }
0xa9: {  	[dreg:$0x3] =	wrdreg s4  }
0xaa: {  	[dreg:$0x4] =	wrdreg $0xC0  }
0xab: {  	_ =	task [dreg:s6], $0x5FFFF  }
0xac: {  	[dreg:$0x1] =	wrdreg $0xFFFFFFFF  }
0xad: {  	[dreg:$0x0] =	wrdreg $0x60  }
0xae: {  	[dreg:$0x2] =	wrdreg s24  }
0xaf: {  	[dreg:$0x3] =	wrdreg $0xAB000  }
0xb0: {  	[dreg:$0x4] =	wrdreg $0x9  }
0xb1: {  	_ =	task.clear_ibuf [dreg:s6], $0x5FFFF;
	_ =	strace $0x9000004C  }
0xb2: {  	s29 =	simm.s32 $0x9;
	_ =	strace $0x8000004E  }
0xb3: {  	_ =	swait.ge [sflag:s29], $0x1  }
0xb4: {  	[sflag:s29] =	ssyncadd.s32 $0xFFFFFFFF  }
0xb5: {  	_ =	strace $0x9000004E  }
0xb6: {  	_ =	sfence  }
0xb7: {  	s30 =	sld [smem:$0x0];
	_ =	sdelay $0x2  }
0xb8: {  	s31 =	sshll.u32 s1, $0xD;
	s1 =	sshrl.u32 s1, $0x2  }
0xb9: {  	s3 =	sand.u32 $0x4000, s31;
	s1 =	sadd.s32 s1, s30  }
0xba: {  	s0 =	sor.u32 s3, s0;
	s1 =	sshll.u32 s1, $0x11  }
0xbb: {  	s0 =	sor.u32 s1, s0  }
0xbc: {  	s0 =	sadd.s32 $0x8F2B, s0  }
0xbd: {  	[sflag:s0] =	ssyncadd.remote.s32 $0x1  }
0xbe: {  	_ =	sfence.sel $0xFFFF  }
0xbf: {  	[dreg:$0x0] =	wrdreg $0xFFFFFFFF;
	(pc) =	sbr.abs _section_cstart, $3  }
0xc0: {  	[dreg:$0x1] =	wrdreg $0xFFFFFFFF  }
0xc1: {  	_ =	task.clear_ibuf [dreg:s6], $0x2FFFF;
	_ =	strace $0x9FFFFFFF  }
0xc2: {  	(tm) =	ssettm $0x7FFFFFFF  }
0xc3: {  	_ =	shalt  }
tec
execute0_lowered:
.L_overlay_start_1:
0x0: {  	(tag) =	ssettag $0x1  }
0x1: {  	s0 =	rddreg [dreg:$0x0]  }
0x2: {  	s2 =	rddreg [dreg:$0x1];
	s3 =	simm.s32 $0x0;
	s1 =	srdreg.scid  }
0x3: {  	s15 =	stileid.u32;
	s28 =	simm.s32 $0x9;
	s29 =	simm.s32 $0x1  }
0x4: {  	s30 =	simm.s32 $0x50;
	s31 =	simm.s32 $0x200;
	[smem:$0x7FF] =	sst s3  }
0x5: {  	s1 =	sand.u32 $0x1, s1;
	s5 =	sadd.s32 $0x572400, s0;
	s6 =	sadd.s32 $0x4F3200, s0  }
0x6: {  	s4 =	sshll.u32 s15, $0x1;
	s7 =	sadd.s32 $0x4E9400, s0;
	s20 =	smul.u32 $0x4E000, s15  }
0x7: {  	s22 =	smul.u32 $0x13800, s15;
	p0 =	sne.s32 s15, $0xF;
	_ =	strace $0x8000004D  }
0x8: {  	s8 =	sor.u32 s1, s4;
	s10 =	ssub.s32 $0x2, s1;
	s1 =	smul.u32 $0x138800, s1  }
0x9: {  	s4 =	sadd.s32 $0x4FD000, s0;
	s0 =	sadd.s32 $0x524200, s0;
	s9 =	smul.u32 $0x2710, s8  }
0xa: {  	s11 =	sshrl.u32 s10, $0x1;
	s8 =	smul.u32 $0x27100, s8;
	s24 =	sshrl.u32 s20, $0x2  }
0xb: {  	s10 =	ssub.s32 s10, s11;
	s14 =	sadd.s32 s24, s2;
	s25 =	sadd.s32 s22, s1  }
0xc: {  	s1 =	sshrl.u32 s1, $0x3;
	s22 =	simm.s32 $0x5200;
	s24 =	simm.s32 $0x3  }
0xd: {  	s12 =	sshrl.u32 s9, $0x3;
	s19 =	sadd.s32 $0x50, s9;
	s8 =	sadd.s32 s5, s8  }
0xe: {  	s16 =	sadd.s32 $0xA0, s9;
	s26 =	smax.u32 s10, $0x1;
	s10 =	simm.s32 $0x4  }
0xf: {  	s17 =	sadd.s32 s6, s12;
	s18 =	sadd.s32 s7, s12;
	[dreg:$0x5] =	wrdreg s8  }
0x10: {  	s21 =	sshrl.u32 s19, $0x3;
	s11 =	sshll.u32 s19, $0x4;
	[dreg:$0xc] =	wrdreg s26  }
0x11: {  	s26 =	simm.s32 $0xA300;
	s12 =	simm.s32 $0x7;
	[dreg:$0x3] =	wrdreg s17  }
0x12: {  	s19 =	simm.s32 $0x0;
	[dreg:$0x4] =	wrdreg s18;
	s13 =	sadd.s32 s6, s21  }
0x13: {  	s8 =	sadd.s32 s7, s21;
	s23 =	sadd.s32 s5, s11;
	[dreg:$0x6] =	wrdreg s13  }
0x14: {  	s18 =	sadd.s32 $0x138000, s2;
	s17 =	sadd.s32 $0xF0, s9;
	[dreg:$0x7] =	wrdreg s8  }
0x15: {  	s9 =	simm.s32 $0x6;
	s11 =	simm.s32 $0xA280;
	[dreg:$0x8] =	wrdreg s23  }
0x16: {  	s8 =	sshrl.u32 s25, $0x3;
	s23 =	simm.s32 $0x80;
	s25 =	simm.s32 $0xA200  }
0x17: {  	[dreg:$0x9] =	wrdreg s18;
	s8 =	sadd.s32 s0, s8;
	s0 =	sadd.s32 s0, s1  }
0x18: {  	s1 =	simm.s32 $0x2;
	[dreg:$0xa] =	wrdreg s8;
	s0 =	sadd.s32 $0x27000, s0  }
0x19: {  	v0 =	vimm.f32 $0.0e+00;
	s8 =	simm.s32 $0x2A00;
	[dreg:$0xb] =	wrdreg s0;
	s0 =	simm.s32 $0x5  }
.LBB2_1:
0x1a: {  	s13 =	rddreg [dreg:$0x3]  }
0x1b: {  	[tilespmem:s3], [sflag:$0x1] =	stream.linear.gather [hbm4b:s13+s3], $0x50, $0x38;
	[tilespmem:$0x1E380] =	vst v63  }
0x1c: {  	s20 =	rddreg [dreg:$0x4];
	s15 =	simm.s32 $0x100  }
0x1d: {  	[tilespmem:s15], [sflag:$0x1] =	stream.linear.gather [hbm4b:s20+s3], $0x50, $0x38;
	[tilespmem:$0x1E380] =	vst v63  }
0x1e: {  	s21 =	rddreg [dreg:$0x5]  }
0x1f: {  	[tilespmem:s22], [sflag:$0x3] =	stream.linear.gather [hbm4b:s21+s3], $0x2800, $0x38;
	[tilespmem:$0x1E380] =	vst v63  }
0x20: {  	s15 =	rddreg [dreg:$0x6]  }
0x21: {  	[tilespmem:s23], [sflag:$0x2] =	stream.linear.gather [hbm4b:s15+s3], $0x50, $0x38;
	[tilespmem:$0x1E380] =	vst v63  }
0x22: {  	s13 =	simm.s32 $0x0;
	s20 =	rddreg [dreg:$0x7];
	s21 =	simm.s32 $0x180  }
0x23: {  	[tilespmem:s21], [sflag:$0x2] =	stream.linear.gather [hbm4b:s20+s3], $0x50, $0x38;
	[tilespmem:$0x1E380] =	vst v63  }
0x24: {  	s15 =	simm.s32 $0x200;
	s20 =	rddreg [dreg:$0x8];
	s21 =	simm.s32 $0x7A00  }
0x25: {  	[tilespmem:s21], [sflag:$0x4] =	stream.linear.gather [hbm4b:s20+s3], $0x2800, $0x38;
	[tilespmem:$0x1E380] =	vst v63  }
.LBB2_2:
0x26: {  	p1 =	sne.s32 s15, $0x1E00;
	[tilespmem:s13+$0xA370] =	vst v0  }
0x27: {  	[tilespmem:s13+$0xA300] =	vst v0  }
0x28: {  	[tilespmem:s13+$0xA310] =	vst v0  }
.Ltmp0:
0x29: {  	[tilespmem:s13+$0xA320] =	vst v0;
	(pc) =	sbr.rel @p1 .LBB2_2-.Ltmp0, $4  }
0x2a: {  	[tilespmem:s13+$0xA330] =	vst v0  }
0x2b: {  	[tilespmem:s13+$0xA340] =	vst v0  }
0x2c: {  	[tilespmem:s13+$0xA350] =	vst v0  }
0x2d: {  	[tilespmem:s13+$0xA360] =	vst v0;
	s13 =	sshra.s32 s15, $0x2;
	s15 =	sadd.s32 $0x200, s15  }
0x2e: {  	[tilespmem:s13+$0xA370] =	vst v0  }
0x2f: {  	[tilespmem:s13+$0xA300] =	vst v0  }
0x30: {  	[tilespmem:s13+$0xA310] =	vst v0  }
0x31: {  	[tilespmem:s13+$0xA320] =	vst v0  }
0x32: {  	[tilespmem:s13+$0xA330] =	vst v0  }
0x33: {  	[tilespmem:s13+$0xA340] =	vst v0  }
0x34: {  	[tilespmem:s13+$0xA350] =	vst v0  }
0x35: {  	[dreg:$0xd] =	wrdreg s19;
	[tilespmem:s13+$0xA360] =	vst v0;
	s21 =	sadd.s32 $0x0, s14  }
0x36: {  	[spmem:s21] =	stream.linear.scatter [tilespmem:s26], [sflag:$0x9], $0x800, $0x38;
	[tilespmem:$0x1E380] =	vst v63  }
0x37: {  	s13 =	simm.s32 $0x2000;
	_ =	swait.ge [sflag:s28], $0x800  }
.LBB2_4:
0x38: {  	s15 =	sshra.s32 s13, $0x2;
	[sflag:s28] =	ssyncset.done $0x0;
	p1 =	sne.s32 s13, $0x4C000  }
.Ltmp1:
0x39: {  	s15 =	sadd.s32 s15, s14;
	[sflag:s28] =	ssyncadd.s32 $0xFFFFF800;
	(pc) =	sbr.rel @p1 .LBB2_4-.Ltmp1, $3  }
0x3a: {  	[spmem:s15] =	stream.linear.scatter [tilespmem:s26], [sflag:$0x9], $0x800, $0x38;
	[tilespmem:$0x1E380] =	vst v63  }
0x3b: {  	s13 =	sadd.s32 $0x2000, s13;
	_ =	sdelay $0x1  }
0x3c: {  	_ =	swait.ge [sflag:s28], $0x800  }
0x3d: {  	[sflag:s28] =	ssyncset.done $0x0  }
0x3e: {  	s13 =	simm.s32 @!p0 $0xA300;
	[sflag:s28] =	ssyncadd.s32 $0xFFFFF800  }
0x3f: {  	[spmem:s18] =	stream.linear.scatter @!p0 [tilespmem:s13], [sflag:$0x9], $0x800, $0x38;
	[tilespmem:$0x1E380] =	vst v63  }
0x40: {  	s13 =	simm.s32 @!p0 $0x9  }
0x41: {  	_ =	swait.ge @!p0 [sflag:s13], $0x800  }
0x42: {  	[sflag:s13] =	ssyncset.done @!p0 $0x0  }
0x43: {  	[sflag:s13] =	ssyncadd.s32 @!p0 $0xFFFFF800  }
0x44: {  	[bflag:$0x0] =	sbarrier.arrive $0xFFFF  }
0x45: {  	_ =	swait.ge [sflag:s29], $0x50  }
0x46: {  	[sflag:s29] =	ssyncset.done $0x0  }
0x47: {  	[sflag:s29] =	ssyncadd.s32 $0xFFFFFFB0  }
0x48: {  	_ =	swait.ge [sflag:s29], $0x50  }
0x49: {  	[sflag:s29] =	ssyncset.done $0x0  }
0x4a: {  	s19 =	simm.s32 $0x0;
	[sflag:s29] =	ssyncadd.s32 $0xFFFFFFB0  }
0x4b: {  	[tilespmem:s31], [sflag:$0x5] =	stream.indirect.gather [hbm4b:s4+s30], $0x80, s19, s30, $0xb8;
	[tilespmem:$0x1E380] =	vst v63  }
.LBB2_6:
0x4c: {  	_ =	swait.ge [sflag:s0], $0x2800  }
0x4d: {  	[sflag:s0] =	ssyncset.done $0x0  }
0x4e: {  	[sflag:s0] =	ssyncadd.s32 $0xFFFFD800  }
0x4f: {  	_ =	swait.ge [sflag:s24], $0x2800  }
0x50: {  	[sflag:s24] =	ssyncset.done $0x0  }
0x51: {  	s20 =	simm.s32 $0x0;
	[sflag:s24] =	ssyncadd.s32 $0xFFFFD800  }
0x52: {  	v7 =	vld [tilespmem:s20+$0x5200]  }
0x53: {  	v12 =	vld [tilespmem:s20+$0x5210]  }
0x54: {  	v6 =	vld [tilespmem:s20+$0x5220]  }
0x55: {  	v5 =	vld [tilespmem:s20+$0x5230]  }
0x56: {  	v4 =	vld [tilespmem:s20+$0x5240]  }
0x57: {  	v3 =	vld [tilespmem:s20+$0x5250]  }
0x58: {  	v2 =	vld [tilespmem:s20+$0x5260]  }
0x59: {  	v1 =	vld [tilespmem:s20+$0x5270]  }
0x5a: {  	v13 =	vld [tilespmem:s20+$0x200]  }
0x5b: {  	v14 =	vld [tilespmem:s20+$0x210]  }
0x5c: {  	v11 =	vld [tilespmem:s20+$0x220]  }
0x5d: {  	v10 =	vld [tilespmem:s20+$0x230]  }
0x5e: {  	v9 =	vld [tilespmem:s20+$0x240]  }
0x5f: {  	v8 =	vld [tilespmem:s20+$0x250];
	v13 =	vadd.f32 v7, v13  }
0x60: {  	s13 =	simm.s32 $0x200;
	v12 =	vadd.f32 v12, v14;
	v7 =	vld [tilespmem:s20+$0x260]  }
.LBB2_7:
0x61: {  	s15 =	sshra.s32 s13, $0x2;
	p1 =	sne.s32 s13, $0x9E00;
	v13 =	vmax.f32 v13, $0.0e+00;
	v6 =	vadd.f32 v6, v11;
	v11 =	vld [tilespmem:s20+$0x270]  }
0x62: {  	v14 =	vld [tilespmem:s15+$0x5200];
	[tilespmem:s20+$0x200] =	vst v13;
	v12 =	vmax.f32 v12, $0.0e+00;
	v5 =	vadd.f32 v5, v10  }
0x63: {  	v15 =	vld [tilespmem:s15+$0x5210];
	[tilespmem:s20+$0x210] =	vst v12;
	v10 =	vmax.f32 v6, $0.0e+00;
	v4 =	vadd.f32 v4, v9  }
0x64: {  	v6 =	vld [tilespmem:s15+$0x5220];
	[tilespmem:s20+$0x220] =	vst v10;
	v9 =	vmax.f32 v5, $0.0e+00;
	v3 =	vadd.f32 v3, v8  }
0x65: {  	v5 =	vld [tilespmem:s15+$0x5230];
	[tilespmem:s20+$0x230] =	vst v9;
	v8 =	vmax.f32 v4, $0.0e+00;
	v2 =	vadd.f32 v2, v7  }
0x66: {  	v4 =	vld [tilespmem:s15+$0x5240];
	[tilespmem:s20+$0x240] =	vst v8;
	v7 =	vmax.f32 v3, $0.0e+00;
	v1 =	vadd.f32 v1, v11  }
0x67: {  	v3 =	vld [tilespmem:s15+$0x5250];
	[tilespmem:s20+$0x250] =	vst v7;
	v7 =	vmax.f32 v2, $0.0e+00  }
0x68: {  	v2 =	vld [tilespmem:s15+$0x5260];
	[tilespmem:s20+$0x260] =	vst v7;
	v7 =	vmax.f32 v1, $0.0e+00  }
0x69: {  	v1 =	vld [tilespmem:s15+$0x5270];
	[tilespmem:s20+$0x270] =	vst v7;
	s20 =	smov.u32 s15  }
0x6a: {  	v7 =	vld [tilespmem:s20+$0x200]  }
0x6b: {  	v12 =	vld [tilespmem:s20+$0x210]  }
.Ltmp2:
0x6c: {  	v11 =	vld [tilespmem:s20+$0x220];
	(pc) =	sbr.rel @p1 .LBB2_7-.Ltmp2, $4  }
0x6d: {  	v10 =	vld [tilespmem:s20+$0x230]  }
0x6e: {  	v9 =	vld [tilespmem:s20+$0x240]  }
0x6f: {  	v13 =	vadd.f32 v14, v7;
	v8 =	vld [tilespmem:s20+$0x250]  }
0x70: {  	s13 =	sadd.s32 $0x200, s13;
	v12 =	vadd.f32 v15, v12;
	v7 =	vld [tilespmem:s20+$0x260]  }
0x71: {  	v13 =	vmax.f32 v13, $0.0e+00;
	v6 =	vadd.f32 v6, v11;
	v11 =	vld [tilespmem:s20+$0x270]  }
0x72: {  	[tilespmem:s20+$0x200] =	vst v13;
	v12 =	vmax.f32 v12, $0.0e+00;
	v5 =	vadd.f32 v5, v10  }
0x73: {  	[tilespmem:s20+$0x210] =	vst v12;
	v6 =	vmax.f32 v6, $0.0e+00;
	v4 =	vadd.f32 v4, v9  }
0x74: {  	[tilespmem:s20+$0x220] =	vst v6;
	v5 =	vmax.f32 v5, $0.0e+00;
	v3 =	vadd.f32 v3, v8  }
0x75: {  	[tilespmem:s20+$0x230] =	vst v5;
	v4 =	vmax.f32 v4, $0.0e+00;
	v2 =	vadd.f32 v2, v7  }
0x76: {  	[tilespmem:s20+$0x240] =	vst v4;
	v3 =	vmax.f32 v3, $0.0e+00;
	v1 =	vadd.f32 v1, v11  }
0x77: {  	[tilespmem:s20+$0x250] =	vst v3;
	v2 =	vmax.f32 v2, $0.0e+00  }
0x78: {  	[tilespmem:s20+$0x260] =	vst v2;
	v1 =	vmax.f32 v1, $0.0e+00  }
0x79: {  	[tilespmem:s20+$0x270] =	vst v1  }
0x7a: {  	v1 =	vld [tilespmem:$0x100]  }
0x7b: {  	v2 =	vld [tilespmem:$0x110]  }
0x7c: {  	v3 =	vld [tilespmem:$0x120]  }
0x7d: {  	v4 =	vld [tilespmem:$0x130]  }
0x7e: {  	v5 =	vld [tilespmem:$0x140]  }
0x7f: {  	[tilespmem:$0xA200] =	vst v1  }
0x80: {  	s20 =	smul.u32 $0xA0, s19;
	[tilespmem:$0xA210] =	vst v2  }
0x81: {  	[tilespmem:$0xA220] =	vst v3  }
0x82: {  	s13 =	sadd.s32 s20, s16;
	[tilespmem:$0xA230] =	vst v4  }
0x83: {  	s15 =	sshrl.u32 s13, $0x3;
	[tilespmem:$0xA240] =	vst v5  }
0x84: {  	[spmem:s2] =	stream.indirect.scatter.add.f32 [tilespmem:s31], [sflag:$0x7], $0x80, s25, s30, $0xb8;
	[tilespmem:$0x1E380] =	vst v63  }
0x85: {  	s18 =	sadd.s32 s6, s15  }
0x86: {  	[tilespmem:s3], [sflag:$0x1] =	stream.linear.gather [hbm4b:s18+s3], $0x50, $0x38;
	[tilespmem:$0x1E380] =	vst v63  }
0x87: {  	s21 =	simm.s32 $0x100;
	s13 =	sshll.u32 s13, $0x4;
	s15 =	sadd.s32 s7, s15  }
0x88: {  	[tilespmem:s21], [sflag:$0x1] =	stream.linear.gather [hbm4b:s15+s3], $0x50, $0x38;
	[tilespmem:$0x1E380] =	vst v63  }
0x89: {  	p1 =	seq.s32 s19, $0x0;
	s13 =	sadd.s32 s5, s13  }
0x8a: {  	[tilespmem:s22], [sflag:$0x3] =	stream.linear.gather [hbm4b:s13+s3], $0x2800, $0x38;
	[tilespmem:$0x1E380] =	vst v63  }
0x8b: {  	s13 =	simm.s32 @!p1 $0x8  }
0x8c: {  	_ =	swait.ge @!p1 [sflag:s13], $0x2800  }
0x8d: {  	[sflag:s13] =	ssyncset.done @!p1 $0x0  }
0x8e: {  	[sflag:s13] =	ssyncadd.s32 @!p1 $0xFFFFD800  }
0x8f: {  	_ =	swait.ge [sflag:s1], $0x50  }
0x90: {  	[sflag:s1] =	ssyncset.done $0x0  }
0x91: {  	[sflag:s1] =	ssyncadd.s32 $0xFFFFFFB0  }
0x92: {  	_ =	swait.ge [sflag:s1], $0x50  }
0x93: {  	[sflag:s1] =	ssyncset.done $0x0  }
0x94: {  	[sflag:s1] =	ssyncadd.s32 $0xFFFFFFB0  }
0x95: {  	[tilespmem:s8], [sflag:$0x6] =	stream.indirect.gather [hbm4b:s4+s30], $0x80, s23, s30, $0xb8;
	[tilespmem:$0x1E380] =	vst v63  }
0x96: {  	_ =	swait.ge [sflag:s9], $0x2800  }
0x97: {  	[sflag:s9] =	ssyncset.done $0x0  }
0x98: {  	[sflag:s9] =	ssyncadd.s32 $0xFFFFD800  }
0x99: {  	_ =	swait.ge [sflag:s10], $0x2800  }
0x9a: {  	[sflag:s10] =	ssyncset.done $0x0  }
0x9b: {  	s13 =	simm.s32 $0x0;
	[sflag:s10] =	ssyncadd.s32 $0xFFFFD800  }
0x9c: {  	v7 =	vld [tilespmem:s13+$0x7A00]  }
0x9d: {  	v12 =	vld [tilespmem:s13+$0x7A10]  }
0x9e: {  	v6 =	vld [tilespmem:s13+$0x7A20]  }
0x9f: {  	v5 =	vld [tilespmem:s13+$0x7A30]  }
0xa0: {  	v4 =	vld [tilespmem:s13+$0x7A40]  }
0xa1: {  	v3 =	vld [tilespmem:s13+$0x7A50]  }
0xa2: {  	v2 =	vld [tilespmem:s13+$0x7A60]  }
0xa3: {  	v1 =	vld [tilespmem:s13+$0x7A70]  }
0xa4: {  	v13 =	vld [tilespmem:s13+$0x2A00]  }
0xa5: {  	v14 =	vld [tilespmem:s13+$0x2A10]  }
0xa6: {  	v11 =	vld [tilespmem:s13+$0x2A20]  }
0xa7: {  	v10 =	vld [tilespmem:s13+$0x2A30]  }
0xa8: {  	v9 =	vld [tilespmem:s13+$0x2A40]  }
0xa9: {  	v8 =	vld [tilespmem:s13+$0x2A50];
	v13 =	vadd.f32 v7, v13  }
0xaa: {  	s15 =	simm.s32 $0x200;
	v12 =	vadd.f32 v12, v14;
	v7 =	vld [tilespmem:s13+$0x2A60]  }
.LBB2_9:
0xab: {  	s18 =	sshra.s32 s15, $0x2;
	p1 =	sne.s32 s15, $0x9E00;
	v13 =	vmax.f32 v13, $0.0e+00;
	v6 =	vadd.f32 v6, v11;
	v11 =	vld [tilespmem:s13+$0x2A70]  }
0xac: {  	v14 =	vld [tilespmem:s18+$0x7A00];
	[tilespmem:s13+$0x2A00] =	vst v13;
	v12 =	vmax.f32 v12, $0.0e+00;
	v5 =	vadd.f32 v5, v10  }
0xad: {  	v15 =	vld [tilespmem:s18+$0x7A10];
	[tilespmem:s13+$0x2A10] =	vst v12;
	v10 =	vmax.f32 v6, $0.0e+00;
	v4 =	vadd.f32 v4, v9  }
0xae: {  	v6 =	vld [tilespmem:s18+$0x7A20];
	[tilespmem:s13+$0x2A20] =	vst v10;
	v9 =	vmax.f32 v5, $0.0e+00;
	v3 =	vadd.f32 v3, v8  }
0xaf: {  	v5 =	vld [tilespmem:s18+$0x7A30];
	[tilespmem:s13+$0x2A30] =	vst v9;
	v8 =	vmax.f32 v4, $0.0e+00;
	v2 =	vadd.f32 v2, v7  }
0xb0: {  	v4 =	vld [tilespmem:s18+$0x7A40];
	[tilespmem:s13+$0x2A40] =	vst v8;
	v7 =	vmax.f32 v3, $0.0e+00;
	v1 =	vadd.f32 v1, v11  }
0xb1: {  	v3 =	vld [tilespmem:s18+$0x7A50];
	[tilespmem:s13+$0x2A50] =	vst v7;
	v7 =	vmax.f32 v2, $0.0e+00  }
0xb2: {  	v2 =	vld [tilespmem:s18+$0x7A60];
	[tilespmem:s13+$0x2A60] =	vst v7;
	v7 =	vmax.f32 v1, $0.0e+00  }
0xb3: {  	v1 =	vld [tilespmem:s18+$0x7A70];
	[tilespmem:s13+$0x2A70] =	vst v7;
	s13 =	smov.u32 s18  }
0xb4: {  	v7 =	vld [tilespmem:s13+$0x2A00]  }
0xb5: {  	v12 =	vld [tilespmem:s13+$0x2A10]  }
.Ltmp3:
0xb6: {  	v11 =	vld [tilespmem:s13+$0x2A20];
	(pc) =	sbr.rel @p1 .LBB2_9-.Ltmp3, $4  }
0xb7: {  	v10 =	vld [tilespmem:s13+$0x2A30]  }
0xb8: {  	v9 =	vld [tilespmem:s13+$0x2A40]  }
0xb9: {  	v13 =	vadd.f32 v14, v7;
	v8 =	vld [tilespmem:s13+$0x2A50]  }
0xba: {  	s15 =	sadd.s32 $0x200, s15;
	v12 =	vadd.f32 v15, v12;
	v7 =	vld [tilespmem:s13+$0x2A60]  }
0xbb: {  	v13 =	vmax.f32 v13, $0.0e+00;
	v6 =	vadd.f32 v6, v11;
	v63 =	vld [tilespmem:s13+$0x2A70]  }
0xbc: {  	[tilespmem:s13+$0x2A00] =	vst v13;
	v12 =	vmax.f32 v12, $0.0e+00;
	v5 =	vadd.f32 v5, v10  }
0xbd: {  	[tilespmem:s13+$0x2A10] =	vst v12;
	v6 =	vmax.f32 v6, $0.0e+00;
	v4 =	vadd.f32 v4, v9  }
0xbe: {  	[tilespmem:s13+$0x2A20] =	vst v6;
	v5 =	vmax.f32 v5, $0.0e+00;
	v3 =	vadd.f32 v3, v8  }
0xbf: {  	[tilespmem:s13+$0x2A30] =	vst v5;
	v4 =	vmax.f32 v4, $0.0e+00;
	v2 =	vadd.f32 v2, v7  }
0xc0: {  	[tilespmem:s13+$0x2A40] =	vst v4;
	v3 =	vmax.f32 v3, $0.0e+00;
	v1 =	vadd.f32 v1, v63  }
0xc1: {  	[tilespmem:s13+$0x2A50] =	vst v3;
	v2 =	vmax.f32 v2, $0.0e+00  }
0xc2: {  	[tilespmem:s13+$0x2A60] =	vst v2;
	v1 =	vmax.f32 v1, $0.0e+00  }
0xc3: {  	[tilespmem:s13+$0x2A70] =	vst v1  }
0xc4: {  	v1 =	vld [tilespmem:$0x180]  }
0xc5: {  	v2 =	vld [tilespmem:$0x190]  }
0xc6: {  	v3 =	vld [tilespmem:$0x1A0]  }
0xc7: {  	v4 =	vld [tilespmem:$0x1B0]  }
0xc8: {  	v5 =	vld [tilespmem:$0x1C0]  }
0xc9: {  	[tilespmem:$0xA280] =	vst v1  }
0xca: {  	[tilespmem:$0xA290] =	vst v2  }
0xcb: {  	p1 =	seq.s32 s19, $0x3D;
	[tilespmem:$0xA2A0] =	vst v3  }
0xcc: {  	s13 =	sadd.s32 @!p1 s20, s17;
	[tilespmem:$0xA2B0] =	vst v4  }
0xcd: {  	s15 =	sshrl.u32 @!p1 s13, $0x3;
	[tilespmem:$0xA2C0] =	vst v5  }
0xce: {  	[spmem:s2] =	stream.indirect.scatter.add.f32 [tilespmem:s8], [sflag:$0x8], $0x80, s11, s30, $0xb8;
	[tilespmem:$0x1E380] =	vst v63  }
0xcf: {  	s21 =	simm.s32 @!p1 $0x80;
	s20 =	simm.s32 @!p1 $0x0;
	s18 =	sadd.s32 @!p1 s6, s15  }
0xd0: {  	[tilespmem:s21], [sflag:$0x2] =	stream.linear.gather @!p1 [hbm4b:s18+s20], $0x50, $0x38;
	[tilespmem:$0x1E380] =	vst v63  }
0xd1: {  	s13 =	sshll.u32 @!p1 s13, $0x4;
	s15 =	sadd.s32 @!p1 s7, s15;
	s18 =	simm.s32 @!p1 $0x180  }
0xd2: {  	[tilespmem:s18], [sflag:$0x2] =	stream.linear.gather @!p1 [hbm4b:s15+s20], $0x50, $0x38;
	[tilespmem:$0x1E380] =	vst v63  }
0xd3: {  	s13 =	sadd.s32 @!p1 s5, s13;
	s15 =	simm.s32 @!p1 $0x7A00  }
0xd4: {  	[tilespmem:s15], [sflag:$0x4] =	stream.linear.gather @!p1 [hbm4b:s13+s20], $0x2800, $0x38;
	[tilespmem:$0x1E380] =	vst v63  }
0xd5: {  	_ =	swait.ge [sflag:s12], $0x2800  }
0xd6: {  	[sflag:s12] =	ssyncset.done $0x0  }
0xd7: {  	[sflag:s12] =	ssyncadd.s32 $0xFFFFD800  }
0xd8: {  	s19 =	sadd.s32 $0x1, s19;
	_ =	swait.ge [sflag:s29], $0x50  }
0xd9: {  	p1 =	sne.s32 s19, $0x3E;
	[sflag:s29] =	ssyncset.done $0x0  }
.Ltmp4:
0xda: {  	[sflag:s29] =	ssyncadd.s32 $0xFFFFFFB0;
	(pc) =	sbr.rel @p1 .LBB2_6-.Ltmp4, $4  }
0xdb: {  	_ =	swait.ge [sflag:s29], $0x50  }
0xdc: {  	[sflag:s29] =	ssyncset.done $0x0  }
0xdd: {  	[sflag:s29] =	ssyncadd.s32 $0xFFFFFFB0  }
0xde: {  	[tilespmem:s31], [sflag:$0x5] =	stream.indirect.gather [hbm4b:s4+s30], $0x80, s3, s30, $0xb8;
	[tilespmem:$0x1E380] =	vst v63  }
0xdf: {  	_ =	swait.ge [sflag:s0], $0x2800  }
0xe0: {  	[sflag:s0] =	ssyncset.done $0x0  }
0xe1: {  	[sflag:s0] =	ssyncadd.s32 $0xFFFFD800  }
0xe2: {  	_ =	swait.ge [sflag:s24], $0x2800  }
0xe3: {  	[sflag:s24] =	ssyncset.done $0x0  }
0xe4: {  	s13 =	simm.s32 $0x0;
	[sflag:s24] =	ssyncadd.s32 $0xFFFFD800  }
0xe5: {  	v7 =	vld [tilespmem:s13+$0x5200]  }
0xe6: {  	v12 =	vld [tilespmem:s13+$0x5210]  }
0xe7: {  	v6 =	vld [tilespmem:s13+$0x5220]  }
0xe8: {  	v5 =	vld [tilespmem:s13+$0x5230]  }
0xe9: {  	v4 =	vld [tilespmem:s13+$0x5240]  }
0xea: {  	v3 =	vld [tilespmem:s13+$0x5250]  }
0xeb: {  	v2 =	vld [tilespmem:s13+$0x5260]  }
0xec: {  	v1 =	vld [tilespmem:s13+$0x5270]  }
0xed: {  	v13 =	vld [tilespmem:s13+$0x200]  }
0xee: {  	v14 =	vld [tilespmem:s13+$0x210]  }
0xef: {  	v11 =	vld [tilespmem:s13+$0x220]  }
0xf0: {  	v10 =	vld [tilespmem:s13+$0x230]  }
0xf1: {  	v9 =	vld [tilespmem:s13+$0x240]  }
0xf2: {  	v8 =	vld [tilespmem:s13+$0x250];
	v13 =	vadd.f32 v7, v13  }
0xf3: {  	s15 =	simm.s32 $0x200;
	v12 =	vadd.f32 v12, v14;
	v7 =	vld [tilespmem:s13+$0x260]  }
.LBB2_12:
0xf4: {  	s18 =	sshra.s32 s15, $0x2;
	p1 =	sne.s32 s15, $0x9E00;
	v13 =	vmax.f32 v13, $0.0e+00;
	v6 =	vadd.f32 v6, v11;
	v11 =	vld [tilespmem:s13+$0x270]  }
0xf5: {  	v14 =	vld [tilespmem:s18+$0x5200];
	[tilespmem:s13+$0x200] =	vst v13;
	v12 =	vmax.f32 v12, $0.0e+00;
	v5 =	vadd.f32 v5, v10  }
0xf6: {  	v15 =	vld [tilespmem:s18+$0x5210];
	[tilespmem:s13+$0x210] =	vst v12;
	v10 =	vmax.f32 v6, $0.0e+00;
	v4 =	vadd.f32 v4, v9  }
0xf7: {  	v6 =	vld [tilespmem:s18+$0x5220];
	[tilespmem:s13+$0x220] =	vst v10;
	v9 =	vmax.f32 v5, $0.0e+00;
	v3 =	vadd.f32 v3, v8  }
0xf8: {  	v5 =	vld [tilespmem:s18+$0x5230];
	[tilespmem:s13+$0x230] =	vst v9;
	v8 =	vmax.f32 v4, $0.0e+00;
	v2 =	vadd.f32 v2, v7  }
0xf9: {  	v4 =	vld [tilespmem:s18+$0x5240];
	[tilespmem:s13+$0x240] =	vst v8;
	v7 =	vmax.f32 v3, $0.0e+00;
	v1 =	vadd.f32 v1, v11  }
0xfa: {  	v3 =	vld [tilespmem:s18+$0x5250];
	[tilespmem:s13+$0x250] =	vst v7;
	v7 =	vmax.f32 v2, $0.0e+00  }
0xfb: {  	v2 =	vld [tilespmem:s18+$0x5260];
	[tilespmem:s13+$0x260] =	vst v7;
	v7 =	vmax.f32 v1, $0.0e+00  }
0xfc: {  	v1 =	vld [tilespmem:s18+$0x5270];
	[tilespmem:s13+$0x270] =	vst v7;
	s13 =	smov.u32 s18  }
0xfd: {  	v7 =	vld [tilespmem:s13+$0x200]  }
0xfe: {  	v12 =	vld [tilespmem:s13+$0x210]  }
.Ltmp5:
0xff: {  	v11 =	vld [tilespmem:s13+$0x220];
	(pc) =	sbr.rel @p1 .LBB2_12-.Ltmp5, $4  }
0x100: {  	v10 =	vld [tilespmem:s13+$0x230]  }
0x101: {  	v9 =	vld [tilespmem:s13+$0x240]  }
0x102: {  	v13 =	vadd.f32 v14, v7;
	v8 =	vld [tilespmem:s13+$0x250]  }
0x103: {  	s15 =	sadd.s32 $0x200, s15;
	v12 =	vadd.f32 v15, v12;
	v7 =	vld [tilespmem:s13+$0x260]  }
0x104: {  	v13 =	vmax.f32 v13, $0.0e+00;
	v6 =	vadd.f32 v6, v11;
	v63 =	vld [tilespmem:s13+$0x270]  }
0x105: {  	[tilespmem:s13+$0x200] =	vst v13;
	v12 =	vmax.f32 v12, $0.0e+00;
	v5 =	vadd.f32 v5, v10  }
0x106: {  	[tilespmem:s13+$0x210] =	vst v12;
	v6 =	vmax.f32 v6, $0.0e+00;
	v4 =	vadd.f32 v4, v9  }
0x107: {  	[tilespmem:s13+$0x220] =	vst v6;
	v5 =	vmax.f32 v5, $0.0e+00;
	v3 =	vadd.f32 v3, v8  }
0x108: {  	[tilespmem:s13+$0x230] =	vst v5;
	v4 =	vmax.f32 v4, $0.0e+00;
	v2 =	vadd.f32 v2, v7  }
0x109: {  	[tilespmem:s13+$0x240] =	vst v4;
	v3 =	vmax.f32 v3, $0.0e+00;
	v1 =	vadd.f32 v1, v63  }
0x10a: {  	[tilespmem:s13+$0x250] =	vst v3;
	v2 =	vmax.f32 v2, $0.0e+00  }
0x10b: {  	[tilespmem:s13+$0x260] =	vst v2;
	v1 =	vmax.f32 v1, $0.0e+00  }
0x10c: {  	[tilespmem:s13+$0x270] =	vst v1  }
0x10d: {  	v1 =	vld [tilespmem:$0x100]  }
0x10e: {  	v2 =	vld [tilespmem:$0x110]  }
0x10f: {  	v3 =	vld [tilespmem:$0x120]  }
0x110: {  	v4 =	vld [tilespmem:$0x130]  }
0x111: {  	v5 =	vld [tilespmem:$0x140]  }
0x112: {  	[tilespmem:$0xA200] =	vst v1  }
0x113: {  	[tilespmem:$0xA210] =	vst v2  }
0x114: {  	[tilespmem:$0xA220] =	vst v3  }
0x115: {  	[tilespmem:$0xA230] =	vst v4  }
0x116: {  	s18 =	simm.s32 $0x8;
	[tilespmem:$0xA240] =	vst v5  }
0x117: {  	[spmem:s2] =	stream.indirect.scatter.add.f32 [tilespmem:s31], [sflag:$0x7], $0x80, s25, s30, $0xb8;
	[tilespmem:$0x1E380] =	vst v63  }
0x118: {  	_ =	swait.ge [sflag:s18], $0x2800  }
0x119: {  	[sflag:s18] =	ssyncset.done $0x0  }
0x11a: {  	[sflag:s18] =	ssyncadd.s32 $0xFFFFD800  }
0x11b: {  	_ =	swait.ge [sflag:s12], $0x2800  }
0x11c: {  	[sflag:s12] =	ssyncset.done $0x0  }
0x11d: {  	s19 =	stileid.u32;
	[sflag:s12] =	ssyncadd.s32 $0xFFFFD800  }
0x11e: {  	s13 =	sshll.u32 s19, $0x6;
	[bflag:$0x0] =	sbarrier.arrive $0xFFFF  }
0x11f: {  	s15 =	sshrl.u32 s14, $0x3;
	s13 =	sor.u32 $0x1C09, s13;
	s18 =	rddreg [dreg:$0xa]  }
0x120: {  	[hbm:s18], [sflag:s13] =	dma.local [spmem:s15], $0x2700  }
0x121: {  	_ =	swait.ge [sflag:s28], $0x2700  }
0x122: {  	[sflag:s28] =	ssyncset.done $0x0;
	s18 =	rddreg [dreg:$0x9]  }
0x123: {  	s19 =	rddreg [dreg:$0xb];
	[sflag:s28] =	ssyncadd.s32 $0xFFFFD900;
	s15 =	sshrl.u32 @!p0 s18, $0x3  }
0x124: {  	[hbm:s19], [sflag:s13] =	dma.local @!p0 [spmem:s15], $0x100  }
0x125: {  	s13 =	simm.s32 @!p0 $0x9  }
0x126: {  	_ =	swait.ge @!p0 [sflag:s13], $0x100  }
0x127: {  	s20 =	rddreg [dreg:$0xd]  }
0x128: {  	s21 =	rddreg [dreg:$0xc];
	s19 =	sadd.s32 $0x1, s20  }
0x129: {  	p1 =	sne.s32 s19, s21  }
.Ltmp6:
0x12a: {  	_ = 	snop;
	(pc) =	sbr.rel @p1 .LBB2_1-.Ltmp6, $3  }
0x12b: {  	_ =	sdelay $0x1  }
0x12c: {  	[sflag:s13] =	ssyncset.done @!p0 $0x0  }
0x12d: {  	[sflag:s13] =	ssyncadd.s32 @!p0 $0xFFFFFF00  }
0x12e: {  	_ =	sfence.sel $0x180000  }
0x12f: {  	[bflag:$0x0] =	sbarrier.arrive $0xFFFF  }
0x130: {  	_ =	strace $0x9000004D  }
0x131: {  	s0 =	stileid.u32;
	[bflag:$0x2] =	sbarrier.arrive $0xFFFF  }
0x132: {  	p0 =	sne.s32 s0, $0x0;
	s0 =	rddreg [dreg:$0x2]  }
0x133: {  	s0 =	sadd.s32 @!p0 $0x100000, s0  }
0x134: {  	[sflag:s0] =	ssyncadd.tile.s32 @!p0 $0x1;
	_ =	shalt  }
.Lfunc_end2:
_tile_overlayer_lowered:
.L_overlay_start_2:
0x135: {  	(tag) =	ssettag $0x2  }
0x136: {  	s0 =	rddreg [dreg:$0x0];
	s2 =	stileid.u32  }
0x137: {  	s1 =	rddreg [dreg:$0x1];
	p0 =	sne.s32 s2, $0x0  }
0x138: {  	s3 =	rddreg [dreg:$0x2];
	[bflag:$0x3] =	sbarrier.arrive $0xFFFF;
	s2 =	simm.s32 @!p0 $0x1C09  }
0x139: {  	[timem:s3], [sflag:s2] =	dma.local @!p0 [hbm:s0], s1  }
0x13a: {  	s0 =	simm.s32 @!p0 $0x9  }
0x13b: {  	_ =	swait.ge @!p0 [sflag:s0], s1  }
0x13c: {  	s1 =	ssub.s32 @!p0 $0x0, s1;
	[sflag:s0] =	ssyncset.done @!p0 $0x0  }
0x13d: {  	[sflag:s0] =	ssyncadd.s32 @!p0 s1  }
0x13e: {  	[bflag:$0x3] =	sbarrier.arrive $0xFFFF  }
0x13f: {  	_ =	shalt  }

</sc_bundles>
